<compile_context>
chip_gen: v7x
topology: tpu7x:2x2x1
jax: 0.10.2.dev20260603
libtpu: 0.0.44.dev20260713+nightly
codegen_flags: <defaults>
</compile_context>

<pallas_src>
import functools

import jax
import jax.numpy as jnp
from jax import lax
from jax.experimental import pallas as pl
from jax.experimental.pallas import tpu as pltpu
from jax.experimental.pallas import tpu_sc as plsc

N_VARS = 1_000_000
OUT = 2_000_000
FAN = 4

NC = 2
NS = 16
NW = NC * NS
L = 16

SHIFT = 6
TAB = 2_097_152
R = TAB // 2
RSUB = R // NS
RCP = 32_768
DUM = 8_192

BC = 15_632
NBC = 2
W_PAD = 1_000_008

CH = 3_200
CE = CH * FAN
NCHUNK = OUT // CH
NKMAX = (NCHUNK - 1) // NW + 1

def _worker_id():
    return lax.axis_index("s") * NC + lax.axis_index("c")


def _encode_body(w_hbm, xs_hbm, wbuf, ibuf, cbuf, sem):
    wid = _worker_id()
    iota = lax.broadcasted_iota(jnp.int32, (L,), 0)
    start = (N_VARS // NW) * wid // 8 * 8

    def build_chunk(c, _):
        src = start + c * BC
        pltpu.sync_copy(w_hbm.at[pl.ds(src, BC)], wbuf)

        def build_vreg(v, _):
            wv = wbuf[pl.ds(v * L, L)]
            b2 = iota * 2 + v * (2 * L)
            plsc.store_scatter(ibuf, [b2], wv)
            plsc.store_scatter(ibuf, [b2 + 1], 1.0 - wv)
            return 0

        lax.fori_loop(0, BC // L, build_vreg, 0)
        pltpu.sync_copy(ibuf, xs_hbm.at[pl.ds(8 + 2 * src, 2 * BC)])
        return 0

    lax.fori_loop(0, NBC, build_chunk, 0)

    @pl.when(wid == 0)
    def _():
        cbuf[...] = jnp.where(iota == 7, 1.0, 0.0).astype(jnp.float32)
        pltpu.sync_copy(cbuf.at[pl.ds(0, 8)], xs_hbm.at[pl.ds(0, 8)])


def _make_layer_body(is_prod, shift, outp):
    ident = 1.0 if is_prod else 0.0

    def body(table_hbm, p_hbm, out_hbm, pa_hbm, spm,
             idx0, idx1, g0, g1, o0, o1, pa0, pa1,
             si0, si1, sg0, sg1, so0, so1, sp0, sp1, sh0, sh1):
        sid = lax.axis_index("s")
        wid = _worker_id()
        iota = lax.broadcasted_iota(jnp.int32, (L,), 0)
        idxb, gb, ob, pab = (idx0, idx1), (g0, g1), (o0, o1), (pa0, pa1)
        sib, sgb, sob, spb = (si0, si1), (sg0, sg1), (so0, so1), (sp0, sp1)
        shb = (sh0, sh1)
        HE = CE // 2

        def cid(j):
            return wid + j * NW

        def stage(half):
            for c in range(RSUB // RCP):
                off = sid * RSUB + c * RCP
                pltpu.sync_copy(table_hbm.at[pl.ds(half * R + off, RCP)],
                                spm.at[pl.ds(off, RCP)])

        stage(0)

        @pl.when(sid == 0)
        def _():
            def fill(v, _):
                g0[pl.ds(v * L, L)] = jnp.full((L,), ident, jnp.float32)
                return 0

            lax.fori_loop(0, DUM // L, fill, 0)
            pltpu.sync_copy(g0.at[pl.ds(0, DUM)], spm.at[pl.ds(R, DUM)])

        plsc.subcore_barrier()

        def run_pass(half, dst_hbm, merge):
            def start_idx(j, b):
                pltpu.async_copy(p_hbm.at[pl.ds(cid(j) * CE, CE)],
                                 idxb[b], sib[b])

            def start_pa(j, b):
                if merge:
                    pltpu.async_copy(pa_hbm.at[pl.ds(cid(j) * CH, CH)],
                                     pab[b], spb[b])

            def map_idx(b):
                def map8(v, _):
                    for u in range(8):
                        sl = pl.ds((v * 8 + u) * L, L)
                        p = idxb[b][sl]
                        ps = p + shift if shift else p
                        dummy = (p & (DUM - 1)) + R
                        if half == 0:
                            val = jnp.where(ps < R, ps, dummy)
                        else:
                            val = jnp.where(ps >= R, ps - R, dummy)
                        idxb[b][sl] = val
                    return 0

                lax.fori_loop(0, CE // L // 8, map8, 0)

            def start_gather(b):
                pltpu.make_async_copy(p_hbm.at[pl.ds(0, CE)], idxb[b],
                                      sib[b]).wait()
                map_idx(b)
                pltpu.async_copy(spm.at[idxb[b].at[pl.ds(0, HE)]],
                                 gb[b].at[pl.ds(0, HE)], sgb[b])
                pltpu.async_copy(spm.at[idxb[b].at[pl.ds(HE, HE)]],
                                 gb[b].at[pl.ds(HE, HE)], shb[b])

            def reduce_store(j, b):
                def red_vreg(q, _):
                    base = iota * FAN + q * (FAN * L)
                    a0 = plsc.load_gather(gb[b], [base])
                    a1 = plsc.load_gather(gb[b], [base + 1])
                    a2 = plsc.load_gather(gb[b], [base + 2])
                    a3 = plsc.load_gather(gb[b], [base + 3])
                    if is_prod:
                        r = (a0 * a1) * (a2 * a3)
                    else:
                        r = (a0 + a1) + (a2 + a3)
                    if merge:
                        pv = pab[b][pl.ds(q * L, L)]
                        r = r * pv if is_prod else r + pv
                    ob[b][pl.ds(q * L, L)] = r
                    return 0

                if merge:
                    pltpu.make_async_copy(
                        pa_hbm.at[pl.ds(0, CH)], pab[b], spb[b]).wait()
                lax.fori_loop(0, CH // L, red_vreg, 0)
                pltpu.async_copy(ob[b], dst_hbm.at[pl.ds(cid(j) * CH, CH)],
                                 sob[b])

            start_idx(0, 0)
            start_idx(1, 1)
            start_pa(0, 0)
            start_pa(1, 1)
            start_gather(0)

            def pair(t, _):
                for b in (0, 1):
                    j = 2 * t + b
                    nb = 1 - b

                    @pl.when(cid(j + 1) < NCHUNK)
                    def _():
                        start_gather(nb)

                    @pl.when(cid(j) < NCHUNK)
                    def _():
                        pltpu.make_async_copy(
                            spm.at[idxb[b].at[pl.ds(0, HE)]],
                            gb[b].at[pl.ds(0, HE)], sgb[b]).wait()
                        pltpu.make_async_copy(
                            spm.at[idxb[b].at[pl.ds(HE, HE)]],
                            gb[b].at[pl.ds(HE, HE)], shb[b]).wait()

                    @pl.when(cid(j + 2) < NCHUNK)
                    def _():
                        start_idx(j + 2, b)

                    @pl.when(jnp.logical_and(j >= 2, cid(j) < NCHUNK))
                    def _():
                        pltpu.make_async_copy(
                            ob[b], dst_hbm.at[pl.ds(0, CH)], sob[b]).wait()

                    @pl.when(cid(j) < NCHUNK)
                    def _():
                        reduce_store(j, b)

                    @pl.when(cid(j + 2) < NCHUNK)
                    def _():
                        start_pa(j + 2, b)

                return 0

            lax.fori_loop(0, NKMAX // 2, pair, 0)

            for b in (0, 1):
                pltpu.make_async_copy(ob[b], dst_hbm.at[pl.ds(0, CH)],
                                      sob[b]).wait()

        run_pass(0, pa_hbm, False)

        plsc.subcore_barrier()
        stage(1)
        plsc.subcore_barrier()

        run_pass(1, out_hbm, True)

    return body


@functools.cache
def _build_calls():
    mesh = plsc.VectorSubcoreMesh(core_axis_name="c", subcore_axis_name="s")
    params = pltpu.CompilerParams(needs_layout_passes=False)
    encode = pl.kernel(
        _encode_body,
        out_type=jax.ShapeDtypeStruct((TAB,), jnp.float32),
        mesh=mesh,
        compiler_params=params,
        scratch_types=[
            pltpu.VMEM((BC,), jnp.float32),
            pltpu.VMEM((2 * BC,), jnp.float32),
            pltpu.VMEM((L,), jnp.float32),
            pltpu.SemaphoreType.DMA,
        ],
    )

    def make_layer(is_prod, shift, outp):
        return pl.kernel(
            _make_layer_body(is_prod, shift, outp),
            out_type=(
                jax.ShapeDtypeStruct((outp,), jnp.float32),
                jax.ShapeDtypeStruct((OUT,), jnp.float32),
            ),
            mesh=mesh,
            compiler_params=params,
            scratch_types=[
                pltpu.VMEM_SHARED((R + DUM,), jnp.float32),
                pltpu.VMEM((CE,), jnp.int32),
                pltpu.VMEM((CE,), jnp.int32),
                pltpu.VMEM((CE,), jnp.float32),
                pltpu.VMEM((CE,), jnp.float32),
                pltpu.VMEM((CH,), jnp.float32),
                pltpu.VMEM((CH,), jnp.float32),
                pltpu.VMEM((CH,), jnp.float32),
                pltpu.VMEM((CH,), jnp.float32),
            ] + [pltpu.SemaphoreType.DMA] * 10,
        )

    return (encode, make_layer(True, SHIFT, TAB), make_layer(False, 0, OUT))


def kernel(weights, ptrs0, ptrs1):
    encode, layer0, layer1 = _build_calls()
    w_pad = jnp.concatenate(
        [weights, jnp.zeros((W_PAD - N_VARS,), jnp.float32)])
    xs = encode(w_pad)
    y0, _ = layer0(xs, ptrs0)
    y1, _ = layer1(y0, ptrs1)
    return y1

# --- scband reference (transcript-rebuilt; emitter-appended) ---
"""Pipeline reference for scband-knowledge-module-70952859730514 (READ-ONLY COPY).

The authoritative reference and input builder live on the scoring server;
editing this copy changes nothing except your own understanding.
"""

import jax, jax.numpy as jnp
import numpy as np

N_VARS = 1_000_000
E0 = 8_000_000
OUT0 = 2_000_000
E1 = 8_000_000
OUT1 = 2_000_000
FAN_IN = 4

# The torch KnowledgeModule is built from (pointers, csrs) per layer. Here the
# circuit structure is generated deterministically at production scale:
# layer 0 (ProdLayer) has csr offsets [0, 4, 8, ...] i.e. uniform fan-in 4, so the
# unrolled csr segment ids equal repeat(arange(OUT0), 4); likewise for layer 1
# (SumLayer). With sorted uniform segments, torch.scatter_reduce(include_self=False)
# over these ids is exactly a reshape(-1, FAN_IN) reduction, which we use here.

def setup_inputs(seed: int = 0) -> dict:
    key = jax.random.key(seed)
    k1, k2, k3 = jax.random.split(key, 3)
    weights = jax.random.uniform(k1, (N_VARS,), dtype=jnp.float32)
    # pointers into previous layer output; layer-0 input has size 2*N_VARS + 2
    ptrs0 = jax.random.randint(k2, (E0,), 0, 2 * N_VARS + 2, dtype=jnp.int32)
    ptrs1 = jax.random.randint(k3, (E1,), 0, OUT0, dtype=jnp.int32)
    return {"weights": weights, "ptrs0": ptrs0, "ptrs1": ptrs1}


def encode_input(pos, neg, zero, one):
    result = jnp.stack([pos, neg], axis=1).reshape(-1)
    constants = jnp.array([zero, one], dtype=jnp.float32)
    return jnp.concatenate([constants, result])


def reference(weights, ptrs0, ptrs1):
    # semiring 'real', probabilistic=False -> zero=0, one=1, negate = 1 - x
    neg_weights = 1.0 - weights
    x = encode_input(weights, neg_weights, 0.0, 1.0)
    # Layer 0: ProdLayer -> gather by ptrs, scatter_reduce 'prod' by csr segment ids
    g0 = jnp.take(x, ptrs0, axis=0)
    y0 = jnp.prod(g0.reshape(OUT0, FAN_IN), axis=1)
    # Layer 1: SumLayer -> gather by ptrs, scatter_reduce 'sum' by csr segment ids
    g1 = jnp.take(y0, ptrs1, axis=0)
    y1 = jnp.sum(g1.reshape(OUT1, FAN_IN), axis=1)
    return y1

if __name__ == "__main__":
    import jax
    _d = setup_inputs()
    print(jax.jit(kernel)(*tuple(_d.values())))

</pallas_src>

<mosaic_0001>
#map = affine_map<(d0, d1) -> (0)>
module attributes {stable_mosaic.version = 14 : i64} {
  func.func @body(%arg0: i32, %arg1: i32, %arg2: memref<2097152xf32, #tpu.memory_space<hbm>>, %arg3: memref<8000000xi32, #tpu.memory_space<hbm>>, %arg4: memref<2000000xf32, #tpu.memory_space<hbm>>, %arg5: memref<2000000xf32, #tpu.memory_space<hbm>>, %arg6: memref<1056768xf32, #tpu.memory_space<vmem_shared>>, %arg7: memref<12800xi32, #tpu.memory_space<vmem>>, %arg8: memref<12800xi32, #tpu.memory_space<vmem>>, %arg9: memref<12800xf32, #tpu.memory_space<vmem>>, %arg10: memref<12800xf32, #tpu.memory_space<vmem>>, %arg11: memref<3200xf32, #tpu.memory_space<vmem>>, %arg12: memref<3200xf32, #tpu.memory_space<vmem>>, %arg13: memref<3200xf32, #tpu.memory_space<vmem>>, %arg14: memref<3200xf32, #tpu.memory_space<vmem>>, %arg15: memref<!tpu.dma_semaphore, #tpu.memory_space<semaphore_mem>>, %arg16: memref<!tpu.dma_semaphore, #tpu.memory_space<semaphore_mem>>, %arg17: memref<!tpu.dma_semaphore, #tpu.memory_space<semaphore_mem>>, %arg18: memref<!tpu.dma_semaphore, #tpu.memory_space<semaphore_mem>>, %arg19: memref<!tpu.dma_semaphore, #tpu.memory_space<semaphore_mem>>, %arg20: memref<!tpu.dma_semaphore, #tpu.memory_space<semaphore_mem>>, %arg21: memref<!tpu.dma_semaphore, #tpu.memory_space<semaphore_mem>>, %arg22: memref<!tpu.dma_semaphore, #tpu.memory_space<semaphore_mem>>, %arg23: memref<!tpu.dma_semaphore, #tpu.memory_space<semaphore_mem>>, %arg24: memref<!tpu.dma_semaphore, #tpu.memory_space<semaphore_mem>>) attributes {dimension_semantics = [#tpu.dimension_semantics<core_parallel>, #tpu.dimension_semantics<subcore_parallel>], iteration_bounds = array<i64: 2, 16>, scalar_prefetch = 0 : i64, scratch_operands = 19 : i64, tpu.core_type = #tpu.core_type<sc_vector_subcore>, window_params = [{transform_indices = #map}, {transform_indices = #map}, {transform_indices = #map}, {transform_indices = #map}]} {
    %mul3A = arith.constant 2 : i32
    %mul3A_0 = arith.muli %arg1, %mul3A : i32
    %add3A = arith.addi %mul3A_0, %arg0 : i32
    %iota3A = tpu.iota {dimensions = array<i32: 0>} : vector<16xi32>
    %mul3A_1 = arith.constant 65536 : i32
    %mul3A_2 = arith.muli %arg1, %mul3A_1 : i32
    %add3A_3 = arith.constant 0 : i32
    %add3A_4 = arith.addi %mul3A_2, %add3A_3 : i32
    %add3A_5 = arith.constant 0 : i32
    %add3A_6 = arith.addi %add3A_5, %add3A_4 : i32
    "tpu.region"() ({
      %run_scoped3A = tpu.sem_alloc : memref<!tpu.dma_semaphore, #tpu.memory_space<semaphore_mem>>
      %dma_start3A_138 = tpu.memref_slice %arg6[%add3A_4] : memref<1056768xf32, #tpu.memory_space<vmem_shared>> -> memref<32768xf32, #tpu.memory_space<vmem_shared>>
      %dma_start3A_139 = tpu.memref_slice %arg2[%add3A_6] : memref<2097152xf32, #tpu.memory_space<hbm>> -> memref<32768xf32, #tpu.memory_space<hbm>>
      tpu.enqueue_dma source(%dma_start3A_139 : memref<32768xf32, #tpu.memory_space<hbm>>) target(%dma_start3A_138 : memref<32768xf32, #tpu.memory_space<vmem_shared>>) target_semaphore(%run_scoped3A : memref<!tpu.dma_semaphore, #tpu.memory_space<semaphore_mem>>)
      %dma_wait3A_140 = tpu.memref_slice %arg6[%add3A_4] : memref<1056768xf32, #tpu.memory_space<vmem_shared>> -> memref<32768xf32, #tpu.memory_space<vmem_shared>>
      %dma_wait3A_141 = tpu.memref_slice %arg2[%add3A_6] : memref<2097152xf32, #tpu.memory_space<hbm>> -> memref<32768xf32, #tpu.memory_space<hbm>>
      tpu.wait_dma2 semaphore(%run_scoped3A : memref<!tpu.dma_semaphore, #tpu.memory_space<semaphore_mem>>) src(%dma_wait3A_141 : memref<32768xf32, #tpu.memory_space<hbm>>) dst(%dma_wait3A_140 : memref<32768xf32, #tpu.memory_space<vmem_shared>>)
      tpu.yield
    }) : () -> ()
    %mul3A_7 = arith.constant 65536 : i32
    %mul3A_8 = arith.muli %arg1, %mul3A_7 : i32
    %add3A_9 = arith.constant 32768 : i32
    %add3A_10 = arith.addi %mul3A_8, %add3A_9 : i32
    %add3A_11 = arith.constant 0 : i32
    %add3A_12 = arith.addi %add3A_11, %add3A_10 : i32
    "tpu.region"() ({
      %run_scoped3A = tpu.sem_alloc : memref<!tpu.dma_semaphore, #tpu.memory_space<semaphore_mem>>
      %dma_start3A_138 = tpu.memref_slice %arg6[%add3A_10] : memref<1056768xf32, #tpu.memory_space<vmem_shared>> -> memref<32768xf32, #tpu.memory_space<vmem_shared>>
      %dma_start3A_139 = tpu.memref_slice %arg2[%add3A_12] : memref<2097152xf32, #tpu.memory_space<hbm>> -> memref<32768xf32, #tpu.memory_space<hbm>>
      tpu.enqueue_dma source(%dma_start3A_139 : memref<32768xf32, #tpu.memory_space<hbm>>) target(%dma_start3A_138 : memref<32768xf32, #tpu.memory_space<vmem_shared>>) target_semaphore(%run_scoped3A : memref<!tpu.dma_semaphore, #tpu.memory_space<semaphore_mem>>)
      %dma_wait3A_140 = tpu.memref_slice %arg6[%add3A_10] : memref<1056768xf32, #tpu.memory_space<vmem_shared>> -> memref<32768xf32, #tpu.memory_space<vmem_shared>>
      %dma_wait3A_141 = tpu.memref_slice %arg2[%add3A_12] : memref<2097152xf32, #tpu.memory_space<hbm>> -> memref<32768xf32, #tpu.memory_space<hbm>>
      tpu.wait_dma2 semaphore(%run_scoped3A : memref<!tpu.dma_semaphore, #tpu.memory_space<semaphore_mem>>) src(%dma_wait3A_141 : memref<32768xf32, #tpu.memory_space<hbm>>) dst(%dma_wait3A_140 : memref<32768xf32, #tpu.memory_space<vmem_shared>>)
      tpu.yield
    }) : () -> ()
    %eq3A = arith.constant 0 : i32
    %eq3A_13 = arith.cmpi eq, %arg1, %eq3A : i32
    %convert_element_type3A = arith.extui %eq3A_13 : i1 to i32
    %cond3A = arith.constant 0 : i32
    %cond3A_14 = arith.cmpi ne, %convert_element_type3A, %cond3A : i32
    scf.if %cond3A_14 {
      %scan3A_138 = arith.constant 0 : i32
      %scan3A_139 = arith.constant 0 : i32
      %scan3A_140 = arith.constant 512 : i32
      %scan3A_141 = arith.addi %scan3A_139, %scan3A_140 : i32
      %scan3A_142 = arith.constant 1 : i32
      %scan3A_143 = scf.for %scan3A_145 = %scan3A_139 to %scan3A_141 step %scan3A_142 iter_args(%scan3A_146 = %scan3A_138) -> (i32)  : i32 {
        %broadcast_in_dim3A = arith.constant 0.000000e+00 : f32
        %broadcast_in_dim3A_147 = vector.broadcast %broadcast_in_dim3A : f32 to vector<16xf32>
        %mul3A_148 = arith.constant 16 : i32
        %mul3A_149 = arith.muli %scan3A_145, %mul3A_148 : i32
        %swap3A = arith.index_cast %mul3A_149 : i32 to index
        %swap3A_150 = tpu.vector_load %arg9[%swap3A] {strides = array<i32>} : memref<12800xf32, #tpu.memory_space<vmem>>, vector<16xf32>,
        tpu.vector_store %arg9[%swap3A], %broadcast_in_dim3A_147 {strides = array<i32>} : memref<12800xf32, #tpu.memory_space<vmem>>, vector<16xf32>,
        %scan3A_151 = arith.constant 0 : i32
        scf.yield %scan3A_151 : i32
      }
      %scan3A_144 = arith.constant 512 : i32
      "tpu.region"() ({
        %run_scoped3A = tpu.sem_alloc : memref<!tpu.dma_semaphore, #tpu.memory_space<semaphore_mem>>
        %dma_start3A_145 = arith.constant 0 : i32
        %dma_start3A_146 = tpu.memref_slice %arg9[%dma_start3A_145] : memref<12800xf32, #tpu.memory_space<vmem>> -> memref<8192xf32, #tpu.memory_space<vmem>>
        %dma_start3A_147 = arith.constant 1048576 : i32
        %dma_start3A_148 = tpu.memref_slice %arg6[%dma_start3A_147] : memref<1056768xf32, #tpu.memory_space<vmem_shared>> -> memref<8192xf32, #tpu.memory_space<vmem_shared>>
        %dma_start3A_149 = arith.constant 1048576 : i32
        %dma_start3A_150 = tpu.memref_slice %arg6[%dma_start3A_149] : memref<1056768xf32, #tpu.memory_space<vmem_shared>> -> memref<8192xf32, #tpu.memory_space<vmem_shared>>
        %dma_start3A_151 = arith.constant 0 : i32
        %dma_start3A_152 = tpu.memref_slice %arg9[%dma_start3A_151] : memref<12800xf32, #tpu.memory_space<vmem>> -> memref<8192xf32, #tpu.memory_space<vmem>>
        tpu.enqueue_dma source(%dma_start3A_152 : memref<8192xf32, #tpu.memory_space<vmem>>) target(%dma_start3A_150 : memref<8192xf32, #tpu.memory_space<vmem_shared>>) target_semaphore(%run_scoped3A : memref<!tpu.dma_semaphore, #tpu.memory_space<semaphore_mem>>)
        %dma_wait3A_153 = arith.constant 0 : i32
        %dma_wait3A_154 = tpu.memref_slice %arg9[%dma_wait3A_153] : memref<12800xf32, #tpu.memory_space<vmem>> -> memref<8192xf32, #tpu.memory_space<vmem>>
        %dma_wait3A_155 = arith.constant 1048576 : i32
        %dma_wait3A_156 = tpu.memref_slice %arg6[%dma_wait3A_155] : memref<1056768xf32, #tpu.memory_space<vmem_shared>> -> memref<8192xf32, #tpu.memory_space<vmem_shared>>
        %dma_wait3A_157 = arith.constant 1048576 : i32
        %dma_wait3A_158 = tpu.memref_slice %arg6[%dma_wait3A_157] : memref<1056768xf32, #tpu.memory_space<vmem_shared>> -> memref<8192xf32, #tpu.memory_space<vmem_shared>>
        %dma_wait3A_159 = arith.constant 0 : i32
        %dma_wait3A_160 = tpu.memref_slice %arg9[%dma_wait3A_159] : memref<12800xf32, #tpu.memory_space<vmem>> -> memref<8192xf32, #tpu.memory_space<vmem>>
        tpu.wait_dma2 semaphore(%run_scoped3A : memref<!tpu.dma_semaphore, #tpu.memory_space<semaphore_mem>>) src(%dma_wait3A_160 : memref<8192xf32, #tpu.memory_space<vmem>>) dst(%dma_wait3A_158 : memref<8192xf32, #tpu.memory_space<vmem_shared>>)
        tpu.yield
      }) : () -> ()
    } else {
    }
    %barrier3A = arith.constant 0 : index
    tpu.barrier barrier_id(%barrier3A)
    %add3A_15 = arith.constant 0 : i32
    %add3A_16 = arith.addi %add3A, %add3A_15 : i32
    %mul3A_17 = arith.constant 12800 : i32
    %mul3A_18 = arith.muli %add3A_16, %mul3A_17 : i32
    %dma_start3A = tpu.memref_slice %arg3[%mul3A_18] : memref<8000000xi32, #tpu.memory_space<hbm>> -> memref<12800xi32, #tpu.memory_space<hbm>>
    %dma_start3A_19 = tpu.memref_slice %arg3[%mul3A_18] : memref<8000000xi32, #tpu.memory_space<hbm>> -> memref<12800xi32, #tpu.memory_space<hbm>>
    tpu.enqueue_dma source(%dma_start3A_19 : memref<12800xi32, #tpu.memory_space<hbm>>) target(%arg7 : memref<12800xi32, #tpu.memory_space<vmem>>) target_semaphore(%arg15 : memref<!tpu.dma_semaphore, #tpu.memory_space<semaphore_mem>>)
    %add3A_20 = arith.constant 32 : i32
    %add3A_21 = arith.addi %add3A, %add3A_20 : i32
    %mul3A_22 = arith.constant 12800 : i32
    %mul3A_23 = arith.muli %add3A_21, %mul3A_22 : i32
    %dma_start3A_24 = tpu.memref_slice %arg3[%mul3A_23] : memref<8000000xi32, #tpu.memory_space<hbm>> -> memref<12800xi32, #tpu.memory_space<hbm>>
    %dma_start3A_25 = tpu.memref_slice %arg3[%mul3A_23] : memref<8000000xi32, #tpu.memory_space<hbm>> -> memref<12800xi32, #tpu.memory_space<hbm>>
    tpu.enqueue_dma source(%dma_start3A_25 : memref<12800xi32, #tpu.memory_space<hbm>>) target(%arg8 : memref<12800xi32, #tpu.memory_space<vmem>>) target_semaphore(%arg16 : memref<!tpu.dma_semaphore, #tpu.memory_space<semaphore_mem>>)
    %dma_wait3A = arith.constant 0 : i32
    %dma_wait3A_26 = tpu.memref_slice %arg3[%dma_wait3A] : memref<8000000xi32, #tpu.memory_space<hbm>> -> memref<12800xi32, #tpu.memory_space<hbm>>
    %dma_wait3A_27 = arith.constant 0 : i32
    %dma_wait3A_28 = tpu.memref_slice %arg3[%dma_wait3A_27] : memref<8000000xi32, #tpu.memory_space<hbm>> -> memref<12800xi32, #tpu.memory_space<hbm>>
    tpu.wait_dma2 semaphore(%arg15 : memref<!tpu.dma_semaphore, #tpu.memory_space<semaphore_mem>>) src(%dma_wait3A_28 : memref<12800xi32, #tpu.memory_space<hbm>>) dst(%arg7 : memref<12800xi32, #tpu.memory_space<vmem>>)
    %scan3A = arith.constant 0 : i32
    %scan3A_29 = arith.constant 0 : i32
    %scan3A_30 = arith.constant 100 : i32
    %scan3A_31 = arith.addi %scan3A_29, %scan3A_30 : i32
    %scan3A_32 = arith.constant 1 : i32
    %scan3A_33 = scf.for %scan3A_138 = %scan3A_29 to %scan3A_31 step %scan3A_32 iter_args(%scan3A_139 = %scan3A) -> (i32)  : i32 {
      %mul3A_140 = arith.constant 8 : i32
      %mul3A_141 = arith.muli %scan3A_138, %mul3A_140 : i32
      %add3A_142 = arith.constant 0 : i32
      %add3A_143 = arith.addi %mul3A_141, %add3A_142 : i32
      %mul3A_144 = arith.constant 16 : i32
      %mul3A_145 = arith.muli %add3A_143, %mul3A_144 : i32
      %get3A = arith.index_cast %mul3A_145 : i32 to index
      %get3A_146 = tpu.vector_load %arg7[%get3A] {strides = array<i32>} : memref<12800xi32, #tpu.memory_space<vmem>>, vector<16xi32>,
      %and3A = arith.constant 8191 : i32
      %and3A_147 = vector.broadcast %and3A : i32 to vector<16xi32>
      %and3A_148 = arith.andi %get3A_146, %and3A_147 : vector<16xi32>
      %add3A_149 = arith.constant 1048576 : i32
      %add3A_150 = vector.broadcast %add3A_149 : i32 to vector<16xi32>
      %add3A_151 = arith.addi %and3A_148, %add3A_150 : vector<16xi32>
      %lt3A = arith.constant 1048576 : i32
      %lt3A_152 = vector.broadcast %lt3A : i32 to vector<16xi32>
      %lt3A_153 = arith.cmpi slt, %get3A_146, %lt3A_152 : vector<16xi32>
      %select_n3A = arith.select %lt3A_153, %get3A_146, %add3A_151 : vector<16xi1>, vector<16xi32>
      %swap3A = arith.index_cast %mul3A_145 : i32 to index
      %swap3A_154 = tpu.vector_load %arg7[%swap3A] {strides = array<i32>} : memref<12800xi32, #tpu.memory_space<vmem>>, vector<16xi32>,
      tpu.vector_store %arg7[%swap3A], %select_n3A {strides = array<i32>} : memref<12800xi32, #tpu.memory_space<vmem>>, vector<16xi32>,
      %mul3A_155 = arith.constant 8 : i32
      %mul3A_156 = arith.muli %scan3A_138, %mul3A_155 : i32
      %add3A_157 = arith.constant 1 : i32
      %add3A_158 = arith.addi %mul3A_156, %add3A_157 : i32
      %mul3A_159 = arith.constant 16 : i32
      %mul3A_160 = arith.muli %add3A_158, %mul3A_159 : i32
      %get3A_161 = arith.index_cast %mul3A_160 : i32 to index
      %get3A_162 = tpu.vector_load %arg7[%get3A_161] {strides = array<i32>} : memref<12800xi32, #tpu.memory_space<vmem>>, vector<16xi32>,
      %and3A_163 = arith.constant 8191 : i32
      %and3A_164 = vector.broadcast %and3A_163 : i32 to vector<16xi32>
      %and3A_165 = arith.andi %get3A_162, %and3A_164 : vector<16xi32>
      %add3A_166 = arith.constant 1048576 : i32
      %add3A_167 = vector.broadcast %add3A_166 : i32 to vector<16xi32>
      %add3A_168 = arith.addi %and3A_165, %add3A_167 : vector<16xi32>
      %lt3A_169 = arith.constant 1048576 : i32
      %lt3A_170 = vector.broadcast %lt3A_169 : i32 to vector<16xi32>
      %lt3A_171 = arith.cmpi slt, %get3A_162, %lt3A_170 : vector<16xi32>
      %select_n3A_172 = arith.select %lt3A_171, %get3A_162, %add3A_168 : vector<16xi1>, vector<16xi32>
      %swap3A_173 = arith.index_cast %mul3A_160 : i32 to index
      %swap3A_174 = tpu.vector_load %arg7[%swap3A_173] {strides = array<i32>} : memref<12800xi32, #tpu.memory_space<vmem>>, vector<16xi32>,
      tpu.vector_store %arg7[%swap3A_173], %select_n3A_172 {strides = array<i32>} : memref<12800xi32, #tpu.memory_space<vmem>>, vector<16xi32>,
      %mul3A_175 = arith.constant 8 : i32
      %mul3A_176 = arith.muli %scan3A_138, %mul3A_175 : i32
      %add3A_177 = arith.constant 2 : i32
      %add3A_178 = arith.addi %mul3A_176, %add3A_177 : i32
      %mul3A_179 = arith.constant 16 : i32
      %mul3A_180 = arith.muli %add3A_178, %mul3A_179 : i32
      %get3A_181 = arith.index_cast %mul3A_180 : i32 to index
      %get3A_182 = tpu.vector_load %arg7[%get3A_181] {strides = array<i32>} : memref<12800xi32, #tpu.memory_space<vmem>>, vector<16xi32>,
      %and3A_183 = arith.constant 8191 : i32
      %and3A_184 = vector.broadcast %and3A_183 : i32 to vector<16xi32>
      %and3A_185 = arith.andi %get3A_182, %and3A_184 : vector<16xi32>
      %add3A_186 = arith.constant 1048576 : i32
      %add3A_187 = vector.broadcast %add3A_186 : i32 to vector<16xi32>
      %add3A_188 = arith.addi %and3A_185, %add3A_187 : vector<16xi32>
      %lt3A_189 = arith.constant 1048576 : i32
      %lt3A_190 = vector.broadcast %lt3A_189 : i32 to vector<16xi32>
      %lt3A_191 = arith.cmpi slt, %get3A_182, %lt3A_190 : vector<16xi32>
      %select_n3A_192 = arith.select %lt3A_191, %get3A_182, %add3A_188 : vector<16xi1>, vector<16xi32>
      %swap3A_193 = arith.index_cast %mul3A_180 : i32 to index
      %swap3A_194 = tpu.vector_load %arg7[%swap3A_193] {strides = array<i32>} : memref<12800xi32, #tpu.memory_space<vmem>>, vector<16xi32>,
      tpu.vector_store %arg7[%swap3A_193], %select_n3A_192 {strides = array<i32>} : memref<12800xi32, #tpu.memory_space<vmem>>, vector<16xi32>,
      %mul3A_195 = arith.constant 8 : i32
      %mul3A_196 = arith.muli %scan3A_138, %mul3A_195 : i32
      %add3A_197 = arith.constant 3 : i32
      %add3A_198 = arith.addi %mul3A_196, %add3A_197 : i32
      %mul3A_199 = arith.constant 16 : i32
      %mul3A_200 = arith.muli %add3A_198, %mul3A_199 : i32
      %get3A_201 = arith.index_cast %mul3A_200 : i32 to index
      %get3A_202 = tpu.vector_load %arg7[%get3A_201] {strides = array<i32>} : memref<12800xi32, #tpu.memory_space<vmem>>, vector<16xi32>,
      %and3A_203 = arith.constant 8191 : i32
      %and3A_204 = vector.broadcast %and3A_203 : i32 to vector<16xi32>
      %and3A_205 = arith.andi %get3A_202, %and3A_204 : vector<16xi32>
      %add3A_206 = arith.constant 1048576 : i32
      %add3A_207 = vector.broadcast %add3A_206 : i32 to vector<16xi32>
      %add3A_208 = arith.addi %and3A_205, %add3A_207 : vector<16xi32>
      %lt3A_209 = arith.constant 1048576 : i32
      %lt3A_210 = vector.broadcast %lt3A_209 : i32 to vector<16xi32>
      %lt3A_211 = arith.cmpi slt, %get3A_202, %lt3A_210 : vector<16xi32>
      %select_n3A_212 = arith.select %lt3A_211, %get3A_202, %add3A_208 : vector<16xi1>, vector<16xi32>
      %swap3A_213 = arith.index_cast %mul3A_200 : i32 to index
      %swap3A_214 = tpu.vector_load %arg7[%swap3A_213] {strides = array<i32>} : memref<12800xi32, #tpu.memory_space<vmem>>, vector<16xi32>,
      tpu.vector_store %arg7[%swap3A_213], %select_n3A_212 {strides = array<i32>} : memref<12800xi32, #tpu.memory_space<vmem>>, vector<16xi32>,
      %mul3A_215 = arith.constant 8 : i32
      %mul3A_216 = arith.muli %scan3A_138, %mul3A_215 : i32
      %add3A_217 = arith.constant 4 : i32
      %add3A_218 = arith.addi %mul3A_216, %add3A_217 : i32
      %mul3A_219 = arith.constant 16 : i32
      %mul3A_220 = arith.muli %add3A_218, %mul3A_219 : i32
      %get3A_221 = arith.index_cast %mul3A_220 : i32 to index
      %get3A_222 = tpu.vector_load %arg7[%get3A_221] {strides = array<i32>} : memref<12800xi32, #tpu.memory_space<vmem>>, vector<16xi32>,
      %and3A_223 = arith.constant 8191 : i32
      %and3A_224 = vector.broadcast %and3A_223 : i32 to vector<16xi32>
      %and3A_225 = arith.andi %get3A_222, %and3A_224 : vector<16xi32>
      %add3A_226 = arith.constant 1048576 : i32
      %add3A_227 = vector.broadcast %add3A_226 : i32 to vector<16xi32>
      %add3A_228 = arith.addi %and3A_225, %add3A_227 : vector<16xi32>
      %lt3A_229 = arith.constant 1048576 : i32
      %lt3A_230 = vector.broadcast %lt3A_229 : i32 to vector<16xi32>
      %lt3A_231 = arith.cmpi slt, %get3A_222, %lt3A_230 : vector<16xi32>
      %select_n3A_232 = arith.select %lt3A_231, %get3A_222, %add3A_228 : vector<16xi1>, vector<16xi32>
      %swap3A_233 = arith.index_cast %mul3A_220 : i32 to index
      %swap3A_234 = tpu.vector_load %arg7[%swap3A_233] {strides = array<i32>} : memref<12800xi32, #tpu.memory_space<vmem>>, vector<16xi32>,
      tpu.vector_store %arg7[%swap3A_233], %select_n3A_232 {strides = array<i32>} : memref<12800xi32, #tpu.memory_space<vmem>>, vector<16xi32>,
      %mul3A_235 = arith.constant 8 : i32
      %mul3A_236 = arith.muli %scan3A_138, %mul3A_235 : i32
      %add3A_237 = arith.constant 5 : i32
      %add3A_238 = arith.addi %mul3A_236, %add3A_237 : i32
      %mul3A_239 = arith.constant 16 : i32
      %mul3A_240 = arith.muli %add3A_238, %mul3A_239 : i32
      %get3A_241 = arith.index_cast %mul3A_240 : i32 to index
      %get3A_242 = tpu.vector_load %arg7[%get3A_241] {strides = array<i32>} : memref<12800xi32, #tpu.memory_space<vmem>>, vector<16xi32>,
      %and3A_243 = arith.constant 8191 : i32
      %and3A_244 = vector.broadcast %and3A_243 : i32 to vector<16xi32>
      %and3A_245 = arith.andi %get3A_242, %and3A_244 : vector<16xi32>
      %add3A_246 = arith.constant 1048576 : i32
      %add3A_247 = vector.broadcast %add3A_246 : i32 to vector<16xi32>
      %add3A_248 = arith.addi %and3A_245, %add3A_247 : vector<16xi32>
      %lt3A_249 = arith.constant 1048576 : i32
      %lt3A_250 = vector.broadcast %lt3A_249 : i32 to vector<16xi32>
      %lt3A_251 = arith.cmpi slt, %get3A_242, %lt3A_250 : vector<16xi32>
      %select_n3A_252 = arith.select %lt3A_251, %get3A_242, %add3A_248 : vector<16xi1>, vector<16xi32>
      %swap3A_253 = arith.index_cast %mul3A_240 : i32 to index
      %swap3A_254 = tpu.vector_load %arg7[%swap3A_253] {strides = array<i32>} : memref<12800xi32, #tpu.memory_space<vmem>>, vector<16xi32>,
      tpu.vector_store %arg7[%swap3A_253], %select_n3A_252 {strides = array<i32>} : memref<12800xi32, #tpu.memory_space<vmem>>, vector<16xi32>,
      %mul3A_255 = arith.constant 8 : i32
      %mul3A_256 = arith.muli %scan3A_138, %mul3A_255 : i32
      %add3A_257 = arith.constant 6 : i32
      %add3A_258 = arith.addi %mul3A_256, %add3A_257 : i32
      %mul3A_259 = arith.constant 16 : i32
      %mul3A_260 = arith.muli %add3A_258, %mul3A_259 : i32
      %get3A_261 = arith.index_cast %mul3A_260 : i32 to index
      %get3A_262 = tpu.vector_load %arg7[%get3A_261] {strides = array<i32>} : memref<12800xi32, #tpu.memory_space<vmem>>, vector<16xi32>,
      %and3A_263 = arith.constant 8191 : i32
      %and3A_264 = vector.broadcast %and3A_263 : i32 to vector<16xi32>
      %and3A_265 = arith.andi %get3A_262, %and3A_264 : vector<16xi32>
      %add3A_266 = arith.constant 1048576 : i32
      %add3A_267 = vector.broadcast %add3A_266 : i32 to vector<16xi32>
      %add3A_268 = arith.addi %and3A_265, %add3A_267 : vector<16xi32>
      %lt3A_269 = arith.constant 1048576 : i32
      %lt3A_270 = vector.broadcast %lt3A_269 : i32 to vector<16xi32>
      %lt3A_271 = arith.cmpi slt, %get3A_262, %lt3A_270 : vector<16xi32>
      %select_n3A_272 = arith.select %lt3A_271, %get3A_262, %add3A_268 : vector<16xi1>, vector<16xi32>
      %swap3A_273 = arith.index_cast %mul3A_260 : i32 to index
      %swap3A_274 = tpu.vector_load %arg7[%swap3A_273] {strides = array<i32>} : memref<12800xi32, #tpu.memory_space<vmem>>, vector<16xi32>,
      tpu.vector_store %arg7[%swap3A_273], %select_n3A_272 {strides = array<i32>} : memref<12800xi32, #tpu.memory_space<vmem>>, vector<16xi32>,
      %mul3A_275 = arith.constant 8 : i32
      %mul3A_276 = arith.muli %scan3A_138, %mul3A_275 : i32
      %add3A_277 = arith.constant 7 : i32
      %add3A_278 = arith.addi %mul3A_276, %add3A_277 : i32
      %mul3A_279 = arith.constant 16 : i32
      %mul3A_280 = arith.muli %add3A_278, %mul3A_279 : i32
      %get3A_281 = arith.index_cast %mul3A_280 : i32 to index
      %get3A_282 = tpu.vector_load %arg7[%get3A_281] {strides = array<i32>} : memref<12800xi32, #tpu.memory_space<vmem>>, vector<16xi32>,
      %and3A_283 = arith.constant 8191 : i32
      %and3A_284 = vector.broadcast %and3A_283 : i32 to vector<16xi32>
      %and3A_285 = arith.andi %get3A_282, %and3A_284 : vector<16xi32>
      %add3A_286 = arith.constant 1048576 : i32
      %add3A_287 = vector.broadcast %add3A_286 : i32 to vector<16xi32>
      %add3A_288 = arith.addi %and3A_285, %add3A_287 : vector<16xi32>
      %lt3A_289 = arith.constant 1048576 : i32
      %lt3A_290 = vector.broadcast %lt3A_289 : i32 to vector<16xi32>
      %lt3A_291 = arith.cmpi slt, %get3A_282, %lt3A_290 : vector<16xi32>
      %select_n3A_292 = arith.select %lt3A_291, %get3A_282, %add3A_288 : vector<16xi1>, vector<16xi32>
      %swap3A_293 = arith.index_cast %mul3A_280 : i32 to index
      %swap3A_294 = tpu.vector_load %arg7[%swap3A_293] {strides = array<i32>} : memref<12800xi32, #tpu.memory_space<vmem>>, vector<16xi32>,
      tpu.vector_store %arg7[%swap3A_293], %select_n3A_292 {strides = array<i32>} : memref<12800xi32, #tpu.memory_space<vmem>>, vector<16xi32>,
      %scan3A_295 = arith.constant 0 : i32
      scf.yield %scan3A_295 : i32
    }
    %scan3A_34 = arith.constant 100 : i32
    %dma_start3A_35 = arith.constant 0 : i32
    %dma_start3A_36 = tpu.memref_slice %arg9[%dma_start3A_35] : memref<12800xf32, #tpu.memory_space<vmem>> -> memref<6400xf32, #tpu.memory_space<vmem>>
    %dma_start3A_37 = arith.constant 0 : i32
    %dma_start3A_38 = tpu.memref_slice %arg7[%dma_start3A_37] : memref<12800xi32, #tpu.memory_space<vmem>> -> memref<6400xi32, #tpu.memory_space<vmem>>
    %dma_start3A_39 = arith.constant 0 : i32
    %dma_start3A_40 = tpu.memref_slice %arg6[%dma_start3A_39] : memref<1056768xf32, #tpu.memory_space<vmem_shared>> -> memref<1056768xf32, #tpu.memory_space<vmem_shared>>
    tpu.enqueue_indirect_dma source(%dma_start3A_40 : memref<1056768xf32, #tpu.memory_space<vmem_shared>>) target(%dma_start3A_36 : memref<6400xf32, #tpu.memory_space<vmem>>) offsets(%dma_start3A_38 : memref<6400xi32, #tpu.memory_space<vmem>>) semaphore(%arg17 : memref<!tpu.dma_semaphore, #tpu.memory_space<semaphore_mem>>)
    %dma_start3A_41 = arith.constant 6400 : i32
    %dma_start3A_42 = tpu.memref_slice %arg9[%dma_start3A_41] : memref<12800xf32, #tpu.memory_space<vmem>> -> memref<6400xf32, #tpu.memory_space<vmem>>
    %dma_start3A_43 = arith.constant 6400 : i32
    %dma_start3A_44 = tpu.memref_slice %arg7[%dma_start3A_43] : memref<12800xi32, #tpu.memory_space<vmem>> -> memref<6400xi32, #tpu.memory_space<vmem>>
    %dma_start3A_45 = arith.constant 0 : i32
    %dma_start3A_46 = tpu.memref_slice %arg6[%dma_start3A_45] : memref<1056768xf32, #tpu.memory_space<vmem_shared>> -> memref<1056768xf32, #tpu.memory_space<vmem_shared>>
    tpu.enqueue_indirect_dma source(%dma_start3A_46 : memref<1056768xf32, #tpu.memory_space<vmem_shared>>) target(%dma_start3A_42 : memref<6400xf32, #tpu.memory_space<vmem>>) offsets(%dma_start3A_44 : memref<6400xi32, #tpu.memory_space<vmem>>) semaphore(%arg23 : memref<!tpu.dma_semaphore, #tpu.memory_space<semaphore_mem>>)
    %scan3A_47 = arith.constant 0 : i32
    %scan3A_48 = arith.constant 0 : i32
    %scan3A_49 = arith.constant 10 : i32
    %scan3A_50 = arith.addi %scan3A_48, %scan3A_49 : i32
    %scan3A_51 = arith.constant 1 : i32
    %scan3A_52 = scf.for %scan3A_138 = %scan3A_48 to %scan3A_50 step %scan3A_51 iter_args(%scan3A_139 = %scan3A_47) -> (i32)  : i32 {
      %mul3A_140 = arith.constant 2 : i32
      %mul3A_141 = arith.muli %mul3A_140, %scan3A_138 : i32
      %add3A_142 = arith.constant 0 : i32
      %add3A_143 = arith.addi %mul3A_141, %add3A_142 : i32
      %add3A_144 = arith.constant 1 : i32
      %add3A_145 = arith.addi %add3A_143, %add3A_144 : i32
      %mul3A_146 = arith.constant 32 : i32
      %mul3A_147 = arith.muli %add3A_145, %mul3A_146 : i32
      %add3A_148 = arith.addi %add3A, %mul3A_147 : i32
      %lt3A = arith.constant 625 : i32
      %lt3A_149 = arith.cmpi slt, %add3A_148, %lt3A : i32
      %convert_element_type3A_150 = arith.extui %lt3A_149 : i1 to i32
      %cond3A_151 = arith.constant 0 : i32
      %cond3A_152 = arith.cmpi ne, %convert_element_type3A_150, %cond3A_151 : i32
      scf.if %cond3A_152 {
        %dma_wait3A_260 = arith.constant 0 : i32
        %dma_wait3A_261 = tpu.memref_slice %arg3[%dma_wait3A_260] : memref<8000000xi32, #tpu.memory_space<hbm>> -> memref<12800xi32, #tpu.memory_space<hbm>>
        %dma_wait3A_262 = arith.constant 0 : i32
        %dma_wait3A_263 = tpu.memref_slice %arg3[%dma_wait3A_262] : memref<8000000xi32, #tpu.memory_space<hbm>> -> memref<12800xi32, #tpu.memory_space<hbm>>
        tpu.wait_dma2 semaphore(%arg16 : memref<!tpu.dma_semaphore, #tpu.memory_space<semaphore_mem>>) src(%dma_wait3A_263 : memref<12800xi32, #tpu.memory_space<hbm>>) dst(%arg8 : memref<12800xi32, #tpu.memory_space<vmem>>)
        %scan3A_264 = arith.constant 0 : i32
        %scan3A_265 = arith.constant 0 : i32
        %scan3A_266 = arith.constant 100 : i32
        %scan3A_267 = arith.addi %scan3A_265, %scan3A_266 : i32
        %scan3A_268 = arith.constant 1 : i32
        %scan3A_269 = scf.for %scan3A_283 = %scan3A_265 to %scan3A_267 step %scan3A_268 iter_args(%scan3A_284 = %scan3A_264) -> (i32)  : i32 {
          %mul3A_285 = arith.constant 8 : i32
          %mul3A_286 = arith.muli %scan3A_283, %mul3A_285 : i32
          %add3A_287 = arith.constant 0 : i32
          %add3A_288 = arith.addi %mul3A_286, %add3A_287 : i32
          %mul3A_289 = arith.constant 16 : i32
          %mul3A_290 = arith.muli %add3A_288, %mul3A_289 : i32
          %get3A = arith.index_cast %mul3A_290 : i32 to index
          %get3A_291 = tpu.vector_load %arg8[%get3A] {strides = array<i32>} : memref<12800xi32, #tpu.memory_space<vmem>>, vector<16xi32>,
          %and3A_292 = arith.constant 8191 : i32
          %and3A_293 = vector.broadcast %and3A_292 : i32 to vector<16xi32>
          %and3A_294 = arith.andi %get3A_291, %and3A_293 : vector<16xi32>
          %add3A_295 = arith.constant 1048576 : i32
          %add3A_296 = vector.broadcast %add3A_295 : i32 to vector<16xi32>
          %add3A_297 = arith.addi %and3A_294, %add3A_296 : vector<16xi32>
          %lt3A_298 = arith.constant 1048576 : i32
          %lt3A_299 = vector.broadcast %lt3A_298 : i32 to vector<16xi32>
          %lt3A_300 = arith.cmpi slt, %get3A_291, %lt3A_299 : vector<16xi32>
          %select_n3A = arith.select %lt3A_300, %get3A_291, %add3A_297 : vector<16xi1>, vector<16xi32>
          %swap3A = arith.index_cast %mul3A_290 : i32 to index
          %swap3A_301 = tpu.vector_load %arg8[%swap3A] {strides = array<i32>} : memref<12800xi32, #tpu.memory_space<vmem>>, vector<16xi32>,
          tpu.vector_store %arg8[%swap3A], %select_n3A {strides = array<i32>} : memref<12800xi32, #tpu.memory_space<vmem>>, vector<16xi32>,
          %mul3A_302 = arith.constant 8 : i32
          %mul3A_303 = arith.muli %scan3A_283, %mul3A_302 : i32
          %add3A_304 = arith.constant 1 : i32
          %add3A_305 = arith.addi %mul3A_303, %add3A_304 : i32
          %mul3A_306 = arith.constant 16 : i32
          %mul3A_307 = arith.muli %add3A_305, %mul3A_306 : i32
          %get3A_308 = arith.index_cast %mul3A_307 : i32 to index
          %get3A_309 = tpu.vector_load %arg8[%get3A_308] {strides = array<i32>} : memref<12800xi32, #tpu.memory_space<vmem>>, vector<16xi32>,
          %and3A_310 = arith.constant 8191 : i32
          %and3A_311 = vector.broadcast %and3A_310 : i32 to vector<16xi32>
          %and3A_312 = arith.andi %get3A_309, %and3A_311 : vector<16xi32>
          %add3A_313 = arith.constant 1048576 : i32
          %add3A_314 = vector.broadcast %add3A_313 : i32 to vector<16xi32>
          %add3A_315 = arith.addi %and3A_312, %add3A_314 : vector<16xi32>
          %lt3A_316 = arith.constant 1048576 : i32
          %lt3A_317 = vector.broadcast %lt3A_316 : i32 to vector<16xi32>
          %lt3A_318 = arith.cmpi slt, %get3A_309, %lt3A_317 : vector<16xi32>
          %select_n3A_319 = arith.select %lt3A_318, %get3A_309, %add3A_315 : vector<16xi1>, vector<16xi32>
          %swap3A_320 = arith.index_cast %mul3A_307 : i32 to index
          %swap3A_321 = tpu.vector_load %arg8[%swap3A_320] {strides = array<i32>} : memref<12800xi32, #tpu.memory_space<vmem>>, vector<16xi32>,
          tpu.vector_store %arg8[%swap3A_320], %select_n3A_319 {strides = array<i32>} : memref<12800xi32, #tpu.memory_space<vmem>>, vector<16xi32>,
          %mul3A_322 = arith.constant 8 : i32
          %mul3A_323 = arith.muli %scan3A_283, %mul3A_322 : i32
          %add3A_324 = arith.constant 2 : i32
          %add3A_325 = arith.addi %mul3A_323, %add3A_324 : i32
          %mul3A_326 = arith.constant 16 : i32
          %mul3A_327 = arith.muli %add3A_325, %mul3A_326 : i32
          %get3A_328 = arith.index_cast %mul3A_327 : i32 to index
          %get3A_329 = tpu.vector_load %arg8[%get3A_328] {strides = array<i32>} : memref<12800xi32, #tpu.memory_space<vmem>>, vector<16xi32>,
          %and3A_330 = arith.constant 8191 : i32
          %and3A_331 = vector.broadcast %and3A_330 : i32 to vector<16xi32>
          %and3A_332 = arith.andi %get3A_329, %and3A_331 : vector<16xi32>
          %add3A_333 = arith.constant 1048576 : i32
          %add3A_334 = vector.broadcast %add3A_333 : i32 to vector<16xi32>
          %add3A_335 = arith.addi %and3A_332, %add3A_334 : vector<16xi32>
          %lt3A_336 = arith.constant 1048576 : i32
          %lt3A_337 = vector.broadcast %lt3A_336 : i32 to vector<16xi32>
          %lt3A_338 = arith.cmpi slt, %get3A_329, %lt3A_337 : vector<16xi32>
          %select_n3A_339 = arith.select %lt3A_338, %get3A_329, %add3A_335 : vector<16xi1>, vector<16xi32>
          %swap3A_340 = arith.index_cast %mul3A_327 : i32 to index
          %swap3A_341 = tpu.vector_load %arg8[%swap3A_340] {strides = array<i32>} : memref<12800xi32, #tpu.memory_space<vmem>>, vector<16xi32>,
          tpu.vector_store %arg8[%swap3A_340], %select_n3A_339 {strides = array<i32>} : memref<12800xi32, #tpu.memory_space<vmem>>, vector<16xi32>,
          %mul3A_342 = arith.constant 8 : i32
          %mul3A_343 = arith.muli %scan3A_283, %mul3A_342 : i32
          %add3A_344 = arith.constant 3 : i32
          %add3A_345 = arith.addi %mul3A_343, %add3A_344 : i32
          %mul3A_346 = arith.constant 16 : i32
          %mul3A_347 = arith.muli %add3A_345, %mul3A_346 : i32
          %get3A_348 = arith.index_cast %mul3A_347 : i32 to index
          %get3A_349 = tpu.vector_load %arg8[%get3A_348] {strides = array<i32>} : memref<12800xi32, #tpu.memory_space<vmem>>, vector<16xi32>,
          %and3A_350 = arith.constant 8191 : i32
          %and3A_351 = vector.broadcast %and3A_350 : i32 to vector<16xi32>
          %and3A_352 = arith.andi %get3A_349, %and3A_351 : vector<16xi32>
          %add3A_353 = arith.constant 1048576 : i32
          %add3A_354 = vector.broadcast %add3A_353 : i32 to vector<16xi32>
          %add3A_355 = arith.addi %and3A_352, %add3A_354 : vector<16xi32>
          %lt3A_356 = arith.constant 1048576 : i32
          %lt3A_357 = vector.broadcast %lt3A_356 : i32 to vector<16xi32>
          %lt3A_358 = arith.cmpi slt, %get3A_349, %lt3A_357 : vector<16xi32>
          %select_n3A_359 = arith.select %lt3A_358, %get3A_349, %add3A_355 : vector<16xi1>, vector<16xi32>
          %swap3A_360 = arith.index_cast %mul3A_347 : i32 to index
          %swap3A_361 = tpu.vector_load %arg8[%swap3A_360] {strides = array<i32>} : memref<12800xi32, #tpu.memory_space<vmem>>, vector<16xi32>,
          tpu.vector_store %arg8[%swap3A_360], %select_n3A_359 {strides = array<i32>} : memref<12800xi32, #tpu.memory_space<vmem>>, vector<16xi32>,
          %mul3A_362 = arith.constant 8 : i32
          %mul3A_363 = arith.muli %scan3A_283, %mul3A_362 : i32
          %add3A_364 = arith.constant 4 : i32
          %add3A_365 = arith.addi %mul3A_363, %add3A_364 : i32
          %mul3A_366 = arith.constant 16 : i32
          %mul3A_367 = arith.muli %add3A_365, %mul3A_366 : i32
          %get3A_368 = arith.index_cast %mul3A_367 : i32 to index
          %get3A_369 = tpu.vector_load %arg8[%get3A_368] {strides = array<i32>} : memref<12800xi32, #tpu.memory_space<vmem>>, vector<16xi32>,
          %and3A_370 = arith.constant 8191 : i32
          %and3A_371 = vector.broadcast %and3A_370 : i32 to vector<16xi32>
          %and3A_372 = arith.andi %get3A_369, %and3A_371 : vector<16xi32>
          %add3A_373 = arith.constant 1048576 : i32
          %add3A_374 = vector.broadcast %add3A_373 : i32 to vector<16xi32>
          %add3A_375 = arith.addi %and3A_372, %add3A_374 : vector<16xi32>
          %lt3A_376 = arith.constant 1048576 : i32
          %lt3A_377 = vector.broadcast %lt3A_376 : i32 to vector<16xi32>
          %lt3A_378 = arith.cmpi slt, %get3A_369, %lt3A_377 : vector<16xi32>
          %select_n3A_379 = arith.select %lt3A_378, %get3A_369, %add3A_375 : vector<16xi1>, vector<16xi32>
          %swap3A_380 = arith.index_cast %mul3A_367 : i32 to index
          %swap3A_381 = tpu.vector_load %arg8[%swap3A_380] {strides = array<i32>} : memref<12800xi32, #tpu.memory_space<vmem>>, vector<16xi32>,
          tpu.vector_store %arg8[%swap3A_380], %select_n3A_379 {strides = array<i32>} : memref<12800xi32, #tpu.memory_space<vmem>>, vector<16xi32>,
          %mul3A_382 = arith.constant 8 : i32
          %mul3A_383 = arith.muli %scan3A_283, %mul3A_382 : i32
          %add3A_384 = arith.constant 5 : i32
          %add3A_385 = arith.addi %mul3A_383, %add3A_384 : i32
          %mul3A_386 = arith.constant 16 : i32
          %mul3A_387 = arith.muli %add3A_385, %mul3A_386 : i32
          %get3A_388 = arith.index_cast %mul3A_387 : i32 to index
          %get3A_389 = tpu.vector_load %arg8[%get3A_388] {strides = array<i32>} : memref<12800xi32, #tpu.memory_space<vmem>>, vector<16xi32>,
          %and3A_390 = arith.constant 8191 : i32
          %and3A_391 = vector.broadcast %and3A_390 : i32 to vector<16xi32>
          %and3A_392 = arith.andi %get3A_389, %and3A_391 : vector<16xi32>
          %add3A_393 = arith.constant 1048576 : i32
          %add3A_394 = vector.broadcast %add3A_393 : i32 to vector<16xi32>
          %add3A_395 = arith.addi %and3A_392, %add3A_394 : vector<16xi32>
          %lt3A_396 = arith.constant 1048576 : i32
          %lt3A_397 = vector.broadcast %lt3A_396 : i32 to vector<16xi32>
          %lt3A_398 = arith.cmpi slt, %get3A_389, %lt3A_397 : vector<16xi32>
          %select_n3A_399 = arith.select %lt3A_398, %get3A_389, %add3A_395 : vector<16xi1>, vector<16xi32>
          %swap3A_400 = arith.index_cast %mul3A_387 : i32 to index
          %swap3A_401 = tpu.vector_load %arg8[%swap3A_400] {strides = array<i32>} : memref<12800xi32, #tpu.memory_space<vmem>>, vector<16xi32>,
          tpu.vector_store %arg8[%swap3A_400], %select_n3A_399 {strides = array<i32>} : memref<12800xi32, #tpu.memory_space<vmem>>, vector<16xi32>,
          %mul3A_402 = arith.constant 8 : i32
          %mul3A_403 = arith.muli %scan3A_283, %mul3A_402 : i32
          %add3A_404 = arith.constant 6 : i32
          %add3A_405 = arith.addi %mul3A_403, %add3A_404 : i32
          %mul3A_406 = arith.constant 16 : i32
          %mul3A_407 = arith.muli %add3A_405, %mul3A_406 : i32
          %get3A_408 = arith.index_cast %mul3A_407 : i32 to index
          %get3A_409 = tpu.vector_load %arg8[%get3A_408] {strides = array<i32>} : memref<12800xi32, #tpu.memory_space<vmem>>, vector<16xi32>,
          %and3A_410 = arith.constant 8191 : i32
          %and3A_411 = vector.broadcast %and3A_410 : i32 to vector<16xi32>
          %and3A_412 = arith.andi %get3A_409, %and3A_411 : vector<16xi32>
          %add3A_413 = arith.constant 1048576 : i32
          %add3A_414 = vector.broadcast %add3A_413 : i32 to vector<16xi32>
          %add3A_415 = arith.addi %and3A_412, %add3A_414 : vector<16xi32>
          %lt3A_416 = arith.constant 1048576 : i32
          %lt3A_417 = vector.broadcast %lt3A_416 : i32 to vector<16xi32>
          %lt3A_418 = arith.cmpi slt, %get3A_409, %lt3A_417 : vector<16xi32>
          %select_n3A_419 = arith.select %lt3A_418, %get3A_409, %add3A_415 : vector<16xi1>, vector<16xi32>
          %swap3A_420 = arith.index_cast %mul3A_407 : i32 to index
          %swap3A_421 = tpu.vector_load %arg8[%swap3A_420] {strides = array<i32>} : memref<12800xi32, #tpu.memory_space<vmem>>, vector<16xi32>,
          tpu.vector_store %arg8[%swap3A_420], %select_n3A_419 {strides = array<i32>} : memref<12800xi32, #tpu.memory_space<vmem>>, vector<16xi32>,
          %mul3A_422 = arith.constant 8 : i32
          %mul3A_423 = arith.muli %scan3A_283, %mul3A_422 : i32
          %add3A_424 = arith.constant 7 : i32
          %add3A_425 = arith.addi %mul3A_423, %add3A_424 : i32
          %mul3A_426 = arith.constant 16 : i32
          %mul3A_427 = arith.muli %add3A_425, %mul3A_426 : i32
          %get3A_428 = arith.index_cast %mul3A_427 : i32 to index
          %get3A_429 = tpu.vector_load %arg8[%get3A_428] {strides = array<i32>} : memref<12800xi32, #tpu.memory_space<vmem>>, vector<16xi32>,
          %and3A_430 = arith.constant 8191 : i32
          %and3A_431 = vector.broadcast %and3A_430 : i32 to vector<16xi32>
          %and3A_432 = arith.andi %get3A_429, %and3A_431 : vector<16xi32>
          %add3A_433 = arith.constant 1048576 : i32
          %add3A_434 = vector.broadcast %add3A_433 : i32 to vector<16xi32>
          %add3A_435 = arith.addi %and3A_432, %add3A_434 : vector<16xi32>
          %lt3A_436 = arith.constant 1048576 : i32
          %lt3A_437 = vector.broadcast %lt3A_436 : i32 to vector<16xi32>
          %lt3A_438 = arith.cmpi slt, %get3A_429, %lt3A_437 : vector<16xi32>
          %select_n3A_439 = arith.select %lt3A_438, %get3A_429, %add3A_435 : vector<16xi1>, vector<16xi32>
          %swap3A_440 = arith.index_cast %mul3A_427 : i32 to index
          %swap3A_441 = tpu.vector_load %arg8[%swap3A_440] {strides = array<i32>} : memref<12800xi32, #tpu.memory_space<vmem>>, vector<16xi32>,
          tpu.vector_store %arg8[%swap3A_440], %select_n3A_439 {strides = array<i32>} : memref<12800xi32, #tpu.memory_space<vmem>>, vector<16xi32>,
          %scan3A_442 = arith.constant 0 : i32
          scf.yield %scan3A_442 : i32
        }
        %scan3A_270 = arith.constant 100 : i32
        %dma_start3A_271 = arith.constant 0 : i32
        %dma_start3A_272 = tpu.memref_slice %arg10[%dma_start3A_271] : memref<12800xf32, #tpu.memory_space<vmem>> -> memref<6400xf32, #tpu.memory_space<vmem>>
        %dma_start3A_273 = arith.constant 0 : i32
        %dma_start3A_274 = tpu.memref_slice %arg8[%dma_start3A_273] : memref<12800xi32, #tpu.memory_space<vmem>> -> memref<6400xi32, #tpu.memory_space<vmem>>
        %dma_start3A_275 = arith.constant 0 : i32
        %dma_start3A_276 = tpu.memref_slice %arg6[%dma_start3A_275] : memref<1056768xf32, #tpu.memory_space<vmem_shared>> -> memref<1056768xf32, #tpu.memory_space<vmem_shared>>
        tpu.enqueue_indirect_dma source(%dma_start3A_276 : memref<1056768xf32, #tpu.memory_space<vmem_shared>>) target(%dma_start3A_272 : memref<6400xf32, #tpu.memory_space<vmem>>) offsets(%dma_start3A_274 : memref<6400xi32, #tpu.memory_space<vmem>>) semaphore(%arg18 : memref<!tpu.dma_semaphore, #tpu.memory_space<semaphore_mem>>)
        %dma_start3A_277 = arith.constant 6400 : i32
        %dma_start3A_278 = tpu.memref_slice %arg10[%dma_start3A_277] : memref<12800xf32, #tpu.memory_space<vmem>> -> memref<6400xf32, #tpu.memory_space<vmem>>
        %dma_start3A_279 = arith.constant 6400 : i32
        %dma_start3A_280 = tpu.memref_slice %arg8[%dma_start3A_279] : memref<12800xi32, #tpu.memory_space<vmem>> -> memref<6400xi32, #tpu.memory_space<vmem>>
        %dma_start3A_281 = arith.constant 0 : i32
        %dma_start3A_282 = tpu.memref_slice %arg6[%dma_start3A_281] : memref<1056768xf32, #tpu.memory_space<vmem_shared>> -> memref<1056768xf32, #tpu.memory_space<vmem_shared>>
        tpu.enqueue_indirect_dma source(%dma_start3A_282 : memref<1056768xf32, #tpu.memory_space<vmem_shared>>) target(%dma_start3A_278 : memref<6400xf32, #tpu.memory_space<vmem>>) offsets(%dma_start3A_280 : memref<6400xi32, #tpu.memory_space<vmem>>) semaphore(%arg24 : memref<!tpu.dma_semaphore, #tpu.memory_space<semaphore_mem>>)
      } else {
      }
      %mul3A_153 = arith.constant 32 : i32
      %mul3A_154 = arith.muli %add3A_143, %mul3A_153 : i32
      %add3A_155 = arith.addi %add3A, %mul3A_154 : i32
      %lt3A_156 = arith.constant 625 : i32
      %lt3A_157 = arith.cmpi slt, %add3A_155, %lt3A_156 : i32
      %convert_element_type3A_158 = arith.extui %lt3A_157 : i1 to i32
      %cond3A_159 = arith.constant 0 : i32
      %cond3A_160 = arith.cmpi ne, %convert_element_type3A_158, %cond3A_159 : i32
      scf.if %cond3A_160 {
        %dma_wait3A_260 = arith.constant 0 : i32
        %dma_wait3A_261 = tpu.memref_slice %arg9[%dma_wait3A_260] : memref<12800xf32, #tpu.memory_space<vmem>> -> memref<6400xf32, #tpu.memory_space<vmem>>
        %dma_wait3A_262 = arith.constant 0 : i32
        %dma_wait3A_263 = tpu.memref_slice %arg7[%dma_wait3A_262] : memref<12800xi32, #tpu.memory_space<vmem>> -> memref<6400xi32, #tpu.memory_space<vmem>>
        %dma_wait3A_264 = arith.constant 0 : i32
        %dma_wait3A_265 = tpu.memref_slice %arg6[%dma_wait3A_264] : memref<1056768xf32, #tpu.memory_space<vmem_shared>> -> memref<1056768xf32, #tpu.memory_space<vmem_shared>>
        tpu.wait_indirect_dma semaphore(%arg17 : memref<!tpu.dma_semaphore, #tpu.memory_space<semaphore_mem>>) src(%dma_wait3A_265 : memref<1056768xf32, #tpu.memory_space<vmem_shared>>) dst(%dma_wait3A_261 : memref<6400xf32, #tpu.memory_space<vmem>>)
        %dma_wait3A_266 = arith.constant 6400 : i32
        %dma_wait3A_267 = tpu.memref_slice %arg9[%dma_wait3A_266] : memref<12800xf32, #tpu.memory_space<vmem>> -> memref<6400xf32, #tpu.memory_space<vmem>>
        %dma_wait3A_268 = arith.constant 6400 : i32
        %dma_wait3A_269 = tpu.memref_slice %arg7[%dma_wait3A_268] : memref<12800xi32, #tpu.memory_space<vmem>> -> memref<6400xi32, #tpu.memory_space<vmem>>
        %dma_wait3A_270 = arith.constant 0 : i32
        %dma_wait3A_271 = tpu.memref_slice %arg6[%dma_wait3A_270] : memref<1056768xf32, #tpu.memory_space<vmem_shared>> -> memref<1056768xf32, #tpu.memory_space<vmem_shared>>
        tpu.wait_indirect_dma semaphore(%arg23 : memref<!tpu.dma_semaphore, #tpu.memory_space<semaphore_mem>>) src(%dma_wait3A_271 : memref<1056768xf32, #tpu.memory_space<vmem_shared>>) dst(%dma_wait3A_267 : memref<6400xf32, #tpu.memory_space<vmem>>)
      } else {
      }
      %add3A_161 = arith.constant 2 : i32
      %add3A_162 = arith.addi %add3A_143, %add3A_161 : i32
      %mul3A_163 = arith.constant 32 : i32
      %mul3A_164 = arith.muli %add3A_162, %mul3A_163 : i32
      %add3A_165 = arith.addi %add3A, %mul3A_164 : i32
      %lt3A_166 = arith.constant 625 : i32
      %lt3A_167 = arith.cmpi slt, %add3A_165, %lt3A_166 : i32
      %convert_element_type3A_168 = arith.extui %lt3A_167 : i1 to i32
      %cond3A_169 = arith.constant 0 : i32
      %cond3A_170 = arith.cmpi ne, %convert_element_type3A_168, %cond3A_169 : i32
      scf.if %cond3A_170 {
        %add3A_260 = arith.constant 2 : i32
        %add3A_261 = arith.addi %add3A_143, %add3A_260 : i32
        %mul3A_262 = arith.constant 32 : i32
        %mul3A_263 = arith.muli %add3A_261, %mul3A_262 : i32
        %add3A_264 = arith.addi %add3A, %mul3A_263 : i32
        %mul3A_265 = arith.constant 12800 : i32
        %mul3A_266 = arith.muli %add3A_264, %mul3A_265 : i32
        %dma_start3A_267 = tpu.memref_slice %arg3[%mul3A_266] : memref<8000000xi32, #tpu.memory_space<hbm>> -> memref<12800xi32, #tpu.memory_space<hbm>>
        %dma_start3A_268 = tpu.memref_slice %arg3[%mul3A_266] : memref<8000000xi32, #tpu.memory_space<hbm>> -> memref<12800xi32, #tpu.memory_space<hbm>>
        tpu.enqueue_dma source(%dma_start3A_268 : memref<12800xi32, #tpu.memory_space<hbm>>) target(%arg7 : memref<12800xi32, #tpu.memory_space<vmem>>) target_semaphore(%arg15 : memref<!tpu.dma_semaphore, #tpu.memory_space<semaphore_mem>>)
      } else {
      }
      %ge3A = arith.constant 2 : i32
      %ge3A_171 = arith.cmpi sge, %add3A_143, %ge3A : i32
      %mul3A_172 = arith.constant 32 : i32
      %mul3A_173 = arith.muli %add3A_143, %mul3A_172 : i32
      %add3A_174 = arith.addi %add3A, %mul3A_173 : i32
      %lt3A_175 = arith.constant 625 : i32
      %lt3A_176 = arith.cmpi slt, %add3A_174, %lt3A_175 : i32
      %and3A = arith.andi %ge3A_171, %lt3A_176 : i1
      %convert_element_type3A_177 = arith.extui %and3A : i1 to i32
      %cond3A_178 = arith.constant 0 : i32
      %cond3A_179 = arith.cmpi ne, %convert_element_type3A_177, %cond3A_178 : i32
      scf.if %cond3A_179 {
        %dma_wait3A_260 = arith.constant 0 : i32
        %dma_wait3A_261 = tpu.memref_slice %arg5[%dma_wait3A_260] : memref<2000000xf32, #tpu.memory_space<hbm>> -> memref<3200xf32, #tpu.memory_space<hbm>>
        %dma_wait3A_262 = arith.constant 0 : i32
        %dma_wait3A_263 = tpu.memref_slice %arg5[%dma_wait3A_262] : memref<2000000xf32, #tpu.memory_space<hbm>> -> memref<3200xf32, #tpu.memory_space<hbm>>
        tpu.wait_dma2 semaphore(%arg19 : memref<!tpu.dma_semaphore, #tpu.memory_space<semaphore_mem>>) src(%arg11 : memref<3200xf32, #tpu.memory_space<vmem>>) dst(%dma_wait3A_263 : memref<3200xf32, #tpu.memory_space<hbm>>)
      } else {
      }
      %mul3A_180 = arith.constant 32 : i32
      %mul3A_181 = arith.muli %add3A_143, %mul3A_180 : i32
      %add3A_182 = arith.addi %add3A, %mul3A_181 : i32
      %lt3A_183 = arith.constant 625 : i32
      %lt3A_184 = arith.cmpi slt, %add3A_182, %lt3A_183 : i32
      %convert_element_type3A_185 = arith.extui %lt3A_184 : i1 to i32
      %cond3A_186 = arith.constant 0 : i32
      %cond3A_187 = arith.cmpi ne, %convert_element_type3A_185, %cond3A_186 : i32
      scf.if %cond3A_187 {
        %scan3A_260 = arith.constant 0 : i32
        %scan3A_261 = arith.constant 0 : i32
        %scan3A_262 = arith.constant 200 : i32
        %scan3A_263 = arith.addi %scan3A_261, %scan3A_262 : i32
        %scan3A_264 = arith.constant 1 : i32
        %scan3A_265 = scf.for %scan3A_274 = %scan3A_261 to %scan3A_263 step %scan3A_264 iter_args(%scan3A_275 = %scan3A_260) -> (i32)  : i32 {
          %mul3A_276 = arith.constant 4 : i32
          %mul3A_277 = vector.broadcast %mul3A_276 : i32 to vector<16xi32>
          %mul3A_278 = arith.muli %iota3A, %mul3A_277 : vector<16xi32>
          %mul3A_279 = arith.constant 64 : i32
          %mul3A_280 = arith.muli %scan3A_274, %mul3A_279 : i32
          %add3A_281 = vector.broadcast %mul3A_280 : i32 to vector<16xi32>
          %add3A_282 = arith.addi %mul3A_278, %add3A_281 : vector<16xi32>
          %gather3A = tpu.vector_load_idx %arg9[%add3A_282] : memref<12800xf32, #tpu.memory_space<vmem>>[vector<16xi32>], vector<16xf32>,
          %add3A_283 = arith.constant 1 : i32
          %add3A_284 = vector.broadcast %add3A_283 : i32 to vector<16xi32>
          %add3A_285 = arith.addi %add3A_282, %add3A_284 : vector<16xi32>
          %gather3A_286 = tpu.vector_load_idx %arg9[%add3A_285] : memref<12800xf32, #tpu.memory_space<vmem>>[vector<16xi32>], vector<16xf32>,
          %add3A_287 = arith.constant 2 : i32
          %add3A_288 = vector.broadcast %add3A_287 : i32 to vector<16xi32>
          %add3A_289 = arith.addi %add3A_282, %add3A_288 : vector<16xi32>
          %gather3A_290 = tpu.vector_load_idx %arg9[%add3A_289] : memref<12800xf32, #tpu.memory_space<vmem>>[vector<16xi32>], vector<16xf32>,
          %add3A_291 = arith.constant 3 : i32
          %add3A_292 = vector.broadcast %add3A_291 : i32 to vector<16xi32>
          %add3A_293 = arith.addi %add3A_282, %add3A_292 : vector<16xi32>
          %gather3A_294 = tpu.vector_load_idx %arg9[%add3A_293] : memref<12800xf32, #tpu.memory_space<vmem>>[vector<16xi32>], vector<16xf32>,
          %add3A_295 = arith.addf %gather3A, %gather3A_286 : vector<16xf32>
          %add3A_296 = arith.addf %gather3A_290, %gather3A_294 : vector<16xf32>
          %add3A_297 = arith.addf %add3A_295, %add3A_296 : vector<16xf32>
          %mul3A_298 = arith.constant 16 : i32
          %mul3A_299 = arith.muli %scan3A_274, %mul3A_298 : i32
          %swap3A = arith.index_cast %mul3A_299 : i32 to index
          %swap3A_300 = tpu.vector_load %arg11[%swap3A] {strides = array<i32>} : memref<3200xf32, #tpu.memory_space<vmem>>, vector<16xf32>,
          tpu.vector_store %arg11[%swap3A], %add3A_297 {strides = array<i32>} : memref<3200xf32, #tpu.memory_space<vmem>>, vector<16xf32>,
          %scan3A_301 = arith.constant 0 : i32
          scf.yield %scan3A_301 : i32
        }
        %scan3A_266 = arith.constant 200 : i32
        %mul3A_267 = arith.constant 32 : i32
        %mul3A_268 = arith.muli %add3A_143, %mul3A_267 : i32
        %add3A_269 = arith.addi %add3A, %mul3A_268 : i32
        %mul3A_270 = arith.constant 3200 : i32
        %mul3A_271 = arith.muli %add3A_269, %mul3A_270 : i32
        %dma_start3A_272 = tpu.memref_slice %arg5[%mul3A_271] : memref<2000000xf32, #tpu.memory_space<hbm>> -> memref<3200xf32, #tpu.memory_space<hbm>>
        %dma_start3A_273 = tpu.memref_slice %arg5[%mul3A_271] : memref<2000000xf32, #tpu.memory_space<hbm>> -> memref<3200xf32, #tpu.memory_space<hbm>>
        tpu.enqueue_dma source(%arg11 : memref<3200xf32, #tpu.memory_space<vmem>>) target(%dma_start3A_273 : memref<3200xf32, #tpu.memory_space<hbm>>) target_semaphore(%arg19 : memref<!tpu.dma_semaphore, #tpu.memory_space<semaphore_mem>>)
      } else {
      }
      %add3A_188 = arith.constant 2 : i32
      %add3A_189 = arith.addi %add3A_143, %add3A_188 : i32
      %mul3A_190 = arith.constant 32 : i32
      %mul3A_191 = arith.muli %add3A_189, %mul3A_190 : i32
      %add3A_192 = arith.addi %add3A, %mul3A_191 : i32
      %lt3A_193 = arith.constant 625 : i32
      %lt3A_194 = arith.cmpi slt, %add3A_192, %lt3A_193 : i32
      %convert_element_type3A_195 = arith.extui %lt3A_194 : i1 to i32
      %cond3A_196 = arith.constant 0 : i32
      %cond3A_197 = arith.cmpi ne, %convert_element_type3A_195, %cond3A_196 : i32
      scf.if %cond3A_197 {
        %add3A_260 = arith.constant 2 : i32
        %add3A_261 = arith.addi %add3A_143, %add3A_260 : i32
      } else {
      }
      %mul3A_198 = arith.constant 2 : i32
      %mul3A_199 = arith.muli %mul3A_198, %scan3A_138 : i32
      %add3A_200 = arith.constant 1 : i32
      %add3A_201 = arith.addi %mul3A_199, %add3A_200 : i32
      %add3A_202 = arith.constant 1 : i32
      %add3A_203 = arith.addi %add3A_201, %add3A_202 : i32
      %mul3A_204 = arith.constant 32 : i32
      %mul3A_205 = arith.muli %add3A_203, %mul3A_204 : i32
      %add3A_206 = arith.addi %add3A, %mul3A_205 : i32
      %lt3A_207 = arith.constant 625 : i32
      %lt3A_208 = arith.cmpi slt, %add3A_206, %lt3A_207 : i32
      %convert_element_type3A_209 = arith.extui %lt3A_208 : i1 to i32
      %cond3A_210 = arith.constant 0 : i32
      %cond3A_211 = arith.cmpi ne, %convert_element_type3A_209, %cond3A_210 : i32
      scf.if %cond3A_211 {
        %dma_wait3A_260 = arith.constant 0 : i32
        %dma_wait3A_261 = tpu.memref_slice %arg3[%dma_wait3A_260] : memref<8000000xi32, #tpu.memory_space<hbm>> -> memref<12800xi32, #tpu.memory_space<hbm>>
        %dma_wait3A_262 = arith.constant 0 : i32
        %dma_wait3A_263 = tpu.memref_slice %arg3[%dma_wait3A_262] : memref<8000000xi32, #tpu.memory_space<hbm>> -> memref<12800xi32, #tpu.memory_space<hbm>>
        tpu.wait_dma2 semaphore(%arg15 : memref<!tpu.dma_semaphore, #tpu.memory_space<semaphore_mem>>) src(%dma_wait3A_263 : memref<12800xi32, #tpu.memory_space<hbm>>) dst(%arg7 : memref<12800xi32, #tpu.memory_space<vmem>>)
        %scan3A_264 = arith.constant 0 : i32
        %scan3A_265 = arith.constant 0 : i32
        %scan3A_266 = arith.constant 100 : i32
        %scan3A_267 = arith.addi %scan3A_265, %scan3A_266 : i32
        %scan3A_268 = arith.constant 1 : i32
        %scan3A_269 = scf.for %scan3A_283 = %scan3A_265 to %scan3A_267 step %scan3A_268 iter_args(%scan3A_284 = %scan3A_264) -> (i32)  : i32 {
          %mul3A_285 = arith.constant 8 : i32
          %mul3A_286 = arith.muli %scan3A_283, %mul3A_285 : i32
          %add3A_287 = arith.constant 0 : i32
          %add3A_288 = arith.addi %mul3A_286, %add3A_287 : i32
          %mul3A_289 = arith.constant 16 : i32
          %mul3A_290 = arith.muli %add3A_288, %mul3A_289 : i32
          %get3A = arith.index_cast %mul3A_290 : i32 to index
          %get3A_291 = tpu.vector_load %arg7[%get3A] {strides = array<i32>} : memref<12800xi32, #tpu.memory_space<vmem>>, vector<16xi32>,
          %and3A_292 = arith.constant 8191 : i32
          %and3A_293 = vector.broadcast %and3A_292 : i32 to vector<16xi32>
          %and3A_294 = arith.andi %get3A_291, %and3A_293 : vector<16xi32>
          %add3A_295 = arith.constant 1048576 : i32
          %add3A_296 = vector.broadcast %add3A_295 : i32 to vector<16xi32>
          %add3A_297 = arith.addi %and3A_294, %add3A_296 : vector<16xi32>
          %lt3A_298 = arith.constant 1048576 : i32
          %lt3A_299 = vector.broadcast %lt3A_298 : i32 to vector<16xi32>
          %lt3A_300 = arith.cmpi slt, %get3A_291, %lt3A_299 : vector<16xi32>
          %select_n3A = arith.select %lt3A_300, %get3A_291, %add3A_297 : vector<16xi1>, vector<16xi32>
          %swap3A = arith.index_cast %mul3A_290 : i32 to index
          %swap3A_301 = tpu.vector_load %arg7[%swap3A] {strides = array<i32>} : memref<12800xi32, #tpu.memory_space<vmem>>, vector<16xi32>,
          tpu.vector_store %arg7[%swap3A], %select_n3A {strides = array<i32>} : memref<12800xi32, #tpu.memory_space<vmem>>, vector<16xi32>,
          %mul3A_302 = arith.constant 8 : i32
          %mul3A_303 = arith.muli %scan3A_283, %mul3A_302 : i32
          %add3A_304 = arith.constant 1 : i32
          %add3A_305 = arith.addi %mul3A_303, %add3A_304 : i32
          %mul3A_306 = arith.constant 16 : i32
          %mul3A_307 = arith.muli %add3A_305, %mul3A_306 : i32
          %get3A_308 = arith.index_cast %mul3A_307 : i32 to index
          %get3A_309 = tpu.vector_load %arg7[%get3A_308] {strides = array<i32>} : memref<12800xi32, #tpu.memory_space<vmem>>, vector<16xi32>,
          %and3A_310 = arith.constant 8191 : i32
          %and3A_311 = vector.broadcast %and3A_310 : i32 to vector<16xi32>
          %and3A_312 = arith.andi %get3A_309, %and3A_311 : vector<16xi32>
          %add3A_313 = arith.constant 1048576 : i32
          %add3A_314 = vector.broadcast %add3A_313 : i32 to vector<16xi32>
          %add3A_315 = arith.addi %and3A_312, %add3A_314 : vector<16xi32>
          %lt3A_316 = arith.constant 1048576 : i32
          %lt3A_317 = vector.broadcast %lt3A_316 : i32 to vector<16xi32>
          %lt3A_318 = arith.cmpi slt, %get3A_309, %lt3A_317 : vector<16xi32>
          %select_n3A_319 = arith.select %lt3A_318, %get3A_309, %add3A_315 : vector<16xi1>, vector<16xi32>
          %swap3A_320 = arith.index_cast %mul3A_307 : i32 to index
          %swap3A_321 = tpu.vector_load %arg7[%swap3A_320] {strides = array<i32>} : memref<12800xi32, #tpu.memory_space<vmem>>, vector<16xi32>,
          tpu.vector_store %arg7[%swap3A_320], %select_n3A_319 {strides = array<i32>} : memref<12800xi32, #tpu.memory_space<vmem>>, vector<16xi32>,
          %mul3A_322 = arith.constant 8 : i32
          %mul3A_323 = arith.muli %scan3A_283, %mul3A_322 : i32
          %add3A_324 = arith.constant 2 : i32
          %add3A_325 = arith.addi %mul3A_323, %add3A_324 : i32
          %mul3A_326 = arith.constant 16 : i32
          %mul3A_327 = arith.muli %add3A_325, %mul3A_326 : i32
          %get3A_328 = arith.index_cast %mul3A_327 : i32 to index
          %get3A_329 = tpu.vector_load %arg7[%get3A_328] {strides = array<i32>} : memref<12800xi32, #tpu.memory_space<vmem>>, vector<16xi32>,
          %and3A_330 = arith.constant 8191 : i32
          %and3A_331 = vector.broadcast %and3A_330 : i32 to vector<16xi32>
          %and3A_332 = arith.andi %get3A_329, %and3A_331 : vector<16xi32>
          %add3A_333 = arith.constant 1048576 : i32
          %add3A_334 = vector.broadcast %add3A_333 : i32 to vector<16xi32>
          %add3A_335 = arith.addi %and3A_332, %add3A_334 : vector<16xi32>
          %lt3A_336 = arith.constant 1048576 : i32
          %lt3A_337 = vector.broadcast %lt3A_336 : i32 to vector<16xi32>
          %lt3A_338 = arith.cmpi slt, %get3A_329, %lt3A_337 : vector<16xi32>
          %select_n3A_339 = arith.select %lt3A_338, %get3A_329, %add3A_335 : vector<16xi1>, vector<16xi32>
          %swap3A_340 = arith.index_cast %mul3A_327 : i32 to index
          %swap3A_341 = tpu.vector_load %arg7[%swap3A_340] {strides = array<i32>} : memref<12800xi32, #tpu.memory_space<vmem>>, vector<16xi32>,
          tpu.vector_store %arg7[%swap3A_340], %select_n3A_339 {strides = array<i32>} : memref<12800xi32, #tpu.memory_space<vmem>>, vector<16xi32>,
          %mul3A_342 = arith.constant 8 : i32
          %mul3A_343 = arith.muli %scan3A_283, %mul3A_342 : i32
          %add3A_344 = arith.constant 3 : i32
          %add3A_345 = arith.addi %mul3A_343, %add3A_344 : i32
          %mul3A_346 = arith.constant 16 : i32
          %mul3A_347 = arith.muli %add3A_345, %mul3A_346 : i32
          %get3A_348 = arith.index_cast %mul3A_347 : i32 to index
          %get3A_349 = tpu.vector_load %arg7[%get3A_348] {strides = array<i32>} : memref<12800xi32, #tpu.memory_space<vmem>>, vector<16xi32>,
          %and3A_350 = arith.constant 8191 : i32
          %and3A_351 = vector.broadcast %and3A_350 : i32 to vector<16xi32>
          %and3A_352 = arith.andi %get3A_349, %and3A_351 : vector<16xi32>
          %add3A_353 = arith.constant 1048576 : i32
          %add3A_354 = vector.broadcast %add3A_353 : i32 to vector<16xi32>
          %add3A_355 = arith.addi %and3A_352, %add3A_354 : vector<16xi32>
          %lt3A_356 = arith.constant 1048576 : i32
          %lt3A_357 = vector.broadcast %lt3A_356 : i32 to vector<16xi32>
          %lt3A_358 = arith.cmpi slt, %get3A_349, %lt3A_357 : vector<16xi32>
          %select_n3A_359 = arith.select %lt3A_358, %get3A_349, %add3A_355 : vector<16xi1>, vector<16xi32>
          %swap3A_360 = arith.index_cast %mul3A_347 : i32 to index
          %swap3A_361 = tpu.vector_load %arg7[%swap3A_360] {strides = array<i32>} : memref<12800xi32, #tpu.memory_space<vmem>>, vector<16xi32>,
          tpu.vector_store %arg7[%swap3A_360], %select_n3A_359 {strides = array<i32>} : memref<12800xi32, #tpu.memory_space<vmem>>, vector<16xi32>,
          %mul3A_362 = arith.constant 8 : i32
          %mul3A_363 = arith.muli %scan3A_283, %mul3A_362 : i32
          %add3A_364 = arith.constant 4 : i32
          %add3A_365 = arith.addi %mul3A_363, %add3A_364 : i32
          %mul3A_366 = arith.constant 16 : i32
          %mul3A_367 = arith.muli %add3A_365, %mul3A_366 : i32
          %get3A_368 = arith.index_cast %mul3A_367 : i32 to index
          %get3A_369 = tpu.vector_load %arg7[%get3A_368] {strides = array<i32>} : memref<12800xi32, #tpu.memory_space<vmem>>, vector<16xi32>,
          %and3A_370 = arith.constant 8191 : i32
          %and3A_371 = vector.broadcast %and3A_370 : i32 to vector<16xi32>
          %and3A_372 = arith.andi %get3A_369, %and3A_371 : vector<16xi32>
          %add3A_373 = arith.constant 1048576 : i32
          %add3A_374 = vector.broadcast %add3A_373 : i32 to vector<16xi32>
          %add3A_375 = arith.addi %and3A_372, %add3A_374 : vector<16xi32>
          %lt3A_376 = arith.constant 1048576 : i32
          %lt3A_377 = vector.broadcast %lt3A_376 : i32 to vector<16xi32>
          %lt3A_378 = arith.cmpi slt, %get3A_369, %lt3A_377 : vector<16xi32>
          %select_n3A_379 = arith.select %lt3A_378, %get3A_369, %add3A_375 : vector<16xi1>, vector<16xi32>
          %swap3A_380 = arith.index_cast %mul3A_367 : i32 to index
          %swap3A_381 = tpu.vector_load %arg7[%swap3A_380] {strides = array<i32>} : memref<12800xi32, #tpu.memory_space<vmem>>, vector<16xi32>,
          tpu.vector_store %arg7[%swap3A_380], %select_n3A_379 {strides = array<i32>} : memref<12800xi32, #tpu.memory_space<vmem>>, vector<16xi32>,
          %mul3A_382 = arith.constant 8 : i32
          %mul3A_383 = arith.muli %scan3A_283, %mul3A_382 : i32
          %add3A_384 = arith.constant 5 : i32
          %add3A_385 = arith.addi %mul3A_383, %add3A_384 : i32
          %mul3A_386 = arith.constant 16 : i32
          %mul3A_387 = arith.muli %add3A_385, %mul3A_386 : i32
          %get3A_388 = arith.index_cast %mul3A_387 : i32 to index
          %get3A_389 = tpu.vector_load %arg7[%get3A_388] {strides = array<i32>} : memref<12800xi32, #tpu.memory_space<vmem>>, vector<16xi32>,
          %and3A_390 = arith.constant 8191 : i32
          %and3A_391 = vector.broadcast %and3A_390 : i32 to vector<16xi32>
          %and3A_392 = arith.andi %get3A_389, %and3A_391 : vector<16xi32>
          %add3A_393 = arith.constant 1048576 : i32
          %add3A_394 = vector.broadcast %add3A_393 : i32 to vector<16xi32>
          %add3A_395 = arith.addi %and3A_392, %add3A_394 : vector<16xi32>
          %lt3A_396 = arith.constant 1048576 : i32
          %lt3A_397 = vector.broadcast %lt3A_396 : i32 to vector<16xi32>
          %lt3A_398 = arith.cmpi slt, %get3A_389, %lt3A_397 : vector<16xi32>
          %select_n3A_399 = arith.select %lt3A_398, %get3A_389, %add3A_395 : vector<16xi1>, vector<16xi32>
          %swap3A_400 = arith.index_cast %mul3A_387 : i32 to index
          %swap3A_401 = tpu.vector_load %arg7[%swap3A_400] {strides = array<i32>} : memref<12800xi32, #tpu.memory_space<vmem>>, vector<16xi32>,
          tpu.vector_store %arg7[%swap3A_400], %select_n3A_399 {strides = array<i32>} : memref<12800xi32, #tpu.memory_space<vmem>>, vector<16xi32>,
          %mul3A_402 = arith.constant 8 : i32
          %mul3A_403 = arith.muli %scan3A_283, %mul3A_402 : i32
          %add3A_404 = arith.constant 6 : i32
          %add3A_405 = arith.addi %mul3A_403, %add3A_404 : i32
          %mul3A_406 = arith.constant 16 : i32
          %mul3A_407 = arith.muli %add3A_405, %mul3A_406 : i32
          %get3A_408 = arith.index_cast %mul3A_407 : i32 to index
          %get3A_409 = tpu.vector_load %arg7[%get3A_408] {strides = array<i32>} : memref<12800xi32, #tpu.memory_space<vmem>>, vector<16xi32>,
          %and3A_410 = arith.constant 8191 : i32
          %and3A_411 = vector.broadcast %and3A_410 : i32 to vector<16xi32>
          %and3A_412 = arith.andi %get3A_409, %and3A_411 : vector<16xi32>
          %add3A_413 = arith.constant 1048576 : i32
          %add3A_414 = vector.broadcast %add3A_413 : i32 to vector<16xi32>
          %add3A_415 = arith.addi %and3A_412, %add3A_414 : vector<16xi32>
          %lt3A_416 = arith.constant 1048576 : i32
          %lt3A_417 = vector.broadcast %lt3A_416 : i32 to vector<16xi32>
          %lt3A_418 = arith.cmpi slt, %get3A_409, %lt3A_417 : vector<16xi32>
          %select_n3A_419 = arith.select %lt3A_418, %get3A_409, %add3A_415 : vector<16xi1>, vector<16xi32>
          %swap3A_420 = arith.index_cast %mul3A_407 : i32 to index
          %swap3A_421 = tpu.vector_load %arg7[%swap3A_420] {strides = array<i32>} : memref<12800xi32, #tpu.memory_space<vmem>>, vector<16xi32>,
          tpu.vector_store %arg7[%swap3A_420], %select_n3A_419 {strides = array<i32>} : memref<12800xi32, #tpu.memory_space<vmem>>, vector<16xi32>,
          %mul3A_422 = arith.constant 8 : i32
          %mul3A_423 = arith.muli %scan3A_283, %mul3A_422 : i32
          %add3A_424 = arith.constant 7 : i32
          %add3A_425 = arith.addi %mul3A_423, %add3A_424 : i32
          %mul3A_426 = arith.constant 16 : i32
          %mul3A_427 = arith.muli %add3A_425, %mul3A_426 : i32
          %get3A_428 = arith.index_cast %mul3A_427 : i32 to index
          %get3A_429 = tpu.vector_load %arg7[%get3A_428] {strides = array<i32>} : memref<12800xi32, #tpu.memory_space<vmem>>, vector<16xi32>,
          %and3A_430 = arith.constant 8191 : i32
          %and3A_431 = vector.broadcast %and3A_430 : i32 to vector<16xi32>
          %and3A_432 = arith.andi %get3A_429, %and3A_431 : vector<16xi32>
          %add3A_433 = arith.constant 1048576 : i32
          %add3A_434 = vector.broadcast %add3A_433 : i32 to vector<16xi32>
          %add3A_435 = arith.addi %and3A_432, %add3A_434 : vector<16xi32>
          %lt3A_436 = arith.constant 1048576 : i32
          %lt3A_437 = vector.broadcast %lt3A_436 : i32 to vector<16xi32>
          %lt3A_438 = arith.cmpi slt, %get3A_429, %lt3A_437 : vector<16xi32>
          %select_n3A_439 = arith.select %lt3A_438, %get3A_429, %add3A_435 : vector<16xi1>, vector<16xi32>
          %swap3A_440 = arith.index_cast %mul3A_427 : i32 to index
          %swap3A_441 = tpu.vector_load %arg7[%swap3A_440] {strides = array<i32>} : memref<12800xi32, #tpu.memory_space<vmem>>, vector<16xi32>,
          tpu.vector_store %arg7[%swap3A_440], %select_n3A_439 {strides = array<i32>} : memref<12800xi32, #tpu.memory_space<vmem>>, vector<16xi32>,
          %scan3A_442 = arith.constant 0 : i32
          scf.yield %scan3A_442 : i32
        }
        %scan3A_270 = arith.constant 100 : i32
        %dma_start3A_271 = arith.constant 0 : i32
        %dma_start3A_272 = tpu.memref_slice %arg9[%dma_start3A_271] : memref<12800xf32, #tpu.memory_space<vmem>> -> memref<6400xf32, #tpu.memory_space<vmem>>
        %dma_start3A_273 = arith.constant 0 : i32
        %dma_start3A_274 = tpu.memref_slice %arg7[%dma_start3A_273] : memref<12800xi32, #tpu.memory_space<vmem>> -> memref<6400xi32, #tpu.memory_space<vmem>>
        %dma_start3A_275 = arith.constant 0 : i32
        %dma_start3A_276 = tpu.memref_slice %arg6[%dma_start3A_275] : memref<1056768xf32, #tpu.memory_space<vmem_shared>> -> memref<1056768xf32, #tpu.memory_space<vmem_shared>>
        tpu.enqueue_indirect_dma source(%dma_start3A_276 : memref<1056768xf32, #tpu.memory_space<vmem_shared>>) target(%dma_start3A_272 : memref<6400xf32, #tpu.memory_space<vmem>>) offsets(%dma_start3A_274 : memref<6400xi32, #tpu.memory_space<vmem>>) semaphore(%arg17 : memref<!tpu.dma_semaphore, #tpu.memory_space<semaphore_mem>>)
        %dma_start3A_277 = arith.constant 6400 : i32
        %dma_start3A_278 = tpu.memref_slice %arg9[%dma_start3A_277] : memref<12800xf32, #tpu.memory_space<vmem>> -> memref<6400xf32, #tpu.memory_space<vmem>>
        %dma_start3A_279 = arith.constant 6400 : i32
        %dma_start3A_280 = tpu.memref_slice %arg7[%dma_start3A_279] : memref<12800xi32, #tpu.memory_space<vmem>> -> memref<6400xi32, #tpu.memory_space<vmem>>
        %dma_start3A_281 = arith.constant 0 : i32
        %dma_start3A_282 = tpu.memref_slice %arg6[%dma_start3A_281] : memref<1056768xf32, #tpu.memory_space<vmem_shared>> -> memref<1056768xf32, #tpu.memory_space<vmem_shared>>
        tpu.enqueue_indirect_dma source(%dma_start3A_282 : memref<1056768xf32, #tpu.memory_space<vmem_shared>>) target(%dma_start3A_278 : memref<6400xf32, #tpu.memory_space<vmem>>) offsets(%dma_start3A_280 : memref<6400xi32, #tpu.memory_space<vmem>>) semaphore(%arg23 : memref<!tpu.dma_semaphore, #tpu.memory_space<semaphore_mem>>)
      } else {
      }
      %mul3A_212 = arith.constant 32 : i32
      %mul3A_213 = arith.muli %add3A_201, %mul3A_212 : i32
      %add3A_214 = arith.addi %add3A, %mul3A_213 : i32
      %lt3A_215 = arith.constant 625 : i32
      %lt3A_216 = arith.cmpi slt, %add3A_214, %lt3A_215 : i32
      %convert_element_type3A_217 = arith.extui %lt3A_216 : i1 to i32
      %cond3A_218 = arith.constant 0 : i32
      %cond3A_219 = arith.cmpi ne, %convert_element_type3A_217, %cond3A_218 : i32
      scf.if %cond3A_219 {
        %dma_wait3A_260 = arith.constant 0 : i32
        %dma_wait3A_261 = tpu.memref_slice %arg10[%dma_wait3A_260] : memref<12800xf32, #tpu.memory_space<vmem>> -> memref<6400xf32, #tpu.memory_space<vmem>>
        %dma_wait3A_262 = arith.constant 0 : i32
        %dma_wait3A_263 = tpu.memref_slice %arg8[%dma_wait3A_262] : memref<12800xi32, #tpu.memory_space<vmem>> -> memref<6400xi32, #tpu.memory_space<vmem>>
        %dma_wait3A_264 = arith.constant 0 : i32
        %dma_wait3A_265 = tpu.memref_slice %arg6[%dma_wait3A_264] : memref<1056768xf32, #tpu.memory_space<vmem_shared>> -> memref<1056768xf32, #tpu.memory_space<vmem_shared>>
        tpu.wait_indirect_dma semaphore(%arg18 : memref<!tpu.dma_semaphore, #tpu.memory_space<semaphore_mem>>) src(%dma_wait3A_265 : memref<1056768xf32, #tpu.memory_space<vmem_shared>>) dst(%dma_wait3A_261 : memref<6400xf32, #tpu.memory_space<vmem>>)
        %dma_wait3A_266 = arith.constant 6400 : i32
        %dma_wait3A_267 = tpu.memref_slice %arg10[%dma_wait3A_266] : memref<12800xf32, #tpu.memory_space<vmem>> -> memref<6400xf32, #tpu.memory_space<vmem>>
        %dma_wait3A_268 = arith.constant 6400 : i32
        %dma_wait3A_269 = tpu.memref_slice %arg8[%dma_wait3A_268] : memref<12800xi32, #tpu.memory_space<vmem>> -> memref<6400xi32, #tpu.memory_space<vmem>>
        %dma_wait3A_270 = arith.constant 0 : i32
        %dma_wait3A_271 = tpu.memref_slice %arg6[%dma_wait3A_270] : memref<1056768xf32, #tpu.memory_space<vmem_shared>> -> memref<1056768xf32, #tpu.memory_space<vmem_shared>>
        tpu.wait_indirect_dma semaphore(%arg24 : memref<!tpu.dma_semaphore, #tpu.memory_space<semaphore_mem>>) src(%dma_wait3A_271 : memref<1056768xf32, #tpu.memory_space<vmem_shared>>) dst(%dma_wait3A_267 : memref<6400xf32, #tpu.memory_space<vmem>>)
      } else {
      }
      %add3A_220 = arith.constant 2 : i32
      %add3A_221 = arith.addi %add3A_201, %add3A_220 : i32
      %mul3A_222 = arith.constant 32 : i32
      %mul3A_223 = arith.muli %add3A_221, %mul3A_222 : i32
      %add3A_224 = arith.addi %add3A, %mul3A_223 : i32
      %lt3A_225 = arith.constant 625 : i32
      %lt3A_226 = arith.cmpi slt, %add3A_224, %lt3A_225 : i32
      %convert_element_type3A_227 = arith.extui %lt3A_226 : i1 to i32
      %cond3A_228 = arith.constant 0 : i32
      %cond3A_229 = arith.cmpi ne, %convert_element_type3A_227, %cond3A_228 : i32
      scf.if %cond3A_229 {
        %add3A_260 = arith.constant 2 : i32
        %add3A_261 = arith.addi %add3A_201, %add3A_260 : i32
        %mul3A_262 = arith.constant 32 : i32
        %mul3A_263 = arith.muli %add3A_261, %mul3A_262 : i32
        %add3A_264 = arith.addi %add3A, %mul3A_263 : i32
        %mul3A_265 = arith.constant 12800 : i32
        %mul3A_266 = arith.muli %add3A_264, %mul3A_265 : i32
        %dma_start3A_267 = tpu.memref_slice %arg3[%mul3A_266] : memref<8000000xi32, #tpu.memory_space<hbm>> -> memref<12800xi32, #tpu.memory_space<hbm>>
        %dma_start3A_268 = tpu.memref_slice %arg3[%mul3A_266] : memref<8000000xi32, #tpu.memory_space<hbm>> -> memref<12800xi32, #tpu.memory_space<hbm>>
        tpu.enqueue_dma source(%dma_start3A_268 : memref<12800xi32, #tpu.memory_space<hbm>>) target(%arg8 : memref<12800xi32, #tpu.memory_space<vmem>>) target_semaphore(%arg16 : memref<!tpu.dma_semaphore, #tpu.memory_space<semaphore_mem>>)
      } else {
      }
      %ge3A_230 = arith.constant 2 : i32
      %ge3A_231 = arith.cmpi sge, %add3A_201, %ge3A_230 : i32
      %mul3A_232 = arith.constant 32 : i32
      %mul3A_233 = arith.muli %add3A_201, %mul3A_232 : i32
      %add3A_234 = arith.addi %add3A, %mul3A_233 : i32
      %lt3A_235 = arith.constant 625 : i32
      %lt3A_236 = arith.cmpi slt, %add3A_234, %lt3A_235 : i32
      %and3A_237 = arith.andi %ge3A_231, %lt3A_236 : i1
      %convert_element_type3A_238 = arith.extui %and3A_237 : i1 to i32
      %cond3A_239 = arith.constant 0 : i32
      %cond3A_240 = arith.cmpi ne, %convert_element_type3A_238, %cond3A_239 : i32
      scf.if %cond3A_240 {
        %dma_wait3A_260 = arith.constant 0 : i32
        %dma_wait3A_261 = tpu.memref_slice %arg5[%dma_wait3A_260] : memref<2000000xf32, #tpu.memory_space<hbm>> -> memref<3200xf32, #tpu.memory_space<hbm>>
        %dma_wait3A_262 = arith.constant 0 : i32
        %dma_wait3A_263 = tpu.memref_slice %arg5[%dma_wait3A_262] : memref<2000000xf32, #tpu.memory_space<hbm>> -> memref<3200xf32, #tpu.memory_space<hbm>>
        tpu.wait_dma2 semaphore(%arg20 : memref<!tpu.dma_semaphore, #tpu.memory_space<semaphore_mem>>) src(%arg12 : memref<3200xf32, #tpu.memory_space<vmem>>) dst(%dma_wait3A_263 : memref<3200xf32, #tpu.memory_space<hbm>>)
      } else {
      }
      %mul3A_241 = arith.constant 32 : i32
      %mul3A_242 = arith.muli %add3A_201, %mul3A_241 : i32
      %add3A_243 = arith.addi %add3A, %mul3A_242 : i32
      %lt3A_244 = arith.constant 625 : i32
      %lt3A_245 = arith.cmpi slt, %add3A_243, %lt3A_244 : i32
      %convert_element_type3A_246 = arith.extui %lt3A_245 : i1 to i32
      %cond3A_247 = arith.constant 0 : i32
      %cond3A_248 = arith.cmpi ne, %convert_element_type3A_246, %cond3A_247 : i32
      scf.if %cond3A_248 {
        %scan3A_260 = arith.constant 0 : i32
        %scan3A_261 = arith.constant 0 : i32
        %scan3A_262 = arith.constant 200 : i32
        %scan3A_263 = arith.addi %scan3A_261, %scan3A_262 : i32
        %scan3A_264 = arith.constant 1 : i32
        %scan3A_265 = scf.for %scan3A_274 = %scan3A_261 to %scan3A_263 step %scan3A_264 iter_args(%scan3A_275 = %scan3A_260) -> (i32)  : i32 {
          %mul3A_276 = arith.constant 4 : i32
          %mul3A_277 = vector.broadcast %mul3A_276 : i32 to vector<16xi32>
          %mul3A_278 = arith.muli %iota3A, %mul3A_277 : vector<16xi32>
          %mul3A_279 = arith.constant 64 : i32
          %mul3A_280 = arith.muli %scan3A_274, %mul3A_279 : i32
          %add3A_281 = vector.broadcast %mul3A_280 : i32 to vector<16xi32>
          %add3A_282 = arith.addi %mul3A_278, %add3A_281 : vector<16xi32>
          %gather3A = tpu.vector_load_idx %arg10[%add3A_282] : memref<12800xf32, #tpu.memory_space<vmem>>[vector<16xi32>], vector<16xf32>,
          %add3A_283 = arith.constant 1 : i32
          %add3A_284 = vector.broadcast %add3A_283 : i32 to vector<16xi32>
          %add3A_285 = arith.addi %add3A_282, %add3A_284 : vector<16xi32>
          %gather3A_286 = tpu.vector_load_idx %arg10[%add3A_285] : memref<12800xf32, #tpu.memory_space<vmem>>[vector<16xi32>], vector<16xf32>,
          %add3A_287 = arith.constant 2 : i32
          %add3A_288 = vector.broadcast %add3A_287 : i32 to vector<16xi32>
          %add3A_289 = arith.addi %add3A_282, %add3A_288 : vector<16xi32>
          %gather3A_290 = tpu.vector_load_idx %arg10[%add3A_289] : memref<12800xf32, #tpu.memory_space<vmem>>[vector<16xi32>], vector<16xf32>,
          %add3A_291 = arith.constant 3 : i32
          %add3A_292 = vector.broadcast %add3A_291 : i32 to vector<16xi32>
          %add3A_293 = arith.addi %add3A_282, %add3A_292 : vector<16xi32>
          %gather3A_294 = tpu.vector_load_idx %arg10[%add3A_293] : memref<12800xf32, #tpu.memory_space<vmem>>[vector<16xi32>], vector<16xf32>,
          %add3A_295 = arith.addf %gather3A, %gather3A_286 : vector<16xf32>
          %add3A_296 = arith.addf %gather3A_290, %gather3A_294 : vector<16xf32>
          %add3A_297 = arith.addf %add3A_295, %add3A_296 : vector<16xf32>
          %mul3A_298 = arith.constant 16 : i32
          %mul3A_299 = arith.muli %scan3A_274, %mul3A_298 : i32
          %swap3A = arith.index_cast %mul3A_299 : i32 to index
          %swap3A_300 = tpu.vector_load %arg12[%swap3A] {strides = array<i32>} : memref<3200xf32, #tpu.memory_space<vmem>>, vector<16xf32>,
          tpu.vector_store %arg12[%swap3A], %add3A_297 {strides = array<i32>} : memref<3200xf32, #tpu.memory_space<vmem>>, vector<16xf32>,
          %scan3A_301 = arith.constant 0 : i32
          scf.yield %scan3A_301 : i32
        }
        %scan3A_266 = arith.constant 200 : i32
        %mul3A_267 = arith.constant 32 : i32
        %mul3A_268 = arith.muli %add3A_201, %mul3A_267 : i32
        %add3A_269 = arith.addi %add3A, %mul3A_268 : i32
        %mul3A_270 = arith.constant 3200 : i32
        %mul3A_271 = arith.muli %add3A_269, %mul3A_270 : i32
        %dma_start3A_272 = tpu.memref_slice %arg5[%mul3A_271] : memref<2000000xf32, #tpu.memory_space<hbm>> -> memref<3200xf32, #tpu.memory_space<hbm>>
        %dma_start3A_273 = tpu.memref_slice %arg5[%mul3A_271] : memref<2000000xf32, #tpu.memory_space<hbm>> -> memref<3200xf32, #tpu.memory_space<hbm>>
        tpu.enqueue_dma source(%arg12 : memref<3200xf32, #tpu.memory_space<vmem>>) target(%dma_start3A_273 : memref<3200xf32, #tpu.memory_space<hbm>>) target_semaphore(%arg20 : memref<!tpu.dma_semaphore, #tpu.memory_space<semaphore_mem>>)
      } else {
      }
      %add3A_249 = arith.constant 2 : i32
      %add3A_250 = arith.addi %add3A_201, %add3A_249 : i32
      %mul3A_251 = arith.constant 32 : i32
      %mul3A_252 = arith.muli %add3A_250, %mul3A_251 : i32
      %add3A_253 = arith.addi %add3A, %mul3A_252 : i32
      %lt3A_254 = arith.constant 625 : i32
      %lt3A_255 = arith.cmpi slt, %add3A_253, %lt3A_254 : i32
      %convert_element_type3A_256 = arith.extui %lt3A_255 : i1 to i32
      %cond3A_257 = arith.constant 0 : i32
      %cond3A_258 = arith.cmpi ne, %convert_element_type3A_256, %cond3A_257 : i32
      scf.if %cond3A_258 {
        %add3A_260 = arith.constant 2 : i32
        %add3A_261 = arith.addi %add3A_201, %add3A_260 : i32
      } else {
      }
      %scan3A_259 = arith.constant 0 : i32
      scf.yield %scan3A_259 : i32
    }
    %scan3A_53 = arith.constant 10 : i32
    %dma_wait3A_54 = arith.constant 0 : i32
    %dma_wait3A_55 = tpu.memref_slice %arg5[%dma_wait3A_54] : memref<2000000xf32, #tpu.memory_space<hbm>> -> memref<3200xf32, #tpu.memory_space<hbm>>
    %dma_wait3A_56 = arith.constant 0 : i32
    %dma_wait3A_57 = tpu.memref_slice %arg5[%dma_wait3A_56] : memref<2000000xf32, #tpu.memory_space<hbm>> -> memref<3200xf32, #tpu.memory_space<hbm>>
    tpu.wait_dma2 semaphore(%arg19 : memref<!tpu.dma_semaphore, #tpu.memory_space<semaphore_mem>>) src(%arg11 : memref<3200xf32, #tpu.memory_space<vmem>>) dst(%dma_wait3A_57 : memref<3200xf32, #tpu.memory_space<hbm>>)
    %dma_wait3A_58 = arith.constant 0 : i32
    %dma_wait3A_59 = tpu.memref_slice %arg5[%dma_wait3A_58] : memref<2000000xf32, #tpu.memory_space<hbm>> -> memref<3200xf32, #tpu.memory_space<hbm>>
    %dma_wait3A_60 = arith.constant 0 : i32
    %dma_wait3A_61 = tpu.memref_slice %arg5[%dma_wait3A_60] : memref<2000000xf32, #tpu.memory_space<hbm>> -> memref<3200xf32, #tpu.memory_space<hbm>>
    tpu.wait_dma2 semaphore(%arg20 : memref<!tpu.dma_semaphore, #tpu.memory_space<semaphore_mem>>) src(%arg12 : memref<3200xf32, #tpu.memory_space<vmem>>) dst(%dma_wait3A_61 : memref<3200xf32, #tpu.memory_space<hbm>>)
    %barrier3A_62 = arith.constant 0 : index
    tpu.barrier barrier_id(%barrier3A_62)
    %mul3A_63 = arith.constant 65536 : i32
    %mul3A_64 = arith.muli %arg1, %mul3A_63 : i32
    %add3A_65 = arith.constant 0 : i32
    %add3A_66 = arith.addi %mul3A_64, %add3A_65 : i32
    %add3A_67 = arith.constant 1048576 : i32
    %add3A_68 = arith.addi %add3A_67, %add3A_66 : i32
    "tpu.region"() ({
      %run_scoped3A = tpu.sem_alloc : memref<!tpu.dma_semaphore, #tpu.memory_space<semaphore_mem>>
      %dma_start3A_138 = tpu.memref_slice %arg6[%add3A_66] : memref<1056768xf32, #tpu.memory_space<vmem_shared>> -> memref<32768xf32, #tpu.memory_space<vmem_shared>>
      %dma_start3A_139 = tpu.memref_slice %arg2[%add3A_68] : memref<2097152xf32, #tpu.memory_space<hbm>> -> memref<32768xf32, #tpu.memory_space<hbm>>
      tpu.enqueue_dma source(%dma_start3A_139 : memref<32768xf32, #tpu.memory_space<hbm>>) target(%dma_start3A_138 : memref<32768xf32, #tpu.memory_space<vmem_shared>>) target_semaphore(%run_scoped3A : memref<!tpu.dma_semaphore, #tpu.memory_space<semaphore_mem>>)
      %dma_wait3A_140 = tpu.memref_slice %arg6[%add3A_66] : memref<1056768xf32, #tpu.memory_space<vmem_shared>> -> memref<32768xf32, #tpu.memory_space<vmem_shared>>
      %dma_wait3A_141 = tpu.memref_slice %arg2[%add3A_68] : memref<2097152xf32, #tpu.memory_space<hbm>> -> memref<32768xf32, #tpu.memory_space<hbm>>
      tpu.wait_dma2 semaphore(%run_scoped3A : memref<!tpu.dma_semaphore, #tpu.memory_space<semaphore_mem>>) src(%dma_wait3A_141 : memref<32768xf32, #tpu.memory_space<hbm>>) dst(%dma_wait3A_140 : memref<32768xf32, #tpu.memory_space<vmem_shared>>)
      tpu.yield
    }) : () -> ()
    %mul3A_69 = arith.constant 65536 : i32
    %mul3A_70 = arith.muli %arg1, %mul3A_69 : i32
    %add3A_71 = arith.constant 32768 : i32
    %add3A_72 = arith.addi %mul3A_70, %add3A_71 : i32
    %add3A_73 = arith.constant 1048576 : i32
    %add3A_74 = arith.addi %add3A_73, %add3A_72 : i32
    "tpu.region"() ({
      %run_scoped3A = tpu.sem_alloc : memref<!tpu.dma_semaphore, #tpu.memory_space<semaphore_mem>>
      %dma_start3A_138 = tpu.memref_slice %arg6[%add3A_72] : memref<1056768xf32, #tpu.memory_space<vmem_shared>> -> memref<32768xf32, #tpu.memory_space<vmem_shared>>
      %dma_start3A_139 = tpu.memref_slice %arg2[%add3A_74] : memref<2097152xf32, #tpu.memory_space<hbm>> -> memref<32768xf32, #tpu.memory_space<hbm>>
      tpu.enqueue_dma source(%dma_start3A_139 : memref<32768xf32, #tpu.memory_space<hbm>>) target(%dma_start3A_138 : memref<32768xf32, #tpu.memory_space<vmem_shared>>) target_semaphore(%run_scoped3A : memref<!tpu.dma_semaphore, #tpu.memory_space<semaphore_mem>>)
      %dma_wait3A_140 = tpu.memref_slice %arg6[%add3A_72] : memref<1056768xf32, #tpu.memory_space<vmem_shared>> -> memref<32768xf32, #tpu.memory_space<vmem_shared>>
      %dma_wait3A_141 = tpu.memref_slice %arg2[%add3A_74] : memref<2097152xf32, #tpu.memory_space<hbm>> -> memref<32768xf32, #tpu.memory_space<hbm>>
      tpu.wait_dma2 semaphore(%run_scoped3A : memref<!tpu.dma_semaphore, #tpu.memory_space<semaphore_mem>>) src(%dma_wait3A_141 : memref<32768xf32, #tpu.memory_space<hbm>>) dst(%dma_wait3A_140 : memref<32768xf32, #tpu.memory_space<vmem_shared>>)
      tpu.yield
    }) : () -> ()
    %barrier3A_75 = arith.constant 0 : index
    tpu.barrier barrier_id(%barrier3A_75)
    %add3A_76 = arith.constant 0 : i32
    %add3A_77 = arith.addi %add3A, %add3A_76 : i32
    %mul3A_78 = arith.constant 12800 : i32
    %mul3A_79 = arith.muli %add3A_77, %mul3A_78 : i32
    %dma_start3A_80 = tpu.memref_slice %arg3[%mul3A_79] : memref<8000000xi32, #tpu.memory_space<hbm>> -> memref<12800xi32, #tpu.memory_space<hbm>>
    %dma_start3A_81 = tpu.memref_slice %arg3[%mul3A_79] : memref<8000000xi32, #tpu.memory_space<hbm>> -> memref<12800xi32, #tpu.memory_space<hbm>>
    tpu.enqueue_dma source(%dma_start3A_81 : memref<12800xi32, #tpu.memory_space<hbm>>) target(%arg7 : memref<12800xi32, #tpu.memory_space<vmem>>) target_semaphore(%arg15 : memref<!tpu.dma_semaphore, #tpu.memory_space<semaphore_mem>>)
    %add3A_82 = arith.constant 32 : i32
    %add3A_83 = arith.addi %add3A, %add3A_82 : i32
    %mul3A_84 = arith.constant 12800 : i32
    %mul3A_85 = arith.muli %add3A_83, %mul3A_84 : i32
    %dma_start3A_86 = tpu.memref_slice %arg3[%mul3A_85] : memref<8000000xi32, #tpu.memory_space<hbm>> -> memref<12800xi32, #tpu.memory_space<hbm>>
    %dma_start3A_87 = tpu.memref_slice %arg3[%mul3A_85] : memref<8000000xi32, #tpu.memory_space<hbm>> -> memref<12800xi32, #tpu.memory_space<hbm>>
    tpu.enqueue_dma source(%dma_start3A_87 : memref<12800xi32, #tpu.memory_space<hbm>>) target(%arg8 : memref<12800xi32, #tpu.memory_space<vmem>>) target_semaphore(%arg16 : memref<!tpu.dma_semaphore, #tpu.memory_space<semaphore_mem>>)
    %add3A_88 = arith.constant 0 : i32
    %add3A_89 = arith.addi %add3A, %add3A_88 : i32
    %mul3A_90 = arith.constant 3200 : i32
    %mul3A_91 = arith.muli %add3A_89, %mul3A_90 : i32
    %dma_start3A_92 = tpu.memref_slice %arg5[%mul3A_91] : memref<2000000xf32, #tpu.memory_space<hbm>> -> memref<3200xf32, #tpu.memory_space<hbm>>
    %dma_start3A_93 = tpu.memref_slice %arg5[%mul3A_91] : memref<2000000xf32, #tpu.memory_space<hbm>> -> memref<3200xf32, #tpu.memory_space<hbm>>
    tpu.enqueue_dma source(%dma_start3A_93 : memref<3200xf32, #tpu.memory_space<hbm>>) target(%arg13 : memref<3200xf32, #tpu.memory_space<vmem>>) target_semaphore(%arg21 : memref<!tpu.dma_semaphore, #tpu.memory_space<semaphore_mem>>)
    %add3A_94 = arith.constant 32 : i32
    %add3A_95 = arith.addi %add3A, %add3A_94 : i32
    %mul3A_96 = arith.constant 3200 : i32
    %mul3A_97 = arith.muli %add3A_95, %mul3A_96 : i32
    %dma_start3A_98 = tpu.memref_slice %arg5[%mul3A_97] : memref<2000000xf32, #tpu.memory_space<hbm>> -> memref<3200xf32, #tpu.memory_space<hbm>>
    %dma_start3A_99 = tpu.memref_slice %arg5[%mul3A_97] : memref<2000000xf32, #tpu.memory_space<hbm>> -> memref<3200xf32, #tpu.memory_space<hbm>>
    tpu.enqueue_dma source(%dma_start3A_99 : memref<3200xf32, #tpu.memory_space<hbm>>) target(%arg14 : memref<3200xf32, #tpu.memory_space<vmem>>) target_semaphore(%arg22 : memref<!tpu.dma_semaphore, #tpu.memory_space<semaphore_mem>>)
    %dma_wait3A_100 = arith.constant 0 : i32
    %dma_wait3A_101 = tpu.memref_slice %arg3[%dma_wait3A_100] : memref<8000000xi32, #tpu.memory_space<hbm>> -> memref<12800xi32, #tpu.memory_space<hbm>>
    %dma_wait3A_102 = arith.constant 0 : i32
    %dma_wait3A_103 = tpu.memref_slice %arg3[%dma_wait3A_102] : memref<8000000xi32, #tpu.memory_space<hbm>> -> memref<12800xi32, #tpu.memory_space<hbm>>
    tpu.wait_dma2 semaphore(%arg15 : memref<!tpu.dma_semaphore, #tpu.memory_space<semaphore_mem>>) src(%dma_wait3A_103 : memref<12800xi32, #tpu.memory_space<hbm>>) dst(%arg7 : memref<12800xi32, #tpu.memory_space<vmem>>)
    %scan3A_104 = arith.constant 0 : i32
    %scan3A_105 = arith.constant 0 : i32
    %scan3A_106 = arith.constant 100 : i32
    %scan3A_107 = arith.addi %scan3A_105, %scan3A_106 : i32
    %scan3A_108 = arith.constant 1 : i32
    %scan3A_109 = scf.for %scan3A_138 = %scan3A_105 to %scan3A_107 step %scan3A_108 iter_args(%scan3A_139 = %scan3A_104) -> (i32)  : i32 {
      %mul3A_140 = arith.constant 8 : i32
      %mul3A_141 = arith.muli %scan3A_138, %mul3A_140 : i32
      %add3A_142 = arith.constant 0 : i32
      %add3A_143 = arith.addi %mul3A_141, %add3A_142 : i32
      %mul3A_144 = arith.constant 16 : i32
      %mul3A_145 = arith.muli %add3A_143, %mul3A_144 : i32
      %get3A = arith.index_cast %mul3A_145 : i32 to index
      %get3A_146 = tpu.vector_load %arg7[%get3A] {strides = array<i32>} : memref<12800xi32, #tpu.memory_space<vmem>>, vector<16xi32>,
      %and3A = arith.constant 8191 : i32
      %and3A_147 = vector.broadcast %and3A : i32 to vector<16xi32>
      %and3A_148 = arith.andi %get3A_146, %and3A_147 : vector<16xi32>
      %add3A_149 = arith.constant 1048576 : i32
      %add3A_150 = vector.broadcast %add3A_149 : i32 to vector<16xi32>
      %add3A_151 = arith.addi %and3A_148, %add3A_150 : vector<16xi32>
      %ge3A = arith.constant 1048576 : i32
      %ge3A_152 = vector.broadcast %ge3A : i32 to vector<16xi32>
      %ge3A_153 = arith.cmpi sge, %get3A_146, %ge3A_152 : vector<16xi32>
      %sub3A = arith.constant 1048576 : i32
      %sub3A_154 = vector.broadcast %sub3A : i32 to vector<16xi32>
      %sub3A_155 = arith.subi %get3A_146, %sub3A_154 : vector<16xi32>
      %select_n3A = arith.select %ge3A_153, %sub3A_155, %add3A_151 : vector<16xi1>, vector<16xi32>
      %swap3A = arith.index_cast %mul3A_145 : i32 to index
      %swap3A_156 = tpu.vector_load %arg7[%swap3A] {strides = array<i32>} : memref<12800xi32, #tpu.memory_space<vmem>>, vector<16xi32>,
      tpu.vector_store %arg7[%swap3A], %select_n3A {strides = array<i32>} : memref<12800xi32, #tpu.memory_space<vmem>>, vector<16xi32>,
      %mul3A_157 = arith.constant 8 : i32
      %mul3A_158 = arith.muli %scan3A_138, %mul3A_157 : i32
      %add3A_159 = arith.constant 1 : i32
      %add3A_160 = arith.addi %mul3A_158, %add3A_159 : i32
      %mul3A_161 = arith.constant 16 : i32
      %mul3A_162 = arith.muli %add3A_160, %mul3A_161 : i32
      %get3A_163 = arith.index_cast %mul3A_162 : i32 to index
      %get3A_164 = tpu.vector_load %arg7[%get3A_163] {strides = array<i32>} : memref<12800xi32, #tpu.memory_space<vmem>>, vector<16xi32>,
      %and3A_165 = arith.constant 8191 : i32
      %and3A_166 = vector.broadcast %and3A_165 : i32 to vector<16xi32>
      %and3A_167 = arith.andi %get3A_164, %and3A_166 : vector<16xi32>
      %add3A_168 = arith.constant 1048576 : i32
      %add3A_169 = vector.broadcast %add3A_168 : i32 to vector<16xi32>
      %add3A_170 = arith.addi %and3A_167, %add3A_169 : vector<16xi32>
      %ge3A_171 = arith.constant 1048576 : i32
      %ge3A_172 = vector.broadcast %ge3A_171 : i32 to vector<16xi32>
      %ge3A_173 = arith.cmpi sge, %get3A_164, %ge3A_172 : vector<16xi32>
      %sub3A_174 = arith.constant 1048576 : i32
      %sub3A_175 = vector.broadcast %sub3A_174 : i32 to vector<16xi32>
      %sub3A_176 = arith.subi %get3A_164, %sub3A_175 : vector<16xi32>
      %select_n3A_177 = arith.select %ge3A_173, %sub3A_176, %add3A_170 : vector<16xi1>, vector<16xi32>
      %swap3A_178 = arith.index_cast %mul3A_162 : i32 to index
      %swap3A_179 = tpu.vector_load %arg7[%swap3A_178] {strides = array<i32>} : memref<12800xi32, #tpu.memory_space<vmem>>, vector<16xi32>,
      tpu.vector_store %arg7[%swap3A_178], %select_n3A_177 {strides = array<i32>} : memref<12800xi32, #tpu.memory_space<vmem>>, vector<16xi32>,
      %mul3A_180 = arith.constant 8 : i32
      %mul3A_181 = arith.muli %scan3A_138, %mul3A_180 : i32
      %add3A_182 = arith.constant 2 : i32
      %add3A_183 = arith.addi %mul3A_181, %add3A_182 : i32
      %mul3A_184 = arith.constant 16 : i32
      %mul3A_185 = arith.muli %add3A_183, %mul3A_184 : i32
      %get3A_186 = arith.index_cast %mul3A_185 : i32 to index
      %get3A_187 = tpu.vector_load %arg7[%get3A_186] {strides = array<i32>} : memref<12800xi32, #tpu.memory_space<vmem>>, vector<16xi32>,
      %and3A_188 = arith.constant 8191 : i32
      %and3A_189 = vector.broadcast %and3A_188 : i32 to vector<16xi32>
      %and3A_190 = arith.andi %get3A_187, %and3A_189 : vector<16xi32>
      %add3A_191 = arith.constant 1048576 : i32
      %add3A_192 = vector.broadcast %add3A_191 : i32 to vector<16xi32>
      %add3A_193 = arith.addi %and3A_190, %add3A_192 : vector<16xi32>
      %ge3A_194 = arith.constant 1048576 : i32
      %ge3A_195 = vector.broadcast %ge3A_194 : i32 to vector<16xi32>
      %ge3A_196 = arith.cmpi sge, %get3A_187, %ge3A_195 : vector<16xi32>
      %sub3A_197 = arith.constant 1048576 : i32
      %sub3A_198 = vector.broadcast %sub3A_197 : i32 to vector<16xi32>
      %sub3A_199 = arith.subi %get3A_187, %sub3A_198 : vector<16xi32>
      %select_n3A_200 = arith.select %ge3A_196, %sub3A_199, %add3A_193 : vector<16xi1>, vector<16xi32>
      %swap3A_201 = arith.index_cast %mul3A_185 : i32 to index
      %swap3A_202 = tpu.vector_load %arg7[%swap3A_201] {strides = array<i32>} : memref<12800xi32, #tpu.memory_space<vmem>>, vector<16xi32>,
      tpu.vector_store %arg7[%swap3A_201], %select_n3A_200 {strides = array<i32>} : memref<12800xi32, #tpu.memory_space<vmem>>, vector<16xi32>,
      %mul3A_203 = arith.constant 8 : i32
      %mul3A_204 = arith.muli %scan3A_138, %mul3A_203 : i32
      %add3A_205 = arith.constant 3 : i32
      %add3A_206 = arith.addi %mul3A_204, %add3A_205 : i32
      %mul3A_207 = arith.constant 16 : i32
      %mul3A_208 = arith.muli %add3A_206, %mul3A_207 : i32
      %get3A_209 = arith.index_cast %mul3A_208 : i32 to index
      %get3A_210 = tpu.vector_load %arg7[%get3A_209] {strides = array<i32>} : memref<12800xi32, #tpu.memory_space<vmem>>, vector<16xi32>,
      %and3A_211 = arith.constant 8191 : i32
      %and3A_212 = vector.broadcast %and3A_211 : i32 to vector<16xi32>
      %and3A_213 = arith.andi %get3A_210, %and3A_212 : vector<16xi32>
      %add3A_214 = arith.constant 1048576 : i32
      %add3A_215 = vector.broadcast %add3A_214 : i32 to vector<16xi32>
      %add3A_216 = arith.addi %and3A_213, %add3A_215 : vector<16xi32>
      %ge3A_217 = arith.constant 1048576 : i32
      %ge3A_218 = vector.broadcast %ge3A_217 : i32 to vector<16xi32>
      %ge3A_219 = arith.cmpi sge, %get3A_210, %ge3A_218 : vector<16xi32>
      %sub3A_220 = arith.constant 1048576 : i32
      %sub3A_221 = vector.broadcast %sub3A_220 : i32 to vector<16xi32>
      %sub3A_222 = arith.subi %get3A_210, %sub3A_221 : vector<16xi32>
      %select_n3A_223 = arith.select %ge3A_219, %sub3A_222, %add3A_216 : vector<16xi1>, vector<16xi32>
      %swap3A_224 = arith.index_cast %mul3A_208 : i32 to index
      %swap3A_225 = tpu.vector_load %arg7[%swap3A_224] {strides = array<i32>} : memref<12800xi32, #tpu.memory_space<vmem>>, vector<16xi32>,
      tpu.vector_store %arg7[%swap3A_224], %select_n3A_223 {strides = array<i32>} : memref<12800xi32, #tpu.memory_space<vmem>>, vector<16xi32>,
      %mul3A_226 = arith.constant 8 : i32
      %mul3A_227 = arith.muli %scan3A_138, %mul3A_226 : i32
      %add3A_228 = arith.constant 4 : i32
      %add3A_229 = arith.addi %mul3A_227, %add3A_228 : i32
      %mul3A_230 = arith.constant 16 : i32
      %mul3A_231 = arith.muli %add3A_229, %mul3A_230 : i32
      %get3A_232 = arith.index_cast %mul3A_231 : i32 to index
      %get3A_233 = tpu.vector_load %arg7[%get3A_232] {strides = array<i32>} : memref<12800xi32, #tpu.memory_space<vmem>>, vector<16xi32>,
      %and3A_234 = arith.constant 8191 : i32
      %and3A_235 = vector.broadcast %and3A_234 : i32 to vector<16xi32>
      %and3A_236 = arith.andi %get3A_233, %and3A_235 : vector<16xi32>
      %add3A_237 = arith.constant 1048576 : i32
      %add3A_238 = vector.broadcast %add3A_237 : i32 to vector<16xi32>
      %add3A_239 = arith.addi %and3A_236, %add3A_238 : vector<16xi32>
      %ge3A_240 = arith.constant 1048576 : i32
      %ge3A_241 = vector.broadcast %ge3A_240 : i32 to vector<16xi32>
      %ge3A_242 = arith.cmpi sge, %get3A_233, %ge3A_241 : vector<16xi32>
      %sub3A_243 = arith.constant 1048576 : i32
      %sub3A_244 = vector.broadcast %sub3A_243 : i32 to vector<16xi32>
      %sub3A_245 = arith.subi %get3A_233, %sub3A_244 : vector<16xi32>
      %select_n3A_246 = arith.select %ge3A_242, %sub3A_245, %add3A_239 : vector<16xi1>, vector<16xi32>
      %swap3A_247 = arith.index_cast %mul3A_231 : i32 to index
      %swap3A_248 = tpu.vector_load %arg7[%swap3A_247] {strides = array<i32>} : memref<12800xi32, #tpu.memory_space<vmem>>, vector<16xi32>,
      tpu.vector_store %arg7[%swap3A_247], %select_n3A_246 {strides = array<i32>} : memref<12800xi32, #tpu.memory_space<vmem>>, vector<16xi32>,
      %mul3A_249 = arith.constant 8 : i32
      %mul3A_250 = arith.muli %scan3A_138, %mul3A_249 : i32
      %add3A_251 = arith.constant 5 : i32
      %add3A_252 = arith.addi %mul3A_250, %add3A_251 : i32
      %mul3A_253 = arith.constant 16 : i32
      %mul3A_254 = arith.muli %add3A_252, %mul3A_253 : i32
      %get3A_255 = arith.index_cast %mul3A_254 : i32 to index
      %get3A_256 = tpu.vector_load %arg7[%get3A_255] {strides = array<i32>} : memref<12800xi32, #tpu.memory_space<vmem>>, vector<16xi32>,
      %and3A_257 = arith.constant 8191 : i32
      %and3A_258 = vector.broadcast %and3A_257 : i32 to vector<16xi32>
      %and3A_259 = arith.andi %get3A_256, %and3A_258 : vector<16xi32>
      %add3A_260 = arith.constant 1048576 : i32
      %add3A_261 = vector.broadcast %add3A_260 : i32 to vector<16xi32>
      %add3A_262 = arith.addi %and3A_259, %add3A_261 : vector<16xi32>
      %ge3A_263 = arith.constant 1048576 : i32
      %ge3A_264 = vector.broadcast %ge3A_263 : i32 to vector<16xi32>
      %ge3A_265 = arith.cmpi sge, %get3A_256, %ge3A_264 : vector<16xi32>
      %sub3A_266 = arith.constant 1048576 : i32
      %sub3A_267 = vector.broadcast %sub3A_266 : i32 to vector<16xi32>
      %sub3A_268 = arith.subi %get3A_256, %sub3A_267 : vector<16xi32>
      %select_n3A_269 = arith.select %ge3A_265, %sub3A_268, %add3A_262 : vector<16xi1>, vector<16xi32>
      %swap3A_270 = arith.index_cast %mul3A_254 : i32 to index
      %swap3A_271 = tpu.vector_load %arg7[%swap3A_270] {strides = array<i32>} : memref<12800xi32, #tpu.memory_space<vmem>>, vector<16xi32>,
      tpu.vector_store %arg7[%swap3A_270], %select_n3A_269 {strides = array<i32>} : memref<12800xi32, #tpu.memory_space<vmem>>, vector<16xi32>,
      %mul3A_272 = arith.constant 8 : i32
      %mul3A_273 = arith.muli %scan3A_138, %mul3A_272 : i32
      %add3A_274 = arith.constant 6 : i32
      %add3A_275 = arith.addi %mul3A_273, %add3A_274 : i32
      %mul3A_276 = arith.constant 16 : i32
      %mul3A_277 = arith.muli %add3A_275, %mul3A_276 : i32
      %get3A_278 = arith.index_cast %mul3A_277 : i32 to index
      %get3A_279 = tpu.vector_load %arg7[%get3A_278] {strides = array<i32>} : memref<12800xi32, #tpu.memory_space<vmem>>, vector<16xi32>,
      %and3A_280 = arith.constant 8191 : i32
      %and3A_281 = vector.broadcast %and3A_280 : i32 to vector<16xi32>
      %and3A_282 = arith.andi %get3A_279, %and3A_281 : vector<16xi32>
      %add3A_283 = arith.constant 1048576 : i32
      %add3A_284 = vector.broadcast %add3A_283 : i32 to vector<16xi32>
      %add3A_285 = arith.addi %and3A_282, %add3A_284 : vector<16xi32>
      %ge3A_286 = arith.constant 1048576 : i32
      %ge3A_287 = vector.broadcast %ge3A_286 : i32 to vector<16xi32>
      %ge3A_288 = arith.cmpi sge, %get3A_279, %ge3A_287 : vector<16xi32>
      %sub3A_289 = arith.constant 1048576 : i32
      %sub3A_290 = vector.broadcast %sub3A_289 : i32 to vector<16xi32>
      %sub3A_291 = arith.subi %get3A_279, %sub3A_290 : vector<16xi32>
      %select_n3A_292 = arith.select %ge3A_288, %sub3A_291, %add3A_285 : vector<16xi1>, vector<16xi32>
      %swap3A_293 = arith.index_cast %mul3A_277 : i32 to index
      %swap3A_294 = tpu.vector_load %arg7[%swap3A_293] {strides = array<i32>} : memref<12800xi32, #tpu.memory_space<vmem>>, vector<16xi32>,
      tpu.vector_store %arg7[%swap3A_293], %select_n3A_292 {strides = array<i32>} : memref<12800xi32, #tpu.memory_space<vmem>>, vector<16xi32>,
      %mul3A_295 = arith.constant 8 : i32
      %mul3A_296 = arith.muli %scan3A_138, %mul3A_295 : i32
      %add3A_297 = arith.constant 7 : i32
      %add3A_298 = arith.addi %mul3A_296, %add3A_297 : i32
      %mul3A_299 = arith.constant 16 : i32
      %mul3A_300 = arith.muli %add3A_298, %mul3A_299 : i32
      %get3A_301 = arith.index_cast %mul3A_300 : i32 to index
      %get3A_302 = tpu.vector_load %arg7[%get3A_301] {strides = array<i32>} : memref<12800xi32, #tpu.memory_space<vmem>>, vector<16xi32>,
      %and3A_303 = arith.constant 8191 : i32
      %and3A_304 = vector.broadcast %and3A_303 : i32 to vector<16xi32>
      %and3A_305 = arith.andi %get3A_302, %and3A_304 : vector<16xi32>
      %add3A_306 = arith.constant 1048576 : i32
      %add3A_307 = vector.broadcast %add3A_306 : i32 to vector<16xi32>
      %add3A_308 = arith.addi %and3A_305, %add3A_307 : vector<16xi32>
      %ge3A_309 = arith.constant 1048576 : i32
      %ge3A_310 = vector.broadcast %ge3A_309 : i32 to vector<16xi32>
      %ge3A_311 = arith.cmpi sge, %get3A_302, %ge3A_310 : vector<16xi32>
      %sub3A_312 = arith.constant 1048576 : i32
      %sub3A_313 = vector.broadcast %sub3A_312 : i32 to vector<16xi32>
      %sub3A_314 = arith.subi %get3A_302, %sub3A_313 : vector<16xi32>
      %select_n3A_315 = arith.select %ge3A_311, %sub3A_314, %add3A_308 : vector<16xi1>, vector<16xi32>
      %swap3A_316 = arith.index_cast %mul3A_300 : i32 to index
      %swap3A_317 = tpu.vector_load %arg7[%swap3A_316] {strides = array<i32>} : memref<12800xi32, #tpu.memory_space<vmem>>, vector<16xi32>,
      tpu.vector_store %arg7[%swap3A_316], %select_n3A_315 {strides = array<i32>} : memref<12800xi32, #tpu.memory_space<vmem>>, vector<16xi32>,
      %scan3A_318 = arith.constant 0 : i32
      scf.yield %scan3A_318 : i32
    }
    %scan3A_110 = arith.constant 100 : i32
    %dma_start3A_111 = arith.constant 0 : i32
    %dma_start3A_112 = tpu.memref_slice %arg9[%dma_start3A_111] : memref<12800xf32, #tpu.memory_space<vmem>> -> memref<6400xf32, #tpu.memory_space<vmem>>
    %dma_start3A_113 = arith.constant 0 : i32
    %dma_start3A_114 = tpu.memref_slice %arg7[%dma_start3A_113] : memref<12800xi32, #tpu.memory_space<vmem>> -> memref<6400xi32, #tpu.memory_space<vmem>>
    %dma_start3A_115 = arith.constant 0 : i32
    %dma_start3A_116 = tpu.memref_slice %arg6[%dma_start3A_115] : memref<1056768xf32, #tpu.memory_space<vmem_shared>> -> memref<1056768xf32, #tpu.memory_space<vmem_shared>>
    tpu.enqueue_indirect_dma source(%dma_start3A_116 : memref<1056768xf32, #tpu.memory_space<vmem_shared>>) target(%dma_start3A_112 : memref<6400xf32, #tpu.memory_space<vmem>>) offsets(%dma_start3A_114 : memref<6400xi32, #tpu.memory_space<vmem>>) semaphore(%arg17 : memref<!tpu.dma_semaphore, #tpu.memory_space<semaphore_mem>>)
    %dma_start3A_117 = arith.constant 6400 : i32
    %dma_start3A_118 = tpu.memref_slice %arg9[%dma_start3A_117] : memref<12800xf32, #tpu.memory_space<vmem>> -> memref<6400xf32, #tpu.memory_space<vmem>>
    %dma_start3A_119 = arith.constant 6400 : i32
    %dma_start3A_120 = tpu.memref_slice %arg7[%dma_start3A_119] : memref<12800xi32, #tpu.memory_space<vmem>> -> memref<6400xi32, #tpu.memory_space<vmem>>
    %dma_start3A_121 = arith.constant 0 : i32
    %dma_start3A_122 = tpu.memref_slice %arg6[%dma_start3A_121] : memref<1056768xf32, #tpu.memory_space<vmem_shared>> -> memref<1056768xf32, #tpu.memory_space<vmem_shared>>
    tpu.enqueue_indirect_dma source(%dma_start3A_122 : memref<1056768xf32, #tpu.memory_space<vmem_shared>>) target(%dma_start3A_118 : memref<6400xf32, #tpu.memory_space<vmem>>) offsets(%dma_start3A_120 : memref<6400xi32, #tpu.memory_space<vmem>>) semaphore(%arg23 : memref<!tpu.dma_semaphore, #tpu.memory_space<semaphore_mem>>)
    %scan3A_123 = arith.constant 0 : i32
    %scan3A_124 = arith.constant 0 : i32
    %scan3A_125 = arith.constant 10 : i32
    %scan3A_126 = arith.addi %scan3A_124, %scan3A_125 : i32
    %scan3A_127 = arith.constant 1 : i32
    %scan3A_128 = scf.for %scan3A_138 = %scan3A_124 to %scan3A_126 step %scan3A_127 iter_args(%scan3A_139 = %scan3A_123) -> (i32)  : i32 {
      %mul3A_140 = arith.constant 2 : i32
      %mul3A_141 = arith.muli %mul3A_140, %scan3A_138 : i32
      %add3A_142 = arith.constant 0 : i32
      %add3A_143 = arith.addi %mul3A_141, %add3A_142 : i32
      %add3A_144 = arith.constant 1 : i32
      %add3A_145 = arith.addi %add3A_143, %add3A_144 : i32
      %mul3A_146 = arith.constant 32 : i32
      %mul3A_147 = arith.muli %add3A_145, %mul3A_146 : i32
      %add3A_148 = arith.addi %add3A, %mul3A_147 : i32
      %lt3A = arith.constant 625 : i32
      %lt3A_149 = arith.cmpi slt, %add3A_148, %lt3A : i32
      %convert_element_type3A_150 = arith.extui %lt3A_149 : i1 to i32
      %cond3A_151 = arith.constant 0 : i32
      %cond3A_152 = arith.cmpi ne, %convert_element_type3A_150, %cond3A_151 : i32
      scf.if %cond3A_152 {
        %dma_wait3A_260 = arith.constant 0 : i32
        %dma_wait3A_261 = tpu.memref_slice %arg3[%dma_wait3A_260] : memref<8000000xi32, #tpu.memory_space<hbm>> -> memref<12800xi32, #tpu.memory_space<hbm>>
        %dma_wait3A_262 = arith.constant 0 : i32
        %dma_wait3A_263 = tpu.memref_slice %arg3[%dma_wait3A_262] : memref<8000000xi32, #tpu.memory_space<hbm>> -> memref<12800xi32, #tpu.memory_space<hbm>>
        tpu.wait_dma2 semaphore(%arg16 : memref<!tpu.dma_semaphore, #tpu.memory_space<semaphore_mem>>) src(%dma_wait3A_263 : memref<12800xi32, #tpu.memory_space<hbm>>) dst(%arg8 : memref<12800xi32, #tpu.memory_space<vmem>>)
        %scan3A_264 = arith.constant 0 : i32
        %scan3A_265 = arith.constant 0 : i32
        %scan3A_266 = arith.constant 100 : i32
        %scan3A_267 = arith.addi %scan3A_265, %scan3A_266 : i32
        %scan3A_268 = arith.constant 1 : i32
        %scan3A_269 = scf.for %scan3A_283 = %scan3A_265 to %scan3A_267 step %scan3A_268 iter_args(%scan3A_284 = %scan3A_264) -> (i32)  : i32 {
          %mul3A_285 = arith.constant 8 : i32
          %mul3A_286 = arith.muli %scan3A_283, %mul3A_285 : i32
          %add3A_287 = arith.constant 0 : i32
          %add3A_288 = arith.addi %mul3A_286, %add3A_287 : i32
          %mul3A_289 = arith.constant 16 : i32
          %mul3A_290 = arith.muli %add3A_288, %mul3A_289 : i32
          %get3A = arith.index_cast %mul3A_290 : i32 to index
          %get3A_291 = tpu.vector_load %arg8[%get3A] {strides = array<i32>} : memref<12800xi32, #tpu.memory_space<vmem>>, vector<16xi32>,
          %and3A_292 = arith.constant 8191 : i32
          %and3A_293 = vector.broadcast %and3A_292 : i32 to vector<16xi32>
          %and3A_294 = arith.andi %get3A_291, %and3A_293 : vector<16xi32>
          %add3A_295 = arith.constant 1048576 : i32
          %add3A_296 = vector.broadcast %add3A_295 : i32 to vector<16xi32>
          %add3A_297 = arith.addi %and3A_294, %add3A_296 : vector<16xi32>
          %ge3A_298 = arith.constant 1048576 : i32
          %ge3A_299 = vector.broadcast %ge3A_298 : i32 to vector<16xi32>
          %ge3A_300 = arith.cmpi sge, %get3A_291, %ge3A_299 : vector<16xi32>
          %sub3A = arith.constant 1048576 : i32
          %sub3A_301 = vector.broadcast %sub3A : i32 to vector<16xi32>
          %sub3A_302 = arith.subi %get3A_291, %sub3A_301 : vector<16xi32>
          %select_n3A = arith.select %ge3A_300, %sub3A_302, %add3A_297 : vector<16xi1>, vector<16xi32>
          %swap3A = arith.index_cast %mul3A_290 : i32 to index
          %swap3A_303 = tpu.vector_load %arg8[%swap3A] {strides = array<i32>} : memref<12800xi32, #tpu.memory_space<vmem>>, vector<16xi32>,
          tpu.vector_store %arg8[%swap3A], %select_n3A {strides = array<i32>} : memref<12800xi32, #tpu.memory_space<vmem>>, vector<16xi32>,
          %mul3A_304 = arith.constant 8 : i32
          %mul3A_305 = arith.muli %scan3A_283, %mul3A_304 : i32
          %add3A_306 = arith.constant 1 : i32
          %add3A_307 = arith.addi %mul3A_305, %add3A_306 : i32
          %mul3A_308 = arith.constant 16 : i32
          %mul3A_309 = arith.muli %add3A_307, %mul3A_308 : i32
          %get3A_310 = arith.index_cast %mul3A_309 : i32 to index
          %get3A_311 = tpu.vector_load %arg8[%get3A_310] {strides = array<i32>} : memref<12800xi32, #tpu.memory_space<vmem>>, vector<16xi32>,
          %and3A_312 = arith.constant 8191 : i32
          %and3A_313 = vector.broadcast %and3A_312 : i32 to vector<16xi32>
          %and3A_314 = arith.andi %get3A_311, %and3A_313 : vector<16xi32>
          %add3A_315 = arith.constant 1048576 : i32
          %add3A_316 = vector.broadcast %add3A_315 : i32 to vector<16xi32>
          %add3A_317 = arith.addi %and3A_314, %add3A_316 : vector<16xi32>
          %ge3A_318 = arith.constant 1048576 : i32
          %ge3A_319 = vector.broadcast %ge3A_318 : i32 to vector<16xi32>
          %ge3A_320 = arith.cmpi sge, %get3A_311, %ge3A_319 : vector<16xi32>
          %sub3A_321 = arith.constant 1048576 : i32
          %sub3A_322 = vector.broadcast %sub3A_321 : i32 to vector<16xi32>
          %sub3A_323 = arith.subi %get3A_311, %sub3A_322 : vector<16xi32>
          %select_n3A_324 = arith.select %ge3A_320, %sub3A_323, %add3A_317 : vector<16xi1>, vector<16xi32>
          %swap3A_325 = arith.index_cast %mul3A_309 : i32 to index
          %swap3A_326 = tpu.vector_load %arg8[%swap3A_325] {strides = array<i32>} : memref<12800xi32, #tpu.memory_space<vmem>>, vector<16xi32>,
          tpu.vector_store %arg8[%swap3A_325], %select_n3A_324 {strides = array<i32>} : memref<12800xi32, #tpu.memory_space<vmem>>, vector<16xi32>,
          %mul3A_327 = arith.constant 8 : i32
          %mul3A_328 = arith.muli %scan3A_283, %mul3A_327 : i32
          %add3A_329 = arith.constant 2 : i32
          %add3A_330 = arith.addi %mul3A_328, %add3A_329 : i32
          %mul3A_331 = arith.constant 16 : i32
          %mul3A_332 = arith.muli %add3A_330, %mul3A_331 : i32
          %get3A_333 = arith.index_cast %mul3A_332 : i32 to index
          %get3A_334 = tpu.vector_load %arg8[%get3A_333] {strides = array<i32>} : memref<12800xi32, #tpu.memory_space<vmem>>, vector<16xi32>,
          %and3A_335 = arith.constant 8191 : i32
          %and3A_336 = vector.broadcast %and3A_335 : i32 to vector<16xi32>
          %and3A_337 = arith.andi %get3A_334, %and3A_336 : vector<16xi32>
          %add3A_338 = arith.constant 1048576 : i32
          %add3A_339 = vector.broadcast %add3A_338 : i32 to vector<16xi32>
          %add3A_340 = arith.addi %and3A_337, %add3A_339 : vector<16xi32>
          %ge3A_341 = arith.constant 1048576 : i32
          %ge3A_342 = vector.broadcast %ge3A_341 : i32 to vector<16xi32>
          %ge3A_343 = arith.cmpi sge, %get3A_334, %ge3A_342 : vector<16xi32>
          %sub3A_344 = arith.constant 1048576 : i32
          %sub3A_345 = vector.broadcast %sub3A_344 : i32 to vector<16xi32>
          %sub3A_346 = arith.subi %get3A_334, %sub3A_345 : vector<16xi32>
          %select_n3A_347 = arith.select %ge3A_343, %sub3A_346, %add3A_340 : vector<16xi1>, vector<16xi32>
          %swap3A_348 = arith.index_cast %mul3A_332 : i32 to index
          %swap3A_349 = tpu.vector_load %arg8[%swap3A_348] {strides = array<i32>} : memref<12800xi32, #tpu.memory_space<vmem>>, vector<16xi32>,
          tpu.vector_store %arg8[%swap3A_348], %select_n3A_347 {strides = array<i32>} : memref<12800xi32, #tpu.memory_space<vmem>>, vector<16xi32>,
          %mul3A_350 = arith.constant 8 : i32
          %mul3A_351 = arith.muli %scan3A_283, %mul3A_350 : i32
          %add3A_352 = arith.constant 3 : i32
          %add3A_353 = arith.addi %mul3A_351, %add3A_352 : i32
          %mul3A_354 = arith.constant 16 : i32
          %mul3A_355 = arith.muli %add3A_353, %mul3A_354 : i32
          %get3A_356 = arith.index_cast %mul3A_355 : i32 to index
          %get3A_357 = tpu.vector_load %arg8[%get3A_356] {strides = array<i32>} : memref<12800xi32, #tpu.memory_space<vmem>>, vector<16xi32>,
          %and3A_358 = arith.constant 8191 : i32
          %and3A_359 = vector.broadcast %and3A_358 : i32 to vector<16xi32>
          %and3A_360 = arith.andi %get3A_357, %and3A_359 : vector<16xi32>
          %add3A_361 = arith.constant 1048576 : i32
          %add3A_362 = vector.broadcast %add3A_361 : i32 to vector<16xi32>
          %add3A_363 = arith.addi %and3A_360, %add3A_362 : vector<16xi32>
          %ge3A_364 = arith.constant 1048576 : i32
          %ge3A_365 = vector.broadcast %ge3A_364 : i32 to vector<16xi32>
          %ge3A_366 = arith.cmpi sge, %get3A_357, %ge3A_365 : vector<16xi32>
          %sub3A_367 = arith.constant 1048576 : i32
          %sub3A_368 = vector.broadcast %sub3A_367 : i32 to vector<16xi32>
          %sub3A_369 = arith.subi %get3A_357, %sub3A_368 : vector<16xi32>
          %select_n3A_370 = arith.select %ge3A_366, %sub3A_369, %add3A_363 : vector<16xi1>, vector<16xi32>
          %swap3A_371 = arith.index_cast %mul3A_355 : i32 to index
          %swap3A_372 = tpu.vector_load %arg8[%swap3A_371] {strides = array<i32>} : memref<12800xi32, #tpu.memory_space<vmem>>, vector<16xi32>,
          tpu.vector_store %arg8[%swap3A_371], %select_n3A_370 {strides = array<i32>} : memref<12800xi32, #tpu.memory_space<vmem>>, vector<16xi32>,
          %mul3A_373 = arith.constant 8 : i32
          %mul3A_374 = arith.muli %scan3A_283, %mul3A_373 : i32
          %add3A_375 = arith.constant 4 : i32
          %add3A_376 = arith.addi %mul3A_374, %add3A_375 : i32
          %mul3A_377 = arith.constant 16 : i32
          %mul3A_378 = arith.muli %add3A_376, %mul3A_377 : i32
          %get3A_379 = arith.index_cast %mul3A_378 : i32 to index
          %get3A_380 = tpu.vector_load %arg8[%get3A_379] {strides = array<i32>} : memref<12800xi32, #tpu.memory_space<vmem>>, vector<16xi32>,
          %and3A_381 = arith.constant 8191 : i32
          %and3A_382 = vector.broadcast %and3A_381 : i32 to vector<16xi32>
          %and3A_383 = arith.andi %get3A_380, %and3A_382 : vector<16xi32>
          %add3A_384 = arith.constant 1048576 : i32
          %add3A_385 = vector.broadcast %add3A_384 : i32 to vector<16xi32>
          %add3A_386 = arith.addi %and3A_383, %add3A_385 : vector<16xi32>
          %ge3A_387 = arith.constant 1048576 : i32
          %ge3A_388 = vector.broadcast %ge3A_387 : i32 to vector<16xi32>
          %ge3A_389 = arith.cmpi sge, %get3A_380, %ge3A_388 : vector<16xi32>
          %sub3A_390 = arith.constant 1048576 : i32
          %sub3A_391 = vector.broadcast %sub3A_390 : i32 to vector<16xi32>
          %sub3A_392 = arith.subi %get3A_380, %sub3A_391 : vector<16xi32>
          %select_n3A_393 = arith.select %ge3A_389, %sub3A_392, %add3A_386 : vector<16xi1>, vector<16xi32>
          %swap3A_394 = arith.index_cast %mul3A_378 : i32 to index
          %swap3A_395 = tpu.vector_load %arg8[%swap3A_394] {strides = array<i32>} : memref<12800xi32, #tpu.memory_space<vmem>>, vector<16xi32>,
          tpu.vector_store %arg8[%swap3A_394], %select_n3A_393 {strides = array<i32>} : memref<12800xi32, #tpu.memory_space<vmem>>, vector<16xi32>,
          %mul3A_396 = arith.constant 8 : i32
          %mul3A_397 = arith.muli %scan3A_283, %mul3A_396 : i32
          %add3A_398 = arith.constant 5 : i32
          %add3A_399 = arith.addi %mul3A_397, %add3A_398 : i32
          %mul3A_400 = arith.constant 16 : i32
          %mul3A_401 = arith.muli %add3A_399, %mul3A_400 : i32
          %get3A_402 = arith.index_cast %mul3A_401 : i32 to index
          %get3A_403 = tpu.vector_load %arg8[%get3A_402] {strides = array<i32>} : memref<12800xi32, #tpu.memory_space<vmem>>, vector<16xi32>,
          %and3A_404 = arith.constant 8191 : i32
          %and3A_405 = vector.broadcast %and3A_404 : i32 to vector<16xi32>
          %and3A_406 = arith.andi %get3A_403, %and3A_405 : vector<16xi32>
          %add3A_407 = arith.constant 1048576 : i32
          %add3A_408 = vector.broadcast %add3A_407 : i32 to vector<16xi32>
          %add3A_409 = arith.addi %and3A_406, %add3A_408 : vector<16xi32>
          %ge3A_410 = arith.constant 1048576 : i32
          %ge3A_411 = vector.broadcast %ge3A_410 : i32 to vector<16xi32>
          %ge3A_412 = arith.cmpi sge, %get3A_403, %ge3A_411 : vector<16xi32>
          %sub3A_413 = arith.constant 1048576 : i32
          %sub3A_414 = vector.broadcast %sub3A_413 : i32 to vector<16xi32>
          %sub3A_415 = arith.subi %get3A_403, %sub3A_414 : vector<16xi32>
          %select_n3A_416 = arith.select %ge3A_412, %sub3A_415, %add3A_409 : vector<16xi1>, vector<16xi32>
          %swap3A_417 = arith.index_cast %mul3A_401 : i32 to index
          %swap3A_418 = tpu.vector_load %arg8[%swap3A_417] {strides = array<i32>} : memref<12800xi32, #tpu.memory_space<vmem>>, vector<16xi32>,
          tpu.vector_store %arg8[%swap3A_417], %select_n3A_416 {strides = array<i32>} : memref<12800xi32, #tpu.memory_space<vmem>>, vector<16xi32>,
          %mul3A_419 = arith.constant 8 : i32
          %mul3A_420 = arith.muli %scan3A_283, %mul3A_419 : i32
          %add3A_421 = arith.constant 6 : i32
          %add3A_422 = arith.addi %mul3A_420, %add3A_421 : i32
          %mul3A_423 = arith.constant 16 : i32
          %mul3A_424 = arith.muli %add3A_422, %mul3A_423 : i32
          %get3A_425 = arith.index_cast %mul3A_424 : i32 to index
          %get3A_426 = tpu.vector_load %arg8[%get3A_425] {strides = array<i32>} : memref<12800xi32, #tpu.memory_space<vmem>>, vector<16xi32>,
          %and3A_427 = arith.constant 8191 : i32
          %and3A_428 = vector.broadcast %and3A_427 : i32 to vector<16xi32>
          %and3A_429 = arith.andi %get3A_426, %and3A_428 : vector<16xi32>
          %add3A_430 = arith.constant 1048576 : i32
          %add3A_431 = vector.broadcast %add3A_430 : i32 to vector<16xi32>
          %add3A_432 = arith.addi %and3A_429, %add3A_431 : vector<16xi32>
          %ge3A_433 = arith.constant 1048576 : i32
          %ge3A_434 = vector.broadcast %ge3A_433 : i32 to vector<16xi32>
          %ge3A_435 = arith.cmpi sge, %get3A_426, %ge3A_434 : vector<16xi32>
          %sub3A_436 = arith.constant 1048576 : i32
          %sub3A_437 = vector.broadcast %sub3A_436 : i32 to vector<16xi32>
          %sub3A_438 = arith.subi %get3A_426, %sub3A_437 : vector<16xi32>
          %select_n3A_439 = arith.select %ge3A_435, %sub3A_438, %add3A_432 : vector<16xi1>, vector<16xi32>
          %swap3A_440 = arith.index_cast %mul3A_424 : i32 to index
          %swap3A_441 = tpu.vector_load %arg8[%swap3A_440] {strides = array<i32>} : memref<12800xi32, #tpu.memory_space<vmem>>, vector<16xi32>,
          tpu.vector_store %arg8[%swap3A_440], %select_n3A_439 {strides = array<i32>} : memref<12800xi32, #tpu.memory_space<vmem>>, vector<16xi32>,
          %mul3A_442 = arith.constant 8 : i32
          %mul3A_443 = arith.muli %scan3A_283, %mul3A_442 : i32
          %add3A_444 = arith.constant 7 : i32
          %add3A_445 = arith.addi %mul3A_443, %add3A_444 : i32
          %mul3A_446 = arith.constant 16 : i32
          %mul3A_447 = arith.muli %add3A_445, %mul3A_446 : i32
          %get3A_448 = arith.index_cast %mul3A_447 : i32 to index
          %get3A_449 = tpu.vector_load %arg8[%get3A_448] {strides = array<i32>} : memref<12800xi32, #tpu.memory_space<vmem>>, vector<16xi32>,
          %and3A_450 = arith.constant 8191 : i32
          %and3A_451 = vector.broadcast %and3A_450 : i32 to vector<16xi32>
          %and3A_452 = arith.andi %get3A_449, %and3A_451 : vector<16xi32>
          %add3A_453 = arith.constant 1048576 : i32
          %add3A_454 = vector.broadcast %add3A_453 : i32 to vector<16xi32>
          %add3A_455 = arith.addi %and3A_452, %add3A_454 : vector<16xi32>
          %ge3A_456 = arith.constant 1048576 : i32
          %ge3A_457 = vector.broadcast %ge3A_456 : i32 to vector<16xi32>
          %ge3A_458 = arith.cmpi sge, %get3A_449, %ge3A_457 : vector<16xi32>
          %sub3A_459 = arith.constant 1048576 : i32
          %sub3A_460 = vector.broadcast %sub3A_459 : i32 to vector<16xi32>
          %sub3A_461 = arith.subi %get3A_449, %sub3A_460 : vector<16xi32>
          %select_n3A_462 = arith.select %ge3A_458, %sub3A_461, %add3A_455 : vector<16xi1>, vector<16xi32>
          %swap3A_463 = arith.index_cast %mul3A_447 : i32 to index
          %swap3A_464 = tpu.vector_load %arg8[%swap3A_463] {strides = array<i32>} : memref<12800xi32, #tpu.memory_space<vmem>>, vector<16xi32>,
          tpu.vector_store %arg8[%swap3A_463], %select_n3A_462 {strides = array<i32>} : memref<12800xi32, #tpu.memory_space<vmem>>, vector<16xi32>,
          %scan3A_465 = arith.constant 0 : i32
          scf.yield %scan3A_465 : i32
        }
        %scan3A_270 = arith.constant 100 : i32
        %dma_start3A_271 = arith.constant 0 : i32
        %dma_start3A_272 = tpu.memref_slice %arg10[%dma_start3A_271] : memref<12800xf32, #tpu.memory_space<vmem>> -> memref<6400xf32, #tpu.memory_space<vmem>>
        %dma_start3A_273 = arith.constant 0 : i32
        %dma_start3A_274 = tpu.memref_slice %arg8[%dma_start3A_273] : memref<12800xi32, #tpu.memory_space<vmem>> -> memref<6400xi32, #tpu.memory_space<vmem>>
        %dma_start3A_275 = arith.constant 0 : i32
        %dma_start3A_276 = tpu.memref_slice %arg6[%dma_start3A_275] : memref<1056768xf32, #tpu.memory_space<vmem_shared>> -> memref<1056768xf32, #tpu.memory_space<vmem_shared>>
        tpu.enqueue_indirect_dma source(%dma_start3A_276 : memref<1056768xf32, #tpu.memory_space<vmem_shared>>) target(%dma_start3A_272 : memref<6400xf32, #tpu.memory_space<vmem>>) offsets(%dma_start3A_274 : memref<6400xi32, #tpu.memory_space<vmem>>) semaphore(%arg18 : memref<!tpu.dma_semaphore, #tpu.memory_space<semaphore_mem>>)
        %dma_start3A_277 = arith.constant 6400 : i32
        %dma_start3A_278 = tpu.memref_slice %arg10[%dma_start3A_277] : memref<12800xf32, #tpu.memory_space<vmem>> -> memref<6400xf32, #tpu.memory_space<vmem>>
        %dma_start3A_279 = arith.constant 6400 : i32
        %dma_start3A_280 = tpu.memref_slice %arg8[%dma_start3A_279] : memref<12800xi32, #tpu.memory_space<vmem>> -> memref<6400xi32, #tpu.memory_space<vmem>>
        %dma_start3A_281 = arith.constant 0 : i32
        %dma_start3A_282 = tpu.memref_slice %arg6[%dma_start3A_281] : memref<1056768xf32, #tpu.memory_space<vmem_shared>> -> memref<1056768xf32, #tpu.memory_space<vmem_shared>>
        tpu.enqueue_indirect_dma source(%dma_start3A_282 : memref<1056768xf32, #tpu.memory_space<vmem_shared>>) target(%dma_start3A_278 : memref<6400xf32, #tpu.memory_space<vmem>>) offsets(%dma_start3A_280 : memref<6400xi32, #tpu.memory_space<vmem>>) semaphore(%arg24 : memref<!tpu.dma_semaphore, #tpu.memory_space<semaphore_mem>>)
      } else {
      }
      %mul3A_153 = arith.constant 32 : i32
      %mul3A_154 = arith.muli %add3A_143, %mul3A_153 : i32
      %add3A_155 = arith.addi %add3A, %mul3A_154 : i32
      %lt3A_156 = arith.constant 625 : i32
      %lt3A_157 = arith.cmpi slt, %add3A_155, %lt3A_156 : i32
      %convert_element_type3A_158 = arith.extui %lt3A_157 : i1 to i32
      %cond3A_159 = arith.constant 0 : i32
      %cond3A_160 = arith.cmpi ne, %convert_element_type3A_158, %cond3A_159 : i32
      scf.if %cond3A_160 {
        %dma_wait3A_260 = arith.constant 0 : i32
        %dma_wait3A_261 = tpu.memref_slice %arg9[%dma_wait3A_260] : memref<12800xf32, #tpu.memory_space<vmem>> -> memref<6400xf32, #tpu.memory_space<vmem>>
        %dma_wait3A_262 = arith.constant 0 : i32
        %dma_wait3A_263 = tpu.memref_slice %arg7[%dma_wait3A_262] : memref<12800xi32, #tpu.memory_space<vmem>> -> memref<6400xi32, #tpu.memory_space<vmem>>
        %dma_wait3A_264 = arith.constant 0 : i32
        %dma_wait3A_265 = tpu.memref_slice %arg6[%dma_wait3A_264] : memref<1056768xf32, #tpu.memory_space<vmem_shared>> -> memref<1056768xf32, #tpu.memory_space<vmem_shared>>
        tpu.wait_indirect_dma semaphore(%arg17 : memref<!tpu.dma_semaphore, #tpu.memory_space<semaphore_mem>>) src(%dma_wait3A_265 : memref<1056768xf32, #tpu.memory_space<vmem_shared>>) dst(%dma_wait3A_261 : memref<6400xf32, #tpu.memory_space<vmem>>)
        %dma_wait3A_266 = arith.constant 6400 : i32
        %dma_wait3A_267 = tpu.memref_slice %arg9[%dma_wait3A_266] : memref<12800xf32, #tpu.memory_space<vmem>> -> memref<6400xf32, #tpu.memory_space<vmem>>
        %dma_wait3A_268 = arith.constant 6400 : i32
        %dma_wait3A_269 = tpu.memref_slice %arg7[%dma_wait3A_268] : memref<12800xi32, #tpu.memory_space<vmem>> -> memref<6400xi32, #tpu.memory_space<vmem>>
        %dma_wait3A_270 = arith.constant 0 : i32
        %dma_wait3A_271 = tpu.memref_slice %arg6[%dma_wait3A_270] : memref<1056768xf32, #tpu.memory_space<vmem_shared>> -> memref<1056768xf32, #tpu.memory_space<vmem_shared>>
        tpu.wait_indirect_dma semaphore(%arg23 : memref<!tpu.dma_semaphore, #tpu.memory_space<semaphore_mem>>) src(%dma_wait3A_271 : memref<1056768xf32, #tpu.memory_space<vmem_shared>>) dst(%dma_wait3A_267 : memref<6400xf32, #tpu.memory_space<vmem>>)
      } else {
      }
      %add3A_161 = arith.constant 2 : i32
      %add3A_162 = arith.addi %add3A_143, %add3A_161 : i32
      %mul3A_163 = arith.constant 32 : i32
      %mul3A_164 = arith.muli %add3A_162, %mul3A_163 : i32
      %add3A_165 = arith.addi %add3A, %mul3A_164 : i32
      %lt3A_166 = arith.constant 625 : i32
      %lt3A_167 = arith.cmpi slt, %add3A_165, %lt3A_166 : i32
      %convert_element_type3A_168 = arith.extui %lt3A_167 : i1 to i32
      %cond3A_169 = arith.constant 0 : i32
      %cond3A_170 = arith.cmpi ne, %convert_element_type3A_168, %cond3A_169 : i32
      scf.if %cond3A_170 {
        %add3A_260 = arith.constant 2 : i32
        %add3A_261 = arith.addi %add3A_143, %add3A_260 : i32
        %mul3A_262 = arith.constant 32 : i32
        %mul3A_263 = arith.muli %add3A_261, %mul3A_262 : i32
        %add3A_264 = arith.addi %add3A, %mul3A_263 : i32
        %mul3A_265 = arith.constant 12800 : i32
        %mul3A_266 = arith.muli %add3A_264, %mul3A_265 : i32
        %dma_start3A_267 = tpu.memref_slice %arg3[%mul3A_266] : memref<8000000xi32, #tpu.memory_space<hbm>> -> memref<12800xi32, #tpu.memory_space<hbm>>
        %dma_start3A_268 = tpu.memref_slice %arg3[%mul3A_266] : memref<8000000xi32, #tpu.memory_space<hbm>> -> memref<12800xi32, #tpu.memory_space<hbm>>
        tpu.enqueue_dma source(%dma_start3A_268 : memref<12800xi32, #tpu.memory_space<hbm>>) target(%arg7 : memref<12800xi32, #tpu.memory_space<vmem>>) target_semaphore(%arg15 : memref<!tpu.dma_semaphore, #tpu.memory_space<semaphore_mem>>)
      } else {
      }
      %ge3A = arith.constant 2 : i32
      %ge3A_171 = arith.cmpi sge, %add3A_143, %ge3A : i32
      %mul3A_172 = arith.constant 32 : i32
      %mul3A_173 = arith.muli %add3A_143, %mul3A_172 : i32
      %add3A_174 = arith.addi %add3A, %mul3A_173 : i32
      %lt3A_175 = arith.constant 625 : i32
      %lt3A_176 = arith.cmpi slt, %add3A_174, %lt3A_175 : i32
      %and3A = arith.andi %ge3A_171, %lt3A_176 : i1
      %convert_element_type3A_177 = arith.extui %and3A : i1 to i32
      %cond3A_178 = arith.constant 0 : i32
      %cond3A_179 = arith.cmpi ne, %convert_element_type3A_177, %cond3A_178 : i32
      scf.if %cond3A_179 {
        %dma_wait3A_260 = arith.constant 0 : i32
        %dma_wait3A_261 = tpu.memref_slice %arg4[%dma_wait3A_260] : memref<2000000xf32, #tpu.memory_space<hbm>> -> memref<3200xf32, #tpu.memory_space<hbm>>
        %dma_wait3A_262 = arith.constant 0 : i32
        %dma_wait3A_263 = tpu.memref_slice %arg4[%dma_wait3A_262] : memref<2000000xf32, #tpu.memory_space<hbm>> -> memref<3200xf32, #tpu.memory_space<hbm>>
        tpu.wait_dma2 semaphore(%arg19 : memref<!tpu.dma_semaphore, #tpu.memory_space<semaphore_mem>>) src(%arg11 : memref<3200xf32, #tpu.memory_space<vmem>>) dst(%dma_wait3A_263 : memref<3200xf32, #tpu.memory_space<hbm>>)
      } else {
      }
      %mul3A_180 = arith.constant 32 : i32
      %mul3A_181 = arith.muli %add3A_143, %mul3A_180 : i32
      %add3A_182 = arith.addi %add3A, %mul3A_181 : i32
      %lt3A_183 = arith.constant 625 : i32
      %lt3A_184 = arith.cmpi slt, %add3A_182, %lt3A_183 : i32
      %convert_element_type3A_185 = arith.extui %lt3A_184 : i1 to i32
      %cond3A_186 = arith.constant 0 : i32
      %cond3A_187 = arith.cmpi ne, %convert_element_type3A_185, %cond3A_186 : i32
      scf.if %cond3A_187 {
        %dma_wait3A_260 = arith.constant 0 : i32
        %dma_wait3A_261 = tpu.memref_slice %arg5[%dma_wait3A_260] : memref<2000000xf32, #tpu.memory_space<hbm>> -> memref<3200xf32, #tpu.memory_space<hbm>>
        %dma_wait3A_262 = arith.constant 0 : i32
        %dma_wait3A_263 = tpu.memref_slice %arg5[%dma_wait3A_262] : memref<2000000xf32, #tpu.memory_space<hbm>> -> memref<3200xf32, #tpu.memory_space<hbm>>
        tpu.wait_dma2 semaphore(%arg21 : memref<!tpu.dma_semaphore, #tpu.memory_space<semaphore_mem>>) src(%dma_wait3A_263 : memref<3200xf32, #tpu.memory_space<hbm>>) dst(%arg13 : memref<3200xf32, #tpu.memory_space<vmem>>)
        %scan3A_264 = arith.constant 0 : i32
        %scan3A_265 = arith.constant 0 : i32
        %scan3A_266 = arith.constant 200 : i32
        %scan3A_267 = arith.addi %scan3A_265, %scan3A_266 : i32
        %scan3A_268 = arith.constant 1 : i32
        %scan3A_269 = scf.for %scan3A_278 = %scan3A_265 to %scan3A_267 step %scan3A_268 iter_args(%scan3A_279 = %scan3A_264) -> (i32)  : i32 {
          %mul3A_280 = arith.constant 4 : i32
          %mul3A_281 = vector.broadcast %mul3A_280 : i32 to vector<16xi32>
          %mul3A_282 = arith.muli %iota3A, %mul3A_281 : vector<16xi32>
          %mul3A_283 = arith.constant 64 : i32
          %mul3A_284 = arith.muli %scan3A_278, %mul3A_283 : i32
          %add3A_285 = vector.broadcast %mul3A_284 : i32 to vector<16xi32>
          %add3A_286 = arith.addi %mul3A_282, %add3A_285 : vector<16xi32>
          %gather3A = tpu.vector_load_idx %arg9[%add3A_286] : memref<12800xf32, #tpu.memory_space<vmem>>[vector<16xi32>], vector<16xf32>,
          %add3A_287 = arith.constant 1 : i32
          %add3A_288 = vector.broadcast %add3A_287 : i32 to vector<16xi32>
          %add3A_289 = arith.addi %add3A_286, %add3A_288 : vector<16xi32>
          %gather3A_290 = tpu.vector_load_idx %arg9[%add3A_289] : memref<12800xf32, #tpu.memory_space<vmem>>[vector<16xi32>], vector<16xf32>,
          %add3A_291 = arith.constant 2 : i32
          %add3A_292 = vector.broadcast %add3A_291 : i32 to vector<16xi32>
          %add3A_293 = arith.addi %add3A_286, %add3A_292 : vector<16xi32>
          %gather3A_294 = tpu.vector_load_idx %arg9[%add3A_293] : memref<12800xf32, #tpu.memory_space<vmem>>[vector<16xi32>], vector<16xf32>,
          %add3A_295 = arith.constant 3 : i32
          %add3A_296 = vector.broadcast %add3A_295 : i32 to vector<16xi32>
          %add3A_297 = arith.addi %add3A_286, %add3A_296 : vector<16xi32>
          %gather3A_298 = tpu.vector_load_idx %arg9[%add3A_297] : memref<12800xf32, #tpu.memory_space<vmem>>[vector<16xi32>], vector<16xf32>,
          %add3A_299 = arith.addf %gather3A, %gather3A_290 : vector<16xf32>
          %add3A_300 = arith.addf %gather3A_294, %gather3A_298 : vector<16xf32>
          %add3A_301 = arith.addf %add3A_299, %add3A_300 : vector<16xf32>
          %mul3A_302 = arith.constant 16 : i32
          %mul3A_303 = arith.muli %scan3A_278, %mul3A_302 : i32
          %get3A = arith.index_cast %mul3A_303 : i32 to index
          %get3A_304 = tpu.vector_load %arg13[%get3A] {strides = array<i32>} : memref<3200xf32, #tpu.memory_space<vmem>>, vector<16xf32>,
          %add3A_305 = arith.addf %add3A_301, %get3A_304 : vector<16xf32>
          %mul3A_306 = arith.constant 16 : i32
          %mul3A_307 = arith.muli %scan3A_278, %mul3A_306 : i32
          %swap3A = arith.index_cast %mul3A_307 : i32 to index
          %swap3A_308 = tpu.vector_load %arg11[%swap3A] {strides = array<i32>} : memref<3200xf32, #tpu.memory_space<vmem>>, vector<16xf32>,
          tpu.vector_store %arg11[%swap3A], %add3A_305 {strides = array<i32>} : memref<3200xf32, #tpu.memory_space<vmem>>, vector<16xf32>,
          %scan3A_309 = arith.constant 0 : i32
          scf.yield %scan3A_309 : i32
        }
        %scan3A_270 = arith.constant 200 : i32
        %mul3A_271 = arith.constant 32 : i32
        %mul3A_272 = arith.muli %add3A_143, %mul3A_271 : i32
        %add3A_273 = arith.addi %add3A, %mul3A_272 : i32
        %mul3A_274 = arith.constant 3200 : i32
        %mul3A_275 = arith.muli %add3A_273, %mul3A_274 : i32
        %dma_start3A_276 = tpu.memref_slice %arg4[%mul3A_275] : memref<2000000xf32, #tpu.memory_space<hbm>> -> memref<3200xf32, #tpu.memory_space<hbm>>
        %dma_start3A_277 = tpu.memref_slice %arg4[%mul3A_275] : memref<2000000xf32, #tpu.memory_space<hbm>> -> memref<3200xf32, #tpu.memory_space<hbm>>
        tpu.enqueue_dma source(%arg11 : memref<3200xf32, #tpu.memory_space<vmem>>) target(%dma_start3A_277 : memref<3200xf32, #tpu.memory_space<hbm>>) target_semaphore(%arg19 : memref<!tpu.dma_semaphore, #tpu.memory_space<semaphore_mem>>)
      } else {
      }
      %add3A_188 = arith.constant 2 : i32
      %add3A_189 = arith.addi %add3A_143, %add3A_188 : i32
      %mul3A_190 = arith.constant 32 : i32
      %mul3A_191 = arith.muli %add3A_189, %mul3A_190 : i32
      %add3A_192 = arith.addi %add3A, %mul3A_191 : i32
      %lt3A_193 = arith.constant 625 : i32
      %lt3A_194 = arith.cmpi slt, %add3A_192, %lt3A_193 : i32
      %convert_element_type3A_195 = arith.extui %lt3A_194 : i1 to i32
      %cond3A_196 = arith.constant 0 : i32
      %cond3A_197 = arith.cmpi ne, %convert_element_type3A_195, %cond3A_196 : i32
      scf.if %cond3A_197 {
        %add3A_260 = arith.constant 2 : i32
        %add3A_261 = arith.addi %add3A_143, %add3A_260 : i32
        %mul3A_262 = arith.constant 32 : i32
        %mul3A_263 = arith.muli %add3A_261, %mul3A_262 : i32
        %add3A_264 = arith.addi %add3A, %mul3A_263 : i32
        %mul3A_265 = arith.constant 3200 : i32
        %mul3A_266 = arith.muli %add3A_264, %mul3A_265 : i32
        %dma_start3A_267 = tpu.memref_slice %arg5[%mul3A_266] : memref<2000000xf32, #tpu.memory_space<hbm>> -> memref<3200xf32, #tpu.memory_space<hbm>>
        %dma_start3A_268 = tpu.memref_slice %arg5[%mul3A_266] : memref<2000000xf32, #tpu.memory_space<hbm>> -> memref<3200xf32, #tpu.memory_space<hbm>>
        tpu.enqueue_dma source(%dma_start3A_268 : memref<3200xf32, #tpu.memory_space<hbm>>) target(%arg13 : memref<3200xf32, #tpu.memory_space<vmem>>) target_semaphore(%arg21 : memref<!tpu.dma_semaphore, #tpu.memory_space<semaphore_mem>>)
      } else {
      }
      %mul3A_198 = arith.constant 2 : i32
      %mul3A_199 = arith.muli %mul3A_198, %scan3A_138 : i32
      %add3A_200 = arith.constant 1 : i32
      %add3A_201 = arith.addi %mul3A_199, %add3A_200 : i32
      %add3A_202 = arith.constant 1 : i32
      %add3A_203 = arith.addi %add3A_201, %add3A_202 : i32
      %mul3A_204 = arith.constant 32 : i32
      %mul3A_205 = arith.muli %add3A_203, %mul3A_204 : i32
      %add3A_206 = arith.addi %add3A, %mul3A_205 : i32
      %lt3A_207 = arith.constant 625 : i32
      %lt3A_208 = arith.cmpi slt, %add3A_206, %lt3A_207 : i32
      %convert_element_type3A_209 = arith.extui %lt3A_208 : i1 to i32
      %cond3A_210 = arith.constant 0 : i32
      %cond3A_211 = arith.cmpi ne, %convert_element_type3A_209, %cond3A_210 : i32
      scf.if %cond3A_211 {
        %dma_wait3A_260 = arith.constant 0 : i32
        %dma_wait3A_261 = tpu.memref_slice %arg3[%dma_wait3A_260] : memref<8000000xi32, #tpu.memory_space<hbm>> -> memref<12800xi32, #tpu.memory_space<hbm>>
        %dma_wait3A_262 = arith.constant 0 : i32
        %dma_wait3A_263 = tpu.memref_slice %arg3[%dma_wait3A_262] : memref<8000000xi32, #tpu.memory_space<hbm>> -> memref<12800xi32, #tpu.memory_space<hbm>>
        tpu.wait_dma2 semaphore(%arg15 : memref<!tpu.dma_semaphore, #tpu.memory_space<semaphore_mem>>) src(%dma_wait3A_263 : memref<12800xi32, #tpu.memory_space<hbm>>) dst(%arg7 : memref<12800xi32, #tpu.memory_space<vmem>>)
        %scan3A_264 = arith.constant 0 : i32
        %scan3A_265 = arith.constant 0 : i32
        %scan3A_266 = arith.constant 100 : i32
        %scan3A_267 = arith.addi %scan3A_265, %scan3A_266 : i32
        %scan3A_268 = arith.constant 1 : i32
        %scan3A_269 = scf.for %scan3A_283 = %scan3A_265 to %scan3A_267 step %scan3A_268 iter_args(%scan3A_284 = %scan3A_264) -> (i32)  : i32 {
          %mul3A_285 = arith.constant 8 : i32
          %mul3A_286 = arith.muli %scan3A_283, %mul3A_285 : i32
          %add3A_287 = arith.constant 0 : i32
          %add3A_288 = arith.addi %mul3A_286, %add3A_287 : i32
          %mul3A_289 = arith.constant 16 : i32
          %mul3A_290 = arith.muli %add3A_288, %mul3A_289 : i32
          %get3A = arith.index_cast %mul3A_290 : i32 to index
          %get3A_291 = tpu.vector_load %arg7[%get3A] {strides = array<i32>} : memref<12800xi32, #tpu.memory_space<vmem>>, vector<16xi32>,
          %and3A_292 = arith.constant 8191 : i32
          %and3A_293 = vector.broadcast %and3A_292 : i32 to vector<16xi32>
          %and3A_294 = arith.andi %get3A_291, %and3A_293 : vector<16xi32>
          %add3A_295 = arith.constant 1048576 : i32
          %add3A_296 = vector.broadcast %add3A_295 : i32 to vector<16xi32>
          %add3A_297 = arith.addi %and3A_294, %add3A_296 : vector<16xi32>
          %ge3A_298 = arith.constant 1048576 : i32
          %ge3A_299 = vector.broadcast %ge3A_298 : i32 to vector<16xi32>
          %ge3A_300 = arith.cmpi sge, %get3A_291, %ge3A_299 : vector<16xi32>
          %sub3A = arith.constant 1048576 : i32
          %sub3A_301 = vector.broadcast %sub3A : i32 to vector<16xi32>
          %sub3A_302 = arith.subi %get3A_291, %sub3A_301 : vector<16xi32>
          %select_n3A = arith.select %ge3A_300, %sub3A_302, %add3A_297 : vector<16xi1>, vector<16xi32>
          %swap3A = arith.index_cast %mul3A_290 : i32 to index
          %swap3A_303 = tpu.vector_load %arg7[%swap3A] {strides = array<i32>} : memref<12800xi32, #tpu.memory_space<vmem>>, vector<16xi32>,
          tpu.vector_store %arg7[%swap3A], %select_n3A {strides = array<i32>} : memref<12800xi32, #tpu.memory_space<vmem>>, vector<16xi32>,
          %mul3A_304 = arith.constant 8 : i32
          %mul3A_305 = arith.muli %scan3A_283, %mul3A_304 : i32
          %add3A_306 = arith.constant 1 : i32
          %add3A_307 = arith.addi %mul3A_305, %add3A_306 : i32
          %mul3A_308 = arith.constant 16 : i32
          %mul3A_309 = arith.muli %add3A_307, %mul3A_308 : i32
          %get3A_310 = arith.index_cast %mul3A_309 : i32 to index
          %get3A_311 = tpu.vector_load %arg7[%get3A_310] {strides = array<i32>} : memref<12800xi32, #tpu.memory_space<vmem>>, vector<16xi32>,
          %and3A_312 = arith.constant 8191 : i32
          %and3A_313 = vector.broadcast %and3A_312 : i32 to vector<16xi32>
          %and3A_314 = arith.andi %get3A_311, %and3A_313 : vector<16xi32>
          %add3A_315 = arith.constant 1048576 : i32
          %add3A_316 = vector.broadcast %add3A_315 : i32 to vector<16xi32>
          %add3A_317 = arith.addi %and3A_314, %add3A_316 : vector<16xi32>
          %ge3A_318 = arith.constant 1048576 : i32
          %ge3A_319 = vector.broadcast %ge3A_318 : i32 to vector<16xi32>
          %ge3A_320 = arith.cmpi sge, %get3A_311, %ge3A_319 : vector<16xi32>
          %sub3A_321 = arith.constant 1048576 : i32
          %sub3A_322 = vector.broadcast %sub3A_321 : i32 to vector<16xi32>
          %sub3A_323 = arith.subi %get3A_311, %sub3A_322 : vector<16xi32>
          %select_n3A_324 = arith.select %ge3A_320, %sub3A_323, %add3A_317 : vector<16xi1>, vector<16xi32>
          %swap3A_325 = arith.index_cast %mul3A_309 : i32 to index
          %swap3A_326 = tpu.vector_load %arg7[%swap3A_325] {strides = array<i32>} : memref<12800xi32, #tpu.memory_space<vmem>>, vector<16xi32>,
          tpu.vector_store %arg7[%swap3A_325], %select_n3A_324 {strides = array<i32>} : memref<12800xi32, #tpu.memory_space<vmem>>, vector<16xi32>,
          %mul3A_327 = arith.constant 8 : i32
          %mul3A_328 = arith.muli %scan3A_283, %mul3A_327 : i32
          %add3A_329 = arith.constant 2 : i32
          %add3A_330 = arith.addi %mul3A_328, %add3A_329 : i32
          %mul3A_331 = arith.constant 16 : i32
          %mul3A_332 = arith.muli %add3A_330, %mul3A_331 : i32
          %get3A_333 = arith.index_cast %mul3A_332 : i32 to index
          %get3A_334 = tpu.vector_load %arg7[%get3A_333] {strides = array<i32>} : memref<12800xi32, #tpu.memory_space<vmem>>, vector<16xi32>,
          %and3A_335 = arith.constant 8191 : i32
          %and3A_336 = vector.broadcast %and3A_335 : i32 to vector<16xi32>
          %and3A_337 = arith.andi %get3A_334, %and3A_336 : vector<16xi32>
          %add3A_338 = arith.constant 1048576 : i32
          %add3A_339 = vector.broadcast %add3A_338 : i32 to vector<16xi32>
          %add3A_340 = arith.addi %and3A_337, %add3A_339 : vector<16xi32>
          %ge3A_341 = arith.constant 1048576 : i32
          %ge3A_342 = vector.broadcast %ge3A_341 : i32 to vector<16xi32>
          %ge3A_343 = arith.cmpi sge, %get3A_334, %ge3A_342 : vector<16xi32>
          %sub3A_344 = arith.constant 1048576 : i32
          %sub3A_345 = vector.broadcast %sub3A_344 : i32 to vector<16xi32>
          %sub3A_346 = arith.subi %get3A_334, %sub3A_345 : vector<16xi32>
          %select_n3A_347 = arith.select %ge3A_343, %sub3A_346, %add3A_340 : vector<16xi1>, vector<16xi32>
          %swap3A_348 = arith.index_cast %mul3A_332 : i32 to index
          %swap3A_349 = tpu.vector_load %arg7[%swap3A_348] {strides = array<i32>} : memref<12800xi32, #tpu.memory_space<vmem>>, vector<16xi32>,
          tpu.vector_store %arg7[%swap3A_348], %select_n3A_347 {strides = array<i32>} : memref<12800xi32, #tpu.memory_space<vmem>>, vector<16xi32>,
          %mul3A_350 = arith.constant 8 : i32
          %mul3A_351 = arith.muli %scan3A_283, %mul3A_350 : i32
          %add3A_352 = arith.constant 3 : i32
          %add3A_353 = arith.addi %mul3A_351, %add3A_352 : i32
          %mul3A_354 = arith.constant 16 : i32
          %mul3A_355 = arith.muli %add3A_353, %mul3A_354 : i32
          %get3A_356 = arith.index_cast %mul3A_355 : i32 to index
          %get3A_357 = tpu.vector_load %arg7[%get3A_356] {strides = array<i32>} : memref<12800xi32, #tpu.memory_space<vmem>>, vector<16xi32>,
          %and3A_358 = arith.constant 8191 : i32
          %and3A_359 = vector.broadcast %and3A_358 : i32 to vector<16xi32>
          %and3A_360 = arith.andi %get3A_357, %and3A_359 : vector<16xi32>
          %add3A_361 = arith.constant 1048576 : i32
          %add3A_362 = vector.broadcast %add3A_361 : i32 to vector<16xi32>
          %add3A_363 = arith.addi %and3A_360, %add3A_362 : vector<16xi32>
          %ge3A_364 = arith.constant 1048576 : i32
          %ge3A_365 = vector.broadcast %ge3A_364 : i32 to vector<16xi32>
          %ge3A_366 = arith.cmpi sge, %get3A_357, %ge3A_365 : vector<16xi32>
          %sub3A_367 = arith.constant 1048576 : i32
          %sub3A_368 = vector.broadcast %sub3A_367 : i32 to vector<16xi32>
          %sub3A_369 = arith.subi %get3A_357, %sub3A_368 : vector<16xi32>
          %select_n3A_370 = arith.select %ge3A_366, %sub3A_369, %add3A_363 : vector<16xi1>, vector<16xi32>
          %swap3A_371 = arith.index_cast %mul3A_355 : i32 to index
          %swap3A_372 = tpu.vector_load %arg7[%swap3A_371] {strides = array<i32>} : memref<12800xi32, #tpu.memory_space<vmem>>, vector<16xi32>,
          tpu.vector_store %arg7[%swap3A_371], %select_n3A_370 {strides = array<i32>} : memref<12800xi32, #tpu.memory_space<vmem>>, vector<16xi32>,
          %mul3A_373 = arith.constant 8 : i32
          %mul3A_374 = arith.muli %scan3A_283, %mul3A_373 : i32
          %add3A_375 = arith.constant 4 : i32
          %add3A_376 = arith.addi %mul3A_374, %add3A_375 : i32
          %mul3A_377 = arith.constant 16 : i32
          %mul3A_378 = arith.muli %add3A_376, %mul3A_377 : i32
          %get3A_379 = arith.index_cast %mul3A_378 : i32 to index
          %get3A_380 = tpu.vector_load %arg7[%get3A_379] {strides = array<i32>} : memref<12800xi32, #tpu.memory_space<vmem>>, vector<16xi32>,
          %and3A_381 = arith.constant 8191 : i32
          %and3A_382 = vector.broadcast %and3A_381 : i32 to vector<16xi32>
          %and3A_383 = arith.andi %get3A_380, %and3A_382 : vector<16xi32>
          %add3A_384 = arith.constant 1048576 : i32
          %add3A_385 = vector.broadcast %add3A_384 : i32 to vector<16xi32>
          %add3A_386 = arith.addi %and3A_383, %add3A_385 : vector<16xi32>
          %ge3A_387 = arith.constant 1048576 : i32
          %ge3A_388 = vector.broadcast %ge3A_387 : i32 to vector<16xi32>
          %ge3A_389 = arith.cmpi sge, %get3A_380, %ge3A_388 : vector<16xi32>
          %sub3A_390 = arith.constant 1048576 : i32
          %sub3A_391 = vector.broadcast %sub3A_390 : i32 to vector<16xi32>
          %sub3A_392 = arith.subi %get3A_380, %sub3A_391 : vector<16xi32>
          %select_n3A_393 = arith.select %ge3A_389, %sub3A_392, %add3A_386 : vector<16xi1>, vector<16xi32>
          %swap3A_394 = arith.index_cast %mul3A_378 : i32 to index
          %swap3A_395 = tpu.vector_load %arg7[%swap3A_394] {strides = array<i32>} : memref<12800xi32, #tpu.memory_space<vmem>>, vector<16xi32>,
          tpu.vector_store %arg7[%swap3A_394], %select_n3A_393 {strides = array<i32>} : memref<12800xi32, #tpu.memory_space<vmem>>, vector<16xi32>,
          %mul3A_396 = arith.constant 8 : i32
          %mul3A_397 = arith.muli %scan3A_283, %mul3A_396 : i32
          %add3A_398 = arith.constant 5 : i32
          %add3A_399 = arith.addi %mul3A_397, %add3A_398 : i32
          %mul3A_400 = arith.constant 16 : i32
          %mul3A_401 = arith.muli %add3A_399, %mul3A_400 : i32
          %get3A_402 = arith.index_cast %mul3A_401 : i32 to index
          %get3A_403 = tpu.vector_load %arg7[%get3A_402] {strides = array<i32>} : memref<12800xi32, #tpu.memory_space<vmem>>, vector<16xi32>,
          %and3A_404 = arith.constant 8191 : i32
          %and3A_405 = vector.broadcast %and3A_404 : i32 to vector<16xi32>
          %and3A_406 = arith.andi %get3A_403, %and3A_405 : vector<16xi32>
          %add3A_407 = arith.constant 1048576 : i32
          %add3A_408 = vector.broadcast %add3A_407 : i32 to vector<16xi32>
          %add3A_409 = arith.addi %and3A_406, %add3A_408 : vector<16xi32>
          %ge3A_410 = arith.constant 1048576 : i32
          %ge3A_411 = vector.broadcast %ge3A_410 : i32 to vector<16xi32>
          %ge3A_412 = arith.cmpi sge, %get3A_403, %ge3A_411 : vector<16xi32>
          %sub3A_413 = arith.constant 1048576 : i32
          %sub3A_414 = vector.broadcast %sub3A_413 : i32 to vector<16xi32>
          %sub3A_415 = arith.subi %get3A_403, %sub3A_414 : vector<16xi32>
          %select_n3A_416 = arith.select %ge3A_412, %sub3A_415, %add3A_409 : vector<16xi1>, vector<16xi32>
          %swap3A_417 = arith.index_cast %mul3A_401 : i32 to index
          %swap3A_418 = tpu.vector_load %arg7[%swap3A_417] {strides = array<i32>} : memref<12800xi32, #tpu.memory_space<vmem>>, vector<16xi32>,
          tpu.vector_store %arg7[%swap3A_417], %select_n3A_416 {strides = array<i32>} : memref<12800xi32, #tpu.memory_space<vmem>>, vector<16xi32>,
          %mul3A_419 = arith.constant 8 : i32
          %mul3A_420 = arith.muli %scan3A_283, %mul3A_419 : i32
          %add3A_421 = arith.constant 6 : i32
          %add3A_422 = arith.addi %mul3A_420, %add3A_421 : i32
          %mul3A_423 = arith.constant 16 : i32
          %mul3A_424 = arith.muli %add3A_422, %mul3A_423 : i32
          %get3A_425 = arith.index_cast %mul3A_424 : i32 to index
          %get3A_426 = tpu.vector_load %arg7[%get3A_425] {strides = array<i32>} : memref<12800xi32, #tpu.memory_space<vmem>>, vector<16xi32>,
          %and3A_427 = arith.constant 8191 : i32
          %and3A_428 = vector.broadcast %and3A_427 : i32 to vector<16xi32>
          %and3A_429 = arith.andi %get3A_426, %and3A_428 : vector<16xi32>
          %add3A_430 = arith.constant 1048576 : i32
          %add3A_431 = vector.broadcast %add3A_430 : i32 to vector<16xi32>
          %add3A_432 = arith.addi %and3A_429, %add3A_431 : vector<16xi32>
          %ge3A_433 = arith.constant 1048576 : i32
          %ge3A_434 = vector.broadcast %ge3A_433 : i32 to vector<16xi32>
          %ge3A_435 = arith.cmpi sge, %get3A_426, %ge3A_434 : vector<16xi32>
          %sub3A_436 = arith.constant 1048576 : i32
          %sub3A_437 = vector.broadcast %sub3A_436 : i32 to vector<16xi32>
          %sub3A_438 = arith.subi %get3A_426, %sub3A_437 : vector<16xi32>
          %select_n3A_439 = arith.select %ge3A_435, %sub3A_438, %add3A_432 : vector<16xi1>, vector<16xi32>
          %swap3A_440 = arith.index_cast %mul3A_424 : i32 to index
          %swap3A_441 = tpu.vector_load %arg7[%swap3A_440] {strides = array<i32>} : memref<12800xi32, #tpu.memory_space<vmem>>, vector<16xi32>,
          tpu.vector_store %arg7[%swap3A_440], %select_n3A_439 {strides = array<i32>} : memref<12800xi32, #tpu.memory_space<vmem>>, vector<16xi32>,
          %mul3A_442 = arith.constant 8 : i32
          %mul3A_443 = arith.muli %scan3A_283, %mul3A_442 : i32
          %add3A_444 = arith.constant 7 : i32
          %add3A_445 = arith.addi %mul3A_443, %add3A_444 : i32
          %mul3A_446 = arith.constant 16 : i32
          %mul3A_447 = arith.muli %add3A_445, %mul3A_446 : i32
          %get3A_448 = arith.index_cast %mul3A_447 : i32 to index
          %get3A_449 = tpu.vector_load %arg7[%get3A_448] {strides = array<i32>} : memref<12800xi32, #tpu.memory_space<vmem>>, vector<16xi32>,
          %and3A_450 = arith.constant 8191 : i32
          %and3A_451 = vector.broadcast %and3A_450 : i32 to vector<16xi32>
          %and3A_452 = arith.andi %get3A_449, %and3A_451 : vector<16xi32>
          %add3A_453 = arith.constant 1048576 : i32
          %add3A_454 = vector.broadcast %add3A_453 : i32 to vector<16xi32>
          %add3A_455 = arith.addi %and3A_452, %add3A_454 : vector<16xi32>
          %ge3A_456 = arith.constant 1048576 : i32
          %ge3A_457 = vector.broadcast %ge3A_456 : i32 to vector<16xi32>
          %ge3A_458 = arith.cmpi sge, %get3A_449, %ge3A_457 : vector<16xi32>
          %sub3A_459 = arith.constant 1048576 : i32
          %sub3A_460 = vector.broadcast %sub3A_459 : i32 to vector<16xi32>
          %sub3A_461 = arith.subi %get3A_449, %sub3A_460 : vector<16xi32>
          %select_n3A_462 = arith.select %ge3A_458, %sub3A_461, %add3A_455 : vector<16xi1>, vector<16xi32>
          %swap3A_463 = arith.index_cast %mul3A_447 : i32 to index
          %swap3A_464 = tpu.vector_load %arg7[%swap3A_463] {strides = array<i32>} : memref<12800xi32, #tpu.memory_space<vmem>>, vector<16xi32>,
          tpu.vector_store %arg7[%swap3A_463], %select_n3A_462 {strides = array<i32>} : memref<12800xi32, #tpu.memory_space<vmem>>, vector<16xi32>,
          %scan3A_465 = arith.constant 0 : i32
          scf.yield %scan3A_465 : i32
        }
        %scan3A_270 = arith.constant 100 : i32
        %dma_start3A_271 = arith.constant 0 : i32
        %dma_start3A_272 = tpu.memref_slice %arg9[%dma_start3A_271] : memref<12800xf32, #tpu.memory_space<vmem>> -> memref<6400xf32, #tpu.memory_space<vmem>>
        %dma_start3A_273 = arith.constant 0 : i32
        %dma_start3A_274 = tpu.memref_slice %arg7[%dma_start3A_273] : memref<12800xi32, #tpu.memory_space<vmem>> -> memref<6400xi32, #tpu.memory_space<vmem>>
        %dma_start3A_275 = arith.constant 0 : i32
        %dma_start3A_276 = tpu.memref_slice %arg6[%dma_start3A_275] : memref<1056768xf32, #tpu.memory_space<vmem_shared>> -> memref<1056768xf32, #tpu.memory_space<vmem_shared>>
        tpu.enqueue_indirect_dma source(%dma_start3A_276 : memref<1056768xf32, #tpu.memory_space<vmem_shared>>) target(%dma_start3A_272 : memref<6400xf32, #tpu.memory_space<vmem>>) offsets(%dma_start3A_274 : memref<6400xi32, #tpu.memory_space<vmem>>) semaphore(%arg17 : memref<!tpu.dma_semaphore, #tpu.memory_space<semaphore_mem>>)
        %dma_start3A_277 = arith.constant 6400 : i32
        %dma_start3A_278 = tpu.memref_slice %arg9[%dma_start3A_277] : memref<12800xf32, #tpu.memory_space<vmem>> -> memref<6400xf32, #tpu.memory_space<vmem>>
        %dma_start3A_279 = arith.constant 6400 : i32
        %dma_start3A_280 = tpu.memref_slice %arg7[%dma_start3A_279] : memref<12800xi32, #tpu.memory_space<vmem>> -> memref<6400xi32, #tpu.memory_space<vmem>>
        %dma_start3A_281 = arith.constant 0 : i32
        %dma_start3A_282 = tpu.memref_slice %arg6[%dma_start3A_281] : memref<1056768xf32, #tpu.memory_space<vmem_shared>> -> memref<1056768xf32, #tpu.memory_space<vmem_shared>>
        tpu.enqueue_indirect_dma source(%dma_start3A_282 : memref<1056768xf32, #tpu.memory_space<vmem_shared>>) target(%dma_start3A_278 : memref<6400xf32, #tpu.memory_space<vmem>>) offsets(%dma_start3A_280 : memref<6400xi32, #tpu.memory_space<vmem>>) semaphore(%arg23 : memref<!tpu.dma_semaphore, #tpu.memory_space<semaphore_mem>>)
      } else {
      }
      %mul3A_212 = arith.constant 32 : i32
      %mul3A_213 = arith.muli %add3A_201, %mul3A_212 : i32
      %add3A_214 = arith.addi %add3A, %mul3A_213 : i32
      %lt3A_215 = arith.constant 625 : i32
      %lt3A_216 = arith.cmpi slt, %add3A_214, %lt3A_215 : i32
      %convert_element_type3A_217 = arith.extui %lt3A_216 : i1 to i32
      %cond3A_218 = arith.constant 0 : i32
      %cond3A_219 = arith.cmpi ne, %convert_element_type3A_217, %cond3A_218 : i32
      scf.if %cond3A_219 {
        %dma_wait3A_260 = arith.constant 0 : i32
        %dma_wait3A_261 = tpu.memref_slice %arg10[%dma_wait3A_260] : memref<12800xf32, #tpu.memory_space<vmem>> -> memref<6400xf32, #tpu.memory_space<vmem>>
        %dma_wait3A_262 = arith.constant 0 : i32
        %dma_wait3A_263 = tpu.memref_slice %arg8[%dma_wait3A_262] : memref<12800xi32, #tpu.memory_space<vmem>> -> memref<6400xi32, #tpu.memory_space<vmem>>
        %dma_wait3A_264 = arith.constant 0 : i32
        %dma_wait3A_265 = tpu.memref_slice %arg6[%dma_wait3A_264] : memref<1056768xf32, #tpu.memory_space<vmem_shared>> -> memref<1056768xf32, #tpu.memory_space<vmem_shared>>
        tpu.wait_indirect_dma semaphore(%arg18 : memref<!tpu.dma_semaphore, #tpu.memory_space<semaphore_mem>>) src(%dma_wait3A_265 : memref<1056768xf32, #tpu.memory_space<vmem_shared>>) dst(%dma_wait3A_261 : memref<6400xf32, #tpu.memory_space<vmem>>)
        %dma_wait3A_266 = arith.constant 6400 : i32
        %dma_wait3A_267 = tpu.memref_slice %arg10[%dma_wait3A_266] : memref<12800xf32, #tpu.memory_space<vmem>> -> memref<6400xf32, #tpu.memory_space<vmem>>
        %dma_wait3A_268 = arith.constant 6400 : i32
        %dma_wait3A_269 = tpu.memref_slice %arg8[%dma_wait3A_268] : memref<12800xi32, #tpu.memory_space<vmem>> -> memref<6400xi32, #tpu.memory_space<vmem>>
        %dma_wait3A_270 = arith.constant 0 : i32
        %dma_wait3A_271 = tpu.memref_slice %arg6[%dma_wait3A_270] : memref<1056768xf32, #tpu.memory_space<vmem_shared>> -> memref<1056768xf32, #tpu.memory_space<vmem_shared>>
        tpu.wait_indirect_dma semaphore(%arg24 : memref<!tpu.dma_semaphore, #tpu.memory_space<semaphore_mem>>) src(%dma_wait3A_271 : memref<1056768xf32, #tpu.memory_space<vmem_shared>>) dst(%dma_wait3A_267 : memref<6400xf32, #tpu.memory_space<vmem>>)
      } else {
      }
      %add3A_220 = arith.constant 2 : i32
      %add3A_221 = arith.addi %add3A_201, %add3A_220 : i32
      %mul3A_222 = arith.constant 32 : i32
      %mul3A_223 = arith.muli %add3A_221, %mul3A_222 : i32
      %add3A_224 = arith.addi %add3A, %mul3A_223 : i32
      %lt3A_225 = arith.constant 625 : i32
      %lt3A_226 = arith.cmpi slt, %add3A_224, %lt3A_225 : i32
      %convert_element_type3A_227 = arith.extui %lt3A_226 : i1 to i32
      %cond3A_228 = arith.constant 0 : i32
      %cond3A_229 = arith.cmpi ne, %convert_element_type3A_227, %cond3A_228 : i32
      scf.if %cond3A_229 {
        %add3A_260 = arith.constant 2 : i32
        %add3A_261 = arith.addi %add3A_201, %add3A_260 : i32
        %mul3A_262 = arith.constant 32 : i32
        %mul3A_263 = arith.muli %add3A_261, %mul3A_262 : i32
        %add3A_264 = arith.addi %add3A, %mul3A_263 : i32
        %mul3A_265 = arith.constant 12800 : i32
        %mul3A_266 = arith.muli %add3A_264, %mul3A_265 : i32
        %dma_start3A_267 = tpu.memref_slice %arg3[%mul3A_266] : memref<8000000xi32, #tpu.memory_space<hbm>> -> memref<12800xi32, #tpu.memory_space<hbm>>
        %dma_start3A_268 = tpu.memref_slice %arg3[%mul3A_266] : memref<8000000xi32, #tpu.memory_space<hbm>> -> memref<12800xi32, #tpu.memory_space<hbm>>
        tpu.enqueue_dma source(%dma_start3A_268 : memref<12800xi32, #tpu.memory_space<hbm>>) target(%arg8 : memref<12800xi32, #tpu.memory_space<vmem>>) target_semaphore(%arg16 : memref<!tpu.dma_semaphore, #tpu.memory_space<semaphore_mem>>)
      } else {
      }
      %ge3A_230 = arith.constant 2 : i32
      %ge3A_231 = arith.cmpi sge, %add3A_201, %ge3A_230 : i32
      %mul3A_232 = arith.constant 32 : i32
      %mul3A_233 = arith.muli %add3A_201, %mul3A_232 : i32
      %add3A_234 = arith.addi %add3A, %mul3A_233 : i32
      %lt3A_235 = arith.constant 625 : i32
      %lt3A_236 = arith.cmpi slt, %add3A_234, %lt3A_235 : i32
      %and3A_237 = arith.andi %ge3A_231, %lt3A_236 : i1
      %convert_element_type3A_238 = arith.extui %and3A_237 : i1 to i32
      %cond3A_239 = arith.constant 0 : i32
      %cond3A_240 = arith.cmpi ne, %convert_element_type3A_238, %cond3A_239 : i32
      scf.if %cond3A_240 {
        %dma_wait3A_260 = arith.constant 0 : i32
        %dma_wait3A_261 = tpu.memref_slice %arg4[%dma_wait3A_260] : memref<2000000xf32, #tpu.memory_space<hbm>> -> memref<3200xf32, #tpu.memory_space<hbm>>
        %dma_wait3A_262 = arith.constant 0 : i32
        %dma_wait3A_263 = tpu.memref_slice %arg4[%dma_wait3A_262] : memref<2000000xf32, #tpu.memory_space<hbm>> -> memref<3200xf32, #tpu.memory_space<hbm>>
        tpu.wait_dma2 semaphore(%arg20 : memref<!tpu.dma_semaphore, #tpu.memory_space<semaphore_mem>>) src(%arg12 : memref<3200xf32, #tpu.memory_space<vmem>>) dst(%dma_wait3A_263 : memref<3200xf32, #tpu.memory_space<hbm>>)
      } else {
      }
      %mul3A_241 = arith.constant 32 : i32
      %mul3A_242 = arith.muli %add3A_201, %mul3A_241 : i32
      %add3A_243 = arith.addi %add3A, %mul3A_242 : i32
      %lt3A_244 = arith.constant 625 : i32
      %lt3A_245 = arith.cmpi slt, %add3A_243, %lt3A_244 : i32
      %convert_element_type3A_246 = arith.extui %lt3A_245 : i1 to i32
      %cond3A_247 = arith.constant 0 : i32
      %cond3A_248 = arith.cmpi ne, %convert_element_type3A_246, %cond3A_247 : i32
      scf.if %cond3A_248 {
        %dma_wait3A_260 = arith.constant 0 : i32
        %dma_wait3A_261 = tpu.memref_slice %arg5[%dma_wait3A_260] : memref<2000000xf32, #tpu.memory_space<hbm>> -> memref<3200xf32, #tpu.memory_space<hbm>>
        %dma_wait3A_262 = arith.constant 0 : i32
        %dma_wait3A_263 = tpu.memref_slice %arg5[%dma_wait3A_262] : memref<2000000xf32, #tpu.memory_space<hbm>> -> memref<3200xf32, #tpu.memory_space<hbm>>
        tpu.wait_dma2 semaphore(%arg22 : memref<!tpu.dma_semaphore, #tpu.memory_space<semaphore_mem>>) src(%dma_wait3A_263 : memref<3200xf32, #tpu.memory_space<hbm>>) dst(%arg14 : memref<3200xf32, #tpu.memory_space<vmem>>)
        %scan3A_264 = arith.constant 0 : i32
        %scan3A_265 = arith.constant 0 : i32
        %scan3A_266 = arith.constant 200 : i32
        %scan3A_267 = arith.addi %scan3A_265, %scan3A_266 : i32
        %scan3A_268 = arith.constant 1 : i32
        %scan3A_269 = scf.for %scan3A_278 = %scan3A_265 to %scan3A_267 step %scan3A_268 iter_args(%scan3A_279 = %scan3A_264) -> (i32)  : i32 {
          %mul3A_280 = arith.constant 4 : i32
          %mul3A_281 = vector.broadcast %mul3A_280 : i32 to vector<16xi32>
          %mul3A_282 = arith.muli %iota3A, %mul3A_281 : vector<16xi32>
          %mul3A_283 = arith.constant 64 : i32
          %mul3A_284 = arith.muli %scan3A_278, %mul3A_283 : i32
          %add3A_285 = vector.broadcast %mul3A_284 : i32 to vector<16xi32>
          %add3A_286 = arith.addi %mul3A_282, %add3A_285 : vector<16xi32>
          %gather3A = tpu.vector_load_idx %arg10[%add3A_286] : memref<12800xf32, #tpu.memory_space<vmem>>[vector<16xi32>], vector<16xf32>,
          %add3A_287 = arith.constant 1 : i32
          %add3A_288 = vector.broadcast %add3A_287 : i32 to vector<16xi32>
          %add3A_289 = arith.addi %add3A_286, %add3A_288 : vector<16xi32>
          %gather3A_290 = tpu.vector_load_idx %arg10[%add3A_289] : memref<12800xf32, #tpu.memory_space<vmem>>[vector<16xi32>], vector<16xf32>,
          %add3A_291 = arith.constant 2 : i32
          %add3A_292 = vector.broadcast %add3A_291 : i32 to vector<16xi32>
          %add3A_293 = arith.addi %add3A_286, %add3A_292 : vector<16xi32>
          %gather3A_294 = tpu.vector_load_idx %arg10[%add3A_293] : memref<12800xf32, #tpu.memory_space<vmem>>[vector<16xi32>], vector<16xf32>,
          %add3A_295 = arith.constant 3 : i32
          %add3A_296 = vector.broadcast %add3A_295 : i32 to vector<16xi32>
          %add3A_297 = arith.addi %add3A_286, %add3A_296 : vector<16xi32>
          %gather3A_298 = tpu.vector_load_idx %arg10[%add3A_297] : memref<12800xf32, #tpu.memory_space<vmem>>[vector<16xi32>], vector<16xf32>,
          %add3A_299 = arith.addf %gather3A, %gather3A_290 : vector<16xf32>
          %add3A_300 = arith.addf %gather3A_294, %gather3A_298 : vector<16xf32>
          %add3A_301 = arith.addf %add3A_299, %add3A_300 : vector<16xf32>
          %mul3A_302 = arith.constant 16 : i32
          %mul3A_303 = arith.muli %scan3A_278, %mul3A_302 : i32
          %get3A = arith.index_cast %mul3A_303 : i32 to index
          %get3A_304 = tpu.vector_load %arg14[%get3A] {strides = array<i32>} : memref<3200xf32, #tpu.memory_space<vmem>>, vector<16xf32>,
          %add3A_305 = arith.addf %add3A_301, %get3A_304 : vector<16xf32>
          %mul3A_306 = arith.constant 16 : i32
          %mul3A_307 = arith.muli %scan3A_278, %mul3A_306 : i32
          %swap3A = arith.index_cast %mul3A_307 : i32 to index
          %swap3A_308 = tpu.vector_load %arg12[%swap3A] {strides = array<i32>} : memref<3200xf32, #tpu.memory_space<vmem>>, vector<16xf32>,
          tpu.vector_store %arg12[%swap3A], %add3A_305 {strides = array<i32>} : memref<3200xf32, #tpu.memory_space<vmem>>, vector<16xf32>,
          %scan3A_309 = arith.constant 0 : i32
          scf.yield %scan3A_309 : i32
        }
        %scan3A_270 = arith.constant 200 : i32
        %mul3A_271 = arith.constant 32 : i32
        %mul3A_272 = arith.muli %add3A_201, %mul3A_271 : i32
        %add3A_273 = arith.addi %add3A, %mul3A_272 : i32
        %mul3A_274 = arith.constant 3200 : i32
        %mul3A_275 = arith.muli %add3A_273, %mul3A_274 : i32
        %dma_start3A_276 = tpu.memref_slice %arg4[%mul3A_275] : memref<2000000xf32, #tpu.memory_space<hbm>> -> memref<3200xf32, #tpu.memory_space<hbm>>
        %dma_start3A_277 = tpu.memref_slice %arg4[%mul3A_275] : memref<2000000xf32, #tpu.memory_space<hbm>> -> memref<3200xf32, #tpu.memory_space<hbm>>
        tpu.enqueue_dma source(%arg12 : memref<3200xf32, #tpu.memory_space<vmem>>) target(%dma_start3A_277 : memref<3200xf32, #tpu.memory_space<hbm>>) target_semaphore(%arg20 : memref<!tpu.dma_semaphore, #tpu.memory_space<semaphore_mem>>)
      } else {
      }
      %add3A_249 = arith.constant 2 : i32
      %add3A_250 = arith.addi %add3A_201, %add3A_249 : i32
      %mul3A_251 = arith.constant 32 : i32
      %mul3A_252 = arith.muli %add3A_250, %mul3A_251 : i32
      %add3A_253 = arith.addi %add3A, %mul3A_252 : i32
      %lt3A_254 = arith.constant 625 : i32
      %lt3A_255 = arith.cmpi slt, %add3A_253, %lt3A_254 : i32
      %convert_element_type3A_256 = arith.extui %lt3A_255 : i1 to i32
      %cond3A_257 = arith.constant 0 : i32
      %cond3A_258 = arith.cmpi ne, %convert_element_type3A_256, %cond3A_257 : i32
      scf.if %cond3A_258 {
        %add3A_260 = arith.constant 2 : i32
        %add3A_261 = arith.addi %add3A_201, %add3A_260 : i32
        %mul3A_262 = arith.constant 32 : i32
        %mul3A_263 = arith.muli %add3A_261, %mul3A_262 : i32
        %add3A_264 = arith.addi %add3A, %mul3A_263 : i32
        %mul3A_265 = arith.constant 3200 : i32
        %mul3A_266 = arith.muli %add3A_264, %mul3A_265 : i32
        %dma_start3A_267 = tpu.memref_slice %arg5[%mul3A_266] : memref<2000000xf32, #tpu.memory_space<hbm>> -> memref<3200xf32, #tpu.memory_space<hbm>>
        %dma_start3A_268 = tpu.memref_slice %arg5[%mul3A_266] : memref<2000000xf32, #tpu.memory_space<hbm>> -> memref<3200xf32, #tpu.memory_space<hbm>>
        tpu.enqueue_dma source(%dma_start3A_268 : memref<3200xf32, #tpu.memory_space<hbm>>) target(%arg14 : memref<3200xf32, #tpu.memory_space<vmem>>) target_semaphore(%arg22 : memref<!tpu.dma_semaphore, #tpu.memory_space<semaphore_mem>>)
      } else {
      }
      %scan3A_259 = arith.constant 0 : i32
      scf.yield %scan3A_259 : i32
    }
    %scan3A_129 = arith.constant 10 : i32
    %dma_wait3A_130 = arith.constant 0 : i32
    %dma_wait3A_131 = tpu.memref_slice %arg4[%dma_wait3A_130] : memref<2000000xf32, #tpu.memory_space<hbm>> -> memref<3200xf32, #tpu.memory_space<hbm>>
    %dma_wait3A_132 = arith.constant 0 : i32
    %dma_wait3A_133 = tpu.memref_slice %arg4[%dma_wait3A_132] : memref<2000000xf32, #tpu.memory_space<hbm>> -> memref<3200xf32, #tpu.memory_space<hbm>>
    tpu.wait_dma2 semaphore(%arg19 : memref<!tpu.dma_semaphore, #tpu.memory_space<semaphore_mem>>) src(%arg11 : memref<3200xf32, #tpu.memory_space<vmem>>) dst(%dma_wait3A_133 : memref<3200xf32, #tpu.memory_space<hbm>>)
    %dma_wait3A_134 = arith.constant 0 : i32
    %dma_wait3A_135 = tpu.memref_slice %arg4[%dma_wait3A_134] : memref<2000000xf32, #tpu.memory_space<hbm>> -> memref<3200xf32, #tpu.memory_space<hbm>>
    %dma_wait3A_136 = arith.constant 0 : i32
    %dma_wait3A_137 = tpu.memref_slice %arg4[%dma_wait3A_136] : memref<2000000xf32, #tpu.memory_space<hbm>> -> memref<3200xf32, #tpu.memory_space<hbm>>
    tpu.wait_dma2 semaphore(%arg20 : memref<!tpu.dma_semaphore, #tpu.memory_space<semaphore_mem>>) src(%arg12 : memref<3200xf32, #tpu.memory_space<vmem>>) dst(%dma_wait3A_137 : memref<3200xf32, #tpu.memory_space<hbm>>)
    return
  }
}

#map = affine_map<(d0, d1) -> (0)>
module attributes {stable_mosaic.version = 14 : i64} {
  func.func @_encode_body(%arg0: i32, %arg1: i32, %arg2: memref<1000008xf32, #tpu.memory_space<hbm>>, %arg3: memref<2097152xf32, #tpu.memory_space<hbm>>, %arg4: memref<15632xf32, #tpu.memory_space<vmem>>, %arg5: memref<31264xf32, #tpu.memory_space<vmem>>, %arg6: memref<16xf32, #tpu.memory_space<vmem>>, %arg7: memref<!tpu.dma_semaphore, #tpu.memory_space<semaphore_mem>>) attributes {dimension_semantics = [#tpu.dimension_semantics<core_parallel>, #tpu.dimension_semantics<subcore_parallel>], iteration_bounds = array<i64: 2, 16>, scalar_prefetch = 0 : i64, scratch_operands = 4 : i64, tpu.core_type = #tpu.core_type<sc_vector_subcore>, window_params = [{transform_indices = #map}, {transform_indices = #map}]} {
    %mul3A = arith.constant 2 : i32
    %mul3A_0 = arith.muli %arg1, %mul3A : i32
    %add3A = arith.addi %mul3A_0, %arg0 : i32
    %iota3A = tpu.iota {dimensions = array<i32: 0>} : vector<16xi32>
    %mul3A_1 = arith.constant 31250 : i32
    %mul3A_2 = arith.muli %mul3A_1, %add3A : i32
    %jit3A = arith.constant 8 : i32
    %div3A = arith.divsi %mul3A_2, %jit3A : i32
    %sign3A = arith.constant 0 : i32
    %sign3A_3 = arith.cmpi sgt, %mul3A_2, %sign3A : i32
    %sign3A_4 = arith.extui %sign3A_3 : i1 to i32
    %sign3A_5 = arith.constant 0 : i32
    %sign3A_6 = arith.cmpi slt, %mul3A_2, %sign3A_5 : i32
    %sign3A_7 = arith.extui %sign3A_6 : i1 to i32
    %sign3A_8 = arith.subi %sign3A_4, %sign3A_7 : i32
    %sign3A_9 = arith.constant 0 : i32
    %sign3A_10 = arith.cmpi sgt, %jit3A, %sign3A_9 : i32
    %sign3A_11 = arith.extui %sign3A_10 : i1 to i32
    %sign3A_12 = arith.constant 0 : i32
    %sign3A_13 = arith.cmpi slt, %jit3A, %sign3A_12 : i32
    %sign3A_14 = arith.extui %sign3A_13 : i1 to i32
    %sign3A_15 = arith.subi %sign3A_11, %sign3A_14 : i32
    %ne3A = arith.cmpi ne, %sign3A_8, %sign3A_15 : i32
    %rem3A = arith.remsi %mul3A_2, %jit3A : i32
    %ne3A_16 = arith.constant 0 : i32
    %ne3A_17 = arith.cmpi ne, %rem3A, %ne3A_16 : i32
    %and3A = arith.andi %ne3A, %ne3A_17 : i1
    %sub3A = arith.constant 1 : i32
    %sub3A_18 = arith.subi %div3A, %sub3A : i32
    %select_n3A = arith.select %and3A, %sub3A_18, %div3A : i32
    %mul3A_19 = arith.constant 8 : i32
    %mul3A_20 = arith.muli %select_n3A, %mul3A_19 : i32
    %scan3A = arith.constant 0 : i32
    %scan3A_21 = arith.constant 0 : i32
    %scan3A_22 = arith.constant 2 : i32
    %scan3A_23 = arith.addi %scan3A_21, %scan3A_22 : i32
    %scan3A_24 = arith.constant 1 : i32
    %scan3A_25 = scf.for %scan3A_29 = %scan3A_21 to %scan3A_23 step %scan3A_24 iter_args(%scan3A_30 = %scan3A) -> (i32)  : i32 {
      %mul3A_31 = arith.constant 15632 : i32
      %mul3A_32 = arith.muli %scan3A_29, %mul3A_31 : i32
      %add3A_33 = arith.addi %mul3A_20, %mul3A_32 : i32
      "tpu.region"() ({
        %run_scoped3A = tpu.sem_alloc : memref<!tpu.dma_semaphore, #tpu.memory_space<semaphore_mem>>
        %dma_start3A = tpu.memref_slice %arg2[%add3A_33] : memref<1000008xf32, #tpu.memory_space<hbm>> -> memref<15632xf32, #tpu.memory_space<hbm>>
        %dma_start3A_46 = tpu.memref_slice %arg2[%add3A_33] : memref<1000008xf32, #tpu.memory_space<hbm>> -> memref<15632xf32, #tpu.memory_space<hbm>>
        tpu.enqueue_dma source(%dma_start3A_46 : memref<15632xf32, #tpu.memory_space<hbm>>) target(%arg4 : memref<15632xf32, #tpu.memory_space<vmem>>) target_semaphore(%run_scoped3A : memref<!tpu.dma_semaphore, #tpu.memory_space<semaphore_mem>>)
        %dma_wait3A = tpu.memref_slice %arg2[%add3A_33] : memref<1000008xf32, #tpu.memory_space<hbm>> -> memref<15632xf32, #tpu.memory_space<hbm>>
        %dma_wait3A_47 = tpu.memref_slice %arg2[%add3A_33] : memref<1000008xf32, #tpu.memory_space<hbm>> -> memref<15632xf32, #tpu.memory_space<hbm>>
        tpu.wait_dma2 semaphore(%run_scoped3A : memref<!tpu.dma_semaphore, #tpu.memory_space<semaphore_mem>>) src(%dma_wait3A_47 : memref<15632xf32, #tpu.memory_space<hbm>>) dst(%arg4 : memref<15632xf32, #tpu.memory_space<vmem>>)
        tpu.yield
      }) : () -> ()
      %scan3A_34 = arith.constant 0 : i32
      %scan3A_35 = arith.constant 0 : i32
      %scan3A_36 = arith.constant 977 : i32
      %scan3A_37 = arith.addi %scan3A_35, %scan3A_36 : i32
      %scan3A_38 = arith.constant 1 : i32
      %scan3A_39 = scf.for %scan3A_46 = %scan3A_35 to %scan3A_37 step %scan3A_38 iter_args(%scan3A_47 = %scan3A_34) -> (i32)  : i32 {
        %mul3A_48 = arith.constant 16 : i32
        %mul3A_49 = arith.muli %scan3A_46, %mul3A_48 : i32
        %get3A = arith.index_cast %mul3A_49 : i32 to index
        %get3A_50 = tpu.vector_load %arg4[%get3A] {strides = array<i32>} : memref<15632xf32, #tpu.memory_space<vmem>>, vector<16xf32>,
        %mul3A_51 = arith.constant 2 : i32
        %mul3A_52 = vector.broadcast %mul3A_51 : i32 to vector<16xi32>
        %mul3A_53 = arith.muli %iota3A, %mul3A_52 : vector<16xi32>
        %mul3A_54 = arith.constant 32 : i32
        %mul3A_55 = arith.muli %scan3A_46, %mul3A_54 : i32
        %add3A_56 = vector.broadcast %mul3A_55 : i32 to vector<16xi32>
        %add3A_57 = arith.addi %mul3A_53, %add3A_56 : vector<16xi32>
        tpu.vector_store_idx %arg5[%add3A_57], %get3A_50 : memref<31264xf32, #tpu.memory_space<vmem>>[vector<16xi32>], vector<16xf32>,
        %add3A_58 = arith.constant 1 : i32
        %add3A_59 = vector.broadcast %add3A_58 : i32 to vector<16xi32>
        %add3A_60 = arith.addi %add3A_57, %add3A_59 : vector<16xi32>
        %sub3A_61 = arith.constant 1.000000e+00 : f32
        %sub3A_62 = vector.broadcast %sub3A_61 : f32 to vector<16xf32>
        %sub3A_63 = arith.subf %sub3A_62, %get3A_50 : vector<16xf32>
        tpu.vector_store_idx %arg5[%add3A_60], %sub3A_63 : memref<31264xf32, #tpu.memory_space<vmem>>[vector<16xi32>], vector<16xf32>,
        %scan3A_64 = arith.constant 0 : i32
        scf.yield %scan3A_64 : i32
      }
      %scan3A_40 = arith.constant 977 : i32
      %mul3A_41 = arith.constant 2 : i32
      %mul3A_42 = arith.muli %mul3A_41, %add3A_33 : i32
      %add3A_43 = arith.constant 8 : i32
      %add3A_44 = arith.addi %add3A_43, %mul3A_42 : i32
      "tpu.region"() ({
        %run_scoped3A = tpu.sem_alloc : memref<!tpu.dma_semaphore, #tpu.memory_space<semaphore_mem>>
        %dma_start3A = tpu.memref_slice %arg3[%add3A_44] : memref<2097152xf32, #tpu.memory_space<hbm>> -> memref<31264xf32, #tpu.memory_space<hbm>>
        %dma_start3A_46 = tpu.memref_slice %arg3[%add3A_44] : memref<2097152xf32, #tpu.memory_space<hbm>> -> memref<31264xf32, #tpu.memory_space<hbm>>
        tpu.enqueue_dma source(%arg5 : memref<31264xf32, #tpu.memory_space<vmem>>) target(%dma_start3A_46 : memref<31264xf32, #tpu.memory_space<hbm>>) target_semaphore(%run_scoped3A : memref<!tpu.dma_semaphore, #tpu.memory_space<semaphore_mem>>)
        %dma_wait3A = tpu.memref_slice %arg3[%add3A_44] : memref<2097152xf32, #tpu.memory_space<hbm>> -> memref<31264xf32, #tpu.memory_space<hbm>>
        %dma_wait3A_47 = tpu.memref_slice %arg3[%add3A_44] : memref<2097152xf32, #tpu.memory_space<hbm>> -> memref<31264xf32, #tpu.memory_space<hbm>>
        tpu.wait_dma2 semaphore(%run_scoped3A : memref<!tpu.dma_semaphore, #tpu.memory_space<semaphore_mem>>) src(%arg5 : memref<31264xf32, #tpu.memory_space<vmem>>) dst(%dma_wait3A_47 : memref<31264xf32, #tpu.memory_space<hbm>>)
        tpu.yield
      }) : () -> ()
      %scan3A_45 = arith.constant 0 : i32
      scf.yield %scan3A_45 : i32
    }
    %scan3A_26 = arith.constant 2 : i32
    %eq3A = arith.constant 0 : i32
    %eq3A_27 = arith.cmpi eq, %add3A, %eq3A : i32
    %convert_element_type3A = arith.extui %eq3A_27 : i1 to i32
    %cond3A = arith.constant 0 : i32
    %cond3A_28 = arith.cmpi ne, %convert_element_type3A, %cond3A : i32
    scf.if %cond3A_28 {
      %eq3A_29 = arith.constant 7 : i32
      %eq3A_30 = vector.broadcast %eq3A_29 : i32 to vector<16xi32>
      %eq3A_31 = arith.cmpi eq, %iota3A, %eq3A_30 : vector<16xi32>
      %jit3A_32 = arith.constant 1.000000e+00 : f32
      %jit3A_33 = arith.constant 0.000000e+00 : f32
      %broadcast_in_dim3A = vector.broadcast %jit3A_32 : f32 to vector<16xf32>
      %broadcast_in_dim3A_34 = vector.broadcast %jit3A_33 : f32 to vector<16xf32>
      %select_n3A_35 = arith.select %eq3A_31, %broadcast_in_dim3A, %broadcast_in_dim3A_34 : vector<16xi1>, vector<16xf32>
      %swap3A = arith.constant 0 : index
      %swap3A_36 = tpu.vector_load %arg6[%swap3A] {strides = array<i32>} : memref<16xf32, #tpu.memory_space<vmem>>, vector<16xf32>,
      tpu.vector_store %arg6[%swap3A], %select_n3A_35 {strides = array<i32>} : memref<16xf32, #tpu.memory_space<vmem>>, vector<16xf32>,
      "tpu.region"() ({
        %run_scoped3A = tpu.sem_alloc : memref<!tpu.dma_semaphore, #tpu.memory_space<semaphore_mem>>
        %dma_start3A = arith.constant 0 : i32
        %dma_start3A_37 = tpu.memref_slice %arg6[%dma_start3A] : memref<16xf32, #tpu.memory_space<vmem>> -> memref<8xf32, #tpu.memory_space<vmem>>
        %dma_start3A_38 = arith.constant 0 : i32
        %dma_start3A_39 = tpu.memref_slice %arg3[%dma_start3A_38] : memref<2097152xf32, #tpu.memory_space<hbm>> -> memref<8xf32, #tpu.memory_space<hbm>>
        %dma_start3A_40 = arith.constant 0 : i32
        %dma_start3A_41 = tpu.memref_slice %arg3[%dma_start3A_40] : memref<2097152xf32, #tpu.memory_space<hbm>> -> memref<8xf32, #tpu.memory_space<hbm>>
        %dma_start3A_42 = arith.constant 0 : i32
        %dma_start3A_43 = tpu.memref_slice %arg6[%dma_start3A_42] : memref<16xf32, #tpu.memory_space<vmem>> -> memref<8xf32, #tpu.memory_space<vmem>>
        tpu.enqueue_dma source(%dma_start3A_43 : memref<8xf32, #tpu.memory_space<vmem>>) target(%dma_start3A_41 : memref<8xf32, #tpu.memory_space<hbm>>) target_semaphore(%run_scoped3A : memref<!tpu.dma_semaphore, #tpu.memory_space<semaphore_mem>>)
        %dma_wait3A = arith.constant 0 : i32
        %dma_wait3A_44 = tpu.memref_slice %arg6[%dma_wait3A] : memref<16xf32, #tpu.memory_space<vmem>> -> memref<8xf32, #tpu.memory_space<vmem>>
        %dma_wait3A_45 = arith.constant 0 : i32
        %dma_wait3A_46 = tpu.memref_slice %arg3[%dma_wait3A_45] : memref<2097152xf32, #tpu.memory_space<hbm>> -> memref<8xf32, #tpu.memory_space<hbm>>
        %dma_wait3A_47 = arith.constant 0 : i32
        %dma_wait3A_48 = tpu.memref_slice %arg3[%dma_wait3A_47] : memref<2097152xf32, #tpu.memory_space<hbm>> -> memref<8xf32, #tpu.memory_space<hbm>>
        %dma_wait3A_49 = arith.constant 0 : i32
        %dma_wait3A_50 = tpu.memref_slice %arg6[%dma_wait3A_49] : memref<16xf32, #tpu.memory_space<vmem>> -> memref<8xf32, #tpu.memory_space<vmem>>
        tpu.wait_dma2 semaphore(%run_scoped3A : memref<!tpu.dma_semaphore, #tpu.memory_space<semaphore_mem>>) src(%dma_wait3A_50 : memref<8xf32, #tpu.memory_space<vmem>>) dst(%dma_wait3A_48 : memref<8xf32, #tpu.memory_space<hbm>>)
        tpu.yield
      }) : () -> ()
    } else {
    }
    return
  }
}

#map = affine_map<(d0, d1) -> (0)>
module attributes {stable_mosaic.version = 14 : i64} {
  func.func @body(%arg0: i32, %arg1: i32, %arg2: memref<2097152xf32, #tpu.memory_space<hbm>>, %arg3: memref<8000000xi32, #tpu.memory_space<hbm>>, %arg4: memref<2097152xf32, #tpu.memory_space<hbm>>, %arg5: memref<2000000xf32, #tpu.memory_space<hbm>>, %arg6: memref<1056768xf32, #tpu.memory_space<vmem_shared>>, %arg7: memref<12800xi32, #tpu.memory_space<vmem>>, %arg8: memref<12800xi32, #tpu.memory_space<vmem>>, %arg9: memref<12800xf32, #tpu.memory_space<vmem>>, %arg10: memref<12800xf32, #tpu.memory_space<vmem>>, %arg11: memref<3200xf32, #tpu.memory_space<vmem>>, %arg12: memref<3200xf32, #tpu.memory_space<vmem>>, %arg13: memref<3200xf32, #tpu.memory_space<vmem>>, %arg14: memref<3200xf32, #tpu.memory_space<vmem>>, %arg15: memref<!tpu.dma_semaphore, #tpu.memory_space<semaphore_mem>>, %arg16: memref<!tpu.dma_semaphore, #tpu.memory_space<semaphore_mem>>, %arg17: memref<!tpu.dma_semaphore, #tpu.memory_space<semaphore_mem>>, %arg18: memref<!tpu.dma_semaphore, #tpu.memory_space<semaphore_mem>>, %arg19: memref<!tpu.dma_semaphore, #tpu.memory_space<semaphore_mem>>, %arg20: memref<!tpu.dma_semaphore, #tpu.memory_space<semaphore_mem>>, %arg21: memref<!tpu.dma_semaphore, #tpu.memory_space<semaphore_mem>>, %arg22: memref<!tpu.dma_semaphore, #tpu.memory_space<semaphore_mem>>, %arg23: memref<!tpu.dma_semaphore, #tpu.memory_space<semaphore_mem>>, %arg24: memref<!tpu.dma_semaphore, #tpu.memory_space<semaphore_mem>>) attributes {dimension_semantics = [#tpu.dimension_semantics<core_parallel>, #tpu.dimension_semantics<subcore_parallel>], iteration_bounds = array<i64: 2, 16>, scalar_prefetch = 0 : i64, scratch_operands = 19 : i64, tpu.core_type = #tpu.core_type<sc_vector_subcore>, window_params = [{transform_indices = #map}, {transform_indices = #map}, {transform_indices = #map}, {transform_indices = #map}]} {
    %mul3A = arith.constant 2 : i32
    %mul3A_0 = arith.muli %arg1, %mul3A : i32
    %add3A = arith.addi %mul3A_0, %arg0 : i32
    %iota3A = tpu.iota {dimensions = array<i32: 0>} : vector<16xi32>
    %mul3A_1 = arith.constant 65536 : i32
    %mul3A_2 = arith.muli %arg1, %mul3A_1 : i32
    %add3A_3 = arith.constant 0 : i32
    %add3A_4 = arith.addi %mul3A_2, %add3A_3 : i32
    %add3A_5 = arith.constant 0 : i32
    %add3A_6 = arith.addi %add3A_5, %add3A_4 : i32
    "tpu.region"() ({
      %run_scoped3A = tpu.sem_alloc : memref<!tpu.dma_semaphore, #tpu.memory_space<semaphore_mem>>
      %dma_start3A_138 = tpu.memref_slice %arg6[%add3A_4] : memref<1056768xf32, #tpu.memory_space<vmem_shared>> -> memref<32768xf32, #tpu.memory_space<vmem_shared>>
      %dma_start3A_139 = tpu.memref_slice %arg2[%add3A_6] : memref<2097152xf32, #tpu.memory_space<hbm>> -> memref<32768xf32, #tpu.memory_space<hbm>>
      tpu.enqueue_dma source(%dma_start3A_139 : memref<32768xf32, #tpu.memory_space<hbm>>) target(%dma_start3A_138 : memref<32768xf32, #tpu.memory_space<vmem_shared>>) target_semaphore(%run_scoped3A : memref<!tpu.dma_semaphore, #tpu.memory_space<semaphore_mem>>)
      %dma_wait3A_140 = tpu.memref_slice %arg6[%add3A_4] : memref<1056768xf32, #tpu.memory_space<vmem_shared>> -> memref<32768xf32, #tpu.memory_space<vmem_shared>>
      %dma_wait3A_141 = tpu.memref_slice %arg2[%add3A_6] : memref<2097152xf32, #tpu.memory_space<hbm>> -> memref<32768xf32, #tpu.memory_space<hbm>>
      tpu.wait_dma2 semaphore(%run_scoped3A : memref<!tpu.dma_semaphore, #tpu.memory_space<semaphore_mem>>) src(%dma_wait3A_141 : memref<32768xf32, #tpu.memory_space<hbm>>) dst(%dma_wait3A_140 : memref<32768xf32, #tpu.memory_space<vmem_shared>>)
      tpu.yield
    }) : () -> ()
    %mul3A_7 = arith.constant 65536 : i32
    %mul3A_8 = arith.muli %arg1, %mul3A_7 : i32
    %add3A_9 = arith.constant 32768 : i32
    %add3A_10 = arith.addi %mul3A_8, %add3A_9 : i32
    %add3A_11 = arith.constant 0 : i32
    %add3A_12 = arith.addi %add3A_11, %add3A_10 : i32
    "tpu.region"() ({
      %run_scoped3A = tpu.sem_alloc : memref<!tpu.dma_semaphore, #tpu.memory_space<semaphore_mem>>
      %dma_start3A_138 = tpu.memref_slice %arg6[%add3A_10] : memref<1056768xf32, #tpu.memory_space<vmem_shared>> -> memref<32768xf32, #tpu.memory_space<vmem_shared>>
      %dma_start3A_139 = tpu.memref_slice %arg2[%add3A_12] : memref<2097152xf32, #tpu.memory_space<hbm>> -> memref<32768xf32, #tpu.memory_space<hbm>>
      tpu.enqueue_dma source(%dma_start3A_139 : memref<32768xf32, #tpu.memory_space<hbm>>) target(%dma_start3A_138 : memref<32768xf32, #tpu.memory_space<vmem_shared>>) target_semaphore(%run_scoped3A : memref<!tpu.dma_semaphore, #tpu.memory_space<semaphore_mem>>)
      %dma_wait3A_140 = tpu.memref_slice %arg6[%add3A_10] : memref<1056768xf32, #tpu.memory_space<vmem_shared>> -> memref<32768xf32, #tpu.memory_space<vmem_shared>>
      %dma_wait3A_141 = tpu.memref_slice %arg2[%add3A_12] : memref<2097152xf32, #tpu.memory_space<hbm>> -> memref<32768xf32, #tpu.memory_space<hbm>>
      tpu.wait_dma2 semaphore(%run_scoped3A : memref<!tpu.dma_semaphore, #tpu.memory_space<semaphore_mem>>) src(%dma_wait3A_141 : memref<32768xf32, #tpu.memory_space<hbm>>) dst(%dma_wait3A_140 : memref<32768xf32, #tpu.memory_space<vmem_shared>>)
      tpu.yield
    }) : () -> ()
    %eq3A = arith.constant 0 : i32
    %eq3A_13 = arith.cmpi eq, %arg1, %eq3A : i32
    %convert_element_type3A = arith.extui %eq3A_13 : i1 to i32
    %cond3A = arith.constant 0 : i32
    %cond3A_14 = arith.cmpi ne, %convert_element_type3A, %cond3A : i32
    scf.if %cond3A_14 {
      %scan3A_138 = arith.constant 0 : i32
      %scan3A_139 = arith.constant 0 : i32
      %scan3A_140 = arith.constant 512 : i32
      %scan3A_141 = arith.addi %scan3A_139, %scan3A_140 : i32
      %scan3A_142 = arith.constant 1 : i32
      %scan3A_143 = scf.for %scan3A_145 = %scan3A_139 to %scan3A_141 step %scan3A_142 iter_args(%scan3A_146 = %scan3A_138) -> (i32)  : i32 {
        %broadcast_in_dim3A = arith.constant 1.000000e+00 : f32
        %broadcast_in_dim3A_147 = vector.broadcast %broadcast_in_dim3A : f32 to vector<16xf32>
        %mul3A_148 = arith.constant 16 : i32
        %mul3A_149 = arith.muli %scan3A_145, %mul3A_148 : i32
        %swap3A = arith.index_cast %mul3A_149 : i32 to index
        %swap3A_150 = tpu.vector_load %arg9[%swap3A] {strides = array<i32>} : memref<12800xf32, #tpu.memory_space<vmem>>, vector<16xf32>,
        tpu.vector_store %arg9[%swap3A], %broadcast_in_dim3A_147 {strides = array<i32>} : memref<12800xf32, #tpu.memory_space<vmem>>, vector<16xf32>,
        %scan3A_151 = arith.constant 0 : i32
        scf.yield %scan3A_151 : i32
      }
      %scan3A_144 = arith.constant 512 : i32
      "tpu.region"() ({
        %run_scoped3A = tpu.sem_alloc : memref<!tpu.dma_semaphore, #tpu.memory_space<semaphore_mem>>
        %dma_start3A_145 = arith.constant 0 : i32
        %dma_start3A_146 = tpu.memref_slice %arg9[%dma_start3A_145] : memref<12800xf32, #tpu.memory_space<vmem>> -> memref<8192xf32, #tpu.memory_space<vmem>>
        %dma_start3A_147 = arith.constant 1048576 : i32
        %dma_start3A_148 = tpu.memref_slice %arg6[%dma_start3A_147] : memref<1056768xf32, #tpu.memory_space<vmem_shared>> -> memref<8192xf32, #tpu.memory_space<vmem_shared>>
        %dma_start3A_149 = arith.constant 1048576 : i32
        %dma_start3A_150 = tpu.memref_slice %arg6[%dma_start3A_149] : memref<1056768xf32, #tpu.memory_space<vmem_shared>> -> memref<8192xf32, #tpu.memory_space<vmem_shared>>
        %dma_start3A_151 = arith.constant 0 : i32
        %dma_start3A_152 = tpu.memref_slice %arg9[%dma_start3A_151] : memref<12800xf32, #tpu.memory_space<vmem>> -> memref<8192xf32, #tpu.memory_space<vmem>>
        tpu.enqueue_dma source(%dma_start3A_152 : memref<8192xf32, #tpu.memory_space<vmem>>) target(%dma_start3A_150 : memref<8192xf32, #tpu.memory_space<vmem_shared>>) target_semaphore(%run_scoped3A : memref<!tpu.dma_semaphore, #tpu.memory_space<semaphore_mem>>)
        %dma_wait3A_153 = arith.constant 0 : i32
        %dma_wait3A_154 = tpu.memref_slice %arg9[%dma_wait3A_153] : memref<12800xf32, #tpu.memory_space<vmem>> -> memref<8192xf32, #tpu.memory_space<vmem>>
        %dma_wait3A_155 = arith.constant 1048576 : i32
        %dma_wait3A_156 = tpu.memref_slice %arg6[%dma_wait3A_155] : memref<1056768xf32, #tpu.memory_space<vmem_shared>> -> memref<8192xf32, #tpu.memory_space<vmem_shared>>
        %dma_wait3A_157 = arith.constant 1048576 : i32
        %dma_wait3A_158 = tpu.memref_slice %arg6[%dma_wait3A_157] : memref<1056768xf32, #tpu.memory_space<vmem_shared>> -> memref<8192xf32, #tpu.memory_space<vmem_shared>>
        %dma_wait3A_159 = arith.constant 0 : i32
        %dma_wait3A_160 = tpu.memref_slice %arg9[%dma_wait3A_159] : memref<12800xf32, #tpu.memory_space<vmem>> -> memref<8192xf32, #tpu.memory_space<vmem>>
        tpu.wait_dma2 semaphore(%run_scoped3A : memref<!tpu.dma_semaphore, #tpu.memory_space<semaphore_mem>>) src(%dma_wait3A_160 : memref<8192xf32, #tpu.memory_space<vmem>>) dst(%dma_wait3A_158 : memref<8192xf32, #tpu.memory_space<vmem_shared>>)
        tpu.yield
      }) : () -> ()
    } else {
    }
    %barrier3A = arith.constant 0 : index
    tpu.barrier barrier_id(%barrier3A)
    %add3A_15 = arith.constant 0 : i32
    %add3A_16 = arith.addi %add3A, %add3A_15 : i32
    %mul3A_17 = arith.constant 12800 : i32
    %mul3A_18 = arith.muli %add3A_16, %mul3A_17 : i32
    %dma_start3A = tpu.memref_slice %arg3[%mul3A_18] : memref<8000000xi32, #tpu.memory_space<hbm>> -> memref<12800xi32, #tpu.memory_space<hbm>>
    %dma_start3A_19 = tpu.memref_slice %arg3[%mul3A_18] : memref<8000000xi32, #tpu.memory_space<hbm>> -> memref<12800xi32, #tpu.memory_space<hbm>>
    tpu.enqueue_dma source(%dma_start3A_19 : memref<12800xi32, #tpu.memory_space<hbm>>) target(%arg7 : memref<12800xi32, #tpu.memory_space<vmem>>) target_semaphore(%arg15 : memref<!tpu.dma_semaphore, #tpu.memory_space<semaphore_mem>>)
    %add3A_20 = arith.constant 32 : i32
    %add3A_21 = arith.addi %add3A, %add3A_20 : i32
    %mul3A_22 = arith.constant 12800 : i32
    %mul3A_23 = arith.muli %add3A_21, %mul3A_22 : i32
    %dma_start3A_24 = tpu.memref_slice %arg3[%mul3A_23] : memref<8000000xi32, #tpu.memory_space<hbm>> -> memref<12800xi32, #tpu.memory_space<hbm>>
    %dma_start3A_25 = tpu.memref_slice %arg3[%mul3A_23] : memref<8000000xi32, #tpu.memory_space<hbm>> -> memref<12800xi32, #tpu.memory_space<hbm>>
    tpu.enqueue_dma source(%dma_start3A_25 : memref<12800xi32, #tpu.memory_space<hbm>>) target(%arg8 : memref<12800xi32, #tpu.memory_space<vmem>>) target_semaphore(%arg16 : memref<!tpu.dma_semaphore, #tpu.memory_space<semaphore_mem>>)
    %dma_wait3A = arith.constant 0 : i32
    %dma_wait3A_26 = tpu.memref_slice %arg3[%dma_wait3A] : memref<8000000xi32, #tpu.memory_space<hbm>> -> memref<12800xi32, #tpu.memory_space<hbm>>
    %dma_wait3A_27 = arith.constant 0 : i32
    %dma_wait3A_28 = tpu.memref_slice %arg3[%dma_wait3A_27] : memref<8000000xi32, #tpu.memory_space<hbm>> -> memref<12800xi32, #tpu.memory_space<hbm>>
    tpu.wait_dma2 semaphore(%arg15 : memref<!tpu.dma_semaphore, #tpu.memory_space<semaphore_mem>>) src(%dma_wait3A_28 : memref<12800xi32, #tpu.memory_space<hbm>>) dst(%arg7 : memref<12800xi32, #tpu.memory_space<vmem>>)
    %scan3A = arith.constant 0 : i32
    %scan3A_29 = arith.constant 0 : i32
    %scan3A_30 = arith.constant 100 : i32
    %scan3A_31 = arith.addi %scan3A_29, %scan3A_30 : i32
    %scan3A_32 = arith.constant 1 : i32
    %scan3A_33 = scf.for %scan3A_138 = %scan3A_29 to %scan3A_31 step %scan3A_32 iter_args(%scan3A_139 = %scan3A) -> (i32)  : i32 {
      %mul3A_140 = arith.constant 8 : i32
      %mul3A_141 = arith.muli %scan3A_138, %mul3A_140 : i32
      %add3A_142 = arith.constant 0 : i32
      %add3A_143 = arith.addi %mul3A_141, %add3A_142 : i32
      %mul3A_144 = arith.constant 16 : i32
      %mul3A_145 = arith.muli %add3A_143, %mul3A_144 : i32
      %get3A = arith.index_cast %mul3A_145 : i32 to index
      %get3A_146 = tpu.vector_load %arg7[%get3A] {strides = array<i32>} : memref<12800xi32, #tpu.memory_space<vmem>>, vector<16xi32>,
      %add3A_147 = arith.constant 6 : i32
      %add3A_148 = vector.broadcast %add3A_147 : i32 to vector<16xi32>
      %add3A_149 = arith.addi %get3A_146, %add3A_148 : vector<16xi32>
      %and3A = arith.constant 8191 : i32
      %and3A_150 = vector.broadcast %and3A : i32 to vector<16xi32>
      %and3A_151 = arith.andi %get3A_146, %and3A_150 : vector<16xi32>
      %add3A_152 = arith.constant 1048576 : i32
      %add3A_153 = vector.broadcast %add3A_152 : i32 to vector<16xi32>
      %add3A_154 = arith.addi %and3A_151, %add3A_153 : vector<16xi32>
      %lt3A = arith.constant 1048576 : i32
      %lt3A_155 = vector.broadcast %lt3A : i32 to vector<16xi32>
      %lt3A_156 = arith.cmpi slt, %add3A_149, %lt3A_155 : vector<16xi32>
      %select_n3A = arith.select %lt3A_156, %add3A_149, %add3A_154 : vector<16xi1>, vector<16xi32>
      %swap3A = arith.index_cast %mul3A_145 : i32 to index
      %swap3A_157 = tpu.vector_load %arg7[%swap3A] {strides = array<i32>} : memref<12800xi32, #tpu.memory_space<vmem>>, vector<16xi32>,
      tpu.vector_store %arg7[%swap3A], %select_n3A {strides = array<i32>} : memref<12800xi32, #tpu.memory_space<vmem>>, vector<16xi32>,
      %mul3A_158 = arith.constant 8 : i32
      %mul3A_159 = arith.muli %scan3A_138, %mul3A_158 : i32
      %add3A_160 = arith.constant 1 : i32
      %add3A_161 = arith.addi %mul3A_159, %add3A_160 : i32
      %mul3A_162 = arith.constant 16 : i32
      %mul3A_163 = arith.muli %add3A_161, %mul3A_162 : i32
      %get3A_164 = arith.index_cast %mul3A_163 : i32 to index
      %get3A_165 = tpu.vector_load %arg7[%get3A_164] {strides = array<i32>} : memref<12800xi32, #tpu.memory_space<vmem>>, vector<16xi32>,
      %add3A_166 = arith.constant 6 : i32
      %add3A_167 = vector.broadcast %add3A_166 : i32 to vector<16xi32>
      %add3A_168 = arith.addi %get3A_165, %add3A_167 : vector<16xi32>
      %and3A_169 = arith.constant 8191 : i32
      %and3A_170 = vector.broadcast %and3A_169 : i32 to vector<16xi32>
      %and3A_171 = arith.andi %get3A_165, %and3A_170 : vector<16xi32>
      %add3A_172 = arith.constant 1048576 : i32
      %add3A_173 = vector.broadcast %add3A_172 : i32 to vector<16xi32>
      %add3A_174 = arith.addi %and3A_171, %add3A_173 : vector<16xi32>
      %lt3A_175 = arith.constant 1048576 : i32
      %lt3A_176 = vector.broadcast %lt3A_175 : i32 to vector<16xi32>
      %lt3A_177 = arith.cmpi slt, %add3A_168, %lt3A_176 : vector<16xi32>
      %select_n3A_178 = arith.select %lt3A_177, %add3A_168, %add3A_174 : vector<16xi1>, vector<16xi32>
      %swap3A_179 = arith.index_cast %mul3A_163 : i32 to index
      %swap3A_180 = tpu.vector_load %arg7[%swap3A_179] {strides = array<i32>} : memref<12800xi32, #tpu.memory_space<vmem>>, vector<16xi32>,
      tpu.vector_store %arg7[%swap3A_179], %select_n3A_178 {strides = array<i32>} : memref<12800xi32, #tpu.memory_space<vmem>>, vector<16xi32>,
      %mul3A_181 = arith.constant 8 : i32
      %mul3A_182 = arith.muli %scan3A_138, %mul3A_181 : i32
      %add3A_183 = arith.constant 2 : i32
      %add3A_184 = arith.addi %mul3A_182, %add3A_183 : i32
      %mul3A_185 = arith.constant 16 : i32
      %mul3A_186 = arith.muli %add3A_184, %mul3A_185 : i32
      %get3A_187 = arith.index_cast %mul3A_186 : i32 to index
      %get3A_188 = tpu.vector_load %arg7[%get3A_187] {strides = array<i32>} : memref<12800xi32, #tpu.memory_space<vmem>>, vector<16xi32>,
      %add3A_189 = arith.constant 6 : i32
      %add3A_190 = vector.broadcast %add3A_189 : i32 to vector<16xi32>
      %add3A_191 = arith.addi %get3A_188, %add3A_190 : vector<16xi32>
      %and3A_192 = arith.constant 8191 : i32
      %and3A_193 = vector.broadcast %and3A_192 : i32 to vector<16xi32>
      %and3A_194 = arith.andi %get3A_188, %and3A_193 : vector<16xi32>
      %add3A_195 = arith.constant 1048576 : i32
      %add3A_196 = vector.broadcast %add3A_195 : i32 to vector<16xi32>
      %add3A_197 = arith.addi %and3A_194, %add3A_196 : vector<16xi32>
      %lt3A_198 = arith.constant 1048576 : i32
      %lt3A_199 = vector.broadcast %lt3A_198 : i32 to vector<16xi32>
      %lt3A_200 = arith.cmpi slt, %add3A_191, %lt3A_199 : vector<16xi32>
      %select_n3A_201 = arith.select %lt3A_200, %add3A_191, %add3A_197 : vector<16xi1>, vector<16xi32>
      %swap3A_202 = arith.index_cast %mul3A_186 : i32 to index
      %swap3A_203 = tpu.vector_load %arg7[%swap3A_202] {strides = array<i32>} : memref<12800xi32, #tpu.memory_space<vmem>>, vector<16xi32>,
      tpu.vector_store %arg7[%swap3A_202], %select_n3A_201 {strides = array<i32>} : memref<12800xi32, #tpu.memory_space<vmem>>, vector<16xi32>,
      %mul3A_204 = arith.constant 8 : i32
      %mul3A_205 = arith.muli %scan3A_138, %mul3A_204 : i32
      %add3A_206 = arith.constant 3 : i32
      %add3A_207 = arith.addi %mul3A_205, %add3A_206 : i32
      %mul3A_208 = arith.constant 16 : i32
      %mul3A_209 = arith.muli %add3A_207, %mul3A_208 : i32
      %get3A_210 = arith.index_cast %mul3A_209 : i32 to index
      %get3A_211 = tpu.vector_load %arg7[%get3A_210] {strides = array<i32>} : memref<12800xi32, #tpu.memory_space<vmem>>, vector<16xi32>,
      %add3A_212 = arith.constant 6 : i32
      %add3A_213 = vector.broadcast %add3A_212 : i32 to vector<16xi32>
      %add3A_214 = arith.addi %get3A_211, %add3A_213 : vector<16xi32>
      %and3A_215 = arith.constant 8191 : i32
      %and3A_216 = vector.broadcast %and3A_215 : i32 to vector<16xi32>
      %and3A_217 = arith.andi %get3A_211, %and3A_216 : vector<16xi32>
      %add3A_218 = arith.constant 1048576 : i32
      %add3A_219 = vector.broadcast %add3A_218 : i32 to vector<16xi32>
      %add3A_220 = arith.addi %and3A_217, %add3A_219 : vector<16xi32>
      %lt3A_221 = arith.constant 1048576 : i32
      %lt3A_222 = vector.broadcast %lt3A_221 : i32 to vector<16xi32>
      %lt3A_223 = arith.cmpi slt, %add3A_214, %lt3A_222 : vector<16xi32>
      %select_n3A_224 = arith.select %lt3A_223, %add3A_214, %add3A_220 : vector<16xi1>, vector<16xi32>
      %swap3A_225 = arith.index_cast %mul3A_209 : i32 to index
      %swap3A_226 = tpu.vector_load %arg7[%swap3A_225] {strides = array<i32>} : memref<12800xi32, #tpu.memory_space<vmem>>, vector<16xi32>,
      tpu.vector_store %arg7[%swap3A_225], %select_n3A_224 {strides = array<i32>} : memref<12800xi32, #tpu.memory_space<vmem>>, vector<16xi32>,
      %mul3A_227 = arith.constant 8 : i32
      %mul3A_228 = arith.muli %scan3A_138, %mul3A_227 : i32
      %add3A_229 = arith.constant 4 : i32
      %add3A_230 = arith.addi %mul3A_228, %add3A_229 : i32
      %mul3A_231 = arith.constant 16 : i32
      %mul3A_232 = arith.muli %add3A_230, %mul3A_231 : i32
      %get3A_233 = arith.index_cast %mul3A_232 : i32 to index
      %get3A_234 = tpu.vector_load %arg7[%get3A_233] {strides = array<i32>} : memref<12800xi32, #tpu.memory_space<vmem>>, vector<16xi32>,
      %add3A_235 = arith.constant 6 : i32
      %add3A_236 = vector.broadcast %add3A_235 : i32 to vector<16xi32>
      %add3A_237 = arith.addi %get3A_234, %add3A_236 : vector<16xi32>
      %and3A_238 = arith.constant 8191 : i32
      %and3A_239 = vector.broadcast %and3A_238 : i32 to vector<16xi32>
      %and3A_240 = arith.andi %get3A_234, %and3A_239 : vector<16xi32>
      %add3A_241 = arith.constant 1048576 : i32
      %add3A_242 = vector.broadcast %add3A_241 : i32 to vector<16xi32>
      %add3A_243 = arith.addi %and3A_240, %add3A_242 : vector<16xi32>
      %lt3A_244 = arith.constant 1048576 : i32
      %lt3A_245 = vector.broadcast %lt3A_244 : i32 to vector<16xi32>
      %lt3A_246 = arith.cmpi slt, %add3A_237, %lt3A_245 : vector<16xi32>
      %select_n3A_247 = arith.select %lt3A_246, %add3A_237, %add3A_243 : vector<16xi1>, vector<16xi32>
      %swap3A_248 = arith.index_cast %mul3A_232 : i32 to index
      %swap3A_249 = tpu.vector_load %arg7[%swap3A_248] {strides = array<i32>} : memref<12800xi32, #tpu.memory_space<vmem>>, vector<16xi32>,
      tpu.vector_store %arg7[%swap3A_248], %select_n3A_247 {strides = array<i32>} : memref<12800xi32, #tpu.memory_space<vmem>>, vector<16xi32>,
      %mul3A_250 = arith.constant 8 : i32
      %mul3A_251 = arith.muli %scan3A_138, %mul3A_250 : i32
      %add3A_252 = arith.constant 5 : i32
      %add3A_253 = arith.addi %mul3A_251, %add3A_252 : i32
      %mul3A_254 = arith.constant 16 : i32
      %mul3A_255 = arith.muli %add3A_253, %mul3A_254 : i32
      %get3A_256 = arith.index_cast %mul3A_255 : i32 to index
      %get3A_257 = tpu.vector_load %arg7[%get3A_256] {strides = array<i32>} : memref<12800xi32, #tpu.memory_space<vmem>>, vector<16xi32>,
      %add3A_258 = arith.constant 6 : i32
      %add3A_259 = vector.broadcast %add3A_258 : i32 to vector<16xi32>
      %add3A_260 = arith.addi %get3A_257, %add3A_259 : vector<16xi32>
      %and3A_261 = arith.constant 8191 : i32
      %and3A_262 = vector.broadcast %and3A_261 : i32 to vector<16xi32>
      %and3A_263 = arith.andi %get3A_257, %and3A_262 : vector<16xi32>
      %add3A_264 = arith.constant 1048576 : i32
      %add3A_265 = vector.broadcast %add3A_264 : i32 to vector<16xi32>
      %add3A_266 = arith.addi %and3A_263, %add3A_265 : vector<16xi32>
      %lt3A_267 = arith.constant 1048576 : i32
      %lt3A_268 = vector.broadcast %lt3A_267 : i32 to vector<16xi32>
      %lt3A_269 = arith.cmpi slt, %add3A_260, %lt3A_268 : vector<16xi32>
      %select_n3A_270 = arith.select %lt3A_269, %add3A_260, %add3A_266 : vector<16xi1>, vector<16xi32>
      %swap3A_271 = arith.index_cast %mul3A_255 : i32 to index
      %swap3A_272 = tpu.vector_load %arg7[%swap3A_271] {strides = array<i32>} : memref<12800xi32, #tpu.memory_space<vmem>>, vector<16xi32>,
      tpu.vector_store %arg7[%swap3A_271], %select_n3A_270 {strides = array<i32>} : memref<12800xi32, #tpu.memory_space<vmem>>, vector<16xi32>,
      %mul3A_273 = arith.constant 8 : i32
      %mul3A_274 = arith.muli %scan3A_138, %mul3A_273 : i32
      %add3A_275 = arith.constant 6 : i32
      %add3A_276 = arith.addi %mul3A_274, %add3A_275 : i32
      %mul3A_277 = arith.constant 16 : i32
      %mul3A_278 = arith.muli %add3A_276, %mul3A_277 : i32
      %get3A_279 = arith.index_cast %mul3A_278 : i32 to index
      %get3A_280 = tpu.vector_load %arg7[%get3A_279] {strides = array<i32>} : memref<12800xi32, #tpu.memory_space<vmem>>, vector<16xi32>,
      %add3A_281 = arith.constant 6 : i32
      %add3A_282 = vector.broadcast %add3A_281 : i32 to vector<16xi32>
      %add3A_283 = arith.addi %get3A_280, %add3A_282 : vector<16xi32>
      %and3A_284 = arith.constant 8191 : i32
      %and3A_285 = vector.broadcast %and3A_284 : i32 to vector<16xi32>
      %and3A_286 = arith.andi %get3A_280, %and3A_285 : vector<16xi32>
      %add3A_287 = arith.constant 1048576 : i32
      %add3A_288 = vector.broadcast %add3A_287 : i32 to vector<16xi32>
      %add3A_289 = arith.addi %and3A_286, %add3A_288 : vector<16xi32>
      %lt3A_290 = arith.constant 1048576 : i32
      %lt3A_291 = vector.broadcast %lt3A_290 : i32 to vector<16xi32>
      %lt3A_292 = arith.cmpi slt, %add3A_283, %lt3A_291 : vector<16xi32>
      %select_n3A_293 = arith.select %lt3A_292, %add3A_283, %add3A_289 : vector<16xi1>, vector<16xi32>
      %swap3A_294 = arith.index_cast %mul3A_278 : i32 to index
      %swap3A_295 = tpu.vector_load %arg7[%swap3A_294] {strides = array<i32>} : memref<12800xi32, #tpu.memory_space<vmem>>, vector<16xi32>,
      tpu.vector_store %arg7[%swap3A_294], %select_n3A_293 {strides = array<i32>} : memref<12800xi32, #tpu.memory_space<vmem>>, vector<16xi32>,
      %mul3A_296 = arith.constant 8 : i32
      %mul3A_297 = arith.muli %scan3A_138, %mul3A_296 : i32
      %add3A_298 = arith.constant 7 : i32
      %add3A_299 = arith.addi %mul3A_297, %add3A_298 : i32
      %mul3A_300 = arith.constant 16 : i32
      %mul3A_301 = arith.muli %add3A_299, %mul3A_300 : i32
      %get3A_302 = arith.index_cast %mul3A_301 : i32 to index
      %get3A_303 = tpu.vector_load %arg7[%get3A_302] {strides = array<i32>} : memref<12800xi32, #tpu.memory_space<vmem>>, vector<16xi32>,
      %add3A_304 = arith.constant 6 : i32
      %add3A_305 = vector.broadcast %add3A_304 : i32 to vector<16xi32>
      %add3A_306 = arith.addi %get3A_303, %add3A_305 : vector<16xi32>
      %and3A_307 = arith.constant 8191 : i32
      %and3A_308 = vector.broadcast %and3A_307 : i32 to vector<16xi32>
      %and3A_309 = arith.andi %get3A_303, %and3A_308 : vector<16xi32>
      %add3A_310 = arith.constant 1048576 : i32
      %add3A_311 = vector.broadcast %add3A_310 : i32 to vector<16xi32>
      %add3A_312 = arith.addi %and3A_309, %add3A_311 : vector<16xi32>
      %lt3A_313 = arith.constant 1048576 : i32
      %lt3A_314 = vector.broadcast %lt3A_313 : i32 to vector<16xi32>
      %lt3A_315 = arith.cmpi slt, %add3A_306, %lt3A_314 : vector<16xi32>
      %select_n3A_316 = arith.select %lt3A_315, %add3A_306, %add3A_312 : vector<16xi1>, vector<16xi32>
      %swap3A_317 = arith.index_cast %mul3A_301 : i32 to index
      %swap3A_318 = tpu.vector_load %arg7[%swap3A_317] {strides = array<i32>} : memref<12800xi32, #tpu.memory_space<vmem>>, vector<16xi32>,
      tpu.vector_store %arg7[%swap3A_317], %select_n3A_316 {strides = array<i32>} : memref<12800xi32, #tpu.memory_space<vmem>>, vector<16xi32>,
      %scan3A_319 = arith.constant 0 : i32
      scf.yield %scan3A_319 : i32
    }
    %scan3A_34 = arith.constant 100 : i32
    %dma_start3A_35 = arith.constant 0 : i32
    %dma_start3A_36 = tpu.memref_slice %arg9[%dma_start3A_35] : memref<12800xf32, #tpu.memory_space<vmem>> -> memref<6400xf32, #tpu.memory_space<vmem>>
    %dma_start3A_37 = arith.constant 0 : i32
    %dma_start3A_38 = tpu.memref_slice %arg7[%dma_start3A_37] : memref<12800xi32, #tpu.memory_space<vmem>> -> memref<6400xi32, #tpu.memory_space<vmem>>
    %dma_start3A_39 = arith.constant 0 : i32
    %dma_start3A_40 = tpu.memref_slice %arg6[%dma_start3A_39] : memref<1056768xf32, #tpu.memory_space<vmem_shared>> -> memref<1056768xf32, #tpu.memory_space<vmem_shared>>
    tpu.enqueue_indirect_dma source(%dma_start3A_40 : memref<1056768xf32, #tpu.memory_space<vmem_shared>>) target(%dma_start3A_36 : memref<6400xf32, #tpu.memory_space<vmem>>) offsets(%dma_start3A_38 : memref<6400xi32, #tpu.memory_space<vmem>>) semaphore(%arg17 : memref<!tpu.dma_semaphore, #tpu.memory_space<semaphore_mem>>)
    %dma_start3A_41 = arith.constant 6400 : i32
    %dma_start3A_42 = tpu.memref_slice %arg9[%dma_start3A_41] : memref<12800xf32, #tpu.memory_space<vmem>> -> memref<6400xf32, #tpu.memory_space<vmem>>
    %dma_start3A_43 = arith.constant 6400 : i32
    %dma_start3A_44 = tpu.memref_slice %arg7[%dma_start3A_43] : memref<12800xi32, #tpu.memory_space<vmem>> -> memref<6400xi32, #tpu.memory_space<vmem>>
    %dma_start3A_45 = arith.constant 0 : i32
    %dma_start3A_46 = tpu.memref_slice %arg6[%dma_start3A_45] : memref<1056768xf32, #tpu.memory_space<vmem_shared>> -> memref<1056768xf32, #tpu.memory_space<vmem_shared>>
    tpu.enqueue_indirect_dma source(%dma_start3A_46 : memref<1056768xf32, #tpu.memory_space<vmem_shared>>) target(%dma_start3A_42 : memref<6400xf32, #tpu.memory_space<vmem>>) offsets(%dma_start3A_44 : memref<6400xi32, #tpu.memory_space<vmem>>) semaphore(%arg23 : memref<!tpu.dma_semaphore, #tpu.memory_space<semaphore_mem>>)
    %scan3A_47 = arith.constant 0 : i32
    %scan3A_48 = arith.constant 0 : i32
    %scan3A_49 = arith.constant 10 : i32
    %scan3A_50 = arith.addi %scan3A_48, %scan3A_49 : i32
    %scan3A_51 = arith.constant 1 : i32
    %scan3A_52 = scf.for %scan3A_138 = %scan3A_48 to %scan3A_50 step %scan3A_51 iter_args(%scan3A_139 = %scan3A_47) -> (i32)  : i32 {
      %mul3A_140 = arith.constant 2 : i32
      %mul3A_141 = arith.muli %mul3A_140, %scan3A_138 : i32
      %add3A_142 = arith.constant 0 : i32
      %add3A_143 = arith.addi %mul3A_141, %add3A_142 : i32
      %add3A_144 = arith.constant 1 : i32
      %add3A_145 = arith.addi %add3A_143, %add3A_144 : i32
      %mul3A_146 = arith.constant 32 : i32
      %mul3A_147 = arith.muli %add3A_145, %mul3A_146 : i32
      %add3A_148 = arith.addi %add3A, %mul3A_147 : i32
      %lt3A = arith.constant 625 : i32
      %lt3A_149 = arith.cmpi slt, %add3A_148, %lt3A : i32
      %convert_element_type3A_150 = arith.extui %lt3A_149 : i1 to i32
      %cond3A_151 = arith.constant 0 : i32
      %cond3A_152 = arith.cmpi ne, %convert_element_type3A_150, %cond3A_151 : i32
      scf.if %cond3A_152 {
        %dma_wait3A_260 = arith.constant 0 : i32
        %dma_wait3A_261 = tpu.memref_slice %arg3[%dma_wait3A_260] : memref<8000000xi32, #tpu.memory_space<hbm>> -> memref<12800xi32, #tpu.memory_space<hbm>>
        %dma_wait3A_262 = arith.constant 0 : i32
        %dma_wait3A_263 = tpu.memref_slice %arg3[%dma_wait3A_262] : memref<8000000xi32, #tpu.memory_space<hbm>> -> memref<12800xi32, #tpu.memory_space<hbm>>
        tpu.wait_dma2 semaphore(%arg16 : memref<!tpu.dma_semaphore, #tpu.memory_space<semaphore_mem>>) src(%dma_wait3A_263 : memref<12800xi32, #tpu.memory_space<hbm>>) dst(%arg8 : memref<12800xi32, #tpu.memory_space<vmem>>)
        %scan3A_264 = arith.constant 0 : i32
        %scan3A_265 = arith.constant 0 : i32
        %scan3A_266 = arith.constant 100 : i32
        %scan3A_267 = arith.addi %scan3A_265, %scan3A_266 : i32
        %scan3A_268 = arith.constant 1 : i32
        %scan3A_269 = scf.for %scan3A_283 = %scan3A_265 to %scan3A_267 step %scan3A_268 iter_args(%scan3A_284 = %scan3A_264) -> (i32)  : i32 {
          %mul3A_285 = arith.constant 8 : i32
          %mul3A_286 = arith.muli %scan3A_283, %mul3A_285 : i32
          %add3A_287 = arith.constant 0 : i32
          %add3A_288 = arith.addi %mul3A_286, %add3A_287 : i32
          %mul3A_289 = arith.constant 16 : i32
          %mul3A_290 = arith.muli %add3A_288, %mul3A_289 : i32
          %get3A = arith.index_cast %mul3A_290 : i32 to index
          %get3A_291 = tpu.vector_load %arg8[%get3A] {strides = array<i32>} : memref<12800xi32, #tpu.memory_space<vmem>>, vector<16xi32>,
          %add3A_292 = arith.constant 6 : i32
          %add3A_293 = vector.broadcast %add3A_292 : i32 to vector<16xi32>
          %add3A_294 = arith.addi %get3A_291, %add3A_293 : vector<16xi32>
          %and3A_295 = arith.constant 8191 : i32
          %and3A_296 = vector.broadcast %and3A_295 : i32 to vector<16xi32>
          %and3A_297 = arith.andi %get3A_291, %and3A_296 : vector<16xi32>
          %add3A_298 = arith.constant 1048576 : i32
          %add3A_299 = vector.broadcast %add3A_298 : i32 to vector<16xi32>
          %add3A_300 = arith.addi %and3A_297, %add3A_299 : vector<16xi32>
          %lt3A_301 = arith.constant 1048576 : i32
          %lt3A_302 = vector.broadcast %lt3A_301 : i32 to vector<16xi32>
          %lt3A_303 = arith.cmpi slt, %add3A_294, %lt3A_302 : vector<16xi32>
          %select_n3A = arith.select %lt3A_303, %add3A_294, %add3A_300 : vector<16xi1>, vector<16xi32>
          %swap3A = arith.index_cast %mul3A_290 : i32 to index
          %swap3A_304 = tpu.vector_load %arg8[%swap3A] {strides = array<i32>} : memref<12800xi32, #tpu.memory_space<vmem>>, vector<16xi32>,
          tpu.vector_store %arg8[%swap3A], %select_n3A {strides = array<i32>} : memref<12800xi32, #tpu.memory_space<vmem>>, vector<16xi32>,
          %mul3A_305 = arith.constant 8 : i32
          %mul3A_306 = arith.muli %scan3A_283, %mul3A_305 : i32
          %add3A_307 = arith.constant 1 : i32
          %add3A_308 = arith.addi %mul3A_306, %add3A_307 : i32
          %mul3A_309 = arith.constant 16 : i32
          %mul3A_310 = arith.muli %add3A_308, %mul3A_309 : i32
          %get3A_311 = arith.index_cast %mul3A_310 : i32 to index
          %get3A_312 = tpu.vector_load %arg8[%get3A_311] {strides = array<i32>} : memref<12800xi32, #tpu.memory_space<vmem>>, vector<16xi32>,
          %add3A_313 = arith.constant 6 : i32
          %add3A_314 = vector.broadcast %add3A_313 : i32 to vector<16xi32>
          %add3A_315 = arith.addi %get3A_312, %add3A_314 : vector<16xi32>
          %and3A_316 = arith.constant 8191 : i32
          %and3A_317 = vector.broadcast %and3A_316 : i32 to vector<16xi32>
          %and3A_318 = arith.andi %get3A_312, %and3A_317 : vector<16xi32>
          %add3A_319 = arith.constant 1048576 : i32
          %add3A_320 = vector.broadcast %add3A_319 : i32 to vector<16xi32>
          %add3A_321 = arith.addi %and3A_318, %add3A_320 : vector<16xi32>
          %lt3A_322 = arith.constant 1048576 : i32
          %lt3A_323 = vector.broadcast %lt3A_322 : i32 to vector<16xi32>
          %lt3A_324 = arith.cmpi slt, %add3A_315, %lt3A_323 : vector<16xi32>
          %select_n3A_325 = arith.select %lt3A_324, %add3A_315, %add3A_321 : vector<16xi1>, vector<16xi32>
          %swap3A_326 = arith.index_cast %mul3A_310 : i32 to index
          %swap3A_327 = tpu.vector_load %arg8[%swap3A_326] {strides = array<i32>} : memref<12800xi32, #tpu.memory_space<vmem>>, vector<16xi32>,
          tpu.vector_store %arg8[%swap3A_326], %select_n3A_325 {strides = array<i32>} : memref<12800xi32, #tpu.memory_space<vmem>>, vector<16xi32>,
          %mul3A_328 = arith.constant 8 : i32
          %mul3A_329 = arith.muli %scan3A_283, %mul3A_328 : i32
          %add3A_330 = arith.constant 2 : i32
          %add3A_331 = arith.addi %mul3A_329, %add3A_330 : i32
          %mul3A_332 = arith.constant 16 : i32
          %mul3A_333 = arith.muli %add3A_331, %mul3A_332 : i32
          %get3A_334 = arith.index_cast %mul3A_333 : i32 to index
          %get3A_335 = tpu.vector_load %arg8[%get3A_334] {strides = array<i32>} : memref<12800xi32, #tpu.memory_space<vmem>>, vector<16xi32>,
          %add3A_336 = arith.constant 6 : i32
          %add3A_337 = vector.broadcast %add3A_336 : i32 to vector<16xi32>
          %add3A_338 = arith.addi %get3A_335, %add3A_337 : vector<16xi32>
          %and3A_339 = arith.constant 8191 : i32
          %and3A_340 = vector.broadcast %and3A_339 : i32 to vector<16xi32>
          %and3A_341 = arith.andi %get3A_335, %and3A_340 : vector<16xi32>
          %add3A_342 = arith.constant 1048576 : i32
          %add3A_343 = vector.broadcast %add3A_342 : i32 to vector<16xi32>
          %add3A_344 = arith.addi %and3A_341, %add3A_343 : vector<16xi32>
          %lt3A_345 = arith.constant 1048576 : i32
          %lt3A_346 = vector.broadcast %lt3A_345 : i32 to vector<16xi32>
          %lt3A_347 = arith.cmpi slt, %add3A_338, %lt3A_346 : vector<16xi32>
          %select_n3A_348 = arith.select %lt3A_347, %add3A_338, %add3A_344 : vector<16xi1>, vector<16xi32>
          %swap3A_349 = arith.index_cast %mul3A_333 : i32 to index
          %swap3A_350 = tpu.vector_load %arg8[%swap3A_349] {strides = array<i32>} : memref<12800xi32, #tpu.memory_space<vmem>>, vector<16xi32>,
          tpu.vector_store %arg8[%swap3A_349], %select_n3A_348 {strides = array<i32>} : memref<12800xi32, #tpu.memory_space<vmem>>, vector<16xi32>,
          %mul3A_351 = arith.constant 8 : i32
          %mul3A_352 = arith.muli %scan3A_283, %mul3A_351 : i32
          %add3A_353 = arith.constant 3 : i32
          %add3A_354 = arith.addi %mul3A_352, %add3A_353 : i32
          %mul3A_355 = arith.constant 16 : i32
          %mul3A_356 = arith.muli %add3A_354, %mul3A_355 : i32
          %get3A_357 = arith.index_cast %mul3A_356 : i32 to index
          %get3A_358 = tpu.vector_load %arg8[%get3A_357] {strides = array<i32>} : memref<12800xi32, #tpu.memory_space<vmem>>, vector<16xi32>,
          %add3A_359 = arith.constant 6 : i32
          %add3A_360 = vector.broadcast %add3A_359 : i32 to vector<16xi32>
          %add3A_361 = arith.addi %get3A_358, %add3A_360 : vector<16xi32>
          %and3A_362 = arith.constant 8191 : i32
          %and3A_363 = vector.broadcast %and3A_362 : i32 to vector<16xi32>
          %and3A_364 = arith.andi %get3A_358, %and3A_363 : vector<16xi32>
          %add3A_365 = arith.constant 1048576 : i32
          %add3A_366 = vector.broadcast %add3A_365 : i32 to vector<16xi32>
          %add3A_367 = arith.addi %and3A_364, %add3A_366 : vector<16xi32>
          %lt3A_368 = arith.constant 1048576 : i32
          %lt3A_369 = vector.broadcast %lt3A_368 : i32 to vector<16xi32>
          %lt3A_370 = arith.cmpi slt, %add3A_361, %lt3A_369 : vector<16xi32>
          %select_n3A_371 = arith.select %lt3A_370, %add3A_361, %add3A_367 : vector<16xi1>, vector<16xi32>
          %swap3A_372 = arith.index_cast %mul3A_356 : i32 to index
          %swap3A_373 = tpu.vector_load %arg8[%swap3A_372] {strides = array<i32>} : memref<12800xi32, #tpu.memory_space<vmem>>, vector<16xi32>,
          tpu.vector_store %arg8[%swap3A_372], %select_n3A_371 {strides = array<i32>} : memref<12800xi32, #tpu.memory_space<vmem>>, vector<16xi32>,
          %mul3A_374 = arith.constant 8 : i32
          %mul3A_375 = arith.muli %scan3A_283, %mul3A_374 : i32
          %add3A_376 = arith.constant 4 : i32
          %add3A_377 = arith.addi %mul3A_375, %add3A_376 : i32
          %mul3A_378 = arith.constant 16 : i32
          %mul3A_379 = arith.muli %add3A_377, %mul3A_378 : i32
          %get3A_380 = arith.index_cast %mul3A_379 : i32 to index
          %get3A_381 = tpu.vector_load %arg8[%get3A_380] {strides = array<i32>} : memref<12800xi32, #tpu.memory_space<vmem>>, vector<16xi32>,
          %add3A_382 = arith.constant 6 : i32
          %add3A_383 = vector.broadcast %add3A_382 : i32 to vector<16xi32>
          %add3A_384 = arith.addi %get3A_381, %add3A_383 : vector<16xi32>
          %and3A_385 = arith.constant 8191 : i32
          %and3A_386 = vector.broadcast %and3A_385 : i32 to vector<16xi32>
          %and3A_387 = arith.andi %get3A_381, %and3A_386 : vector<16xi32>
          %add3A_388 = arith.constant 1048576 : i32
          %add3A_389 = vector.broadcast %add3A_388 : i32 to vector<16xi32>
          %add3A_390 = arith.addi %and3A_387, %add3A_389 : vector<16xi32>
          %lt3A_391 = arith.constant 1048576 : i32
          %lt3A_392 = vector.broadcast %lt3A_391 : i32 to vector<16xi32>
          %lt3A_393 = arith.cmpi slt, %add3A_384, %lt3A_392 : vector<16xi32>
          %select_n3A_394 = arith.select %lt3A_393, %add3A_384, %add3A_390 : vector<16xi1>, vector<16xi32>
          %swap3A_395 = arith.index_cast %mul3A_379 : i32 to index
          %swap3A_396 = tpu.vector_load %arg8[%swap3A_395] {strides = array<i32>} : memref<12800xi32, #tpu.memory_space<vmem>>, vector<16xi32>,
          tpu.vector_store %arg8[%swap3A_395], %select_n3A_394 {strides = array<i32>} : memref<12800xi32, #tpu.memory_space<vmem>>, vector<16xi32>,
          %mul3A_397 = arith.constant 8 : i32
          %mul3A_398 = arith.muli %scan3A_283, %mul3A_397 : i32
          %add3A_399 = arith.constant 5 : i32
          %add3A_400 = arith.addi %mul3A_398, %add3A_399 : i32
          %mul3A_401 = arith.constant 16 : i32
          %mul3A_402 = arith.muli %add3A_400, %mul3A_401 : i32
          %get3A_403 = arith.index_cast %mul3A_402 : i32 to index
          %get3A_404 = tpu.vector_load %arg8[%get3A_403] {strides = array<i32>} : memref<12800xi32, #tpu.memory_space<vmem>>, vector<16xi32>,
          %add3A_405 = arith.constant 6 : i32
          %add3A_406 = vector.broadcast %add3A_405 : i32 to vector<16xi32>
          %add3A_407 = arith.addi %get3A_404, %add3A_406 : vector<16xi32>
          %and3A_408 = arith.constant 8191 : i32
          %and3A_409 = vector.broadcast %and3A_408 : i32 to vector<16xi32>
          %and3A_410 = arith.andi %get3A_404, %and3A_409 : vector<16xi32>
          %add3A_411 = arith.constant 1048576 : i32
          %add3A_412 = vector.broadcast %add3A_411 : i32 to vector<16xi32>
          %add3A_413 = arith.addi %and3A_410, %add3A_412 : vector<16xi32>
          %lt3A_414 = arith.constant 1048576 : i32
          %lt3A_415 = vector.broadcast %lt3A_414 : i32 to vector<16xi32>
          %lt3A_416 = arith.cmpi slt, %add3A_407, %lt3A_415 : vector<16xi32>
          %select_n3A_417 = arith.select %lt3A_416, %add3A_407, %add3A_413 : vector<16xi1>, vector<16xi32>
          %swap3A_418 = arith.index_cast %mul3A_402 : i32 to index
          %swap3A_419 = tpu.vector_load %arg8[%swap3A_418] {strides = array<i32>} : memref<12800xi32, #tpu.memory_space<vmem>>, vector<16xi32>,
          tpu.vector_store %arg8[%swap3A_418], %select_n3A_417 {strides = array<i32>} : memref<12800xi32, #tpu.memory_space<vmem>>, vector<16xi32>,
          %mul3A_420 = arith.constant 8 : i32
          %mul3A_421 = arith.muli %scan3A_283, %mul3A_420 : i32
          %add3A_422 = arith.constant 6 : i32
          %add3A_423 = arith.addi %mul3A_421, %add3A_422 : i32
          %mul3A_424 = arith.constant 16 : i32
          %mul3A_425 = arith.muli %add3A_423, %mul3A_424 : i32
          %get3A_426 = arith.index_cast %mul3A_425 : i32 to index
          %get3A_427 = tpu.vector_load %arg8[%get3A_426] {strides = array<i32>} : memref<12800xi32, #tpu.memory_space<vmem>>, vector<16xi32>,
          %add3A_428 = arith.constant 6 : i32
          %add3A_429 = vector.broadcast %add3A_428 : i32 to vector<16xi32>
          %add3A_430 = arith.addi %get3A_427, %add3A_429 : vector<16xi32>
          %and3A_431 = arith.constant 8191 : i32
          %and3A_432 = vector.broadcast %and3A_431 : i32 to vector<16xi32>
          %and3A_433 = arith.andi %get3A_427, %and3A_432 : vector<16xi32>
          %add3A_434 = arith.constant 1048576 : i32
          %add3A_435 = vector.broadcast %add3A_434 : i32 to vector<16xi32>
          %add3A_436 = arith.addi %and3A_433, %add3A_435 : vector<16xi32>
          %lt3A_437 = arith.constant 1048576 : i32
          %lt3A_438 = vector.broadcast %lt3A_437 : i32 to vector<16xi32>
          %lt3A_439 = arith.cmpi slt, %add3A_430, %lt3A_438 : vector<16xi32>
          %select_n3A_440 = arith.select %lt3A_439, %add3A_430, %add3A_436 : vector<16xi1>, vector<16xi32>
          %swap3A_441 = arith.index_cast %mul3A_425 : i32 to index
          %swap3A_442 = tpu.vector_load %arg8[%swap3A_441] {strides = array<i32>} : memref<12800xi32, #tpu.memory_space<vmem>>, vector<16xi32>,
          tpu.vector_store %arg8[%swap3A_441], %select_n3A_440 {strides = array<i32>} : memref<12800xi32, #tpu.memory_space<vmem>>, vector<16xi32>,
          %mul3A_443 = arith.constant 8 : i32
          %mul3A_444 = arith.muli %scan3A_283, %mul3A_443 : i32
          %add3A_445 = arith.constant 7 : i32
          %add3A_446 = arith.addi %mul3A_444, %add3A_445 : i32
          %mul3A_447 = arith.constant 16 : i32
          %mul3A_448 = arith.muli %add3A_446, %mul3A_447 : i32
          %get3A_449 = arith.index_cast %mul3A_448 : i32 to index
          %get3A_450 = tpu.vector_load %arg8[%get3A_449] {strides = array<i32>} : memref<12800xi32, #tpu.memory_space<vmem>>, vector<16xi32>,
          %add3A_451 = arith.constant 6 : i32
          %add3A_452 = vector.broadcast %add3A_451 : i32 to vector<16xi32>
          %add3A_453 = arith.addi %get3A_450, %add3A_452 : vector<16xi32>
          %and3A_454 = arith.constant 8191 : i32
          %and3A_455 = vector.broadcast %and3A_454 : i32 to vector<16xi32>
          %and3A_456 = arith.andi %get3A_450, %and3A_455 : vector<16xi32>
          %add3A_457 = arith.constant 1048576 : i32
          %add3A_458 = vector.broadcast %add3A_457 : i32 to vector<16xi32>
          %add3A_459 = arith.addi %and3A_456, %add3A_458 : vector<16xi32>
          %lt3A_460 = arith.constant 1048576 : i32
          %lt3A_461 = vector.broadcast %lt3A_460 : i32 to vector<16xi32>
          %lt3A_462 = arith.cmpi slt, %add3A_453, %lt3A_461 : vector<16xi32>
          %select_n3A_463 = arith.select %lt3A_462, %add3A_453, %add3A_459 : vector<16xi1>, vector<16xi32>
          %swap3A_464 = arith.index_cast %mul3A_448 : i32 to index
          %swap3A_465 = tpu.vector_load %arg8[%swap3A_464] {strides = array<i32>} : memref<12800xi32, #tpu.memory_space<vmem>>, vector<16xi32>,
          tpu.vector_store %arg8[%swap3A_464], %select_n3A_463 {strides = array<i32>} : memref<12800xi32, #tpu.memory_space<vmem>>, vector<16xi32>,
          %scan3A_466 = arith.constant 0 : i32
          scf.yield %scan3A_466 : i32
        }
        %scan3A_270 = arith.constant 100 : i32
        %dma_start3A_271 = arith.constant 0 : i32
        %dma_start3A_272 = tpu.memref_slice %arg10[%dma_start3A_271] : memref<12800xf32, #tpu.memory_space<vmem>> -> memref<6400xf32, #tpu.memory_space<vmem>>
        %dma_start3A_273 = arith.constant 0 : i32
        %dma_start3A_274 = tpu.memref_slice %arg8[%dma_start3A_273] : memref<12800xi32, #tpu.memory_space<vmem>> -> memref<6400xi32, #tpu.memory_space<vmem>>
        %dma_start3A_275 = arith.constant 0 : i32
        %dma_start3A_276 = tpu.memref_slice %arg6[%dma_start3A_275] : memref<1056768xf32, #tpu.memory_space<vmem_shared>> -> memref<1056768xf32, #tpu.memory_space<vmem_shared>>
        tpu.enqueue_indirect_dma source(%dma_start3A_276 : memref<1056768xf32, #tpu.memory_space<vmem_shared>>) target(%dma_start3A_272 : memref<6400xf32, #tpu.memory_space<vmem>>) offsets(%dma_start3A_274 : memref<6400xi32, #tpu.memory_space<vmem>>) semaphore(%arg18 : memref<!tpu.dma_semaphore, #tpu.memory_space<semaphore_mem>>)
        %dma_start3A_277 = arith.constant 6400 : i32
        %dma_start3A_278 = tpu.memref_slice %arg10[%dma_start3A_277] : memref<12800xf32, #tpu.memory_space<vmem>> -> memref<6400xf32, #tpu.memory_space<vmem>>
        %dma_start3A_279 = arith.constant 6400 : i32
        %dma_start3A_280 = tpu.memref_slice %arg8[%dma_start3A_279] : memref<12800xi32, #tpu.memory_space<vmem>> -> memref<6400xi32, #tpu.memory_space<vmem>>
        %dma_start3A_281 = arith.constant 0 : i32
        %dma_start3A_282 = tpu.memref_slice %arg6[%dma_start3A_281] : memref<1056768xf32, #tpu.memory_space<vmem_shared>> -> memref<1056768xf32, #tpu.memory_space<vmem_shared>>
        tpu.enqueue_indirect_dma source(%dma_start3A_282 : memref<1056768xf32, #tpu.memory_space<vmem_shared>>) target(%dma_start3A_278 : memref<6400xf32, #tpu.memory_space<vmem>>) offsets(%dma_start3A_280 : memref<6400xi32, #tpu.memory_space<vmem>>) semaphore(%arg24 : memref<!tpu.dma_semaphore, #tpu.memory_space<semaphore_mem>>)
      } else {
      }
      %mul3A_153 = arith.constant 32 : i32
      %mul3A_154 = arith.muli %add3A_143, %mul3A_153 : i32
      %add3A_155 = arith.addi %add3A, %mul3A_154 : i32
      %lt3A_156 = arith.constant 625 : i32
      %lt3A_157 = arith.cmpi slt, %add3A_155, %lt3A_156 : i32
      %convert_element_type3A_158 = arith.extui %lt3A_157 : i1 to i32
      %cond3A_159 = arith.constant 0 : i32
      %cond3A_160 = arith.cmpi ne, %convert_element_type3A_158, %cond3A_159 : i32
      scf.if %cond3A_160 {
        %dma_wait3A_260 = arith.constant 0 : i32
        %dma_wait3A_261 = tpu.memref_slice %arg9[%dma_wait3A_260] : memref<12800xf32, #tpu.memory_space<vmem>> -> memref<6400xf32, #tpu.memory_space<vmem>>
        %dma_wait3A_262 = arith.constant 0 : i32
        %dma_wait3A_263 = tpu.memref_slice %arg7[%dma_wait3A_262] : memref<12800xi32, #tpu.memory_space<vmem>> -> memref<6400xi32, #tpu.memory_space<vmem>>
        %dma_wait3A_264 = arith.constant 0 : i32
        %dma_wait3A_265 = tpu.memref_slice %arg6[%dma_wait3A_264] : memref<1056768xf32, #tpu.memory_space<vmem_shared>> -> memref<1056768xf32, #tpu.memory_space<vmem_shared>>
        tpu.wait_indirect_dma semaphore(%arg17 : memref<!tpu.dma_semaphore, #tpu.memory_space<semaphore_mem>>) src(%dma_wait3A_265 : memref<1056768xf32, #tpu.memory_space<vmem_shared>>) dst(%dma_wait3A_261 : memref<6400xf32, #tpu.memory_space<vmem>>)
        %dma_wait3A_266 = arith.constant 6400 : i32
        %dma_wait3A_267 = tpu.memref_slice %arg9[%dma_wait3A_266] : memref<12800xf32, #tpu.memory_space<vmem>> -> memref<6400xf32, #tpu.memory_space<vmem>>
        %dma_wait3A_268 = arith.constant 6400 : i32
        %dma_wait3A_269 = tpu.memref_slice %arg7[%dma_wait3A_268] : memref<12800xi32, #tpu.memory_space<vmem>> -> memref<6400xi32, #tpu.memory_space<vmem>>
        %dma_wait3A_270 = arith.constant 0 : i32
        %dma_wait3A_271 = tpu.memref_slice %arg6[%dma_wait3A_270] : memref<1056768xf32, #tpu.memory_space<vmem_shared>> -> memref<1056768xf32, #tpu.memory_space<vmem_shared>>
        tpu.wait_indirect_dma semaphore(%arg23 : memref<!tpu.dma_semaphore, #tpu.memory_space<semaphore_mem>>) src(%dma_wait3A_271 : memref<1056768xf32, #tpu.memory_space<vmem_shared>>) dst(%dma_wait3A_267 : memref<6400xf32, #tpu.memory_space<vmem>>)
      } else {
      }
      %add3A_161 = arith.constant 2 : i32
      %add3A_162 = arith.addi %add3A_143, %add3A_161 : i32
      %mul3A_163 = arith.constant 32 : i32
      %mul3A_164 = arith.muli %add3A_162, %mul3A_163 : i32
      %add3A_165 = arith.addi %add3A, %mul3A_164 : i32
      %lt3A_166 = arith.constant 625 : i32
      %lt3A_167 = arith.cmpi slt, %add3A_165, %lt3A_166 : i32
      %convert_element_type3A_168 = arith.extui %lt3A_167 : i1 to i32
      %cond3A_169 = arith.constant 0 : i32
      %cond3A_170 = arith.cmpi ne, %convert_element_type3A_168, %cond3A_169 : i32
      scf.if %cond3A_170 {
        %add3A_260 = arith.constant 2 : i32
        %add3A_261 = arith.addi %add3A_143, %add3A_260 : i32
        %mul3A_262 = arith.constant 32 : i32
        %mul3A_263 = arith.muli %add3A_261, %mul3A_262 : i32
        %add3A_264 = arith.addi %add3A, %mul3A_263 : i32
        %mul3A_265 = arith.constant 12800 : i32
        %mul3A_266 = arith.muli %add3A_264, %mul3A_265 : i32
        %dma_start3A_267 = tpu.memref_slice %arg3[%mul3A_266] : memref<8000000xi32, #tpu.memory_space<hbm>> -> memref<12800xi32, #tpu.memory_space<hbm>>
        %dma_start3A_268 = tpu.memref_slice %arg3[%mul3A_266] : memref<8000000xi32, #tpu.memory_space<hbm>> -> memref<12800xi32, #tpu.memory_space<hbm>>
        tpu.enqueue_dma source(%dma_start3A_268 : memref<12800xi32, #tpu.memory_space<hbm>>) target(%arg7 : memref<12800xi32, #tpu.memory_space<vmem>>) target_semaphore(%arg15 : memref<!tpu.dma_semaphore, #tpu.memory_space<semaphore_mem>>)
      } else {
      }
      %ge3A = arith.constant 2 : i32
      %ge3A_171 = arith.cmpi sge, %add3A_143, %ge3A : i32
      %mul3A_172 = arith.constant 32 : i32
      %mul3A_173 = arith.muli %add3A_143, %mul3A_172 : i32
      %add3A_174 = arith.addi %add3A, %mul3A_173 : i32
      %lt3A_175 = arith.constant 625 : i32
      %lt3A_176 = arith.cmpi slt, %add3A_174, %lt3A_175 : i32
      %and3A = arith.andi %ge3A_171, %lt3A_176 : i1
      %convert_element_type3A_177 = arith.extui %and3A : i1 to i32
      %cond3A_178 = arith.constant 0 : i32
      %cond3A_179 = arith.cmpi ne, %convert_element_type3A_177, %cond3A_178 : i32
      scf.if %cond3A_179 {
        %dma_wait3A_260 = arith.constant 0 : i32
        %dma_wait3A_261 = tpu.memref_slice %arg5[%dma_wait3A_260] : memref<2000000xf32, #tpu.memory_space<hbm>> -> memref<3200xf32, #tpu.memory_space<hbm>>
        %dma_wait3A_262 = arith.constant 0 : i32
        %dma_wait3A_263 = tpu.memref_slice %arg5[%dma_wait3A_262] : memref<2000000xf32, #tpu.memory_space<hbm>> -> memref<3200xf32, #tpu.memory_space<hbm>>
        tpu.wait_dma2 semaphore(%arg19 : memref<!tpu.dma_semaphore, #tpu.memory_space<semaphore_mem>>) src(%arg11 : memref<3200xf32, #tpu.memory_space<vmem>>) dst(%dma_wait3A_263 : memref<3200xf32, #tpu.memory_space<hbm>>)
      } else {
      }
      %mul3A_180 = arith.constant 32 : i32
      %mul3A_181 = arith.muli %add3A_143, %mul3A_180 : i32
      %add3A_182 = arith.addi %add3A, %mul3A_181 : i32
      %lt3A_183 = arith.constant 625 : i32
      %lt3A_184 = arith.cmpi slt, %add3A_182, %lt3A_183 : i32
      %convert_element_type3A_185 = arith.extui %lt3A_184 : i1 to i32
      %cond3A_186 = arith.constant 0 : i32
      %cond3A_187 = arith.cmpi ne, %convert_element_type3A_185, %cond3A_186 : i32
      scf.if %cond3A_187 {
        %scan3A_260 = arith.constant 0 : i32
        %scan3A_261 = arith.constant 0 : i32
        %scan3A_262 = arith.constant 200 : i32
        %scan3A_263 = arith.addi %scan3A_261, %scan3A_262 : i32
        %scan3A_264 = arith.constant 1 : i32
        %scan3A_265 = scf.for %scan3A_274 = %scan3A_261 to %scan3A_263 step %scan3A_264 iter_args(%scan3A_275 = %scan3A_260) -> (i32)  : i32 {
          %mul3A_276 = arith.constant 4 : i32
          %mul3A_277 = vector.broadcast %mul3A_276 : i32 to vector<16xi32>
          %mul3A_278 = arith.muli %iota3A, %mul3A_277 : vector<16xi32>
          %mul3A_279 = arith.constant 64 : i32
          %mul3A_280 = arith.muli %scan3A_274, %mul3A_279 : i32
          %add3A_281 = vector.broadcast %mul3A_280 : i32 to vector<16xi32>
          %add3A_282 = arith.addi %mul3A_278, %add3A_281 : vector<16xi32>
          %gather3A = tpu.vector_load_idx %arg9[%add3A_282] : memref<12800xf32, #tpu.memory_space<vmem>>[vector<16xi32>], vector<16xf32>,
          %add3A_283 = arith.constant 1 : i32
          %add3A_284 = vector.broadcast %add3A_283 : i32 to vector<16xi32>
          %add3A_285 = arith.addi %add3A_282, %add3A_284 : vector<16xi32>
          %gather3A_286 = tpu.vector_load_idx %arg9[%add3A_285] : memref<12800xf32, #tpu.memory_space<vmem>>[vector<16xi32>], vector<16xf32>,
          %add3A_287 = arith.constant 2 : i32
          %add3A_288 = vector.broadcast %add3A_287 : i32 to vector<16xi32>
          %add3A_289 = arith.addi %add3A_282, %add3A_288 : vector<16xi32>
          %gather3A_290 = tpu.vector_load_idx %arg9[%add3A_289] : memref<12800xf32, #tpu.memory_space<vmem>>[vector<16xi32>], vector<16xf32>,
          %add3A_291 = arith.constant 3 : i32
          %add3A_292 = vector.broadcast %add3A_291 : i32 to vector<16xi32>
          %add3A_293 = arith.addi %add3A_282, %add3A_292 : vector<16xi32>
          %gather3A_294 = tpu.vector_load_idx %arg9[%add3A_293] : memref<12800xf32, #tpu.memory_space<vmem>>[vector<16xi32>], vector<16xf32>,
          %mul3A_295 = arith.mulf %gather3A, %gather3A_286 : vector<16xf32>
          %mul3A_296 = arith.mulf %gather3A_290, %gather3A_294 : vector<16xf32>
          %mul3A_297 = arith.mulf %mul3A_295, %mul3A_296 : vector<16xf32>
          %mul3A_298 = arith.constant 16 : i32
          %mul3A_299 = arith.muli %scan3A_274, %mul3A_298 : i32
          %swap3A = arith.index_cast %mul3A_299 : i32 to index
          %swap3A_300 = tpu.vector_load %arg11[%swap3A] {strides = array<i32>} : memref<3200xf32, #tpu.memory_space<vmem>>, vector<16xf32>,
          tpu.vector_store %arg11[%swap3A], %mul3A_297 {strides = array<i32>} : memref<3200xf32, #tpu.memory_space<vmem>>, vector<16xf32>,
          %scan3A_301 = arith.constant 0 : i32
          scf.yield %scan3A_301 : i32
        }
        %scan3A_266 = arith.constant 200 : i32
        %mul3A_267 = arith.constant 32 : i32
        %mul3A_268 = arith.muli %add3A_143, %mul3A_267 : i32
        %add3A_269 = arith.addi %add3A, %mul3A_268 : i32
        %mul3A_270 = arith.constant 3200 : i32
        %mul3A_271 = arith.muli %add3A_269, %mul3A_270 : i32
        %dma_start3A_272 = tpu.memref_slice %arg5[%mul3A_271] : memref<2000000xf32, #tpu.memory_space<hbm>> -> memref<3200xf32, #tpu.memory_space<hbm>>
        %dma_start3A_273 = tpu.memref_slice %arg5[%mul3A_271] : memref<2000000xf32, #tpu.memory_space<hbm>> -> memref<3200xf32, #tpu.memory_space<hbm>>
        tpu.enqueue_dma source(%arg11 : memref<3200xf32, #tpu.memory_space<vmem>>) target(%dma_start3A_273 : memref<3200xf32, #tpu.memory_space<hbm>>) target_semaphore(%arg19 : memref<!tpu.dma_semaphore, #tpu.memory_space<semaphore_mem>>)
      } else {
      }
      %add3A_188 = arith.constant 2 : i32
      %add3A_189 = arith.addi %add3A_143, %add3A_188 : i32
      %mul3A_190 = arith.constant 32 : i32
      %mul3A_191 = arith.muli %add3A_189, %mul3A_190 : i32
      %add3A_192 = arith.addi %add3A, %mul3A_191 : i32
      %lt3A_193 = arith.constant 625 : i32
      %lt3A_194 = arith.cmpi slt, %add3A_192, %lt3A_193 : i32
      %convert_element_type3A_195 = arith.extui %lt3A_194 : i1 to i32
      %cond3A_196 = arith.constant 0 : i32
      %cond3A_197 = arith.cmpi ne, %convert_element_type3A_195, %cond3A_196 : i32
      scf.if %cond3A_197 {
        %add3A_260 = arith.constant 2 : i32
        %add3A_261 = arith.addi %add3A_143, %add3A_260 : i32
      } else {
      }
      %mul3A_198 = arith.constant 2 : i32
      %mul3A_199 = arith.muli %mul3A_198, %scan3A_138 : i32
      %add3A_200 = arith.constant 1 : i32
      %add3A_201 = arith.addi %mul3A_199, %add3A_200 : i32
      %add3A_202 = arith.constant 1 : i32
      %add3A_203 = arith.addi %add3A_201, %add3A_202 : i32
      %mul3A_204 = arith.constant 32 : i32
      %mul3A_205 = arith.muli %add3A_203, %mul3A_204 : i32
      %add3A_206 = arith.addi %add3A, %mul3A_205 : i32
      %lt3A_207 = arith.constant 625 : i32
      %lt3A_208 = arith.cmpi slt, %add3A_206, %lt3A_207 : i32
      %convert_element_type3A_209 = arith.extui %lt3A_208 : i1 to i32
      %cond3A_210 = arith.constant 0 : i32
      %cond3A_211 = arith.cmpi ne, %convert_element_type3A_209, %cond3A_210 : i32
      scf.if %cond3A_211 {
        %dma_wait3A_260 = arith.constant 0 : i32
        %dma_wait3A_261 = tpu.memref_slice %arg3[%dma_wait3A_260] : memref<8000000xi32, #tpu.memory_space<hbm>> -> memref<12800xi32, #tpu.memory_space<hbm>>
        %dma_wait3A_262 = arith.constant 0 : i32
        %dma_wait3A_263 = tpu.memref_slice %arg3[%dma_wait3A_262] : memref<8000000xi32, #tpu.memory_space<hbm>> -> memref<12800xi32, #tpu.memory_space<hbm>>
        tpu.wait_dma2 semaphore(%arg15 : memref<!tpu.dma_semaphore, #tpu.memory_space<semaphore_mem>>) src(%dma_wait3A_263 : memref<12800xi32, #tpu.memory_space<hbm>>) dst(%arg7 : memref<12800xi32, #tpu.memory_space<vmem>>)
        %scan3A_264 = arith.constant 0 : i32
        %scan3A_265 = arith.constant 0 : i32
        %scan3A_266 = arith.constant 100 : i32
        %scan3A_267 = arith.addi %scan3A_265, %scan3A_266 : i32
        %scan3A_268 = arith.constant 1 : i32
        %scan3A_269 = scf.for %scan3A_283 = %scan3A_265 to %scan3A_267 step %scan3A_268 iter_args(%scan3A_284 = %scan3A_264) -> (i32)  : i32 {
          %mul3A_285 = arith.constant 8 : i32
          %mul3A_286 = arith.muli %scan3A_283, %mul3A_285 : i32
          %add3A_287 = arith.constant 0 : i32
          %add3A_288 = arith.addi %mul3A_286, %add3A_287 : i32
          %mul3A_289 = arith.constant 16 : i32
          %mul3A_290 = arith.muli %add3A_288, %mul3A_289 : i32
          %get3A = arith.index_cast %mul3A_290 : i32 to index
          %get3A_291 = tpu.vector_load %arg7[%get3A] {strides = array<i32>} : memref<12800xi32, #tpu.memory_space<vmem>>, vector<16xi32>,
          %add3A_292 = arith.constant 6 : i32
          %add3A_293 = vector.broadcast %add3A_292 : i32 to vector<16xi32>
          %add3A_294 = arith.addi %get3A_291, %add3A_293 : vector<16xi32>
          %and3A_295 = arith.constant 8191 : i32
          %and3A_296 = vector.broadcast %and3A_295 : i32 to vector<16xi32>
          %and3A_297 = arith.andi %get3A_291, %and3A_296 : vector<16xi32>
          %add3A_298 = arith.constant 1048576 : i32
          %add3A_299 = vector.broadcast %add3A_298 : i32 to vector<16xi32>
          %add3A_300 = arith.addi %and3A_297, %add3A_299 : vector<16xi32>
          %lt3A_301 = arith.constant 1048576 : i32
          %lt3A_302 = vector.broadcast %lt3A_301 : i32 to vector<16xi32>
          %lt3A_303 = arith.cmpi slt, %add3A_294, %lt3A_302 : vector<16xi32>
          %select_n3A = arith.select %lt3A_303, %add3A_294, %add3A_300 : vector<16xi1>, vector<16xi32>
          %swap3A = arith.index_cast %mul3A_290 : i32 to index
          %swap3A_304 = tpu.vector_load %arg7[%swap3A] {strides = array<i32>} : memref<12800xi32, #tpu.memory_space<vmem>>, vector<16xi32>,
          tpu.vector_store %arg7[%swap3A], %select_n3A {strides = array<i32>} : memref<12800xi32, #tpu.memory_space<vmem>>, vector<16xi32>,
          %mul3A_305 = arith.constant 8 : i32
          %mul3A_306 = arith.muli %scan3A_283, %mul3A_305 : i32
          %add3A_307 = arith.constant 1 : i32
          %add3A_308 = arith.addi %mul3A_306, %add3A_307 : i32
          %mul3A_309 = arith.constant 16 : i32
          %mul3A_310 = arith.muli %add3A_308, %mul3A_309 : i32
          %get3A_311 = arith.index_cast %mul3A_310 : i32 to index
          %get3A_312 = tpu.vector_load %arg7[%get3A_311] {strides = array<i32>} : memref<12800xi32, #tpu.memory_space<vmem>>, vector<16xi32>,
          %add3A_313 = arith.constant 6 : i32
          %add3A_314 = vector.broadcast %add3A_313 : i32 to vector<16xi32>
          %add3A_315 = arith.addi %get3A_312, %add3A_314 : vector<16xi32>
          %and3A_316 = arith.constant 8191 : i32
          %and3A_317 = vector.broadcast %and3A_316 : i32 to vector<16xi32>
          %and3A_318 = arith.andi %get3A_312, %and3A_317 : vector<16xi32>
          %add3A_319 = arith.constant 1048576 : i32
          %add3A_320 = vector.broadcast %add3A_319 : i32 to vector<16xi32>
          %add3A_321 = arith.addi %and3A_318, %add3A_320 : vector<16xi32>
          %lt3A_322 = arith.constant 1048576 : i32
          %lt3A_323 = vector.broadcast %lt3A_322 : i32 to vector<16xi32>
          %lt3A_324 = arith.cmpi slt, %add3A_315, %lt3A_323 : vector<16xi32>
          %select_n3A_325 = arith.select %lt3A_324, %add3A_315, %add3A_321 : vector<16xi1>, vector<16xi32>
          %swap3A_326 = arith.index_cast %mul3A_310 : i32 to index
          %swap3A_327 = tpu.vector_load %arg7[%swap3A_326] {strides = array<i32>} : memref<12800xi32, #tpu.memory_space<vmem>>, vector<16xi32>,
          tpu.vector_store %arg7[%swap3A_326], %select_n3A_325 {strides = array<i32>} : memref<12800xi32, #tpu.memory_space<vmem>>, vector<16xi32>,
          %mul3A_328 = arith.constant 8 : i32
          %mul3A_329 = arith.muli %scan3A_283, %mul3A_328 : i32
          %add3A_330 = arith.constant 2 : i32
          %add3A_331 = arith.addi %mul3A_329, %add3A_330 : i32
          %mul3A_332 = arith.constant 16 : i32
          %mul3A_333 = arith.muli %add3A_331, %mul3A_332 : i32
          %get3A_334 = arith.index_cast %mul3A_333 : i32 to index
          %get3A_335 = tpu.vector_load %arg7[%get3A_334] {strides = array<i32>} : memref<12800xi32, #tpu.memory_space<vmem>>, vector<16xi32>,
          %add3A_336 = arith.constant 6 : i32
          %add3A_337 = vector.broadcast %add3A_336 : i32 to vector<16xi32>
          %add3A_338 = arith.addi %get3A_335, %add3A_337 : vector<16xi32>
          %and3A_339 = arith.constant 8191 : i32
          %and3A_340 = vector.broadcast %and3A_339 : i32 to vector<16xi32>
          %and3A_341 = arith.andi %get3A_335, %and3A_340 : vector<16xi32>
          %add3A_342 = arith.constant 1048576 : i32
          %add3A_343 = vector.broadcast %add3A_342 : i32 to vector<16xi32>
          %add3A_344 = arith.addi %and3A_341, %add3A_343 : vector<16xi32>
          %lt3A_345 = arith.constant 1048576 : i32
          %lt3A_346 = vector.broadcast %lt3A_345 : i32 to vector<16xi32>
          %lt3A_347 = arith.cmpi slt, %add3A_338, %lt3A_346 : vector<16xi32>
          %select_n3A_348 = arith.select %lt3A_347, %add3A_338, %add3A_344 : vector<16xi1>, vector<16xi32>
          %swap3A_349 = arith.index_cast %mul3A_333 : i32 to index
          %swap3A_350 = tpu.vector_load %arg7[%swap3A_349] {strides = array<i32>} : memref<12800xi32, #tpu.memory_space<vmem>>, vector<16xi32>,
          tpu.vector_store %arg7[%swap3A_349], %select_n3A_348 {strides = array<i32>} : memref<12800xi32, #tpu.memory_space<vmem>>, vector<16xi32>,
          %mul3A_351 = arith.constant 8 : i32
          %mul3A_352 = arith.muli %scan3A_283, %mul3A_351 : i32
          %add3A_353 = arith.constant 3 : i32
          %add3A_354 = arith.addi %mul3A_352, %add3A_353 : i32
          %mul3A_355 = arith.constant 16 : i32
          %mul3A_356 = arith.muli %add3A_354, %mul3A_355 : i32
          %get3A_357 = arith.index_cast %mul3A_356 : i32 to index
          %get3A_358 = tpu.vector_load %arg7[%get3A_357] {strides = array<i32>} : memref<12800xi32, #tpu.memory_space<vmem>>, vector<16xi32>,
          %add3A_359 = arith.constant 6 : i32
          %add3A_360 = vector.broadcast %add3A_359 : i32 to vector<16xi32>
          %add3A_361 = arith.addi %get3A_358, %add3A_360 : vector<16xi32>
          %and3A_362 = arith.constant 8191 : i32
          %and3A_363 = vector.broadcast %and3A_362 : i32 to vector<16xi32>
          %and3A_364 = arith.andi %get3A_358, %and3A_363 : vector<16xi32>
          %add3A_365 = arith.constant 1048576 : i32
          %add3A_366 = vector.broadcast %add3A_365 : i32 to vector<16xi32>
          %add3A_367 = arith.addi %and3A_364, %add3A_366 : vector<16xi32>
          %lt3A_368 = arith.constant 1048576 : i32
          %lt3A_369 = vector.broadcast %lt3A_368 : i32 to vector<16xi32>
          %lt3A_370 = arith.cmpi slt, %add3A_361, %lt3A_369 : vector<16xi32>
          %select_n3A_371 = arith.select %lt3A_370, %add3A_361, %add3A_367 : vector<16xi1>, vector<16xi32>
          %swap3A_372 = arith.index_cast %mul3A_356 : i32 to index
          %swap3A_373 = tpu.vector_load %arg7[%swap3A_372] {strides = array<i32>} : memref<12800xi32, #tpu.memory_space<vmem>>, vector<16xi32>,
          tpu.vector_store %arg7[%swap3A_372], %select_n3A_371 {strides = array<i32>} : memref<12800xi32, #tpu.memory_space<vmem>>, vector<16xi32>,
          %mul3A_374 = arith.constant 8 : i32
          %mul3A_375 = arith.muli %scan3A_283, %mul3A_374 : i32
          %add3A_376 = arith.constant 4 : i32
          %add3A_377 = arith.addi %mul3A_375, %add3A_376 : i32
          %mul3A_378 = arith.constant 16 : i32
          %mul3A_379 = arith.muli %add3A_377, %mul3A_378 : i32
          %get3A_380 = arith.index_cast %mul3A_379 : i32 to index
          %get3A_381 = tpu.vector_load %arg7[%get3A_380] {strides = array<i32>} : memref<12800xi32, #tpu.memory_space<vmem>>, vector<16xi32>,
          %add3A_382 = arith.constant 6 : i32
          %add3A_383 = vector.broadcast %add3A_382 : i32 to vector<16xi32>
          %add3A_384 = arith.addi %get3A_381, %add3A_383 : vector<16xi32>
          %and3A_385 = arith.constant 8191 : i32
          %and3A_386 = vector.broadcast %and3A_385 : i32 to vector<16xi32>
          %and3A_387 = arith.andi %get3A_381, %and3A_386 : vector<16xi32>
          %add3A_388 = arith.constant 1048576 : i32
          %add3A_389 = vector.broadcast %add3A_388 : i32 to vector<16xi32>
          %add3A_390 = arith.addi %and3A_387, %add3A_389 : vector<16xi32>
          %lt3A_391 = arith.constant 1048576 : i32
          %lt3A_392 = vector.broadcast %lt3A_391 : i32 to vector<16xi32>
          %lt3A_393 = arith.cmpi slt, %add3A_384, %lt3A_392 : vector<16xi32>
          %select_n3A_394 = arith.select %lt3A_393, %add3A_384, %add3A_390 : vector<16xi1>, vector<16xi32>
          %swap3A_395 = arith.index_cast %mul3A_379 : i32 to index
          %swap3A_396 = tpu.vector_load %arg7[%swap3A_395] {strides = array<i32>} : memref<12800xi32, #tpu.memory_space<vmem>>, vector<16xi32>,
          tpu.vector_store %arg7[%swap3A_395], %select_n3A_394 {strides = array<i32>} : memref<12800xi32, #tpu.memory_space<vmem>>, vector<16xi32>,
          %mul3A_397 = arith.constant 8 : i32
          %mul3A_398 = arith.muli %scan3A_283, %mul3A_397 : i32
          %add3A_399 = arith.constant 5 : i32
          %add3A_400 = arith.addi %mul3A_398, %add3A_399 : i32
          %mul3A_401 = arith.constant 16 : i32
          %mul3A_402 = arith.muli %add3A_400, %mul3A_401 : i32
          %get3A_403 = arith.index_cast %mul3A_402 : i32 to index
          %get3A_404 = tpu.vector_load %arg7[%get3A_403] {strides = array<i32>} : memref<12800xi32, #tpu.memory_space<vmem>>, vector<16xi32>,
          %add3A_405 = arith.constant 6 : i32
          %add3A_406 = vector.broadcast %add3A_405 : i32 to vector<16xi32>
          %add3A_407 = arith.addi %get3A_404, %add3A_406 : vector<16xi32>
          %and3A_408 = arith.constant 8191 : i32
          %and3A_409 = vector.broadcast %and3A_408 : i32 to vector<16xi32>
          %and3A_410 = arith.andi %get3A_404, %and3A_409 : vector<16xi32>
          %add3A_411 = arith.constant 1048576 : i32
          %add3A_412 = vector.broadcast %add3A_411 : i32 to vector<16xi32>
          %add3A_413 = arith.addi %and3A_410, %add3A_412 : vector<16xi32>
          %lt3A_414 = arith.constant 1048576 : i32
          %lt3A_415 = vector.broadcast %lt3A_414 : i32 to vector<16xi32>
          %lt3A_416 = arith.cmpi slt, %add3A_407, %lt3A_415 : vector<16xi32>
          %select_n3A_417 = arith.select %lt3A_416, %add3A_407, %add3A_413 : vector<16xi1>, vector<16xi32>
          %swap3A_418 = arith.index_cast %mul3A_402 : i32 to index
          %swap3A_419 = tpu.vector_load %arg7[%swap3A_418] {strides = array<i32>} : memref<12800xi32, #tpu.memory_space<vmem>>, vector<16xi32>,
          tpu.vector_store %arg7[%swap3A_418], %select_n3A_417 {strides = array<i32>} : memref<12800xi32, #tpu.memory_space<vmem>>, vector<16xi32>,
          %mul3A_420 = arith.constant 8 : i32
          %mul3A_421 = arith.muli %scan3A_283, %mul3A_420 : i32
          %add3A_422 = arith.constant 6 : i32
          %add3A_423 = arith.addi %mul3A_421, %add3A_422 : i32
          %mul3A_424 = arith.constant 16 : i32
          %mul3A_425 = arith.muli %add3A_423, %mul3A_424 : i32
          %get3A_426 = arith.index_cast %mul3A_425 : i32 to index
          %get3A_427 = tpu.vector_load %arg7[%get3A_426] {strides = array<i32>} : memref<12800xi32, #tpu.memory_space<vmem>>, vector<16xi32>,
          %add3A_428 = arith.constant 6 : i32
          %add3A_429 = vector.broadcast %add3A_428 : i32 to vector<16xi32>
          %add3A_430 = arith.addi %get3A_427, %add3A_429 : vector<16xi32>
          %and3A_431 = arith.constant 8191 : i32
          %and3A_432 = vector.broadcast %and3A_431 : i32 to vector<16xi32>
          %and3A_433 = arith.andi %get3A_427, %and3A_432 : vector<16xi32>
          %add3A_434 = arith.constant 1048576 : i32
          %add3A_435 = vector.broadcast %add3A_434 : i32 to vector<16xi32>
          %add3A_436 = arith.addi %and3A_433, %add3A_435 : vector<16xi32>
          %lt3A_437 = arith.constant 1048576 : i32
          %lt3A_438 = vector.broadcast %lt3A_437 : i32 to vector<16xi32>
          %lt3A_439 = arith.cmpi slt, %add3A_430, %lt3A_438 : vector<16xi32>
          %select_n3A_440 = arith.select %lt3A_439, %add3A_430, %add3A_436 : vector<16xi1>, vector<16xi32>
          %swap3A_441 = arith.index_cast %mul3A_425 : i32 to index
          %swap3A_442 = tpu.vector_load %arg7[%swap3A_441] {strides = array<i32>} : memref<12800xi32, #tpu.memory_space<vmem>>, vector<16xi32>,
          tpu.vector_store %arg7[%swap3A_441], %select_n3A_440 {strides = array<i32>} : memref<12800xi32, #tpu.memory_space<vmem>>, vector<16xi32>,
          %mul3A_443 = arith.constant 8 : i32
          %mul3A_444 = arith.muli %scan3A_283, %mul3A_443 : i32
          %add3A_445 = arith.constant 7 : i32
          %add3A_446 = arith.addi %mul3A_444, %add3A_445 : i32
          %mul3A_447 = arith.constant 16 : i32
          %mul3A_448 = arith.muli %add3A_446, %mul3A_447 : i32
          %get3A_449 = arith.index_cast %mul3A_448 : i32 to index
          %get3A_450 = tpu.vector_load %arg7[%get3A_449] {strides = array<i32>} : memref<12800xi32, #tpu.memory_space<vmem>>, vector<16xi32>,
          %add3A_451 = arith.constant 6 : i32
          %add3A_452 = vector.broadcast %add3A_451 : i32 to vector<16xi32>
          %add3A_453 = arith.addi %get3A_450, %add3A_452 : vector<16xi32>
          %and3A_454 = arith.constant 8191 : i32
          %and3A_455 = vector.broadcast %and3A_454 : i32 to vector<16xi32>
          %and3A_456 = arith.andi %get3A_450, %and3A_455 : vector<16xi32>
          %add3A_457 = arith.constant 1048576 : i32
          %add3A_458 = vector.broadcast %add3A_457 : i32 to vector<16xi32>
          %add3A_459 = arith.addi %and3A_456, %add3A_458 : vector<16xi32>
          %lt3A_460 = arith.constant 1048576 : i32
          %lt3A_461 = vector.broadcast %lt3A_460 : i32 to vector<16xi32>
          %lt3A_462 = arith.cmpi slt, %add3A_453, %lt3A_461 : vector<16xi32>
          %select_n3A_463 = arith.select %lt3A_462, %add3A_453, %add3A_459 : vector<16xi1>, vector<16xi32>
          %swap3A_464 = arith.index_cast %mul3A_448 : i32 to index
          %swap3A_465 = tpu.vector_load %arg7[%swap3A_464] {strides = array<i32>} : memref<12800xi32, #tpu.memory_space<vmem>>, vector<16xi32>,
          tpu.vector_store %arg7[%swap3A_464], %select_n3A_463 {strides = array<i32>} : memref<12800xi32, #tpu.memory_space<vmem>>, vector<16xi32>,
          %scan3A_466 = arith.constant 0 : i32
          scf.yield %scan3A_466 : i32
        }
        %scan3A_270 = arith.constant 100 : i32
        %dma_start3A_271 = arith.constant 0 : i32
        %dma_start3A_272 = tpu.memref_slice %arg9[%dma_start3A_271] : memref<12800xf32, #tpu.memory_space<vmem>> -> memref<6400xf32, #tpu.memory_space<vmem>>
        %dma_start3A_273 = arith.constant 0 : i32
        %dma_start3A_274 = tpu.memref_slice %arg7[%dma_start3A_273] : memref<12800xi32, #tpu.memory_space<vmem>> -> memref<6400xi32, #tpu.memory_space<vmem>>
        %dma_start3A_275 = arith.constant 0 : i32
        %dma_start3A_276 = tpu.memref_slice %arg6[%dma_start3A_275] : memref<1056768xf32, #tpu.memory_space<vmem_shared>> -> memref<1056768xf32, #tpu.memory_space<vmem_shared>>
        tpu.enqueue_indirect_dma source(%dma_start3A_276 : memref<1056768xf32, #tpu.memory_space<vmem_shared>>) target(%dma_start3A_272 : memref<6400xf32, #tpu.memory_space<vmem>>) offsets(%dma_start3A_274 : memref<6400xi32, #tpu.memory_space<vmem>>) semaphore(%arg17 : memref<!tpu.dma_semaphore, #tpu.memory_space<semaphore_mem>>)
        %dma_start3A_277 = arith.constant 6400 : i32
        %dma_start3A_278 = tpu.memref_slice %arg9[%dma_start3A_277] : memref<12800xf32, #tpu.memory_space<vmem>> -> memref<6400xf32, #tpu.memory_space<vmem>>
        %dma_start3A_279 = arith.constant 6400 : i32
        %dma_start3A_280 = tpu.memref_slice %arg7[%dma_start3A_279] : memref<12800xi32, #tpu.memory_space<vmem>> -> memref<6400xi32, #tpu.memory_space<vmem>>
        %dma_start3A_281 = arith.constant 0 : i32
        %dma_start3A_282 = tpu.memref_slice %arg6[%dma_start3A_281] : memref<1056768xf32, #tpu.memory_space<vmem_shared>> -> memref<1056768xf32, #tpu.memory_space<vmem_shared>>
        tpu.enqueue_indirect_dma source(%dma_start3A_282 : memref<1056768xf32, #tpu.memory_space<vmem_shared>>) target(%dma_start3A_278 : memref<6400xf32, #tpu.memory_space<vmem>>) offsets(%dma_start3A_280 : memref<6400xi32, #tpu.memory_space<vmem>>) semaphore(%arg23 : memref<!tpu.dma_semaphore, #tpu.memory_space<semaphore_mem>>)
      } else {
      }
      %mul3A_212 = arith.constant 32 : i32
      %mul3A_213 = arith.muli %add3A_201, %mul3A_212 : i32
      %add3A_214 = arith.addi %add3A, %mul3A_213 : i32
      %lt3A_215 = arith.constant 625 : i32
      %lt3A_216 = arith.cmpi slt, %add3A_214, %lt3A_215 : i32
      %convert_element_type3A_217 = arith.extui %lt3A_216 : i1 to i32
      %cond3A_218 = arith.constant 0 : i32
      %cond3A_219 = arith.cmpi ne, %convert_element_type3A_217, %cond3A_218 : i32
      scf.if %cond3A_219 {
        %dma_wait3A_260 = arith.constant 0 : i32
        %dma_wait3A_261 = tpu.memref_slice %arg10[%dma_wait3A_260] : memref<12800xf32, #tpu.memory_space<vmem>> -> memref<6400xf32, #tpu.memory_space<vmem>>
        %dma_wait3A_262 = arith.constant 0 : i32
        %dma_wait3A_263 = tpu.memref_slice %arg8[%dma_wait3A_262] : memref<12800xi32, #tpu.memory_space<vmem>> -> memref<6400xi32, #tpu.memory_space<vmem>>
        %dma_wait3A_264 = arith.constant 0 : i32
        %dma_wait3A_265 = tpu.memref_slice %arg6[%dma_wait3A_264] : memref<1056768xf32, #tpu.memory_space<vmem_shared>> -> memref<1056768xf32, #tpu.memory_space<vmem_shared>>
        tpu.wait_indirect_dma semaphore(%arg18 : memref<!tpu.dma_semaphore, #tpu.memory_space<semaphore_mem>>) src(%dma_wait3A_265 : memref<1056768xf32, #tpu.memory_space<vmem_shared>>) dst(%dma_wait3A_261 : memref<6400xf32, #tpu.memory_space<vmem>>)
        %dma_wait3A_266 = arith.constant 6400 : i32
        %dma_wait3A_267 = tpu.memref_slice %arg10[%dma_wait3A_266] : memref<12800xf32, #tpu.memory_space<vmem>> -> memref<6400xf32, #tpu.memory_space<vmem>>
        %dma_wait3A_268 = arith.constant 6400 : i32
        %dma_wait3A_269 = tpu.memref_slice %arg8[%dma_wait3A_268] : memref<12800xi32, #tpu.memory_space<vmem>> -> memref<6400xi32, #tpu.memory_space<vmem>>
        %dma_wait3A_270 = arith.constant 0 : i32
        %dma_wait3A_271 = tpu.memref_slice %arg6[%dma_wait3A_270] : memref<1056768xf32, #tpu.memory_space<vmem_shared>> -> memref<1056768xf32, #tpu.memory_space<vmem_shared>>
        tpu.wait_indirect_dma semaphore(%arg24 : memref<!tpu.dma_semaphore, #tpu.memory_space<semaphore_mem>>) src(%dma_wait3A_271 : memref<1056768xf32, #tpu.memory_space<vmem_shared>>) dst(%dma_wait3A_267 : memref<6400xf32, #tpu.memory_space<vmem>>)
      } else {
      }
      %add3A_220 = arith.constant 2 : i32
      %add3A_221 = arith.addi %add3A_201, %add3A_220 : i32
      %mul3A_222 = arith.constant 32 : i32
      %mul3A_223 = arith.muli %add3A_221, %mul3A_222 : i32
      %add3A_224 = arith.addi %add3A, %mul3A_223 : i32
      %lt3A_225 = arith.constant 625 : i32
      %lt3A_226 = arith.cmpi slt, %add3A_224, %lt3A_225 : i32
      %convert_element_type3A_227 = arith.extui %lt3A_226 : i1 to i32
      %cond3A_228 = arith.constant 0 : i32
      %cond3A_229 = arith.cmpi ne, %convert_element_type3A_227, %cond3A_228 : i32
      scf.if %cond3A_229 {
        %add3A_260 = arith.constant 2 : i32
        %add3A_261 = arith.addi %add3A_201, %add3A_260 : i32
        %mul3A_262 = arith.constant 32 : i32
        %mul3A_263 = arith.muli %add3A_261, %mul3A_262 : i32
        %add3A_264 = arith.addi %add3A, %mul3A_263 : i32
        %mul3A_265 = arith.constant 12800 : i32
        %mul3A_266 = arith.muli %add3A_264, %mul3A_265 : i32
        %dma_start3A_267 = tpu.memref_slice %arg3[%mul3A_266] : memref<8000000xi32, #tpu.memory_space<hbm>> -> memref<12800xi32, #tpu.memory_space<hbm>>
        %dma_start3A_268 = tpu.memref_slice %arg3[%mul3A_266] : memref<8000000xi32, #tpu.memory_space<hbm>> -> memref<12800xi32, #tpu.memory_space<hbm>>
        tpu.enqueue_dma source(%dma_start3A_268 : memref<12800xi32, #tpu.memory_space<hbm>>) target(%arg8 : memref<12800xi32, #tpu.memory_space<vmem>>) target_semaphore(%arg16 : memref<!tpu.dma_semaphore, #tpu.memory_space<semaphore_mem>>)
      } else {
      }
      %ge3A_230 = arith.constant 2 : i32
      %ge3A_231 = arith.cmpi sge, %add3A_201, %ge3A_230 : i32
      %mul3A_232 = arith.constant 32 : i32
      %mul3A_233 = arith.muli %add3A_201, %mul3A_232 : i32
      %add3A_234 = arith.addi %add3A, %mul3A_233 : i32
      %lt3A_235 = arith.constant 625 : i32
      %lt3A_236 = arith.cmpi slt, %add3A_234, %lt3A_235 : i32
      %and3A_237 = arith.andi %ge3A_231, %lt3A_236 : i1
      %convert_element_type3A_238 = arith.extui %and3A_237 : i1 to i32
      %cond3A_239 = arith.constant 0 : i32
      %cond3A_240 = arith.cmpi ne, %convert_element_type3A_238, %cond3A_239 : i32
      scf.if %cond3A_240 {
        %dma_wait3A_260 = arith.constant 0 : i32
        %dma_wait3A_261 = tpu.memref_slice %arg5[%dma_wait3A_260] : memref<2000000xf32, #tpu.memory_space<hbm>> -> memref<3200xf32, #tpu.memory_space<hbm>>
        %dma_wait3A_262 = arith.constant 0 : i32
        %dma_wait3A_263 = tpu.memref_slice %arg5[%dma_wait3A_262] : memref<2000000xf32, #tpu.memory_space<hbm>> -> memref<3200xf32, #tpu.memory_space<hbm>>
        tpu.wait_dma2 semaphore(%arg20 : memref<!tpu.dma_semaphore, #tpu.memory_space<semaphore_mem>>) src(%arg12 : memref<3200xf32, #tpu.memory_space<vmem>>) dst(%dma_wait3A_263 : memref<3200xf32, #tpu.memory_space<hbm>>)
      } else {
      }
      %mul3A_241 = arith.constant 32 : i32
      %mul3A_242 = arith.muli %add3A_201, %mul3A_241 : i32
      %add3A_243 = arith.addi %add3A, %mul3A_242 : i32
      %lt3A_244 = arith.constant 625 : i32
      %lt3A_245 = arith.cmpi slt, %add3A_243, %lt3A_244 : i32
      %convert_element_type3A_246 = arith.extui %lt3A_245 : i1 to i32
      %cond3A_247 = arith.constant 0 : i32
      %cond3A_248 = arith.cmpi ne, %convert_element_type3A_246, %cond3A_247 : i32
      scf.if %cond3A_248 {
        %scan3A_260 = arith.constant 0 : i32
        %scan3A_261 = arith.constant 0 : i32
        %scan3A_262 = arith.constant 200 : i32
        %scan3A_263 = arith.addi %scan3A_261, %scan3A_262 : i32
        %scan3A_264 = arith.constant 1 : i32
        %scan3A_265 = scf.for %scan3A_274 = %scan3A_261 to %scan3A_263 step %scan3A_264 iter_args(%scan3A_275 = %scan3A_260) -> (i32)  : i32 {
          %mul3A_276 = arith.constant 4 : i32
          %mul3A_277 = vector.broadcast %mul3A_276 : i32 to vector<16xi32>
          %mul3A_278 = arith.muli %iota3A, %mul3A_277 : vector<16xi32>
          %mul3A_279 = arith.constant 64 : i32
          %mul3A_280 = arith.muli %scan3A_274, %mul3A_279 : i32
          %add3A_281 = vector.broadcast %mul3A_280 : i32 to vector<16xi32>
          %add3A_282 = arith.addi %mul3A_278, %add3A_281 : vector<16xi32>
          %gather3A = tpu.vector_load_idx %arg10[%add3A_282] : memref<12800xf32, #tpu.memory_space<vmem>>[vector<16xi32>], vector<16xf32>,
          %add3A_283 = arith.constant 1 : i32
          %add3A_284 = vector.broadcast %add3A_283 : i32 to vector<16xi32>
          %add3A_285 = arith.addi %add3A_282, %add3A_284 : vector<16xi32>
          %gather3A_286 = tpu.vector_load_idx %arg10[%add3A_285] : memref<12800xf32, #tpu.memory_space<vmem>>[vector<16xi32>], vector<16xf32>,
          %add3A_287 = arith.constant 2 : i32
          %add3A_288 = vector.broadcast %add3A_287 : i32 to vector<16xi32>
          %add3A_289 = arith.addi %add3A_282, %add3A_288 : vector<16xi32>
          %gather3A_290 = tpu.vector_load_idx %arg10[%add3A_289] : memref<12800xf32, #tpu.memory_space<vmem>>[vector<16xi32>], vector<16xf32>,
          %add3A_291 = arith.constant 3 : i32
          %add3A_292 = vector.broadcast %add3A_291 : i32 to vector<16xi32>
          %add3A_293 = arith.addi %add3A_282, %add3A_292 : vector<16xi32>
          %gather3A_294 = tpu.vector_load_idx %arg10[%add3A_293] : memref<12800xf32, #tpu.memory_space<vmem>>[vector<16xi32>], vector<16xf32>,
          %mul3A_295 = arith.mulf %gather3A, %gather3A_286 : vector<16xf32>
          %mul3A_296 = arith.mulf %gather3A_290, %gather3A_294 : vector<16xf32>
          %mul3A_297 = arith.mulf %mul3A_295, %mul3A_296 : vector<16xf32>
          %mul3A_298 = arith.constant 16 : i32
          %mul3A_299 = arith.muli %scan3A_274, %mul3A_298 : i32
          %swap3A = arith.index_cast %mul3A_299 : i32 to index
          %swap3A_300 = tpu.vector_load %arg12[%swap3A] {strides = array<i32>} : memref<3200xf32, #tpu.memory_space<vmem>>, vector<16xf32>,
          tpu.vector_store %arg12[%swap3A], %mul3A_297 {strides = array<i32>} : memref<3200xf32, #tpu.memory_space<vmem>>, vector<16xf32>,
          %scan3A_301 = arith.constant 0 : i32
          scf.yield %scan3A_301 : i32
        }
        %scan3A_266 = arith.constant 200 : i32
        %mul3A_267 = arith.constant 32 : i32
        %mul3A_268 = arith.muli %add3A_201, %mul3A_267 : i32
        %add3A_269 = arith.addi %add3A, %mul3A_268 : i32
        %mul3A_270 = arith.constant 3200 : i32
        %mul3A_271 = arith.muli %add3A_269, %mul3A_270 : i32
        %dma_start3A_272 = tpu.memref_slice %arg5[%mul3A_271] : memref<2000000xf32, #tpu.memory_space<hbm>> -> memref<3200xf32, #tpu.memory_space<hbm>>
        %dma_start3A_273 = tpu.memref_slice %arg5[%mul3A_271] : memref<2000000xf32, #tpu.memory_space<hbm>> -> memref<3200xf32, #tpu.memory_space<hbm>>
        tpu.enqueue_dma source(%arg12 : memref<3200xf32, #tpu.memory_space<vmem>>) target(%dma_start3A_273 : memref<3200xf32, #tpu.memory_space<hbm>>) target_semaphore(%arg20 : memref<!tpu.dma_semaphore, #tpu.memory_space<semaphore_mem>>)
      } else {
      }
      %add3A_249 = arith.constant 2 : i32
      %add3A_250 = arith.addi %add3A_201, %add3A_249 : i32
      %mul3A_251 = arith.constant 32 : i32
      %mul3A_252 = arith.muli %add3A_250, %mul3A_251 : i32
      %add3A_253 = arith.addi %add3A, %mul3A_252 : i32
      %lt3A_254 = arith.constant 625 : i32
      %lt3A_255 = arith.cmpi slt, %add3A_253, %lt3A_254 : i32
      %convert_element_type3A_256 = arith.extui %lt3A_255 : i1 to i32
      %cond3A_257 = arith.constant 0 : i32
      %cond3A_258 = arith.cmpi ne, %convert_element_type3A_256, %cond3A_257 : i32
      scf.if %cond3A_258 {
        %add3A_260 = arith.constant 2 : i32
        %add3A_261 = arith.addi %add3A_201, %add3A_260 : i32
      } else {
      }
      %scan3A_259 = arith.constant 0 : i32
      scf.yield %scan3A_259 : i32
    }
    %scan3A_53 = arith.constant 10 : i32
    %dma_wait3A_54 = arith.constant 0 : i32
    %dma_wait3A_55 = tpu.memref_slice %arg5[%dma_wait3A_54] : memref<2000000xf32, #tpu.memory_space<hbm>> -> memref<3200xf32, #tpu.memory_space<hbm>>
    %dma_wait3A_56 = arith.constant 0 : i32
    %dma_wait3A_57 = tpu.memref_slice %arg5[%dma_wait3A_56] : memref<2000000xf32, #tpu.memory_space<hbm>> -> memref<3200xf32, #tpu.memory_space<hbm>>
    tpu.wait_dma2 semaphore(%arg19 : memref<!tpu.dma_semaphore, #tpu.memory_space<semaphore_mem>>) src(%arg11 : memref<3200xf32, #tpu.memory_space<vmem>>) dst(%dma_wait3A_57 : memref<3200xf32, #tpu.memory_space<hbm>>)
    %dma_wait3A_58 = arith.constant 0 : i32
    %dma_wait3A_59 = tpu.memref_slice %arg5[%dma_wait3A_58] : memref<2000000xf32, #tpu.memory_space<hbm>> -> memref<3200xf32, #tpu.memory_space<hbm>>
    %dma_wait3A_60 = arith.constant 0 : i32
    %dma_wait3A_61 = tpu.memref_slice %arg5[%dma_wait3A_60] : memref<2000000xf32, #tpu.memory_space<hbm>> -> memref<3200xf32, #tpu.memory_space<hbm>>
    tpu.wait_dma2 semaphore(%arg20 : memref<!tpu.dma_semaphore, #tpu.memory_space<semaphore_mem>>) src(%arg12 : memref<3200xf32, #tpu.memory_space<vmem>>) dst(%dma_wait3A_61 : memref<3200xf32, #tpu.memory_space<hbm>>)
    %barrier3A_62 = arith.constant 0 : index
    tpu.barrier barrier_id(%barrier3A_62)
    %mul3A_63 = arith.constant 65536 : i32
    %mul3A_64 = arith.muli %arg1, %mul3A_63 : i32
    %add3A_65 = arith.constant 0 : i32
    %add3A_66 = arith.addi %mul3A_64, %add3A_65 : i32
    %add3A_67 = arith.constant 1048576 : i32
    %add3A_68 = arith.addi %add3A_67, %add3A_66 : i32
    "tpu.region"() ({
      %run_scoped3A = tpu.sem_alloc : memref<!tpu.dma_semaphore, #tpu.memory_space<semaphore_mem>>
      %dma_start3A_138 = tpu.memref_slice %arg6[%add3A_66] : memref<1056768xf32, #tpu.memory_space<vmem_shared>> -> memref<32768xf32, #tpu.memory_space<vmem_shared>>
      %dma_start3A_139 = tpu.memref_slice %arg2[%add3A_68] : memref<2097152xf32, #tpu.memory_space<hbm>> -> memref<32768xf32, #tpu.memory_space<hbm>>
      tpu.enqueue_dma source(%dma_start3A_139 : memref<32768xf32, #tpu.memory_space<hbm>>) target(%dma_start3A_138 : memref<32768xf32, #tpu.memory_space<vmem_shared>>) target_semaphore(%run_scoped3A : memref<!tpu.dma_semaphore, #tpu.memory_space<semaphore_mem>>)
      %dma_wait3A_140 = tpu.memref_slice %arg6[%add3A_66] : memref<1056768xf32, #tpu.memory_space<vmem_shared>> -> memref<32768xf32, #tpu.memory_space<vmem_shared>>
      %dma_wait3A_141 = tpu.memref_slice %arg2[%add3A_68] : memref<2097152xf32, #tpu.memory_space<hbm>> -> memref<32768xf32, #tpu.memory_space<hbm>>
      tpu.wait_dma2 semaphore(%run_scoped3A : memref<!tpu.dma_semaphore, #tpu.memory_space<semaphore_mem>>) src(%dma_wait3A_141 : memref<32768xf32, #tpu.memory_space<hbm>>) dst(%dma_wait3A_140 : memref<32768xf32, #tpu.memory_space<vmem_shared>>)
      tpu.yield
    }) : () -> ()
    %mul3A_69 = arith.constant 65536 : i32
    %mul3A_70 = arith.muli %arg1, %mul3A_69 : i32
    %add3A_71 = arith.constant 32768 : i32
    %add3A_72 = arith.addi %mul3A_70, %add3A_71 : i32
    %add3A_73 = arith.constant 1048576 : i32
    %add3A_74 = arith.addi %add3A_73, %add3A_72 : i32
    "tpu.region"() ({
      %run_scoped3A = tpu.sem_alloc : memref<!tpu.dma_semaphore, #tpu.memory_space<semaphore_mem>>
      %dma_start3A_138 = tpu.memref_slice %arg6[%add3A_72] : memref<1056768xf32, #tpu.memory_space<vmem_shared>> -> memref<32768xf32, #tpu.memory_space<vmem_shared>>
      %dma_start3A_139 = tpu.memref_slice %arg2[%add3A_74] : memref<2097152xf32, #tpu.memory_space<hbm>> -> memref<32768xf32, #tpu.memory_space<hbm>>
      tpu.enqueue_dma source(%dma_start3A_139 : memref<32768xf32, #tpu.memory_space<hbm>>) target(%dma_start3A_138 : memref<32768xf32, #tpu.memory_space<vmem_shared>>) target_semaphore(%run_scoped3A : memref<!tpu.dma_semaphore, #tpu.memory_space<semaphore_mem>>)
      %dma_wait3A_140 = tpu.memref_slice %arg6[%add3A_72] : memref<1056768xf32, #tpu.memory_space<vmem_shared>> -> memref<32768xf32, #tpu.memory_space<vmem_shared>>
      %dma_wait3A_141 = tpu.memref_slice %arg2[%add3A_74] : memref<2097152xf32, #tpu.memory_space<hbm>> -> memref<32768xf32, #tpu.memory_space<hbm>>
      tpu.wait_dma2 semaphore(%run_scoped3A : memref<!tpu.dma_semaphore, #tpu.memory_space<semaphore_mem>>) src(%dma_wait3A_141 : memref<32768xf32, #tpu.memory_space<hbm>>) dst(%dma_wait3A_140 : memref<32768xf32, #tpu.memory_space<vmem_shared>>)
      tpu.yield
    }) : () -> ()
    %barrier3A_75 = arith.constant 0 : index
    tpu.barrier barrier_id(%barrier3A_75)
    %add3A_76 = arith.constant 0 : i32
    %add3A_77 = arith.addi %add3A, %add3A_76 : i32
    %mul3A_78 = arith.constant 12800 : i32
    %mul3A_79 = arith.muli %add3A_77, %mul3A_78 : i32
    %dma_start3A_80 = tpu.memref_slice %arg3[%mul3A_79] : memref<8000000xi32, #tpu.memory_space<hbm>> -> memref<12800xi32, #tpu.memory_space<hbm>>
    %dma_start3A_81 = tpu.memref_slice %arg3[%mul3A_79] : memref<8000000xi32, #tpu.memory_space<hbm>> -> memref<12800xi32, #tpu.memory_space<hbm>>
    tpu.enqueue_dma source(%dma_start3A_81 : memref<12800xi32, #tpu.memory_space<hbm>>) target(%arg7 : memref<12800xi32, #tpu.memory_space<vmem>>) target_semaphore(%arg15 : memref<!tpu.dma_semaphore, #tpu.memory_space<semaphore_mem>>)
    %add3A_82 = arith.constant 32 : i32
    %add3A_83 = arith.addi %add3A, %add3A_82 : i32
    %mul3A_84 = arith.constant 12800 : i32
    %mul3A_85 = arith.muli %add3A_83, %mul3A_84 : i32
    %dma_start3A_86 = tpu.memref_slice %arg3[%mul3A_85] : memref<8000000xi32, #tpu.memory_space<hbm>> -> memref<12800xi32, #tpu.memory_space<hbm>>
    %dma_start3A_87 = tpu.memref_slice %arg3[%mul3A_85] : memref<8000000xi32, #tpu.memory_space<hbm>> -> memref<12800xi32, #tpu.memory_space<hbm>>
    tpu.enqueue_dma source(%dma_start3A_87 : memref<12800xi32, #tpu.memory_space<hbm>>) target(%arg8 : memref<12800xi32, #tpu.memory_space<vmem>>) target_semaphore(%arg16 : memref<!tpu.dma_semaphore, #tpu.memory_space<semaphore_mem>>)
    %add3A_88 = arith.constant 0 : i32
    %add3A_89 = arith.addi %add3A, %add3A_88 : i32
    %mul3A_90 = arith.constant 3200 : i32
    %mul3A_91 = arith.muli %add3A_89, %mul3A_90 : i32
    %dma_start3A_92 = tpu.memref_slice %arg5[%mul3A_91] : memref<2000000xf32, #tpu.memory_space<hbm>> -> memref<3200xf32, #tpu.memory_space<hbm>>
    %dma_start3A_93 = tpu.memref_slice %arg5[%mul3A_91] : memref<2000000xf32, #tpu.memory_space<hbm>> -> memref<3200xf32, #tpu.memory_space<hbm>>
    tpu.enqueue_dma source(%dma_start3A_93 : memref<3200xf32, #tpu.memory_space<hbm>>) target(%arg13 : memref<3200xf32, #tpu.memory_space<vmem>>) target_semaphore(%arg21 : memref<!tpu.dma_semaphore, #tpu.memory_space<semaphore_mem>>)
    %add3A_94 = arith.constant 32 : i32
    %add3A_95 = arith.addi %add3A, %add3A_94 : i32
    %mul3A_96 = arith.constant 3200 : i32
    %mul3A_97 = arith.muli %add3A_95, %mul3A_96 : i32
    %dma_start3A_98 = tpu.memref_slice %arg5[%mul3A_97] : memref<2000000xf32, #tpu.memory_space<hbm>> -> memref<3200xf32, #tpu.memory_space<hbm>>
    %dma_start3A_99 = tpu.memref_slice %arg5[%mul3A_97] : memref<2000000xf32, #tpu.memory_space<hbm>> -> memref<3200xf32, #tpu.memory_space<hbm>>
    tpu.enqueue_dma source(%dma_start3A_99 : memref<3200xf32, #tpu.memory_space<hbm>>) target(%arg14 : memref<3200xf32, #tpu.memory_space<vmem>>) target_semaphore(%arg22 : memref<!tpu.dma_semaphore, #tpu.memory_space<semaphore_mem>>)
    %dma_wait3A_100 = arith.constant 0 : i32
    %dma_wait3A_101 = tpu.memref_slice %arg3[%dma_wait3A_100] : memref<8000000xi32, #tpu.memory_space<hbm>> -> memref<12800xi32, #tpu.memory_space<hbm>>
    %dma_wait3A_102 = arith.constant 0 : i32
    %dma_wait3A_103 = tpu.memref_slice %arg3[%dma_wait3A_102] : memref<8000000xi32, #tpu.memory_space<hbm>> -> memref<12800xi32, #tpu.memory_space<hbm>>
    tpu.wait_dma2 semaphore(%arg15 : memref<!tpu.dma_semaphore, #tpu.memory_space<semaphore_mem>>) src(%dma_wait3A_103 : memref<12800xi32, #tpu.memory_space<hbm>>) dst(%arg7 : memref<12800xi32, #tpu.memory_space<vmem>>)
    %scan3A_104 = arith.constant 0 : i32
    %scan3A_105 = arith.constant 0 : i32
    %scan3A_106 = arith.constant 100 : i32
    %scan3A_107 = arith.addi %scan3A_105, %scan3A_106 : i32
    %scan3A_108 = arith.constant 1 : i32
    %scan3A_109 = scf.for %scan3A_138 = %scan3A_105 to %scan3A_107 step %scan3A_108 iter_args(%scan3A_139 = %scan3A_104) -> (i32)  : i32 {
      %mul3A_140 = arith.constant 8 : i32
      %mul3A_141 = arith.muli %scan3A_138, %mul3A_140 : i32
      %add3A_142 = arith.constant 0 : i32
      %add3A_143 = arith.addi %mul3A_141, %add3A_142 : i32
      %mul3A_144 = arith.constant 16 : i32
      %mul3A_145 = arith.muli %add3A_143, %mul3A_144 : i32
      %get3A = arith.index_cast %mul3A_145 : i32 to index
      %get3A_146 = tpu.vector_load %arg7[%get3A] {strides = array<i32>} : memref<12800xi32, #tpu.memory_space<vmem>>, vector<16xi32>,
      %add3A_147 = arith.constant 6 : i32
      %add3A_148 = vector.broadcast %add3A_147 : i32 to vector<16xi32>
      %add3A_149 = arith.addi %get3A_146, %add3A_148 : vector<16xi32>
      %and3A = arith.constant 8191 : i32
      %and3A_150 = vector.broadcast %and3A : i32 to vector<16xi32>
      %and3A_151 = arith.andi %get3A_146, %and3A_150 : vector<16xi32>
      %add3A_152 = arith.constant 1048576 : i32
      %add3A_153 = vector.broadcast %add3A_152 : i32 to vector<16xi32>
      %add3A_154 = arith.addi %and3A_151, %add3A_153 : vector<16xi32>
      %ge3A = arith.constant 1048576 : i32
      %ge3A_155 = vector.broadcast %ge3A : i32 to vector<16xi32>
      %ge3A_156 = arith.cmpi sge, %add3A_149, %ge3A_155 : vector<16xi32>
      %sub3A = arith.constant 1048576 : i32
      %sub3A_157 = vector.broadcast %sub3A : i32 to vector<16xi32>
      %sub3A_158 = arith.subi %add3A_149, %sub3A_157 : vector<16xi32>
      %select_n3A = arith.select %ge3A_156, %sub3A_158, %add3A_154 : vector<16xi1>, vector<16xi32>
      %swap3A = arith.index_cast %mul3A_145 : i32 to index
      %swap3A_159 = tpu.vector_load %arg7[%swap3A] {strides = array<i32>} : memref<12800xi32, #tpu.memory_space<vmem>>, vector<16xi32>,
      tpu.vector_store %arg7[%swap3A], %select_n3A {strides = array<i32>} : memref<12800xi32, #tpu.memory_space<vmem>>, vector<16xi32>,
      %mul3A_160 = arith.constant 8 : i32
      %mul3A_161 = arith.muli %scan3A_138, %mul3A_160 : i32
      %add3A_162 = arith.constant 1 : i32
      %add3A_163 = arith.addi %mul3A_161, %add3A_162 : i32
      %mul3A_164 = arith.constant 16 : i32
      %mul3A_165 = arith.muli %add3A_163, %mul3A_164 : i32
      %get3A_166 = arith.index_cast %mul3A_165 : i32 to index
      %get3A_167 = tpu.vector_load %arg7[%get3A_166] {strides = array<i32>} : memref<12800xi32, #tpu.memory_space<vmem>>, vector<16xi32>,
      %add3A_168 = arith.constant 6 : i32
      %add3A_169 = vector.broadcast %add3A_168 : i32 to vector<16xi32>
      %add3A_170 = arith.addi %get3A_167, %add3A_169 : vector<16xi32>
      %and3A_171 = arith.constant 8191 : i32
      %and3A_172 = vector.broadcast %and3A_171 : i32 to vector<16xi32>
      %and3A_173 = arith.andi %get3A_167, %and3A_172 : vector<16xi32>
      %add3A_174 = arith.constant 1048576 : i32
      %add3A_175 = vector.broadcast %add3A_174 : i32 to vector<16xi32>
      %add3A_176 = arith.addi %and3A_173, %add3A_175 : vector<16xi32>
      %ge3A_177 = arith.constant 1048576 : i32
      %ge3A_178 = vector.broadcast %ge3A_177 : i32 to vector<16xi32>
      %ge3A_179 = arith.cmpi sge, %add3A_170, %ge3A_178 : vector<16xi32>
      %sub3A_180 = arith.constant 1048576 : i32
      %sub3A_181 = vector.broadcast %sub3A_180 : i32 to vector<16xi32>
      %sub3A_182 = arith.subi %add3A_170, %sub3A_181 : vector<16xi32>
      %select_n3A_183 = arith.select %ge3A_179, %sub3A_182, %add3A_176 : vector<16xi1>, vector<16xi32>
      %swap3A_184 = arith.index_cast %mul3A_165 : i32 to index
      %swap3A_185 = tpu.vector_load %arg7[%swap3A_184] {strides = array<i32>} : memref<12800xi32, #tpu.memory_space<vmem>>, vector<16xi32>,
      tpu.vector_store %arg7[%swap3A_184], %select_n3A_183 {strides = array<i32>} : memref<12800xi32, #tpu.memory_space<vmem>>, vector<16xi32>,
      %mul3A_186 = arith.constant 8 : i32
      %mul3A_187 = arith.muli %scan3A_138, %mul3A_186 : i32
      %add3A_188 = arith.constant 2 : i32
      %add3A_189 = arith.addi %mul3A_187, %add3A_188 : i32
      %mul3A_190 = arith.constant 16 : i32
      %mul3A_191 = arith.muli %add3A_189, %mul3A_190 : i32
      %get3A_192 = arith.index_cast %mul3A_191 : i32 to index
      %get3A_193 = tpu.vector_load %arg7[%get3A_192] {strides = array<i32>} : memref<12800xi32, #tpu.memory_space<vmem>>, vector<16xi32>,
      %add3A_194 = arith.constant 6 : i32
      %add3A_195 = vector.broadcast %add3A_194 : i32 to vector<16xi32>
      %add3A_196 = arith.addi %get3A_193, %add3A_195 : vector<16xi32>
      %and3A_197 = arith.constant 8191 : i32
      %and3A_198 = vector.broadcast %and3A_197 : i32 to vector<16xi32>
      %and3A_199 = arith.andi %get3A_193, %and3A_198 : vector<16xi32>
      %add3A_200 = arith.constant 1048576 : i32
      %add3A_201 = vector.broadcast %add3A_200 : i32 to vector<16xi32>
      %add3A_202 = arith.addi %and3A_199, %add3A_201 : vector<16xi32>
      %ge3A_203 = arith.constant 1048576 : i32
      %ge3A_204 = vector.broadcast %ge3A_203 : i32 to vector<16xi32>
      %ge3A_205 = arith.cmpi sge, %add3A_196, %ge3A_204 : vector<16xi32>
      %sub3A_206 = arith.constant 1048576 : i32
      %sub3A_207 = vector.broadcast %sub3A_206 : i32 to vector<16xi32>
      %sub3A_208 = arith.subi %add3A_196, %sub3A_207 : vector<16xi32>
      %select_n3A_209 = arith.select %ge3A_205, %sub3A_208, %add3A_202 : vector<16xi1>, vector<16xi32>
      %swap3A_210 = arith.index_cast %mul3A_191 : i32 to index
      %swap3A_211 = tpu.vector_load %arg7[%swap3A_210] {strides = array<i32>} : memref<12800xi32, #tpu.memory_space<vmem>>, vector<16xi32>,
      tpu.vector_store %arg7[%swap3A_210], %select_n3A_209 {strides = array<i32>} : memref<12800xi32, #tpu.memory_space<vmem>>, vector<16xi32>,
      %mul3A_212 = arith.constant 8 : i32
      %mul3A_213 = arith.muli %scan3A_138, %mul3A_212 : i32
      %add3A_214 = arith.constant 3 : i32
      %add3A_215 = arith.addi %mul3A_213, %add3A_214 : i32
      %mul3A_216 = arith.constant 16 : i32
      %mul3A_217 = arith.muli %add3A_215, %mul3A_216 : i32
      %get3A_218 = arith.index_cast %mul3A_217 : i32 to index
      %get3A_219 = tpu.vector_load %arg7[%get3A_218] {strides = array<i32>} : memref<12800xi32, #tpu.memory_space<vmem>>, vector<16xi32>,
      %add3A_220 = arith.constant 6 : i32
      %add3A_221 = vector.broadcast %add3A_220 : i32 to vector<16xi32>
      %add3A_222 = arith.addi %get3A_219, %add3A_221 : vector<16xi32>
      %and3A_223 = arith.constant 8191 : i32
      %and3A_224 = vector.broadcast %and3A_223 : i32 to vector<16xi32>
      %and3A_225 = arith.andi %get3A_219, %and3A_224 : vector<16xi32>
      %add3A_226 = arith.constant 1048576 : i32
      %add3A_227 = vector.broadcast %add3A_226 : i32 to vector<16xi32>
      %add3A_228 = arith.addi %and3A_225, %add3A_227 : vector<16xi32>
      %ge3A_229 = arith.constant 1048576 : i32
      %ge3A_230 = vector.broadcast %ge3A_229 : i32 to vector<16xi32>
      %ge3A_231 = arith.cmpi sge, %add3A_222, %ge3A_230 : vector<16xi32>
      %sub3A_232 = arith.constant 1048576 : i32
      %sub3A_233 = vector.broadcast %sub3A_232 : i32 to vector<16xi32>
      %sub3A_234 = arith.subi %add3A_222, %sub3A_233 : vector<16xi32>
      %select_n3A_235 = arith.select %ge3A_231, %sub3A_234, %add3A_228 : vector<16xi1>, vector<16xi32>
      %swap3A_236 = arith.index_cast %mul3A_217 : i32 to index
      %swap3A_237 = tpu.vector_load %arg7[%swap3A_236] {strides = array<i32>} : memref<12800xi32, #tpu.memory_space<vmem>>, vector<16xi32>,
      tpu.vector_store %arg7[%swap3A_236], %select_n3A_235 {strides = array<i32>} : memref<12800xi32, #tpu.memory_space<vmem>>, vector<16xi32>,
      %mul3A_238 = arith.constant 8 : i32
      %mul3A_239 = arith.muli %scan3A_138, %mul3A_238 : i32
      %add3A_240 = arith.constant 4 : i32
      %add3A_241 = arith.addi %mul3A_239, %add3A_240 : i32
      %mul3A_242 = arith.constant 16 : i32
      %mul3A_243 = arith.muli %add3A_241, %mul3A_242 : i32
      %get3A_244 = arith.index_cast %mul3A_243 : i32 to index
      %get3A_245 = tpu.vector_load %arg7[%get3A_244] {strides = array<i32>} : memref<12800xi32, #tpu.memory_space<vmem>>, vector<16xi32>,
      %add3A_246 = arith.constant 6 : i32
      %add3A_247 = vector.broadcast %add3A_246 : i32 to vector<16xi32>
      %add3A_248 = arith.addi %get3A_245, %add3A_247 : vector<16xi32>
      %and3A_249 = arith.constant 8191 : i32
      %and3A_250 = vector.broadcast %and3A_249 : i32 to vector<16xi32>
      %and3A_251 = arith.andi %get3A_245, %and3A_250 : vector<16xi32>
      %add3A_252 = arith.constant 1048576 : i32
      %add3A_253 = vector.broadcast %add3A_252 : i32 to vector<16xi32>
      %add3A_254 = arith.addi %and3A_251, %add3A_253 : vector<16xi32>
      %ge3A_255 = arith.constant 1048576 : i32
      %ge3A_256 = vector.broadcast %ge3A_255 : i32 to vector<16xi32>
      %ge3A_257 = arith.cmpi sge, %add3A_248, %ge3A_256 : vector<16xi32>
      %sub3A_258 = arith.constant 1048576 : i32
      %sub3A_259 = vector.broadcast %sub3A_258 : i32 to vector<16xi32>
      %sub3A_260 = arith.subi %add3A_248, %sub3A_259 : vector<16xi32>
      %select_n3A_261 = arith.select %ge3A_257, %sub3A_260, %add3A_254 : vector<16xi1>, vector<16xi32>
      %swap3A_262 = arith.index_cast %mul3A_243 : i32 to index
      %swap3A_263 = tpu.vector_load %arg7[%swap3A_262] {strides = array<i32>} : memref<12800xi32, #tpu.memory_space<vmem>>, vector<16xi32>,
      tpu.vector_store %arg7[%swap3A_262], %select_n3A_261 {strides = array<i32>} : memref<12800xi32, #tpu.memory_space<vmem>>, vector<16xi32>,
      %mul3A_264 = arith.constant 8 : i32
      %mul3A_265 = arith.muli %scan3A_138, %mul3A_264 : i32
      %add3A_266 = arith.constant 5 : i32
      %add3A_267 = arith.addi %mul3A_265, %add3A_266 : i32
      %mul3A_268 = arith.constant 16 : i32
      %mul3A_269 = arith.muli %add3A_267, %mul3A_268 : i32
      %get3A_270 = arith.index_cast %mul3A_269 : i32 to index
      %get3A_271 = tpu.vector_load %arg7[%get3A_270] {strides = array<i32>} : memref<12800xi32, #tpu.memory_space<vmem>>, vector<16xi32>,
      %add3A_272 = arith.constant 6 : i32
      %add3A_273 = vector.broadcast %add3A_272 : i32 to vector<16xi32>
      %add3A_274 = arith.addi %get3A_271, %add3A_273 : vector<16xi32>
      %and3A_275 = arith.constant 8191 : i32
      %and3A_276 = vector.broadcast %and3A_275 : i32 to vector<16xi32>
      %and3A_277 = arith.andi %get3A_271, %and3A_276 : vector<16xi32>
      %add3A_278 = arith.constant 1048576 : i32
      %add3A_279 = vector.broadcast %add3A_278 : i32 to vector<16xi32>
      %add3A_280 = arith.addi %and3A_277, %add3A_279 : vector<16xi32>
      %ge3A_281 = arith.constant 1048576 : i32
      %ge3A_282 = vector.broadcast %ge3A_281 : i32 to vector<16xi32>
      %ge3A_283 = arith.cmpi sge, %add3A_274, %ge3A_282 : vector<16xi32>
      %sub3A_284 = arith.constant 1048576 : i32
      %sub3A_285 = vector.broadcast %sub3A_284 : i32 to vector<16xi32>
      %sub3A_286 = arith.subi %add3A_274, %sub3A_285 : vector<16xi32>
      %select_n3A_287 = arith.select %ge3A_283, %sub3A_286, %add3A_280 : vector<16xi1>, vector<16xi32>
      %swap3A_288 = arith.index_cast %mul3A_269 : i32 to index
      %swap3A_289 = tpu.vector_load %arg7[%swap3A_288] {strides = array<i32>} : memref<12800xi32, #tpu.memory_space<vmem>>, vector<16xi32>,
      tpu.vector_store %arg7[%swap3A_288], %select_n3A_287 {strides = array<i32>} : memref<12800xi32, #tpu.memory_space<vmem>>, vector<16xi32>,
      %mul3A_290 = arith.constant 8 : i32
      %mul3A_291 = arith.muli %scan3A_138, %mul3A_290 : i32
      %add3A_292 = arith.constant 6 : i32
      %add3A_293 = arith.addi %mul3A_291, %add3A_292 : i32
      %mul3A_294 = arith.constant 16 : i32
      %mul3A_295 = arith.muli %add3A_293, %mul3A_294 : i32
      %get3A_296 = arith.index_cast %mul3A_295 : i32 to index
      %get3A_297 = tpu.vector_load %arg7[%get3A_296] {strides = array<i32>} : memref<12800xi32, #tpu.memory_space<vmem>>, vector<16xi32>,
      %add3A_298 = arith.constant 6 : i32
      %add3A_299 = vector.broadcast %add3A_298 : i32 to vector<16xi32>
      %add3A_300 = arith.addi %get3A_297, %add3A_299 : vector<16xi32>
      %and3A_301 = arith.constant 8191 : i32
      %and3A_302 = vector.broadcast %and3A_301 : i32 to vector<16xi32>
      %and3A_303 = arith.andi %get3A_297, %and3A_302 : vector<16xi32>
      %add3A_304 = arith.constant 1048576 : i32
      %add3A_305 = vector.broadcast %add3A_304 : i32 to vector<16xi32>
      %add3A_306 = arith.addi %and3A_303, %add3A_305 : vector<16xi32>
      %ge3A_307 = arith.constant 1048576 : i32
      %ge3A_308 = vector.broadcast %ge3A_307 : i32 to vector<16xi32>
      %ge3A_309 = arith.cmpi sge, %add3A_300, %ge3A_308 : vector<16xi32>
      %sub3A_310 = arith.constant 1048576 : i32
      %sub3A_311 = vector.broadcast %sub3A_310 : i32 to vector<16xi32>
      %sub3A_312 = arith.subi %add3A_300, %sub3A_311 : vector<16xi32>
      %select_n3A_313 = arith.select %ge3A_309, %sub3A_312, %add3A_306 : vector<16xi1>, vector<16xi32>
      %swap3A_314 = arith.index_cast %mul3A_295 : i32 to index
      %swap3A_315 = tpu.vector_load %arg7[%swap3A_314] {strides = array<i32>} : memref<12800xi32, #tpu.memory_space<vmem>>, vector<16xi32>,
      tpu.vector_store %arg7[%swap3A_314], %select_n3A_313 {strides = array<i32>} : memref<12800xi32, #tpu.memory_space<vmem>>, vector<16xi32>,
      %mul3A_316 = arith.constant 8 : i32
      %mul3A_317 = arith.muli %scan3A_138, %mul3A_316 : i32
      %add3A_318 = arith.constant 7 : i32
      %add3A_319 = arith.addi %mul3A_317, %add3A_318 : i32
      %mul3A_320 = arith.constant 16 : i32
      %mul3A_321 = arith.muli %add3A_319, %mul3A_320 : i32
      %get3A_322 = arith.index_cast %mul3A_321 : i32 to index
      %get3A_323 = tpu.vector_load %arg7[%get3A_322] {strides = array<i32>} : memref<12800xi32, #tpu.memory_space<vmem>>, vector<16xi32>,
      %add3A_324 = arith.constant 6 : i32
      %add3A_325 = vector.broadcast %add3A_324 : i32 to vector<16xi32>
      %add3A_326 = arith.addi %get3A_323, %add3A_325 : vector<16xi32>
      %and3A_327 = arith.constant 8191 : i32
      %and3A_328 = vector.broadcast %and3A_327 : i32 to vector<16xi32>
      %and3A_329 = arith.andi %get3A_323, %and3A_328 : vector<16xi32>
      %add3A_330 = arith.constant 1048576 : i32
      %add3A_331 = vector.broadcast %add3A_330 : i32 to vector<16xi32>
      %add3A_332 = arith.addi %and3A_329, %add3A_331 : vector<16xi32>
      %ge3A_333 = arith.constant 1048576 : i32
      %ge3A_334 = vector.broadcast %ge3A_333 : i32 to vector<16xi32>
      %ge3A_335 = arith.cmpi sge, %add3A_326, %ge3A_334 : vector<16xi32>
      %sub3A_336 = arith.constant 1048576 : i32
      %sub3A_337 = vector.broadcast %sub3A_336 : i32 to vector<16xi32>
      %sub3A_338 = arith.subi %add3A_326, %sub3A_337 : vector<16xi32>
      %select_n3A_339 = arith.select %ge3A_335, %sub3A_338, %add3A_332 : vector<16xi1>, vector<16xi32>
      %swap3A_340 = arith.index_cast %mul3A_321 : i32 to index
      %swap3A_341 = tpu.vector_load %arg7[%swap3A_340] {strides = array<i32>} : memref<12800xi32, #tpu.memory_space<vmem>>, vector<16xi32>,
      tpu.vector_store %arg7[%swap3A_340], %select_n3A_339 {strides = array<i32>} : memref<12800xi32, #tpu.memory_space<vmem>>, vector<16xi32>,
      %scan3A_342 = arith.constant 0 : i32
      scf.yield %scan3A_342 : i32
    }
    %scan3A_110 = arith.constant 100 : i32
    %dma_start3A_111 = arith.constant 0 : i32
    %dma_start3A_112 = tpu.memref_slice %arg9[%dma_start3A_111] : memref<12800xf32, #tpu.memory_space<vmem>> -> memref<6400xf32, #tpu.memory_space<vmem>>
    %dma_start3A_113 = arith.constant 0 : i32
    %dma_start3A_114 = tpu.memref_slice %arg7[%dma_start3A_113] : memref<12800xi32, #tpu.memory_space<vmem>> -> memref<6400xi32, #tpu.memory_space<vmem>>
    %dma_start3A_115 = arith.constant 0 : i32
    %dma_start3A_116 = tpu.memref_slice %arg6[%dma_start3A_115] : memref<1056768xf32, #tpu.memory_space<vmem_shared>> -> memref<1056768xf32, #tpu.memory_space<vmem_shared>>
    tpu.enqueue_indirect_dma source(%dma_start3A_116 : memref<1056768xf32, #tpu.memory_space<vmem_shared>>) target(%dma_start3A_112 : memref<6400xf32, #tpu.memory_space<vmem>>) offsets(%dma_start3A_114 : memref<6400xi32, #tpu.memory_space<vmem>>) semaphore(%arg17 : memref<!tpu.dma_semaphore, #tpu.memory_space<semaphore_mem>>)
    %dma_start3A_117 = arith.constant 6400 : i32
    %dma_start3A_118 = tpu.memref_slice %arg9[%dma_start3A_117] : memref<12800xf32, #tpu.memory_space<vmem>> -> memref<6400xf32, #tpu.memory_space<vmem>>
    %dma_start3A_119 = arith.constant 6400 : i32
    %dma_start3A_120 = tpu.memref_slice %arg7[%dma_start3A_119] : memref<12800xi32, #tpu.memory_space<vmem>> -> memref<6400xi32, #tpu.memory_space<vmem>>
    %dma_start3A_121 = arith.constant 0 : i32
    %dma_start3A_122 = tpu.memref_slice %arg6[%dma_start3A_121] : memref<1056768xf32, #tpu.memory_space<vmem_shared>> -> memref<1056768xf32, #tpu.memory_space<vmem_shared>>
    tpu.enqueue_indirect_dma source(%dma_start3A_122 : memref<1056768xf32, #tpu.memory_space<vmem_shared>>) target(%dma_start3A_118 : memref<6400xf32, #tpu.memory_space<vmem>>) offsets(%dma_start3A_120 : memref<6400xi32, #tpu.memory_space<vmem>>) semaphore(%arg23 : memref<!tpu.dma_semaphore, #tpu.memory_space<semaphore_mem>>)
    %scan3A_123 = arith.constant 0 : i32
    %scan3A_124 = arith.constant 0 : i32
    %scan3A_125 = arith.constant 10 : i32
    %scan3A_126 = arith.addi %scan3A_124, %scan3A_125 : i32
    %scan3A_127 = arith.constant 1 : i32
    %scan3A_128 = scf.for %scan3A_138 = %scan3A_124 to %scan3A_126 step %scan3A_127 iter_args(%scan3A_139 = %scan3A_123) -> (i32)  : i32 {
      %mul3A_140 = arith.constant 2 : i32
      %mul3A_141 = arith.muli %mul3A_140, %scan3A_138 : i32
      %add3A_142 = arith.constant 0 : i32
      %add3A_143 = arith.addi %mul3A_141, %add3A_142 : i32
      %add3A_144 = arith.constant 1 : i32
      %add3A_145 = arith.addi %add3A_143, %add3A_144 : i32
      %mul3A_146 = arith.constant 32 : i32
      %mul3A_147 = arith.muli %add3A_145, %mul3A_146 : i32
      %add3A_148 = arith.addi %add3A, %mul3A_147 : i32
      %lt3A = arith.constant 625 : i32
      %lt3A_149 = arith.cmpi slt, %add3A_148, %lt3A : i32
      %convert_element_type3A_150 = arith.extui %lt3A_149 : i1 to i32
      %cond3A_151 = arith.constant 0 : i32
      %cond3A_152 = arith.cmpi ne, %convert_element_type3A_150, %cond3A_151 : i32
      scf.if %cond3A_152 {
        %dma_wait3A_260 = arith.constant 0 : i32
        %dma_wait3A_261 = tpu.memref_slice %arg3[%dma_wait3A_260] : memref<8000000xi32, #tpu.memory_space<hbm>> -> memref<12800xi32, #tpu.memory_space<hbm>>
        %dma_wait3A_262 = arith.constant 0 : i32
        %dma_wait3A_263 = tpu.memref_slice %arg3[%dma_wait3A_262] : memref<8000000xi32, #tpu.memory_space<hbm>> -> memref<12800xi32, #tpu.memory_space<hbm>>
        tpu.wait_dma2 semaphore(%arg16 : memref<!tpu.dma_semaphore, #tpu.memory_space<semaphore_mem>>) src(%dma_wait3A_263 : memref<12800xi32, #tpu.memory_space<hbm>>) dst(%arg8 : memref<12800xi32, #tpu.memory_space<vmem>>)
        %scan3A_264 = arith.constant 0 : i32
        %scan3A_265 = arith.constant 0 : i32
        %scan3A_266 = arith.constant 100 : i32
        %scan3A_267 = arith.addi %scan3A_265, %scan3A_266 : i32
        %scan3A_268 = arith.constant 1 : i32
        %scan3A_269 = scf.for %scan3A_283 = %scan3A_265 to %scan3A_267 step %scan3A_268 iter_args(%scan3A_284 = %scan3A_264) -> (i32)  : i32 {
          %mul3A_285 = arith.constant 8 : i32
          %mul3A_286 = arith.muli %scan3A_283, %mul3A_285 : i32
          %add3A_287 = arith.constant 0 : i32
          %add3A_288 = arith.addi %mul3A_286, %add3A_287 : i32
          %mul3A_289 = arith.constant 16 : i32
          %mul3A_290 = arith.muli %add3A_288, %mul3A_289 : i32
          %get3A = arith.index_cast %mul3A_290 : i32 to index
          %get3A_291 = tpu.vector_load %arg8[%get3A] {strides = array<i32>} : memref<12800xi32, #tpu.memory_space<vmem>>, vector<16xi32>,
          %add3A_292 = arith.constant 6 : i32
          %add3A_293 = vector.broadcast %add3A_292 : i32 to vector<16xi32>
          %add3A_294 = arith.addi %get3A_291, %add3A_293 : vector<16xi32>
          %and3A_295 = arith.constant 8191 : i32
          %and3A_296 = vector.broadcast %and3A_295 : i32 to vector<16xi32>
          %and3A_297 = arith.andi %get3A_291, %and3A_296 : vector<16xi32>
          %add3A_298 = arith.constant 1048576 : i32
          %add3A_299 = vector.broadcast %add3A_298 : i32 to vector<16xi32>
          %add3A_300 = arith.addi %and3A_297, %add3A_299 : vector<16xi32>
          %ge3A_301 = arith.constant 1048576 : i32
          %ge3A_302 = vector.broadcast %ge3A_301 : i32 to vector<16xi32>
          %ge3A_303 = arith.cmpi sge, %add3A_294, %ge3A_302 : vector<16xi32>
          %sub3A = arith.constant 1048576 : i32
          %sub3A_304 = vector.broadcast %sub3A : i32 to vector<16xi32>
          %sub3A_305 = arith.subi %add3A_294, %sub3A_304 : vector<16xi32>
          %select_n3A = arith.select %ge3A_303, %sub3A_305, %add3A_300 : vector<16xi1>, vector<16xi32>
          %swap3A = arith.index_cast %mul3A_290 : i32 to index
          %swap3A_306 = tpu.vector_load %arg8[%swap3A] {strides = array<i32>} : memref<12800xi32, #tpu.memory_space<vmem>>, vector<16xi32>,
          tpu.vector_store %arg8[%swap3A], %select_n3A {strides = array<i32>} : memref<12800xi32, #tpu.memory_space<vmem>>, vector<16xi32>,
          %mul3A_307 = arith.constant 8 : i32
          %mul3A_308 = arith.muli %scan3A_283, %mul3A_307 : i32
          %add3A_309 = arith.constant 1 : i32
          %add3A_310 = arith.addi %mul3A_308, %add3A_309 : i32
          %mul3A_311 = arith.constant 16 : i32
          %mul3A_312 = arith.muli %add3A_310, %mul3A_311 : i32
          %get3A_313 = arith.index_cast %mul3A_312 : i32 to index
          %get3A_314 = tpu.vector_load %arg8[%get3A_313] {strides = array<i32>} : memref<12800xi32, #tpu.memory_space<vmem>>, vector<16xi32>,
          %add3A_315 = arith.constant 6 : i32
          %add3A_316 = vector.broadcast %add3A_315 : i32 to vector<16xi32>
          %add3A_317 = arith.addi %get3A_314, %add3A_316 : vector<16xi32>
          %and3A_318 = arith.constant 8191 : i32
          %and3A_319 = vector.broadcast %and3A_318 : i32 to vector<16xi32>
          %and3A_320 = arith.andi %get3A_314, %and3A_319 : vector<16xi32>
          %add3A_321 = arith.constant 1048576 : i32
          %add3A_322 = vector.broadcast %add3A_321 : i32 to vector<16xi32>
          %add3A_323 = arith.addi %and3A_320, %add3A_322 : vector<16xi32>
          %ge3A_324 = arith.constant 1048576 : i32
          %ge3A_325 = vector.broadcast %ge3A_324 : i32 to vector<16xi32>
          %ge3A_326 = arith.cmpi sge, %add3A_317, %ge3A_325 : vector<16xi32>
          %sub3A_327 = arith.constant 1048576 : i32
          %sub3A_328 = vector.broadcast %sub3A_327 : i32 to vector<16xi32>
          %sub3A_329 = arith.subi %add3A_317, %sub3A_328 : vector<16xi32>
          %select_n3A_330 = arith.select %ge3A_326, %sub3A_329, %add3A_323 : vector<16xi1>, vector<16xi32>
          %swap3A_331 = arith.index_cast %mul3A_312 : i32 to index
          %swap3A_332 = tpu.vector_load %arg8[%swap3A_331] {strides = array<i32>} : memref<12800xi32, #tpu.memory_space<vmem>>, vector<16xi32>,
          tpu.vector_store %arg8[%swap3A_331], %select_n3A_330 {strides = array<i32>} : memref<12800xi32, #tpu.memory_space<vmem>>, vector<16xi32>,
          %mul3A_333 = arith.constant 8 : i32
          %mul3A_334 = arith.muli %scan3A_283, %mul3A_333 : i32
          %add3A_335 = arith.constant 2 : i32
          %add3A_336 = arith.addi %mul3A_334, %add3A_335 : i32
          %mul3A_337 = arith.constant 16 : i32
          %mul3A_338 = arith.muli %add3A_336, %mul3A_337 : i32
          %get3A_339 = arith.index_cast %mul3A_338 : i32 to index
          %get3A_340 = tpu.vector_load %arg8[%get3A_339] {strides = array<i32>} : memref<12800xi32, #tpu.memory_space<vmem>>, vector<16xi32>,
          %add3A_341 = arith.constant 6 : i32
          %add3A_342 = vector.broadcast %add3A_341 : i32 to vector<16xi32>
          %add3A_343 = arith.addi %get3A_340, %add3A_342 : vector<16xi32>
          %and3A_344 = arith.constant 8191 : i32
          %and3A_345 = vector.broadcast %and3A_344 : i32 to vector<16xi32>
          %and3A_346 = arith.andi %get3A_340, %and3A_345 : vector<16xi32>
          %add3A_347 = arith.constant 1048576 : i32
          %add3A_348 = vector.broadcast %add3A_347 : i32 to vector<16xi32>
          %add3A_349 = arith.addi %and3A_346, %add3A_348 : vector<16xi32>
          %ge3A_350 = arith.constant 1048576 : i32
          %ge3A_351 = vector.broadcast %ge3A_350 : i32 to vector<16xi32>
          %ge3A_352 = arith.cmpi sge, %add3A_343, %ge3A_351 : vector<16xi32>
          %sub3A_353 = arith.constant 1048576 : i32
          %sub3A_354 = vector.broadcast %sub3A_353 : i32 to vector<16xi32>
          %sub3A_355 = arith.subi %add3A_343, %sub3A_354 : vector<16xi32>
          %select_n3A_356 = arith.select %ge3A_352, %sub3A_355, %add3A_349 : vector<16xi1>, vector<16xi32>
          %swap3A_357 = arith.index_cast %mul3A_338 : i32 to index
          %swap3A_358 = tpu.vector_load %arg8[%swap3A_357] {strides = array<i32>} : memref<12800xi32, #tpu.memory_space<vmem>>, vector<16xi32>,
          tpu.vector_store %arg8[%swap3A_357], %select_n3A_356 {strides = array<i32>} : memref<12800xi32, #tpu.memory_space<vmem>>, vector<16xi32>,
          %mul3A_359 = arith.constant 8 : i32
          %mul3A_360 = arith.muli %scan3A_283, %mul3A_359 : i32
          %add3A_361 = arith.constant 3 : i32
          %add3A_362 = arith.addi %mul3A_360, %add3A_361 : i32
          %mul3A_363 = arith.constant 16 : i32
          %mul3A_364 = arith.muli %add3A_362, %mul3A_363 : i32
          %get3A_365 = arith.index_cast %mul3A_364 : i32 to index
          %get3A_366 = tpu.vector_load %arg8[%get3A_365] {strides = array<i32>} : memref<12800xi32, #tpu.memory_space<vmem>>, vector<16xi32>,
          %add3A_367 = arith.constant 6 : i32
          %add3A_368 = vector.broadcast %add3A_367 : i32 to vector<16xi32>
          %add3A_369 = arith.addi %get3A_366, %add3A_368 : vector<16xi32>
          %and3A_370 = arith.constant 8191 : i32
          %and3A_371 = vector.broadcast %and3A_370 : i32 to vector<16xi32>
          %and3A_372 = arith.andi %get3A_366, %and3A_371 : vector<16xi32>
          %add3A_373 = arith.constant 1048576 : i32
          %add3A_374 = vector.broadcast %add3A_373 : i32 to vector<16xi32>
          %add3A_375 = arith.addi %and3A_372, %add3A_374 : vector<16xi32>
          %ge3A_376 = arith.constant 1048576 : i32
          %ge3A_377 = vector.broadcast %ge3A_376 : i32 to vector<16xi32>
          %ge3A_378 = arith.cmpi sge, %add3A_369, %ge3A_377 : vector<16xi32>
          %sub3A_379 = arith.constant 1048576 : i32
          %sub3A_380 = vector.broadcast %sub3A_379 : i32 to vector<16xi32>
          %sub3A_381 = arith.subi %add3A_369, %sub3A_380 : vector<16xi32>
          %select_n3A_382 = arith.select %ge3A_378, %sub3A_381, %add3A_375 : vector<16xi1>, vector<16xi32>
          %swap3A_383 = arith.index_cast %mul3A_364 : i32 to index
          %swap3A_384 = tpu.vector_load %arg8[%swap3A_383] {strides = array<i32>} : memref<12800xi32, #tpu.memory_space<vmem>>, vector<16xi32>,
          tpu.vector_store %arg8[%swap3A_383], %select_n3A_382 {strides = array<i32>} : memref<12800xi32, #tpu.memory_space<vmem>>, vector<16xi32>,
          %mul3A_385 = arith.constant 8 : i32
          %mul3A_386 = arith.muli %scan3A_283, %mul3A_385 : i32
          %add3A_387 = arith.constant 4 : i32
          %add3A_388 = arith.addi %mul3A_386, %add3A_387 : i32
          %mul3A_389 = arith.constant 16 : i32
          %mul3A_390 = arith.muli %add3A_388, %mul3A_389 : i32
          %get3A_391 = arith.index_cast %mul3A_390 : i32 to index
          %get3A_392 = tpu.vector_load %arg8[%get3A_391] {strides = array<i32>} : memref<12800xi32, #tpu.memory_space<vmem>>, vector<16xi32>,
          %add3A_393 = arith.constant 6 : i32
          %add3A_394 = vector.broadcast %add3A_393 : i32 to vector<16xi32>
          %add3A_395 = arith.addi %get3A_392, %add3A_394 : vector<16xi32>
          %and3A_396 = arith.constant 8191 : i32
          %and3A_397 = vector.broadcast %and3A_396 : i32 to vector<16xi32>
          %and3A_398 = arith.andi %get3A_392, %and3A_397 : vector<16xi32>
          %add3A_399 = arith.constant 1048576 : i32
          %add3A_400 = vector.broadcast %add3A_399 : i32 to vector<16xi32>
          %add3A_401 = arith.addi %and3A_398, %add3A_400 : vector<16xi32>
          %ge3A_402 = arith.constant 1048576 : i32
          %ge3A_403 = vector.broadcast %ge3A_402 : i32 to vector<16xi32>
          %ge3A_404 = arith.cmpi sge, %add3A_395, %ge3A_403 : vector<16xi32>
          %sub3A_405 = arith.constant 1048576 : i32
          %sub3A_406 = vector.broadcast %sub3A_405 : i32 to vector<16xi32>
          %sub3A_407 = arith.subi %add3A_395, %sub3A_406 : vector<16xi32>
          %select_n3A_408 = arith.select %ge3A_404, %sub3A_407, %add3A_401 : vector<16xi1>, vector<16xi32>
          %swap3A_409 = arith.index_cast %mul3A_390 : i32 to index
          %swap3A_410 = tpu.vector_load %arg8[%swap3A_409] {strides = array<i32>} : memref<12800xi32, #tpu.memory_space<vmem>>, vector<16xi32>,
          tpu.vector_store %arg8[%swap3A_409], %select_n3A_408 {strides = array<i32>} : memref<12800xi32, #tpu.memory_space<vmem>>, vector<16xi32>,
          %mul3A_411 = arith.constant 8 : i32
          %mul3A_412 = arith.muli %scan3A_283, %mul3A_411 : i32
          %add3A_413 = arith.constant 5 : i32
          %add3A_414 = arith.addi %mul3A_412, %add3A_413 : i32
          %mul3A_415 = arith.constant 16 : i32
          %mul3A_416 = arith.muli %add3A_414, %mul3A_415 : i32
          %get3A_417 = arith.index_cast %mul3A_416 : i32 to index
          %get3A_418 = tpu.vector_load %arg8[%get3A_417] {strides = array<i32>} : memref<12800xi32, #tpu.memory_space<vmem>>, vector<16xi32>,
          %add3A_419 = arith.constant 6 : i32
          %add3A_420 = vector.broadcast %add3A_419 : i32 to vector<16xi32>
          %add3A_421 = arith.addi %get3A_418, %add3A_420 : vector<16xi32>
          %and3A_422 = arith.constant 8191 : i32
          %and3A_423 = vector.broadcast %and3A_422 : i32 to vector<16xi32>
          %and3A_424 = arith.andi %get3A_418, %and3A_423 : vector<16xi32>
          %add3A_425 = arith.constant 1048576 : i32
          %add3A_426 = vector.broadcast %add3A_425 : i32 to vector<16xi32>
          %add3A_427 = arith.addi %and3A_424, %add3A_426 : vector<16xi32>
          %ge3A_428 = arith.constant 1048576 : i32
          %ge3A_429 = vector.broadcast %ge3A_428 : i32 to vector<16xi32>
          %ge3A_430 = arith.cmpi sge, %add3A_421, %ge3A_429 : vector<16xi32>
          %sub3A_431 = arith.constant 1048576 : i32
          %sub3A_432 = vector.broadcast %sub3A_431 : i32 to vector<16xi32>
          %sub3A_433 = arith.subi %add3A_421, %sub3A_432 : vector<16xi32>
          %select_n3A_434 = arith.select %ge3A_430, %sub3A_433, %add3A_427 : vector<16xi1>, vector<16xi32>
          %swap3A_435 = arith.index_cast %mul3A_416 : i32 to index
          %swap3A_436 = tpu.vector_load %arg8[%swap3A_435] {strides = array<i32>} : memref<12800xi32, #tpu.memory_space<vmem>>, vector<16xi32>,
          tpu.vector_store %arg8[%swap3A_435], %select_n3A_434 {strides = array<i32>} : memref<12800xi32, #tpu.memory_space<vmem>>, vector<16xi32>,
          %mul3A_437 = arith.constant 8 : i32
          %mul3A_438 = arith.muli %scan3A_283, %mul3A_437 : i32
          %add3A_439 = arith.constant 6 : i32
          %add3A_440 = arith.addi %mul3A_438, %add3A_439 : i32
          %mul3A_441 = arith.constant 16 : i32
          %mul3A_442 = arith.muli %add3A_440, %mul3A_441 : i32
          %get3A_443 = arith.index_cast %mul3A_442 : i32 to index
          %get3A_444 = tpu.vector_load %arg8[%get3A_443] {strides = array<i32>} : memref<12800xi32, #tpu.memory_space<vmem>>, vector<16xi32>,
          %add3A_445 = arith.constant 6 : i32
          %add3A_446 = vector.broadcast %add3A_445 : i32 to vector<16xi32>
          %add3A_447 = arith.addi %get3A_444, %add3A_446 : vector<16xi32>
          %and3A_448 = arith.constant 8191 : i32
          %and3A_449 = vector.broadcast %and3A_448 : i32 to vector<16xi32>
          %and3A_450 = arith.andi %get3A_444, %and3A_449 : vector<16xi32>
          %add3A_451 = arith.constant 1048576 : i32
          %add3A_452 = vector.broadcast %add3A_451 : i32 to vector<16xi32>
          %add3A_453 = arith.addi %and3A_450, %add3A_452 : vector<16xi32>
          %ge3A_454 = arith.constant 1048576 : i32
          %ge3A_455 = vector.broadcast %ge3A_454 : i32 to vector<16xi32>
          %ge3A_456 = arith.cmpi sge, %add3A_447, %ge3A_455 : vector<16xi32>
          %sub3A_457 = arith.constant 1048576 : i32
          %sub3A_458 = vector.broadcast %sub3A_457 : i32 to vector<16xi32>
          %sub3A_459 = arith.subi %add3A_447, %sub3A_458 : vector<16xi32>
          %select_n3A_460 = arith.select %ge3A_456, %sub3A_459, %add3A_453 : vector<16xi1>, vector<16xi32>
          %swap3A_461 = arith.index_cast %mul3A_442 : i32 to index
          %swap3A_462 = tpu.vector_load %arg8[%swap3A_461] {strides = array<i32>} : memref<12800xi32, #tpu.memory_space<vmem>>, vector<16xi32>,
          tpu.vector_store %arg8[%swap3A_461], %select_n3A_460 {strides = array<i32>} : memref<12800xi32, #tpu.memory_space<vmem>>, vector<16xi32>,
          %mul3A_463 = arith.constant 8 : i32
          %mul3A_464 = arith.muli %scan3A_283, %mul3A_463 : i32
          %add3A_465 = arith.constant 7 : i32
          %add3A_466 = arith.addi %mul3A_464, %add3A_465 : i32
          %mul3A_467 = arith.constant 16 : i32
          %mul3A_468 = arith.muli %add3A_466, %mul3A_467 : i32
          %get3A_469 = arith.index_cast %mul3A_468 : i32 to index
          %get3A_470 = tpu.vector_load %arg8[%get3A_469] {strides = array<i32>} : memref<12800xi32, #tpu.memory_space<vmem>>, vector<16xi32>,
          %add3A_471 = arith.constant 6 : i32
          %add3A_472 = vector.broadcast %add3A_471 : i32 to vector<16xi32>
          %add3A_473 = arith.addi %get3A_470, %add3A_472 : vector<16xi32>
          %and3A_474 = arith.constant 8191 : i32
          %and3A_475 = vector.broadcast %and3A_474 : i32 to vector<16xi32>
          %and3A_476 = arith.andi %get3A_470, %and3A_475 : vector<16xi32>
          %add3A_477 = arith.constant 1048576 : i32
          %add3A_478 = vector.broadcast %add3A_477 : i32 to vector<16xi32>
          %add3A_479 = arith.addi %and3A_476, %add3A_478 : vector<16xi32>
          %ge3A_480 = arith.constant 1048576 : i32
          %ge3A_481 = vector.broadcast %ge3A_480 : i32 to vector<16xi32>
          %ge3A_482 = arith.cmpi sge, %add3A_473, %ge3A_481 : vector<16xi32>
          %sub3A_483 = arith.constant 1048576 : i32
          %sub3A_484 = vector.broadcast %sub3A_483 : i32 to vector<16xi32>
          %sub3A_485 = arith.subi %add3A_473, %sub3A_484 : vector<16xi32>
          %select_n3A_486 = arith.select %ge3A_482, %sub3A_485, %add3A_479 : vector<16xi1>, vector<16xi32>
          %swap3A_487 = arith.index_cast %mul3A_468 : i32 to index
          %swap3A_488 = tpu.vector_load %arg8[%swap3A_487] {strides = array<i32>} : memref<12800xi32, #tpu.memory_space<vmem>>, vector<16xi32>,
          tpu.vector_store %arg8[%swap3A_487], %select_n3A_486 {strides = array<i32>} : memref<12800xi32, #tpu.memory_space<vmem>>, vector<16xi32>,
          %scan3A_489 = arith.constant 0 : i32
          scf.yield %scan3A_489 : i32
        }
        %scan3A_270 = arith.constant 100 : i32
        %dma_start3A_271 = arith.constant 0 : i32
        %dma_start3A_272 = tpu.memref_slice %arg10[%dma_start3A_271] : memref<12800xf32, #tpu.memory_space<vmem>> -> memref<6400xf32, #tpu.memory_space<vmem>>
        %dma_start3A_273 = arith.constant 0 : i32
        %dma_start3A_274 = tpu.memref_slice %arg8[%dma_start3A_273] : memref<12800xi32, #tpu.memory_space<vmem>> -> memref<6400xi32, #tpu.memory_space<vmem>>
        %dma_start3A_275 = arith.constant 0 : i32
        %dma_start3A_276 = tpu.memref_slice %arg6[%dma_start3A_275] : memref<1056768xf32, #tpu.memory_space<vmem_shared>> -> memref<1056768xf32, #tpu.memory_space<vmem_shared>>
        tpu.enqueue_indirect_dma source(%dma_start3A_276 : memref<1056768xf32, #tpu.memory_space<vmem_shared>>) target(%dma_start3A_272 : memref<6400xf32, #tpu.memory_space<vmem>>) offsets(%dma_start3A_274 : memref<6400xi32, #tpu.memory_space<vmem>>) semaphore(%arg18 : memref<!tpu.dma_semaphore, #tpu.memory_space<semaphore_mem>>)
        %dma_start3A_277 = arith.constant 6400 : i32
        %dma_start3A_278 = tpu.memref_slice %arg10[%dma_start3A_277] : memref<12800xf32, #tpu.memory_space<vmem>> -> memref<6400xf32, #tpu.memory_space<vmem>>
        %dma_start3A_279 = arith.constant 6400 : i32
        %dma_start3A_280 = tpu.memref_slice %arg8[%dma_start3A_279] : memref<12800xi32, #tpu.memory_space<vmem>> -> memref<6400xi32, #tpu.memory_space<vmem>>
        %dma_start3A_281 = arith.constant 0 : i32
        %dma_start3A_282 = tpu.memref_slice %arg6[%dma_start3A_281] : memref<1056768xf32, #tpu.memory_space<vmem_shared>> -> memref<1056768xf32, #tpu.memory_space<vmem_shared>>
        tpu.enqueue_indirect_dma source(%dma_start3A_282 : memref<1056768xf32, #tpu.memory_space<vmem_shared>>) target(%dma_start3A_278 : memref<6400xf32, #tpu.memory_space<vmem>>) offsets(%dma_start3A_280 : memref<6400xi32, #tpu.memory_space<vmem>>) semaphore(%arg24 : memref<!tpu.dma_semaphore, #tpu.memory_space<semaphore_mem>>)
      } else {
      }
      %mul3A_153 = arith.constant 32 : i32
      %mul3A_154 = arith.muli %add3A_143, %mul3A_153 : i32
      %add3A_155 = arith.addi %add3A, %mul3A_154 : i32
      %lt3A_156 = arith.constant 625 : i32
      %lt3A_157 = arith.cmpi slt, %add3A_155, %lt3A_156 : i32
      %convert_element_type3A_158 = arith.extui %lt3A_157 : i1 to i32
      %cond3A_159 = arith.constant 0 : i32
      %cond3A_160 = arith.cmpi ne, %convert_element_type3A_158, %cond3A_159 : i32
      scf.if %cond3A_160 {
        %dma_wait3A_260 = arith.constant 0 : i32
        %dma_wait3A_261 = tpu.memref_slice %arg9[%dma_wait3A_260] : memref<12800xf32, #tpu.memory_space<vmem>> -> memref<6400xf32, #tpu.memory_space<vmem>>
        %dma_wait3A_262 = arith.constant 0 : i32
        %dma_wait3A_263 = tpu.memref_slice %arg7[%dma_wait3A_262] : memref<12800xi32, #tpu.memory_space<vmem>> -> memref<6400xi32, #tpu.memory_space<vmem>>
        %dma_wait3A_264 = arith.constant 0 : i32
        %dma_wait3A_265 = tpu.memref_slice %arg6[%dma_wait3A_264] : memref<1056768xf32, #tpu.memory_space<vmem_shared>> -> memref<1056768xf32, #tpu.memory_space<vmem_shared>>
        tpu.wait_indirect_dma semaphore(%arg17 : memref<!tpu.dma_semaphore, #tpu.memory_space<semaphore_mem>>) src(%dma_wait3A_265 : memref<1056768xf32, #tpu.memory_space<vmem_shared>>) dst(%dma_wait3A_261 : memref<6400xf32, #tpu.memory_space<vmem>>)
        %dma_wait3A_266 = arith.constant 6400 : i32
        %dma_wait3A_267 = tpu.memref_slice %arg9[%dma_wait3A_266] : memref<12800xf32, #tpu.memory_space<vmem>> -> memref<6400xf32, #tpu.memory_space<vmem>>
        %dma_wait3A_268 = arith.constant 6400 : i32
        %dma_wait3A_269 = tpu.memref_slice %arg7[%dma_wait3A_268] : memref<12800xi32, #tpu.memory_space<vmem>> -> memref<6400xi32, #tpu.memory_space<vmem>>
        %dma_wait3A_270 = arith.constant 0 : i32
        %dma_wait3A_271 = tpu.memref_slice %arg6[%dma_wait3A_270] : memref<1056768xf32, #tpu.memory_space<vmem_shared>> -> memref<1056768xf32, #tpu.memory_space<vmem_shared>>
        tpu.wait_indirect_dma semaphore(%arg23 : memref<!tpu.dma_semaphore, #tpu.memory_space<semaphore_mem>>) src(%dma_wait3A_271 : memref<1056768xf32, #tpu.memory_space<vmem_shared>>) dst(%dma_wait3A_267 : memref<6400xf32, #tpu.memory_space<vmem>>)
      } else {
      }
      %add3A_161 = arith.constant 2 : i32
      %add3A_162 = arith.addi %add3A_143, %add3A_161 : i32
      %mul3A_163 = arith.constant 32 : i32
      %mul3A_164 = arith.muli %add3A_162, %mul3A_163 : i32
      %add3A_165 = arith.addi %add3A, %mul3A_164 : i32
      %lt3A_166 = arith.constant 625 : i32
      %lt3A_167 = arith.cmpi slt, %add3A_165, %lt3A_166 : i32
      %convert_element_type3A_168 = arith.extui %lt3A_167 : i1 to i32
      %cond3A_169 = arith.constant 0 : i32
      %cond3A_170 = arith.cmpi ne, %convert_element_type3A_168, %cond3A_169 : i32
      scf.if %cond3A_170 {
        %add3A_260 = arith.constant 2 : i32
        %add3A_261 = arith.addi %add3A_143, %add3A_260 : i32
        %mul3A_262 = arith.constant 32 : i32
        %mul3A_263 = arith.muli %add3A_261, %mul3A_262 : i32
        %add3A_264 = arith.addi %add3A, %mul3A_263 : i32
        %mul3A_265 = arith.constant 12800 : i32
        %mul3A_266 = arith.muli %add3A_264, %mul3A_265 : i32
        %dma_start3A_267 = tpu.memref_slice %arg3[%mul3A_266] : memref<8000000xi32, #tpu.memory_space<hbm>> -> memref<12800xi32, #tpu.memory_space<hbm>>
        %dma_start3A_268 = tpu.memref_slice %arg3[%mul3A_266] : memref<8000000xi32, #tpu.memory_space<hbm>> -> memref<12800xi32, #tpu.memory_space<hbm>>
        tpu.enqueue_dma source(%dma_start3A_268 : memref<12800xi32, #tpu.memory_space<hbm>>) target(%arg7 : memref<12800xi32, #tpu.memory_space<vmem>>) target_semaphore(%arg15 : memref<!tpu.dma_semaphore, #tpu.memory_space<semaphore_mem>>)
      } else {
      }
      %ge3A = arith.constant 2 : i32
      %ge3A_171 = arith.cmpi sge, %add3A_143, %ge3A : i32
      %mul3A_172 = arith.constant 32 : i32
      %mul3A_173 = arith.muli %add3A_143, %mul3A_172 : i32
      %add3A_174 = arith.addi %add3A, %mul3A_173 : i32
      %lt3A_175 = arith.constant 625 : i32
      %lt3A_176 = arith.cmpi slt, %add3A_174, %lt3A_175 : i32
      %and3A = arith.andi %ge3A_171, %lt3A_176 : i1
      %convert_element_type3A_177 = arith.extui %and3A : i1 to i32
      %cond3A_178 = arith.constant 0 : i32
      %cond3A_179 = arith.cmpi ne, %convert_element_type3A_177, %cond3A_178 : i32
      scf.if %cond3A_179 {
        %dma_wait3A_260 = arith.constant 0 : i32
        %dma_wait3A_261 = tpu.memref_slice %arg4[%dma_wait3A_260] : memref<2097152xf32, #tpu.memory_space<hbm>> -> memref<3200xf32, #tpu.memory_space<hbm>>
        %dma_wait3A_262 = arith.constant 0 : i32
        %dma_wait3A_263 = tpu.memref_slice %arg4[%dma_wait3A_262] : memref<2097152xf32, #tpu.memory_space<hbm>> -> memref<3200xf32, #tpu.memory_space<hbm>>
        tpu.wait_dma2 semaphore(%arg19 : memref<!tpu.dma_semaphore, #tpu.memory_space<semaphore_mem>>) src(%arg11 : memref<3200xf32, #tpu.memory_space<vmem>>) dst(%dma_wait3A_263 : memref<3200xf32, #tpu.memory_space<hbm>>)
      } else {
      }
      %mul3A_180 = arith.constant 32 : i32
      %mul3A_181 = arith.muli %add3A_143, %mul3A_180 : i32
      %add3A_182 = arith.addi %add3A, %mul3A_181 : i32
      %lt3A_183 = arith.constant 625 : i32
      %lt3A_184 = arith.cmpi slt, %add3A_182, %lt3A_183 : i32
      %convert_element_type3A_185 = arith.extui %lt3A_184 : i1 to i32
      %cond3A_186 = arith.constant 0 : i32
      %cond3A_187 = arith.cmpi ne, %convert_element_type3A_185, %cond3A_186 : i32
      scf.if %cond3A_187 {
        %dma_wait3A_260 = arith.constant 0 : i32
        %dma_wait3A_261 = tpu.memref_slice %arg5[%dma_wait3A_260] : memref<2000000xf32, #tpu.memory_space<hbm>> -> memref<3200xf32, #tpu.memory_space<hbm>>
        %dma_wait3A_262 = arith.constant 0 : i32
        %dma_wait3A_263 = tpu.memref_slice %arg5[%dma_wait3A_262] : memref<2000000xf32, #tpu.memory_space<hbm>> -> memref<3200xf32, #tpu.memory_space<hbm>>
        tpu.wait_dma2 semaphore(%arg21 : memref<!tpu.dma_semaphore, #tpu.memory_space<semaphore_mem>>) src(%dma_wait3A_263 : memref<3200xf32, #tpu.memory_space<hbm>>) dst(%arg13 : memref<3200xf32, #tpu.memory_space<vmem>>)
        %scan3A_264 = arith.constant 0 : i32
        %scan3A_265 = arith.constant 0 : i32
        %scan3A_266 = arith.constant 200 : i32
        %scan3A_267 = arith.addi %scan3A_265, %scan3A_266 : i32
        %scan3A_268 = arith.constant 1 : i32
        %scan3A_269 = scf.for %scan3A_278 = %scan3A_265 to %scan3A_267 step %scan3A_268 iter_args(%scan3A_279 = %scan3A_264) -> (i32)  : i32 {
          %mul3A_280 = arith.constant 4 : i32
          %mul3A_281 = vector.broadcast %mul3A_280 : i32 to vector<16xi32>
          %mul3A_282 = arith.muli %iota3A, %mul3A_281 : vector<16xi32>
          %mul3A_283 = arith.constant 64 : i32
          %mul3A_284 = arith.muli %scan3A_278, %mul3A_283 : i32
          %add3A_285 = vector.broadcast %mul3A_284 : i32 to vector<16xi32>
          %add3A_286 = arith.addi %mul3A_282, %add3A_285 : vector<16xi32>
          %gather3A = tpu.vector_load_idx %arg9[%add3A_286] : memref<12800xf32, #tpu.memory_space<vmem>>[vector<16xi32>], vector<16xf32>,
          %add3A_287 = arith.constant 1 : i32
          %add3A_288 = vector.broadcast %add3A_287 : i32 to vector<16xi32>
          %add3A_289 = arith.addi %add3A_286, %add3A_288 : vector<16xi32>
          %gather3A_290 = tpu.vector_load_idx %arg9[%add3A_289] : memref<12800xf32, #tpu.memory_space<vmem>>[vector<16xi32>], vector<16xf32>,
          %add3A_291 = arith.constant 2 : i32
          %add3A_292 = vector.broadcast %add3A_291 : i32 to vector<16xi32>
          %add3A_293 = arith.addi %add3A_286, %add3A_292 : vector<16xi32>
          %gather3A_294 = tpu.vector_load_idx %arg9[%add3A_293] : memref<12800xf32, #tpu.memory_space<vmem>>[vector<16xi32>], vector<16xf32>,
          %add3A_295 = arith.constant 3 : i32
          %add3A_296 = vector.broadcast %add3A_295 : i32 to vector<16xi32>
          %add3A_297 = arith.addi %add3A_286, %add3A_296 : vector<16xi32>
          %gather3A_298 = tpu.vector_load_idx %arg9[%add3A_297] : memref<12800xf32, #tpu.memory_space<vmem>>[vector<16xi32>], vector<16xf32>,
          %mul3A_299 = arith.mulf %gather3A, %gather3A_290 : vector<16xf32>
          %mul3A_300 = arith.mulf %gather3A_294, %gather3A_298 : vector<16xf32>
          %mul3A_301 = arith.mulf %mul3A_299, %mul3A_300 : vector<16xf32>
          %mul3A_302 = arith.constant 16 : i32
          %mul3A_303 = arith.muli %scan3A_278, %mul3A_302 : i32
          %get3A = arith.index_cast %mul3A_303 : i32 to index
          %get3A_304 = tpu.vector_load %arg13[%get3A] {strides = array<i32>} : memref<3200xf32, #tpu.memory_space<vmem>>, vector<16xf32>,
          %mul3A_305 = arith.mulf %mul3A_301, %get3A_304 : vector<16xf32>
          %mul3A_306 = arith.constant 16 : i32
          %mul3A_307 = arith.muli %scan3A_278, %mul3A_306 : i32
          %swap3A = arith.index_cast %mul3A_307 : i32 to index
          %swap3A_308 = tpu.vector_load %arg11[%swap3A] {strides = array<i32>} : memref<3200xf32, #tpu.memory_space<vmem>>, vector<16xf32>,
          tpu.vector_store %arg11[%swap3A], %mul3A_305 {strides = array<i32>} : memref<3200xf32, #tpu.memory_space<vmem>>, vector<16xf32>,
          %scan3A_309 = arith.constant 0 : i32
          scf.yield %scan3A_309 : i32
        }
        %scan3A_270 = arith.constant 200 : i32
        %mul3A_271 = arith.constant 32 : i32
        %mul3A_272 = arith.muli %add3A_143, %mul3A_271 : i32
        %add3A_273 = arith.addi %add3A, %mul3A_272 : i32
        %mul3A_274 = arith.constant 3200 : i32
        %mul3A_275 = arith.muli %add3A_273, %mul3A_274 : i32
        %dma_start3A_276 = tpu.memref_slice %arg4[%mul3A_275] : memref<2097152xf32, #tpu.memory_space<hbm>> -> memref<3200xf32, #tpu.memory_space<hbm>>
        %dma_start3A_277 = tpu.memref_slice %arg4[%mul3A_275] : memref<2097152xf32, #tpu.memory_space<hbm>> -> memref<3200xf32, #tpu.memory_space<hbm>>
        tpu.enqueue_dma source(%arg11 : memref<3200xf32, #tpu.memory_space<vmem>>) target(%dma_start3A_277 : memref<3200xf32, #tpu.memory_space<hbm>>) target_semaphore(%arg19 : memref<!tpu.dma_semaphore, #tpu.memory_space<semaphore_mem>>)
      } else {
      }
      %add3A_188 = arith.constant 2 : i32
      %add3A_189 = arith.addi %add3A_143, %add3A_188 : i32
      %mul3A_190 = arith.constant 32 : i32
      %mul3A_191 = arith.muli %add3A_189, %mul3A_190 : i32
      %add3A_192 = arith.addi %add3A, %mul3A_191 : i32
      %lt3A_193 = arith.constant 625 : i32
      %lt3A_194 = arith.cmpi slt, %add3A_192, %lt3A_193 : i32
      %convert_element_type3A_195 = arith.extui %lt3A_194 : i1 to i32
      %cond3A_196 = arith.constant 0 : i32
      %cond3A_197 = arith.cmpi ne, %convert_element_type3A_195, %cond3A_196 : i32
      scf.if %cond3A_197 {
        %add3A_260 = arith.constant 2 : i32
        %add3A_261 = arith.addi %add3A_143, %add3A_260 : i32
        %mul3A_262 = arith.constant 32 : i32
        %mul3A_263 = arith.muli %add3A_261, %mul3A_262 : i32
        %add3A_264 = arith.addi %add3A, %mul3A_263 : i32
        %mul3A_265 = arith.constant 3200 : i32
        %mul3A_266 = arith.muli %add3A_264, %mul3A_265 : i32
        %dma_start3A_267 = tpu.memref_slice %arg5[%mul3A_266] : memref<2000000xf32, #tpu.memory_space<hbm>> -> memref<3200xf32, #tpu.memory_space<hbm>>
        %dma_start3A_268 = tpu.memref_slice %arg5[%mul3A_266] : memref<2000000xf32, #tpu.memory_space<hbm>> -> memref<3200xf32, #tpu.memory_space<hbm>>
        tpu.enqueue_dma source(%dma_start3A_268 : memref<3200xf32, #tpu.memory_space<hbm>>) target(%arg13 : memref<3200xf32, #tpu.memory_space<vmem>>) target_semaphore(%arg21 : memref<!tpu.dma_semaphore, #tpu.memory_space<semaphore_mem>>)
      } else {
      }
      %mul3A_198 = arith.constant 2 : i32
      %mul3A_199 = arith.muli %mul3A_198, %scan3A_138 : i32
      %add3A_200 = arith.constant 1 : i32
      %add3A_201 = arith.addi %mul3A_199, %add3A_200 : i32
      %add3A_202 = arith.constant 1 : i32
      %add3A_203 = arith.addi %add3A_201, %add3A_202 : i32
      %mul3A_204 = arith.constant 32 : i32
      %mul3A_205 = arith.muli %add3A_203, %mul3A_204 : i32
      %add3A_206 = arith.addi %add3A, %mul3A_205 : i32
      %lt3A_207 = arith.constant 625 : i32
      %lt3A_208 = arith.cmpi slt, %add3A_206, %lt3A_207 : i32
      %convert_element_type3A_209 = arith.extui %lt3A_208 : i1 to i32
      %cond3A_210 = arith.constant 0 : i32
      %cond3A_211 = arith.cmpi ne, %convert_element_type3A_209, %cond3A_210 : i32
      scf.if %cond3A_211 {
        %dma_wait3A_260 = arith.constant 0 : i32
        %dma_wait3A_261 = tpu.memref_slice %arg3[%dma_wait3A_260] : memref<8000000xi32, #tpu.memory_space<hbm>> -> memref<12800xi32, #tpu.memory_space<hbm>>
        %dma_wait3A_262 = arith.constant 0 : i32
        %dma_wait3A_263 = tpu.memref_slice %arg3[%dma_wait3A_262] : memref<8000000xi32, #tpu.memory_space<hbm>> -> memref<12800xi32, #tpu.memory_space<hbm>>
        tpu.wait_dma2 semaphore(%arg15 : memref<!tpu.dma_semaphore, #tpu.memory_space<semaphore_mem>>) src(%dma_wait3A_263 : memref<12800xi32, #tpu.memory_space<hbm>>) dst(%arg7 : memref<12800xi32, #tpu.memory_space<vmem>>)
        %scan3A_264 = arith.constant 0 : i32
        %scan3A_265 = arith.constant 0 : i32
        %scan3A_266 = arith.constant 100 : i32
        %scan3A_267 = arith.addi %scan3A_265, %scan3A_266 : i32
        %scan3A_268 = arith.constant 1 : i32
        %scan3A_269 = scf.for %scan3A_283 = %scan3A_265 to %scan3A_267 step %scan3A_268 iter_args(%scan3A_284 = %scan3A_264) -> (i32)  : i32 {
          %mul3A_285 = arith.constant 8 : i32
          %mul3A_286 = arith.muli %scan3A_283, %mul3A_285 : i32
          %add3A_287 = arith.constant 0 : i32
          %add3A_288 = arith.addi %mul3A_286, %add3A_287 : i32
          %mul3A_289 = arith.constant 16 : i32
          %mul3A_290 = arith.muli %add3A_288, %mul3A_289 : i32
          %get3A = arith.index_cast %mul3A_290 : i32 to index
          %get3A_291 = tpu.vector_load %arg7[%get3A] {strides = array<i32>} : memref<12800xi32, #tpu.memory_space<vmem>>, vector<16xi32>,
          %add3A_292 = arith.constant 6 : i32
          %add3A_293 = vector.broadcast %add3A_292 : i32 to vector<16xi32>
          %add3A_294 = arith.addi %get3A_291, %add3A_293 : vector<16xi32>
          %and3A_295 = arith.constant 8191 : i32
          %and3A_296 = vector.broadcast %and3A_295 : i32 to vector<16xi32>
          %and3A_297 = arith.andi %get3A_291, %and3A_296 : vector<16xi32>
          %add3A_298 = arith.constant 1048576 : i32
          %add3A_299 = vector.broadcast %add3A_298 : i32 to vector<16xi32>
          %add3A_300 = arith.addi %and3A_297, %add3A_299 : vector<16xi32>
          %ge3A_301 = arith.constant 1048576 : i32
          %ge3A_302 = vector.broadcast %ge3A_301 : i32 to vector<16xi32>
          %ge3A_303 = arith.cmpi sge, %add3A_294, %ge3A_302 : vector<16xi32>
          %sub3A = arith.constant 1048576 : i32
          %sub3A_304 = vector.broadcast %sub3A : i32 to vector<16xi32>
          %sub3A_305 = arith.subi %add3A_294, %sub3A_304 : vector<16xi32>
          %select_n3A = arith.select %ge3A_303, %sub3A_305, %add3A_300 : vector<16xi1>, vector<16xi32>
          %swap3A = arith.index_cast %mul3A_290 : i32 to index
          %swap3A_306 = tpu.vector_load %arg7[%swap3A] {strides = array<i32>} : memref<12800xi32, #tpu.memory_space<vmem>>, vector<16xi32>,
          tpu.vector_store %arg7[%swap3A], %select_n3A {strides = array<i32>} : memref<12800xi32, #tpu.memory_space<vmem>>, vector<16xi32>,
          %mul3A_307 = arith.constant 8 : i32
          %mul3A_308 = arith.muli %scan3A_283, %mul3A_307 : i32
          %add3A_309 = arith.constant 1 : i32
          %add3A_310 = arith.addi %mul3A_308, %add3A_309 : i32
          %mul3A_311 = arith.constant 16 : i32
          %mul3A_312 = arith.muli %add3A_310, %mul3A_311 : i32
          %get3A_313 = arith.index_cast %mul3A_312 : i32 to index
          %get3A_314 = tpu.vector_load %arg7[%get3A_313] {strides = array<i32>} : memref<12800xi32, #tpu.memory_space<vmem>>, vector<16xi32>,
          %add3A_315 = arith.constant 6 : i32
          %add3A_316 = vector.broadcast %add3A_315 : i32 to vector<16xi32>
          %add3A_317 = arith.addi %get3A_314, %add3A_316 : vector<16xi32>
          %and3A_318 = arith.constant 8191 : i32
          %and3A_319 = vector.broadcast %and3A_318 : i32 to vector<16xi32>
          %and3A_320 = arith.andi %get3A_314, %and3A_319 : vector<16xi32>
          %add3A_321 = arith.constant 1048576 : i32
          %add3A_322 = vector.broadcast %add3A_321 : i32 to vector<16xi32>
          %add3A_323 = arith.addi %and3A_320, %add3A_322 : vector<16xi32>
          %ge3A_324 = arith.constant 1048576 : i32
          %ge3A_325 = vector.broadcast %ge3A_324 : i32 to vector<16xi32>
          %ge3A_326 = arith.cmpi sge, %add3A_317, %ge3A_325 : vector<16xi32>
          %sub3A_327 = arith.constant 1048576 : i32
          %sub3A_328 = vector.broadcast %sub3A_327 : i32 to vector<16xi32>
          %sub3A_329 = arith.subi %add3A_317, %sub3A_328 : vector<16xi32>
          %select_n3A_330 = arith.select %ge3A_326, %sub3A_329, %add3A_323 : vector<16xi1>, vector<16xi32>
          %swap3A_331 = arith.index_cast %mul3A_312 : i32 to index
          %swap3A_332 = tpu.vector_load %arg7[%swap3A_331] {strides = array<i32>} : memref<12800xi32, #tpu.memory_space<vmem>>, vector<16xi32>,
          tpu.vector_store %arg7[%swap3A_331], %select_n3A_330 {strides = array<i32>} : memref<12800xi32, #tpu.memory_space<vmem>>, vector<16xi32>,
          %mul3A_333 = arith.constant 8 : i32
          %mul3A_334 = arith.muli %scan3A_283, %mul3A_333 : i32
          %add3A_335 = arith.constant 2 : i32
          %add3A_336 = arith.addi %mul3A_334, %add3A_335 : i32
          %mul3A_337 = arith.constant 16 : i32
          %mul3A_338 = arith.muli %add3A_336, %mul3A_337 : i32
          %get3A_339 = arith.index_cast %mul3A_338 : i32 to index
          %get3A_340 = tpu.vector_load %arg7[%get3A_339] {strides = array<i32>} : memref<12800xi32, #tpu.memory_space<vmem>>, vector<16xi32>,
          %add3A_341 = arith.constant 6 : i32
          %add3A_342 = vector.broadcast %add3A_341 : i32 to vector<16xi32>
          %add3A_343 = arith.addi %get3A_340, %add3A_342 : vector<16xi32>
          %and3A_344 = arith.constant 8191 : i32
          %and3A_345 = vector.broadcast %and3A_344 : i32 to vector<16xi32>
          %and3A_346 = arith.andi %get3A_340, %and3A_345 : vector<16xi32>
          %add3A_347 = arith.constant 1048576 : i32
          %add3A_348 = vector.broadcast %add3A_347 : i32 to vector<16xi32>
          %add3A_349 = arith.addi %and3A_346, %add3A_348 : vector<16xi32>
          %ge3A_350 = arith.constant 1048576 : i32
          %ge3A_351 = vector.broadcast %ge3A_350 : i32 to vector<16xi32>
          %ge3A_352 = arith.cmpi sge, %add3A_343, %ge3A_351 : vector<16xi32>
          %sub3A_353 = arith.constant 1048576 : i32
          %sub3A_354 = vector.broadcast %sub3A_353 : i32 to vector<16xi32>
          %sub3A_355 = arith.subi %add3A_343, %sub3A_354 : vector<16xi32>
          %select_n3A_356 = arith.select %ge3A_352, %sub3A_355, %add3A_349 : vector<16xi1>, vector<16xi32>
          %swap3A_357 = arith.index_cast %mul3A_338 : i32 to index
          %swap3A_358 = tpu.vector_load %arg7[%swap3A_357] {strides = array<i32>} : memref<12800xi32, #tpu.memory_space<vmem>>, vector<16xi32>,
          tpu.vector_store %arg7[%swap3A_357], %select_n3A_356 {strides = array<i32>} : memref<12800xi32, #tpu.memory_space<vmem>>, vector<16xi32>,
          %mul3A_359 = arith.constant 8 : i32
          %mul3A_360 = arith.muli %scan3A_283, %mul3A_359 : i32
          %add3A_361 = arith.constant 3 : i32
          %add3A_362 = arith.addi %mul3A_360, %add3A_361 : i32
          %mul3A_363 = arith.constant 16 : i32
          %mul3A_364 = arith.muli %add3A_362, %mul3A_363 : i32
          %get3A_365 = arith.index_cast %mul3A_364 : i32 to index
          %get3A_366 = tpu.vector_load %arg7[%get3A_365] {strides = array<i32>} : memref<12800xi32, #tpu.memory_space<vmem>>, vector<16xi32>,
          %add3A_367 = arith.constant 6 : i32
          %add3A_368 = vector.broadcast %add3A_367 : i32 to vector<16xi32>
          %add3A_369 = arith.addi %get3A_366, %add3A_368 : vector<16xi32>
          %and3A_370 = arith.constant 8191 : i32
          %and3A_371 = vector.broadcast %and3A_370 : i32 to vector<16xi32>
          %and3A_372 = arith.andi %get3A_366, %and3A_371 : vector<16xi32>
          %add3A_373 = arith.constant 1048576 : i32
          %add3A_374 = vector.broadcast %add3A_373 : i32 to vector<16xi32>
          %add3A_375 = arith.addi %and3A_372, %add3A_374 : vector<16xi32>
          %ge3A_376 = arith.constant 1048576 : i32
          %ge3A_377 = vector.broadcast %ge3A_376 : i32 to vector<16xi32>
          %ge3A_378 = arith.cmpi sge, %add3A_369, %ge3A_377 : vector<16xi32>
          %sub3A_379 = arith.constant 1048576 : i32
          %sub3A_380 = vector.broadcast %sub3A_379 : i32 to vector<16xi32>
          %sub3A_381 = arith.subi %add3A_369, %sub3A_380 : vector<16xi32>
          %select_n3A_382 = arith.select %ge3A_378, %sub3A_381, %add3A_375 : vector<16xi1>, vector<16xi32>
          %swap3A_383 = arith.index_cast %mul3A_364 : i32 to index
          %swap3A_384 = tpu.vector_load %arg7[%swap3A_383] {strides = array<i32>} : memref<12800xi32, #tpu.memory_space<vmem>>, vector<16xi32>,
          tpu.vector_store %arg7[%swap3A_383], %select_n3A_382 {strides = array<i32>} : memref<12800xi32, #tpu.memory_space<vmem>>, vector<16xi32>,
          %mul3A_385 = arith.constant 8 : i32
          %mul3A_386 = arith.muli %scan3A_283, %mul3A_385 : i32
          %add3A_387 = arith.constant 4 : i32
          %add3A_388 = arith.addi %mul3A_386, %add3A_387 : i32
          %mul3A_389 = arith.constant 16 : i32
          %mul3A_390 = arith.muli %add3A_388, %mul3A_389 : i32
          %get3A_391 = arith.index_cast %mul3A_390 : i32 to index
          %get3A_392 = tpu.vector_load %arg7[%get3A_391] {strides = array<i32>} : memref<12800xi32, #tpu.memory_space<vmem>>, vector<16xi32>,
          %add3A_393 = arith.constant 6 : i32
          %add3A_394 = vector.broadcast %add3A_393 : i32 to vector<16xi32>
          %add3A_395 = arith.addi %get3A_392, %add3A_394 : vector<16xi32>
          %and3A_396 = arith.constant 8191 : i32
          %and3A_397 = vector.broadcast %and3A_396 : i32 to vector<16xi32>
          %and3A_398 = arith.andi %get3A_392, %and3A_397 : vector<16xi32>
          %add3A_399 = arith.constant 1048576 : i32
          %add3A_400 = vector.broadcast %add3A_399 : i32 to vector<16xi32>
          %add3A_401 = arith.addi %and3A_398, %add3A_400 : vector<16xi32>
          %ge3A_402 = arith.constant 1048576 : i32
          %ge3A_403 = vector.broadcast %ge3A_402 : i32 to vector<16xi32>
          %ge3A_404 = arith.cmpi sge, %add3A_395, %ge3A_403 : vector<16xi32>
          %sub3A_405 = arith.constant 1048576 : i32
          %sub3A_406 = vector.broadcast %sub3A_405 : i32 to vector<16xi32>
          %sub3A_407 = arith.subi %add3A_395, %sub3A_406 : vector<16xi32>
          %select_n3A_408 = arith.select %ge3A_404, %sub3A_407, %add3A_401 : vector<16xi1>, vector<16xi32>
          %swap3A_409 = arith.index_cast %mul3A_390 : i32 to index
          %swap3A_410 = tpu.vector_load %arg7[%swap3A_409] {strides = array<i32>} : memref<12800xi32, #tpu.memory_space<vmem>>, vector<16xi32>,
          tpu.vector_store %arg7[%swap3A_409], %select_n3A_408 {strides = array<i32>} : memref<12800xi32, #tpu.memory_space<vmem>>, vector<16xi32>,
          %mul3A_411 = arith.constant 8 : i32
          %mul3A_412 = arith.muli %scan3A_283, %mul3A_411 : i32
          %add3A_413 = arith.constant 5 : i32
          %add3A_414 = arith.addi %mul3A_412, %add3A_413 : i32
          %mul3A_415 = arith.constant 16 : i32
          %mul3A_416 = arith.muli %add3A_414, %mul3A_415 : i32
          %get3A_417 = arith.index_cast %mul3A_416 : i32 to index
          %get3A_418 = tpu.vector_load %arg7[%get3A_417] {strides = array<i32>} : memref<12800xi32, #tpu.memory_space<vmem>>, vector<16xi32>,
          %add3A_419 = arith.constant 6 : i32
          %add3A_420 = vector.broadcast %add3A_419 : i32 to vector<16xi32>
          %add3A_421 = arith.addi %get3A_418, %add3A_420 : vector<16xi32>
          %and3A_422 = arith.constant 8191 : i32
          %and3A_423 = vector.broadcast %and3A_422 : i32 to vector<16xi32>
          %and3A_424 = arith.andi %get3A_418, %and3A_423 : vector<16xi32>
          %add3A_425 = arith.constant 1048576 : i32
          %add3A_426 = vector.broadcast %add3A_425 : i32 to vector<16xi32>
          %add3A_427 = arith.addi %and3A_424, %add3A_426 : vector<16xi32>
          %ge3A_428 = arith.constant 1048576 : i32
          %ge3A_429 = vector.broadcast %ge3A_428 : i32 to vector<16xi32>
          %ge3A_430 = arith.cmpi sge, %add3A_421, %ge3A_429 : vector<16xi32>
          %sub3A_431 = arith.constant 1048576 : i32
          %sub3A_432 = vector.broadcast %sub3A_431 : i32 to vector<16xi32>
          %sub3A_433 = arith.subi %add3A_421, %sub3A_432 : vector<16xi32>
          %select_n3A_434 = arith.select %ge3A_430, %sub3A_433, %add3A_427 : vector<16xi1>, vector<16xi32>
          %swap3A_435 = arith.index_cast %mul3A_416 : i32 to index
          %swap3A_436 = tpu.vector_load %arg7[%swap3A_435] {strides = array<i32>} : memref<12800xi32, #tpu.memory_space<vmem>>, vector<16xi32>,
          tpu.vector_store %arg7[%swap3A_435], %select_n3A_434 {strides = array<i32>} : memref<12800xi32, #tpu.memory_space<vmem>>, vector<16xi32>,
          %mul3A_437 = arith.constant 8 : i32
          %mul3A_438 = arith.muli %scan3A_283, %mul3A_437 : i32
          %add3A_439 = arith.constant 6 : i32
          %add3A_440 = arith.addi %mul3A_438, %add3A_439 : i32
          %mul3A_441 = arith.constant 16 : i32
          %mul3A_442 = arith.muli %add3A_440, %mul3A_441 : i32
          %get3A_443 = arith.index_cast %mul3A_442 : i32 to index
          %get3A_444 = tpu.vector_load %arg7[%get3A_443] {strides = array<i32>} : memref<12800xi32, #tpu.memory_space<vmem>>, vector<16xi32>,
          %add3A_445 = arith.constant 6 : i32
          %add3A_446 = vector.broadcast %add3A_445 : i32 to vector<16xi32>
          %add3A_447 = arith.addi %get3A_444, %add3A_446 : vector<16xi32>
          %and3A_448 = arith.constant 8191 : i32
          %and3A_449 = vector.broadcast %and3A_448 : i32 to vector<16xi32>
          %and3A_450 = arith.andi %get3A_444, %and3A_449 : vector<16xi32>
          %add3A_451 = arith.constant 1048576 : i32
          %add3A_452 = vector.broadcast %add3A_451 : i32 to vector<16xi32>
          %add3A_453 = arith.addi %and3A_450, %add3A_452 : vector<16xi32>
          %ge3A_454 = arith.constant 1048576 : i32
          %ge3A_455 = vector.broadcast %ge3A_454 : i32 to vector<16xi32>
          %ge3A_456 = arith.cmpi sge, %add3A_447, %ge3A_455 : vector<16xi32>
          %sub3A_457 = arith.constant 1048576 : i32
          %sub3A_458 = vector.broadcast %sub3A_457 : i32 to vector<16xi32>
          %sub3A_459 = arith.subi %add3A_447, %sub3A_458 : vector<16xi32>
          %select_n3A_460 = arith.select %ge3A_456, %sub3A_459, %add3A_453 : vector<16xi1>, vector<16xi32>
          %swap3A_461 = arith.index_cast %mul3A_442 : i32 to index
          %swap3A_462 = tpu.vector_load %arg7[%swap3A_461] {strides = array<i32>} : memref<12800xi32, #tpu.memory_space<vmem>>, vector<16xi32>,
          tpu.vector_store %arg7[%swap3A_461], %select_n3A_460 {strides = array<i32>} : memref<12800xi32, #tpu.memory_space<vmem>>, vector<16xi32>,
          %mul3A_463 = arith.constant 8 : i32
          %mul3A_464 = arith.muli %scan3A_283, %mul3A_463 : i32
          %add3A_465 = arith.constant 7 : i32
          %add3A_466 = arith.addi %mul3A_464, %add3A_465 : i32
          %mul3A_467 = arith.constant 16 : i32
          %mul3A_468 = arith.muli %add3A_466, %mul3A_467 : i32
          %get3A_469 = arith.index_cast %mul3A_468 : i32 to index
          %get3A_470 = tpu.vector_load %arg7[%get3A_469] {strides = array<i32>} : memref<12800xi32, #tpu.memory_space<vmem>>, vector<16xi32>,
          %add3A_471 = arith.constant 6 : i32
          %add3A_472 = vector.broadcast %add3A_471 : i32 to vector<16xi32>
          %add3A_473 = arith.addi %get3A_470, %add3A_472 : vector<16xi32>
          %and3A_474 = arith.constant 8191 : i32
          %and3A_475 = vector.broadcast %and3A_474 : i32 to vector<16xi32>
          %and3A_476 = arith.andi %get3A_470, %and3A_475 : vector<16xi32>
          %add3A_477 = arith.constant 1048576 : i32
          %add3A_478 = vector.broadcast %add3A_477 : i32 to vector<16xi32>
          %add3A_479 = arith.addi %and3A_476, %add3A_478 : vector<16xi32>
          %ge3A_480 = arith.constant 1048576 : i32
          %ge3A_481 = vector.broadcast %ge3A_480 : i32 to vector<16xi32>
          %ge3A_482 = arith.cmpi sge, %add3A_473, %ge3A_481 : vector<16xi32>
          %sub3A_483 = arith.constant 1048576 : i32
          %sub3A_484 = vector.broadcast %sub3A_483 : i32 to vector<16xi32>
          %sub3A_485 = arith.subi %add3A_473, %sub3A_484 : vector<16xi32>
          %select_n3A_486 = arith.select %ge3A_482, %sub3A_485, %add3A_479 : vector<16xi1>, vector<16xi32>
          %swap3A_487 = arith.index_cast %mul3A_468 : i32 to index
          %swap3A_488 = tpu.vector_load %arg7[%swap3A_487] {strides = array<i32>} : memref<12800xi32, #tpu.memory_space<vmem>>, vector<16xi32>,
          tpu.vector_store %arg7[%swap3A_487], %select_n3A_486 {strides = array<i32>} : memref<12800xi32, #tpu.memory_space<vmem>>, vector<16xi32>,
          %scan3A_489 = arith.constant 0 : i32
          scf.yield %scan3A_489 : i32
        }
        %scan3A_270 = arith.constant 100 : i32
        %dma_start3A_271 = arith.constant 0 : i32
        %dma_start3A_272 = tpu.memref_slice %arg9[%dma_start3A_271] : memref<12800xf32, #tpu.memory_space<vmem>> -> memref<6400xf32, #tpu.memory_space<vmem>>
        %dma_start3A_273 = arith.constant 0 : i32
        %dma_start3A_274 = tpu.memref_slice %arg7[%dma_start3A_273] : memref<12800xi32, #tpu.memory_space<vmem>> -> memref<6400xi32, #tpu.memory_space<vmem>>
        %dma_start3A_275 = arith.constant 0 : i32
        %dma_start3A_276 = tpu.memref_slice %arg6[%dma_start3A_275] : memref<1056768xf32, #tpu.memory_space<vmem_shared>> -> memref<1056768xf32, #tpu.memory_space<vmem_shared>>
        tpu.enqueue_indirect_dma source(%dma_start3A_276 : memref<1056768xf32, #tpu.memory_space<vmem_shared>>) target(%dma_start3A_272 : memref<6400xf32, #tpu.memory_space<vmem>>) offsets(%dma_start3A_274 : memref<6400xi32, #tpu.memory_space<vmem>>) semaphore(%arg17 : memref<!tpu.dma_semaphore, #tpu.memory_space<semaphore_mem>>)
        %dma_start3A_277 = arith.constant 6400 : i32
        %dma_start3A_278 = tpu.memref_slice %arg9[%dma_start3A_277] : memref<12800xf32, #tpu.memory_space<vmem>> -> memref<6400xf32, #tpu.memory_space<vmem>>
        %dma_start3A_279 = arith.constant 6400 : i32
        %dma_start3A_280 = tpu.memref_slice %arg7[%dma_start3A_279] : memref<12800xi32, #tpu.memory_space<vmem>> -> memref<6400xi32, #tpu.memory_space<vmem>>
        %dma_start3A_281 = arith.constant 0 : i32
        %dma_start3A_282 = tpu.memref_slice %arg6[%dma_start3A_281] : memref<1056768xf32, #tpu.memory_space<vmem_shared>> -> memref<1056768xf32, #tpu.memory_space<vmem_shared>>
        tpu.enqueue_indirect_dma source(%dma_start3A_282 : memref<1056768xf32, #tpu.memory_space<vmem_shared>>) target(%dma_start3A_278 : memref<6400xf32, #tpu.memory_space<vmem>>) offsets(%dma_start3A_280 : memref<6400xi32, #tpu.memory_space<vmem>>) semaphore(%arg23 : memref<!tpu.dma_semaphore, #tpu.memory_space<semaphore_mem>>)
      } else {
      }
      %mul3A_212 = arith.constant 32 : i32
      %mul3A_213 = arith.muli %add3A_201, %mul3A_212 : i32
      %add3A_214 = arith.addi %add3A, %mul3A_213 : i32
      %lt3A_215 = arith.constant 625 : i32
      %lt3A_216 = arith.cmpi slt, %add3A_214, %lt3A_215 : i32
      %convert_element_type3A_217 = arith.extui %lt3A_216 : i1 to i32
      %cond3A_218 = arith.constant 0 : i32
      %cond3A_219 = arith.cmpi ne, %convert_element_type3A_217, %cond3A_218 : i32
      scf.if %cond3A_219 {
        %dma_wait3A_260 = arith.constant 0 : i32
        %dma_wait3A_261 = tpu.memref_slice %arg10[%dma_wait3A_260] : memref<12800xf32, #tpu.memory_space<vmem>> -> memref<6400xf32, #tpu.memory_space<vmem>>
        %dma_wait3A_262 = arith.constant 0 : i32
        %dma_wait3A_263 = tpu.memref_slice %arg8[%dma_wait3A_262] : memref<12800xi32, #tpu.memory_space<vmem>> -> memref<6400xi32, #tpu.memory_space<vmem>>
        %dma_wait3A_264 = arith.constant 0 : i32
        %dma_wait3A_265 = tpu.memref_slice %arg6[%dma_wait3A_264] : memref<1056768xf32, #tpu.memory_space<vmem_shared>> -> memref<1056768xf32, #tpu.memory_space<vmem_shared>>
        tpu.wait_indirect_dma semaphore(%arg18 : memref<!tpu.dma_semaphore, #tpu.memory_space<semaphore_mem>>) src(%dma_wait3A_265 : memref<1056768xf32, #tpu.memory_space<vmem_shared>>) dst(%dma_wait3A_261 : memref<6400xf32, #tpu.memory_space<vmem>>)
        %dma_wait3A_266 = arith.constant 6400 : i32
        %dma_wait3A_267 = tpu.memref_slice %arg10[%dma_wait3A_266] : memref<12800xf32, #tpu.memory_space<vmem>> -> memref<6400xf32, #tpu.memory_space<vmem>>
        %dma_wait3A_268 = arith.constant 6400 : i32
        %dma_wait3A_269 = tpu.memref_slice %arg8[%dma_wait3A_268] : memref<12800xi32, #tpu.memory_space<vmem>> -> memref<6400xi32, #tpu.memory_space<vmem>>
        %dma_wait3A_270 = arith.constant 0 : i32
        %dma_wait3A_271 = tpu.memref_slice %arg6[%dma_wait3A_270] : memref<1056768xf32, #tpu.memory_space<vmem_shared>> -> memref<1056768xf32, #tpu.memory_space<vmem_shared>>
        tpu.wait_indirect_dma semaphore(%arg24 : memref<!tpu.dma_semaphore, #tpu.memory_space<semaphore_mem>>) src(%dma_wait3A_271 : memref<1056768xf32, #tpu.memory_space<vmem_shared>>) dst(%dma_wait3A_267 : memref<6400xf32, #tpu.memory_space<vmem>>)
      } else {
      }
      %add3A_220 = arith.constant 2 : i32
      %add3A_221 = arith.addi %add3A_201, %add3A_220 : i32
      %mul3A_222 = arith.constant 32 : i32
      %mul3A_223 = arith.muli %add3A_221, %mul3A_222 : i32
      %add3A_224 = arith.addi %add3A, %mul3A_223 : i32
      %lt3A_225 = arith.constant 625 : i32
      %lt3A_226 = arith.cmpi slt, %add3A_224, %lt3A_225 : i32
      %convert_element_type3A_227 = arith.extui %lt3A_226 : i1 to i32
      %cond3A_228 = arith.constant 0 : i32
      %cond3A_229 = arith.cmpi ne, %convert_element_type3A_227, %cond3A_228 : i32
      scf.if %cond3A_229 {
        %add3A_260 = arith.constant 2 : i32
        %add3A_261 = arith.addi %add3A_201, %add3A_260 : i32
        %mul3A_262 = arith.constant 32 : i32
        %mul3A_263 = arith.muli %add3A_261, %mul3A_262 : i32
        %add3A_264 = arith.addi %add3A, %mul3A_263 : i32
        %mul3A_265 = arith.constant 12800 : i32
        %mul3A_266 = arith.muli %add3A_264, %mul3A_265 : i32
        %dma_start3A_267 = tpu.memref_slice %arg3[%mul3A_266] : memref<8000000xi32, #tpu.memory_space<hbm>> -> memref<12800xi32, #tpu.memory_space<hbm>>
        %dma_start3A_268 = tpu.memref_slice %arg3[%mul3A_266] : memref<8000000xi32, #tpu.memory_space<hbm>> -> memref<12800xi32, #tpu.memory_space<hbm>>
        tpu.enqueue_dma source(%dma_start3A_268 : memref<12800xi32, #tpu.memory_space<hbm>>) target(%arg8 : memref<12800xi32, #tpu.memory_space<vmem>>) target_semaphore(%arg16 : memref<!tpu.dma_semaphore, #tpu.memory_space<semaphore_mem>>)
      } else {
      }
      %ge3A_230 = arith.constant 2 : i32
      %ge3A_231 = arith.cmpi sge, %add3A_201, %ge3A_230 : i32
      %mul3A_232 = arith.constant 32 : i32
      %mul3A_233 = arith.muli %add3A_201, %mul3A_232 : i32
      %add3A_234 = arith.addi %add3A, %mul3A_233 : i32
      %lt3A_235 = arith.constant 625 : i32
      %lt3A_236 = arith.cmpi slt, %add3A_234, %lt3A_235 : i32
      %and3A_237 = arith.andi %ge3A_231, %lt3A_236 : i1
      %convert_element_type3A_238 = arith.extui %and3A_237 : i1 to i32
      %cond3A_239 = arith.constant 0 : i32
      %cond3A_240 = arith.cmpi ne, %convert_element_type3A_238, %cond3A_239 : i32
      scf.if %cond3A_240 {
        %dma_wait3A_260 = arith.constant 0 : i32
        %dma_wait3A_261 = tpu.memref_slice %arg4[%dma_wait3A_260] : memref<2097152xf32, #tpu.memory_space<hbm>> -> memref<3200xf32, #tpu.memory_space<hbm>>
        %dma_wait3A_262 = arith.constant 0 : i32
        %dma_wait3A_263 = tpu.memref_slice %arg4[%dma_wait3A_262] : memref<2097152xf32, #tpu.memory_space<hbm>> -> memref<3200xf32, #tpu.memory_space<hbm>>
        tpu.wait_dma2 semaphore(%arg20 : memref<!tpu.dma_semaphore, #tpu.memory_space<semaphore_mem>>) src(%arg12 : memref<3200xf32, #tpu.memory_space<vmem>>) dst(%dma_wait3A_263 : memref<3200xf32, #tpu.memory_space<hbm>>)
      } else {
      }
      %mul3A_241 = arith.constant 32 : i32
      %mul3A_242 = arith.muli %add3A_201, %mul3A_241 : i32
      %add3A_243 = arith.addi %add3A, %mul3A_242 : i32
      %lt3A_244 = arith.constant 625 : i32
      %lt3A_245 = arith.cmpi slt, %add3A_243, %lt3A_244 : i32
      %convert_element_type3A_246 = arith.extui %lt3A_245 : i1 to i32
      %cond3A_247 = arith.constant 0 : i32
      %cond3A_248 = arith.cmpi ne, %convert_element_type3A_246, %cond3A_247 : i32
      scf.if %cond3A_248 {
        %dma_wait3A_260 = arith.constant 0 : i32
        %dma_wait3A_261 = tpu.memref_slice %arg5[%dma_wait3A_260] : memref<2000000xf32, #tpu.memory_space<hbm>> -> memref<3200xf32, #tpu.memory_space<hbm>>
        %dma_wait3A_262 = arith.constant 0 : i32
        %dma_wait3A_263 = tpu.memref_slice %arg5[%dma_wait3A_262] : memref<2000000xf32, #tpu.memory_space<hbm>> -> memref<3200xf32, #tpu.memory_space<hbm>>
        tpu.wait_dma2 semaphore(%arg22 : memref<!tpu.dma_semaphore, #tpu.memory_space<semaphore_mem>>) src(%dma_wait3A_263 : memref<3200xf32, #tpu.memory_space<hbm>>) dst(%arg14 : memref<3200xf32, #tpu.memory_space<vmem>>)
        %scan3A_264 = arith.constant 0 : i32
        %scan3A_265 = arith.constant 0 : i32
        %scan3A_266 = arith.constant 200 : i32
        %scan3A_267 = arith.addi %scan3A_265, %scan3A_266 : i32
        %scan3A_268 = arith.constant 1 : i32
        %scan3A_269 = scf.for %scan3A_278 = %scan3A_265 to %scan3A_267 step %scan3A_268 iter_args(%scan3A_279 = %scan3A_264) -> (i32)  : i32 {
          %mul3A_280 = arith.constant 4 : i32
          %mul3A_281 = vector.broadcast %mul3A_280 : i32 to vector<16xi32>
          %mul3A_282 = arith.muli %iota3A, %mul3A_281 : vector<16xi32>
          %mul3A_283 = arith.constant 64 : i32
          %mul3A_284 = arith.muli %scan3A_278, %mul3A_283 : i32
          %add3A_285 = vector.broadcast %mul3A_284 : i32 to vector<16xi32>
          %add3A_286 = arith.addi %mul3A_282, %add3A_285 : vector<16xi32>
          %gather3A = tpu.vector_load_idx %arg10[%add3A_286] : memref<12800xf32, #tpu.memory_space<vmem>>[vector<16xi32>], vector<16xf32>,
          %add3A_287 = arith.constant 1 : i32
          %add3A_288 = vector.broadcast %add3A_287 : i32 to vector<16xi32>
          %add3A_289 = arith.addi %add3A_286, %add3A_288 : vector<16xi32>
          %gather3A_290 = tpu.vector_load_idx %arg10[%add3A_289] : memref<12800xf32, #tpu.memory_space<vmem>>[vector<16xi32>], vector<16xf32>,
          %add3A_291 = arith.constant 2 : i32
          %add3A_292 = vector.broadcast %add3A_291 : i32 to vector<16xi32>
          %add3A_293 = arith.addi %add3A_286, %add3A_292 : vector<16xi32>
          %gather3A_294 = tpu.vector_load_idx %arg10[%add3A_293] : memref<12800xf32, #tpu.memory_space<vmem>>[vector<16xi32>], vector<16xf32>,
          %add3A_295 = arith.constant 3 : i32
          %add3A_296 = vector.broadcast %add3A_295 : i32 to vector<16xi32>
          %add3A_297 = arith.addi %add3A_286, %add3A_296 : vector<16xi32>
          %gather3A_298 = tpu.vector_load_idx %arg10[%add3A_297] : memref<12800xf32, #tpu.memory_space<vmem>>[vector<16xi32>], vector<16xf32>,
          %mul3A_299 = arith.mulf %gather3A, %gather3A_290 : vector<16xf32>
          %mul3A_300 = arith.mulf %gather3A_294, %gather3A_298 : vector<16xf32>
          %mul3A_301 = arith.mulf %mul3A_299, %mul3A_300 : vector<16xf32>
          %mul3A_302 = arith.constant 16 : i32
          %mul3A_303 = arith.muli %scan3A_278, %mul3A_302 : i32
          %get3A = arith.index_cast %mul3A_303 : i32 to index
          %get3A_304 = tpu.vector_load %arg14[%get3A] {strides = array<i32>} : memref<3200xf32, #tpu.memory_space<vmem>>, vector<16xf32>,
          %mul3A_305 = arith.mulf %mul3A_301, %get3A_304 : vector<16xf32>
          %mul3A_306 = arith.constant 16 : i32
          %mul3A_307 = arith.muli %scan3A_278, %mul3A_306 : i32
          %swap3A = arith.index_cast %mul3A_307 : i32 to index
          %swap3A_308 = tpu.vector_load %arg12[%swap3A] {strides = array<i32>} : memref<3200xf32, #tpu.memory_space<vmem>>, vector<16xf32>,
          tpu.vector_store %arg12[%swap3A], %mul3A_305 {strides = array<i32>} : memref<3200xf32, #tpu.memory_space<vmem>>, vector<16xf32>,
          %scan3A_309 = arith.constant 0 : i32
          scf.yield %scan3A_309 : i32
        }
        %scan3A_270 = arith.constant 200 : i32
        %mul3A_271 = arith.constant 32 : i32
        %mul3A_272 = arith.muli %add3A_201, %mul3A_271 : i32
        %add3A_273 = arith.addi %add3A, %mul3A_272 : i32
        %mul3A_274 = arith.constant 3200 : i32
        %mul3A_275 = arith.muli %add3A_273, %mul3A_274 : i32
        %dma_start3A_276 = tpu.memref_slice %arg4[%mul3A_275] : memref<2097152xf32, #tpu.memory_space<hbm>> -> memref<3200xf32, #tpu.memory_space<hbm>>
        %dma_start3A_277 = tpu.memref_slice %arg4[%mul3A_275] : memref<2097152xf32, #tpu.memory_space<hbm>> -> memref<3200xf32, #tpu.memory_space<hbm>>
        tpu.enqueue_dma source(%arg12 : memref<3200xf32, #tpu.memory_space<vmem>>) target(%dma_start3A_277 : memref<3200xf32, #tpu.memory_space<hbm>>) target_semaphore(%arg20 : memref<!tpu.dma_semaphore, #tpu.memory_space<semaphore_mem>>)
      } else {
      }
      %add3A_249 = arith.constant 2 : i32
      %add3A_250 = arith.addi %add3A_201, %add3A_249 : i32
      %mul3A_251 = arith.constant 32 : i32
      %mul3A_252 = arith.muli %add3A_250, %mul3A_251 : i32
      %add3A_253 = arith.addi %add3A, %mul3A_252 : i32
      %lt3A_254 = arith.constant 625 : i32
      %lt3A_255 = arith.cmpi slt, %add3A_253, %lt3A_254 : i32
      %convert_element_type3A_256 = arith.extui %lt3A_255 : i1 to i32
      %cond3A_257 = arith.constant 0 : i32
      %cond3A_258 = arith.cmpi ne, %convert_element_type3A_256, %cond3A_257 : i32
      scf.if %cond3A_258 {
        %add3A_260 = arith.constant 2 : i32
        %add3A_261 = arith.addi %add3A_201, %add3A_260 : i32
        %mul3A_262 = arith.constant 32 : i32
        %mul3A_263 = arith.muli %add3A_261, %mul3A_262 : i32
        %add3A_264 = arith.addi %add3A, %mul3A_263 : i32
        %mul3A_265 = arith.constant 3200 : i32
        %mul3A_266 = arith.muli %add3A_264, %mul3A_265 : i32
        %dma_start3A_267 = tpu.memref_slice %arg5[%mul3A_266] : memref<2000000xf32, #tpu.memory_space<hbm>> -> memref<3200xf32, #tpu.memory_space<hbm>>
        %dma_start3A_268 = tpu.memref_slice %arg5[%mul3A_266] : memref<2000000xf32, #tpu.memory_space<hbm>> -> memref<3200xf32, #tpu.memory_space<hbm>>
        tpu.enqueue_dma source(%dma_start3A_268 : memref<3200xf32, #tpu.memory_space<hbm>>) target(%arg14 : memref<3200xf32, #tpu.memory_space<vmem>>) target_semaphore(%arg22 : memref<!tpu.dma_semaphore, #tpu.memory_space<semaphore_mem>>)
      } else {
      }
      %scan3A_259 = arith.constant 0 : i32
      scf.yield %scan3A_259 : i32
    }
    %scan3A_129 = arith.constant 10 : i32
    %dma_wait3A_130 = arith.constant 0 : i32
    %dma_wait3A_131 = tpu.memref_slice %arg4[%dma_wait3A_130] : memref<2097152xf32, #tpu.memory_space<hbm>> -> memref<3200xf32, #tpu.memory_space<hbm>>
    %dma_wait3A_132 = arith.constant 0 : i32
    %dma_wait3A_133 = tpu.memref_slice %arg4[%dma_wait3A_132] : memref<2097152xf32, #tpu.memory_space<hbm>> -> memref<3200xf32, #tpu.memory_space<hbm>>
    tpu.wait_dma2 semaphore(%arg19 : memref<!tpu.dma_semaphore, #tpu.memory_space<semaphore_mem>>) src(%arg11 : memref<3200xf32, #tpu.memory_space<vmem>>) dst(%dma_wait3A_133 : memref<3200xf32, #tpu.memory_space<hbm>>)
    %dma_wait3A_134 = arith.constant 0 : i32
    %dma_wait3A_135 = tpu.memref_slice %arg4[%dma_wait3A_134] : memref<2097152xf32, #tpu.memory_space<hbm>> -> memref<3200xf32, #tpu.memory_space<hbm>>
    %dma_wait3A_136 = arith.constant 0 : i32
    %dma_wait3A_137 = tpu.memref_slice %arg4[%dma_wait3A_136] : memref<2097152xf32, #tpu.memory_space<hbm>> -> memref<3200xf32, #tpu.memory_space<hbm>>
    tpu.wait_dma2 semaphore(%arg20 : memref<!tpu.dma_semaphore, #tpu.memory_space<semaphore_mem>>) src(%arg12 : memref<3200xf32, #tpu.memory_space<vmem>>) dst(%dma_wait3A_137 : memref<3200xf32, #tpu.memory_space<hbm>>)
    return
  }
}

</mosaic_0001>

<sc_bundles>
// kernel: kernel.11.cloned.1.call-start
scs
__scs_entry_jumppad:
0x0: {  	(pc) =	sbr.rel $0x88, $3  }
0x1: {  	(tag) =	ssettag $0x0;
	lr =	simm.s32 $0x1  }
0x2: {  	[smem:$0x3F9E] =	sst lr;
	_ =	strace $0xD0000000  }
0x3: {  	_ = 	snop  }
0x4: {  	_ = 	snop  }
0x5: {  	_ = 	snop  }
0x6: {  	_ = 	snop  }
0x7: {  	_ = 	snop  }
__scs_overlays_trampoline_lowered:
0x8: {  	[smem:$0x3FAD] =	sst s0  }
0x9: {  	[smem:$0x3FAE] =	sst s1  }
0xa: {  	[smem:$0x3FAF] =	sst s2  }
0xb: {  	[smem:$0x3FB0] =	sst s3  }
0xc: {  	[smem:$0x3FB1] =	sst s4  }
0xd: {  	[smem:$0x3FB2] =	sst s5  }
0xe: {  	[smem:$0x3FB3] =	sst s6  }
0xf: {  	[smem:$0x3FB4] =	sst s7  }
0x10: {  	[smem:$0x3FB5] =	sst s8  }
0x11: {  	[smem:$0x3FB6] =	sst s9;
	s0 =	simm.s32 @!p0 $0x0  }
0x12: {  	s1 =	sld [smem:$0x3F9C];
	s0 =	simm.s32 @p0 $0x1  }
0x13: {  	[smem:$0x3FB7] =	sst s0;
	s0 =	simm.s32 @!p1 $0x0  }
0x14: {  	s2 =	sld [smem:$0x3F9B];
	s0 =	simm.s32 @p1 $0x1  }
0x15: {  	[smem:$0x3FB8] =	sst s0;
	s0 =	simm.s32 @!p2 $0x0  }
0x16: {  	s3 =	sld [smem:$0x3FDB];
	s0 =	simm.s32 @p2 $0x1  }
0x17: {  	s4 =	simm.s32 $0x1BF5;
	[smem:$0x3FBA] =	sst s0  }
0x18: {  	s0 =	sld [smem:$0x3F9D];
	_ =	swait.ge [sflag:s4], $0x0  }
0x19: {  	s7 =	sld [smem:$0x3F9E]  }
0x1a: {  	s8 =	sadd.s32 $0xFFFFE003, lr  }
0x1b: {  	s9 =	sadd.s32 $0xFFFFFEF7, lr;
	s5 =	simm.s32 $0xFFFFFFFF;
	p2 =	slt.u32 s8, $0xFFFFF086  }
0x1c: {  	p1 =	slt.u32 s9, $0xF7A;
	s5 =	simm.s32 @!p2 $0x0  }
0x1d: {  	s5 =	simm.s32 @p1 $0x1;
	p0 =	seq.s32 s7, s2  }
0x1e: {  	s7 =	smul.u32 @!p0 $0xF7A, s2;
	p2 =	seq.s32 @!p0 s5, $0x0  }
0x1f: {  	s9 =	smul.u32 $0xF7A, s1;
	s8 =	simm.s32 @!p0 $0x1BF5;
	p2 =	por !p2, p0  }
0x20: {  	[sflag:s8] =	ssyncset.s32 @!p0 $0xFFFFF086;
	s6 =	sadd.s32 @!p0 s3, s7;
	s7 =	simm.s32 @!p0 $0x108  }
0x21: {  	s3 =	sadd.s32 s3, s9;
	s6 =	sadd.s32 @!p0 $0x88, s6;
	s7 =	simm.s32 @p2 $0x1082  }
0x22: {  	[simem:s7], [sflag:s8] =	dma.local @!p0 [hbm:s6], $0xF7A  }
0x23: {  	s9 =	sor.u32 $0xD0000000, s2;
	s6 =	simm.s32 $0x108;
	_ =	swait.ge @!p0 [sflag:s8], $0x0  }
0x24: {  	s3 =	sadd.s32 $0x88, s3;
	s6 =	simm.s32 @!p1 $0x1082;
	[sflag:s4] =	ssyncset.s32 $0xFFFFF086  }
0x25: {  	[simem:s6], [sflag:s4] =	dma.local [hbm:s3], $0xF7A  }
0x26: {  	[smem:$0x3F9E] =	sst s1;
	(tag) =	ssettag s2;
	_ =	strace s9  }
0x27: {  	s1 =	sld [smem:$0x3FAE]  }
0x28: {  	s2 =	sld [smem:$0x3FAF]  }
0x29: {  	s4 =	sld [smem:$0x3FB1]  }
0x2a: {  	p0 =	seq.s32 s5, $0x0;
	s5 =	sld [smem:$0x3FB2]  }
0x2b: {  	s6 =	sld [smem:$0x3FB3]  }
0x2c: {  	s7 =	sld [smem:$0x3FB4]  }
0x2d: {  	s3 =	simm.s32 $0x108;
	s8 =	sld [smem:$0x3FB5]  }
0x2e: {  	s3 =	simm.s32 @!p0 $0x1082;
	s9 =	sld [smem:$0x3FB6]  }
0x2f: {  	lr =	sadd.s32 s0, s3;
	s0 =	sld [smem:$0x3FAD]  }
0x30: {  	s3 =	sld [smem:$0x3FB0]  }
0x31: {  	[smem:$0x3FB9] =	sst s10  }
0x32: {  	s10 =	sld [smem:$0x3FB7];
	_ =	sdelay $0x3  }
0x33: {  	p0 =	seq.s32 s10, $0x1;
	s10 =	sld [smem:$0x3FB9];
	_ =	sdelay $0x3  }
0x34: {  	[smem:$0x3FB9] =	sst s10  }
0x35: {  	s10 =	sld [smem:$0x3FB8];
	_ =	sdelay $0x3  }
0x36: {  	p1 =	seq.s32 s10, $0x1;
	s10 =	sld [smem:$0x3FB9];
	_ =	sdelay $0x3  }
0x37: {  	[smem:$0x3FB9] =	sst s10  }
0x38: {  	s10 =	sld [smem:$0x3FBA]  }
0x39: {  	_ = 	snop;
	(pc) =	sbr.ind lr, $3  }
0x3a: {  	_ = 	snop  }
0x3b: {  	_ = 	snop  }
0x3c: {  	p2 =	seq.s32 s10, $0x1;
	s10 =	sld [smem:$0x3FB9]  }
0x3d: {  	_ =	shalt  }
0x3e: {  	_ =	shalt  }
0x3f: {  	_ =	shalt  }
0x40: {  	_ =	shalt  }
0x41: {  	_ =	shalt  }
0x42: {  	_ =	shalt  }
0x43: {  	_ =	shalt  }
0x44: {  	_ =	shalt  }
0x45: {  	_ =	shalt  }
0x46: {  	_ =	shalt  }
0x47: {  	_ =	shalt  }
0x48: {  	_ =	shalt  }
0x49: {  	_ =	shalt  }
0x4a: {  	_ =	shalt  }
0x4b: {  	_ =	shalt  }
0x4c: {  	_ =	shalt  }
0x4d: {  	_ =	shalt  }
0x4e: {  	_ =	shalt  }
0x4f: {  	_ =	shalt  }
0x50: {  	_ =	shalt  }
0x51: {  	_ =	shalt  }
0x52: {  	_ =	shalt  }
0x53: {  	_ =	shalt  }
0x54: {  	_ =	shalt  }
0x55: {  	_ =	shalt  }
0x56: {  	_ =	shalt  }
0x57: {  	_ =	shalt  }
0x58: {  	_ =	shalt  }
0x59: {  	_ =	shalt  }
0x5a: {  	_ =	shalt  }
0x5b: {  	_ =	shalt  }
0x5c: {  	_ =	shalt  }
0x5d: {  	_ =	shalt  }
0x5e: {  	_ =	shalt  }
0x5f: {  	_ =	shalt  }
0x60: {  	_ =	shalt  }
0x61: {  	_ =	shalt  }
0x62: {  	_ =	shalt  }
0x63: {  	_ =	shalt  }
0x64: {  	_ =	shalt  }
0x65: {  	_ =	shalt  }
0x66: {  	_ =	shalt  }
0x67: {  	_ =	shalt  }
0x68: {  	_ =	shalt  }
0x69: {  	_ =	shalt  }
0x6a: {  	_ =	shalt  }
0x6b: {  	_ =	shalt  }
0x6c: {  	_ =	shalt  }
0x6d: {  	_ =	shalt  }
0x6e: {  	_ =	shalt  }
0x6f: {  	_ =	shalt  }
0x70: {  	_ =	shalt  }
0x71: {  	_ =	shalt  }
0x72: {  	_ =	shalt  }
0x73: {  	_ =	shalt  }
0x74: {  	_ =	shalt  }
0x75: {  	_ =	shalt  }
0x76: {  	_ =	shalt  }
0x77: {  	_ =	shalt  }
0x78: {  	_ =	shalt  }
0x79: {  	_ =	shalt  }
0x7a: {  	_ =	shalt  }
0x7b: {  	_ =	shalt  }
0x7c: {  	_ =	shalt  }
0x7d: {  	_ =	shalt  }
0x7e: {  	_ =	shalt  }
0x7f: {  	_ =	shalt  }
0x80: {  	_ =	shalt  }
0x81: {  	_ =	shalt  }
0x82: {  	_ =	shalt  }
0x83: {  	_ =	shalt  }
0x84: {  	_ =	shalt  }
0x85: {  	_ =	shalt  }
0x86: {  	_ =	shalt  }
0x87: {  	_ =	shalt  }
.Lfunc_end0:
.L_simem_size_0:
called_computation.2_lowered:
.L_overlay_start_0:
0x88: {  	s2 =	sld [smem:$0x3FD9]  }
0x89: {  	s3 =	sld [smem:$0x3FFE];
	_ =	sdelay $0x1  }
0x8a: {  	s1 =	srdreg.scid  }
0x8b: {  	s0 =	sand.u32 $0x1, s1  }
0x8c: {  	s17 =	sshll.u32 s0, $0xA;
	s2 =	sadd.s32 s3, s2  }
0x8d: {  	s2 =	sadd.s32 s2, s17  }
0x8e: {  	[smem:$0x3FC5] =	sst s2  }
0x8f: {  	_ = 	snop  }
0x90: {  	s2 =	sld [smem:$0x3FC7]  }
0x91: {  	s18 =	sld [smem:$0x3FD0];
	(tm) =	ssettm $0x1  }
0x92: {  	s4 =	sld [smem:$0x3FFB];
	_ =	sdelay $0x3  }
0x93: {  	_ =	strace s4  }
0x94: {  	s4 =	sld [smem:$0x3FFC];
	_ =	sdelay $0x3  }
0x95: {  	_ =	strace s4  }
0x96: {  	s4 =	sld [smem:$0x3FFD];
	_ =	sdelay $0x3  }
0x97: {  	_ =	strace s4  }
0x98: {  	_ =	strace $0x8FFFFFFF  }
0x99: {  	s19 =	sld [smem:$0x3FDB];
	_ =	sdelay $0x1  }
0x9a: {  	s5 =	simm.s32 $_scs_section_size  }
0x9b: {  	s6 =	simm.s32 $_size__tile_overlayer_lowered;
	s7 =	simm.s32 $_tile_overlayer_lowered  }
0x9c: {  	s22 =	simm.s32 $0x1BFF;
	s21 =	sshll.u32 s7, $0x1;
	s4 =	sadd.s32 s5, s19  }
0x9d: {  	s8 =	simm.s32 $0x0;
	s20 =	sshll.u32 s6, $0x1;
	s6 =	sadd.s32 s21, s4  }
0x9e: {  	[timem:s8], [sflag:s22] =	dma.local [hbm:s6], s20  }
0x9f: {  	_ =	swait.ge [sflag:s22], s20  }
0xa0: {  	s5 =	ssub.s32 $0x0, s20;
	[sflag:s22] =	ssyncset.done $0x0  }
0xa1: {  	[sflag:s22] =	ssyncadd.s32 s5;
	_ =	sdelay $0x1  }
0xa2: {  	s23 =	simm.s32 $0x1B8B  }
0xa3: {  	_ =	swait.ge [sflag:s23], $0x1  }
0xa4: {  	[sflag:s23] =	ssyncset.done $0x0  }
0xa5: {  	s25 =	simm.s32 $0x1B8E;
	s24 =	sld [smem:$0x3FFE];
	[sflag:s23] =	ssyncadd.s32 $0xFFFFFFFF  }
0xa6: {  	s26 =	simm.s32 $execute0_lowered;
	[smem:$0x3FD2] =	sst s25  }
0xa7: {  	s6 =	sshll.u32 s26, $0x1;
	_ =	strace $0x8000004C;
	[dreg:$0x1] =	wrdreg $0xFFFFFFFF  }
0xa8: {  	s28 =	simm.s32 $_size_execute0_lowered;
	s4 =	sadd.s32 s4, s6;
	[dreg:$0x0] =	wrdreg $0x0  }
0xa9: {  	s6 =	sshll.u32 s28, $0x1;
	[dreg:$0x2] =	wrdreg s4  }
0xaa: {  	[dreg:$0x3] =	wrdreg s6  }
0xab: {  	[dreg:$0x4] =	wrdreg $0xC0  }
0xac: {  	_ =	task [dreg:s8], $0x5FFFF  }
0xad: {  	[dreg:$0x1] =	wrdreg $0xFFFFFFFF  }
0xae: {  	[dreg:$0x0] =	wrdreg $0x60  }
0xaf: {  	[dreg:$0x2] =	wrdreg s24  }
0xb0: {  	[dreg:$0x3] =	wrdreg s2  }
0xb1: {  	[dreg:$0x4] =	wrdreg s18  }
0xb2: {  	[dreg:$0x5] =	wrdreg $0x0  }
0xb3: {  	[dreg:$0x6] =	wrdreg $0x9  }
0xb4: {  	_ =	task.clear_ibuf [dreg:s8], $0x7FFFF;
	_ =	strace $0x9000004C  }
0xb5: {  	s29 =	simm.s32 $0x9;
	_ =	strace $0x8000004E  }
0xb6: {  	_ =	swait.ge [sflag:s29], $0x1  }
0xb7: {  	[sflag:s29] =	ssyncadd.s32 $0xFFFFFFFF  }
0xb8: {  	_ =	strace $0x9000004E  }
0xb9: {  	_ =	sfence  }
0xba: {  	s30 =	sld [smem:$0x0];
	_ =	sdelay $0x2  }
0xbb: {  	s31 =	sshll.u32 s1, $0xD;
	s1 =	sshrl.u32 s1, $0x2  }
0xbc: {  	s3 =	sand.u32 $0x4000, s31;
	s1 =	sadd.s32 s1, s30  }
0xbd: {  	s0 =	sor.u32 s3, s0;
	s1 =	sshll.u32 s1, $0x11  }
0xbe: {  	s0 =	sor.u32 s1, s0  }
0xbf: {  	s0 =	sadd.s32 $0x8F2B, s0  }
0xc0: {  	[sflag:s0] =	ssyncadd.remote.s32 $0x1  }
0xc1: {  	_ =	sfence.sel $0xFFFF  }
0xc2: {  	[dreg:$0x0] =	wrdreg $0xFFFFFFFF;
	(pc) =	sbr.abs _section_cstart, $3  }
0xc3: {  	[dreg:$0x1] =	wrdreg $0xFFFFFFFF  }
0xc4: {  	_ =	task.clear_ibuf [dreg:s8], $0x2FFFF;
	_ =	strace $0x9FFFFFFF  }
0xc5: {  	(tm) =	ssettm $0x7FFFFFFF  }
tec
execute0_lowered:
.L_overlay_start_1:
0x0: {  	(tag) =	ssettag $0x1  }
0x1: {  	s0 =	rddreg [dreg:$0x0]  }
0x2: {  	s1 =	rddreg [dreg:$0x1]  }
0x3: {  	s2 =	rddreg [dreg:$0x2]  }
0x4: {  	s3 =	rddreg [dreg:$0x3];
	s4 =	simm.s32 $0x0  }
0x5: {  	s5 =	srdreg.scid;
	s9 =	stileid.u32;
	s28 =	simm.s32 $0x1900  }
0x6: {  	s29 =	simm.s32 $0x11B00;
	s30 =	simm.s32 $0x17F00;
	s31 =	simm.s32 $0x2  }
0x7: {  	[smem:$0x7FF] =	sst s4;
	s6 =	sand.u32 $0x1, s5;
	s8 =	sadd.s32 $0x41400, s0  }
0x8: {  	s5 =	sadd.s32 $0x1400, s0;
	s11 =	sshll.u32 s9, $0x1;
	s12 =	sshll.u32 s9, $0x10  }
0x9: {  	s13 =	sshll.u32 s9, $0xD;
	s14 =	sshll.u32 s9, $0x6;
	s18 =	sadd.s32 $0x100000, s3  }
0xa: {  	p0 =	sne.s32 s9, $0x0;
	_ =	strace $0x8000004D;
	s7 =	ssub.s32 $0x2, s6  }
0xb: {  	s6 =	sor.u32 s6, s11;
	s11 =	sadd.s32 s12, s3;
	s16 =	sadd.s32 s8, s13  }
0xc: {  	[dreg:$0x9] =	wrdreg s18;
	s18 =	simm.s32 $0x6;
	s10 =	sshrl.u32 s7, $0x1  }
0xd: {  	s13 =	sor.u32 $0x20, s6;
	s21 =	smul.u32 $0x190, s6;
	s23 =	sadd.s32 $0x20000, s16  }
0xe: {  	[dreg:$0x5] =	wrdreg s16;
	s24 =	sadd.s32 $0x21000, s16;
	s16 =	simm.s32 $0x9  }
0xf: {  	s26 =	ssub.s32 s7, s10;
	s7 =	sor.u32 $0x8000, s12;
	s12 =	smul.u32 $0x640, s6  }
0x10: {  	s10 =	sor.u32 $0x1C0B, s14;
	s14 =	smul.u32 $0x640, s13;
	[dreg:$0xc] =	wrdreg s23  }
0x11: {  	s22 =	smul.u32 $0x190, s13;
	[dreg:$0xd] =	wrdreg s24;
	s23 =	simm.s32 $0x16600  }
0x12: {  	s24 =	simm.s32 $0x10200;
	s13 =	simm.s32 $0x8;
	[dreg:$0x6] =	wrdreg s10  }
0x13: {  	s15 =	sshrl.u32 s7, $0x3;
	s7 =	sadd.s32 s7, s3;
	s0 =	smax.u32 s26, $0x1  }
0x14: {  	s26 =	sshrl.u32 s11, $0x3;
	s10 =	simm.s32 $0x3;
	[dreg:$0x7] =	wrdreg s7  }
0x15: {  	s17 =	sadd.s32 s8, s15;
	s19 =	sadd.s32 s1, s12;
	[dreg:$0x10] =	wrdreg s0  }
0x16: {  	s20 =	sadd.s32 s1, s14;
	s14 =	sor.u32 $0x40, s6;
	[dreg:$0x11] =	wrdreg s26  }
.Ltmp0:
0x17: {  	s15 =	sor.u32 $0x60, s6;
	[dreg:$0x8] =	wrdreg s17;
	(pc) =	sbr.rel .LBB2_1-.Ltmp0, $4  }
0x18: {  	v0 =	vlaneseq.u32;
	s7 =	sadd.s32 s5, s21;
	s25 =	sadd.s32 s5, s22;
	[dreg:$0xa] =	wrdreg s19  }
0x19: {  	v0 =	vmul.u32 $0x4, v0;
	s26 =	simm.s32 $0x1;
	s0 =	simm.s32 $0x19800;
	[dreg:$0xb] =	wrdreg s20  }
0x1a: {  	v1 =	vimm.f32 $0.0e+00;
	s12 =	simm.s32 $0x7;
	s8 =	simm.s32 $0x0;
	[dreg:$0xe] =	wrdreg s7  }
0x1b: {  	v2 =	vor.u32 $0x1, v0;
	v3 =	vor.u32 $0x2, v0;
	v4 =	vor.u32 $0x3, v0;
	[dreg:$0xf] =	wrdreg s25;
	s17 =	simm.s32 $0x1CA00;
	s19 =	simm.s32 $0x1D680  }
.LBB2_45:
0x1c: {  	s7 =	simm.s32 $0x5  }
0x1d: {  	_ =	swait.ge [sflag:s7], $0xC80  }
0x1e: {  	[sflag:s7] =	ssyncset.done $0x0  }
0x1f: {  	[sflag:s7] =	ssyncadd.s32 $0xFFFFF380  }
0x20: {  	_ =	swait.ge [sflag:s18], $0xC80  }
0x21: {  	s8 =	rddreg [dreg:$0x12]  }
0x22: {  	s25 =	rddreg [dreg:$0x10];
	s8 =	sadd.s32 $0x1, s8  }
0x23: {  	p1 =	sne.s32 s8, s25  }
.Ltmp1:
0x24: {  	_ = 	snop;
	(pc) =	sbr.rel @!p1 .LBB2_46-.Ltmp1, $3  }
0x25: {  	_ =	sdelay $0x1  }
0x26: {  	[sflag:s18] =	ssyncset.done $0x0  }
0x27: {  	[sflag:s18] =	ssyncadd.s32 $0xFFFFF380  }
.LBB2_1:
0x28: {  	[dreg:$0x12] =	wrdreg s8  }
0x29: {  	s7 =	rddreg [dreg:$0x5]  }
0x2a: {  	s11 =	rddreg [dreg:$0x6]  }
0x2b: {  	s9 =	rddreg [dreg:$0x11];
	s20 =	simm.s32 $0xB  }
0x2c: {  	[spmem:s9], [sflag:s11] =	dma.local [hbm:s7], $0x1000  }
0x2d: {  	_ =	swait.ge [sflag:s20], $0x1000  }
0x2e: {  	s21 =	rddreg [dreg:$0x7]  }
0x2f: {  	[sflag:s20] =	ssyncset.done $0x0;
	s22 =	rddreg [dreg:$0x8]  }
.Ltmp2:
0x30: {  	[sflag:s20] =	ssyncadd.s32 $0xFFFFF000;
	s25 =	sshrl.u32 s21, $0x3;
	(pc) =	sbr.rel @p0 .LBB2_5-.Ltmp2, $4  }
0x31: {  	[spmem:s25], [sflag:s11] =	dma.local [hbm:s22], $0x1000  }
0x32: {  	_ =	swait.ge [sflag:s20], $0x1000  }
0x33: {  	[sflag:s20] =	ssyncset.done $0x0  }
0x34: {  	[sflag:s20] =	ssyncadd.s32 $0xFFFFF000  }
0x35: {  	s7 =	simm.s32 $0x40;
	s8 =	simm.s32 $0x0  }
.LBB2_3:
0x36: {  	p1 =	sne.s32 s7, $0x7FC0;
	[tilespmem:s8+$0x16600] =	vst v1;
	s8 =	smov.u32 s7;
	s7 =	sadd.s32 $0x40, s7  }
.Ltmp3:
0x37: {  	(pc) =	sbr.rel @p1 .LBB2_3-.Ltmp3, $2  }
0x38: {  	_ =	sdelay $0x2  }
0x39: {  	s8 =	sshra.s32 s8, $0x2  }
0x3a: {  	[tilespmem:s8+$0x16600] =	vst v1;
	s7 =	rddreg [dreg:$0x9];
	s22 =	simm.s32 $0xB  }
0x3b: {  	[spmem:s7] =	stream.linear.scatter [tilespmem:s23], [sflag:$0xB], $0x2000, $0x38;
	[tilespmem:$0x1FC00] =	vst v63  }
0x3c: {  	_ =	swait.ge [sflag:s22], $0x2000  }
0x3d: {  	[sflag:s22] =	ssyncset.done $0x0  }
0x3e: {  	[sflag:s22] =	ssyncadd.s32 $0xFFFFE000  }
.LBB2_5:
0x3f: {  	[bflag:$0x0] =	sbarrier.arrive $0xFFFF  }
0x40: {  	s7 =	simm.s32 $0x0;
	s8 =	rddreg [dreg:$0xa]  }
0x41: {  	[tilespmem:s24], [sflag:$0x1] =	stream.linear.gather [hbm4b:s8+s7], $0x3200, $0x38;
	[tilespmem:$0x1FC00] =	vst v63  }
0x42: {  	s9 =	simm.s32 $0x13400;
	s22 =	rddreg [dreg:$0xb]  }
0x43: {  	[tilespmem:s9], [sflag:$0x2] =	stream.linear.gather [hbm4b:s22+s7], $0x3200, $0x38;
	[tilespmem:$0x1FC00] =	vst v63  }
0x44: {  	_ =	swait.ge [sflag:s26], $0x3200  }
0x45: {  	[sflag:s26] =	ssyncset.done $0x0  }
0x46: {  	s7 =	simm.s32 $0x0;
	[sflag:s26] =	ssyncadd.s32 $0xFFFFCE00  }
0x47: {  	v9 =	vld [tilespmem:s7+$0x10200]  }
0x48: {  	v6 =	vld [tilespmem:s7+$0x10210]  }
0x49: {  	v7 =	vld [tilespmem:s7+$0x10220]  }
0x4a: {  	v10 =	vld [tilespmem:s7+$0x10230];
	_ =	sdelay $0x2  }
0x4b: {  	v5 =	vld [tilespmem:s7+$0x10240];
	v8 =	vand.u32 $0x1FFF, v9  }
0x4c: {  	vm0 =	vlt.s32 v9, $0x100000;
	v12 =	vand.u32 $0x1FFF, v6;
	v11 =	vor.u32 $0x100000, v8;
	v8 =	vld [tilespmem:s7+$0x10250]  }
0x4d: {  	v13 =	vand.u32 $0x1FFF, v7;
	vm1 =	vlt.s32 v7, $0x100000;
	v14 =	vand.u32 $0x1FFF, v10  }
0x4e: {  	s8 =	simm.s32 $0x200;
	v12 =	vor.u32 $0x100000, v12;
	v11 =	vsel vm0, v9, v11;
	vm0 =	vlt.s32 v6, $0x100000;
	v9 =	vld [tilespmem:s7+$0x10260]  }
.LBB2_6:
0x4f: {  	p1 =	sne.s32 s8, $0xC600;
	v13 =	vor.u32 $0x100000, v13;
	v14 =	vor.u32 $0x100000, v14;
	vm2 =	vlt.s32 v10, $0x100000;
	v15 =	vld [tilespmem:s7+$0x10270]  }
0x50: {  	s9 =	sshra.s32 s8, $0x2;
	v6 =	vsel vm0, v6, v12;
	[tilespmem:s7+$0x10200] =	vst v11;
	v7 =	vsel vm1, v7, v13;
	v10 =	vsel vm2, v10, v14  }
0x51: {  	v12 =	vand.u32 $0x1FFF, v5;
	vm0 =	vlt.s32 v5, $0x100000;
	v11 =	vld [tilespmem:s9+$0x10200];
	[tilespmem:s7+$0x10210] =	vst v6;
	v13 =	vand.u32 $0x1FFF, v8  }
0x52: {  	v12 =	vor.u32 $0x100000, v12;
	vm1 =	vlt.s32 v8, $0x100000;
	v6 =	vld [tilespmem:s9+$0x10210];
	[tilespmem:s7+$0x10220] =	vst v7;
	v13 =	vor.u32 $0x100000, v13  }
0x53: {  	v5 =	vsel vm0, v5, v12;
	v7 =	vld [tilespmem:s9+$0x10220];
	[tilespmem:s7+$0x10230] =	vst v10;
	v8 =	vsel vm1, v8, v13;
	v12 =	vand.u32 $0x1FFF, v9  }
0x54: {  	vm0 =	vlt.s32 v9, $0x100000;
	v10 =	vld [tilespmem:s9+$0x10230];
	[tilespmem:s7+$0x10240] =	vst v5;
	v5 =	vor.u32 $0x100000, v12;
	v12 =	vand.u32 $0x1FFF, v15  }
.Ltmp4:
0x55: {  	[tilespmem:s7+$0x10250] =	vst v8;
	v8 =	vsel vm0, v9, v5;
	v9 =	vor.u32 $0x100000, v12;
	vm0 =	vlt.s32 v15, $0x100000;
	(pc) =	sbr.rel @p1 .LBB2_6-.Ltmp4, $4  }
0x56: {  	v12 =	vand.u32 $0x1FFF, v11;
	v5 =	vld [tilespmem:s9+$0x10240];
	[tilespmem:s7+$0x10260] =	vst v8;
	v9 =	vsel vm0, v15, v9  }
0x57: {  	vm0 =	vlt.s32 v11, $0x100000;
	v12 =	vor.u32 $0x100000, v12;
	v13 =	vand.u32 $0x1FFF, v6;
	v8 =	vld [tilespmem:s9+$0x10250];
	[tilespmem:s7+$0x10270] =	vst v9;
	s7 =	smov.u32 s9  }
0x58: {  	v11 =	vsel vm0, v11, v12;
	v12 =	vor.u32 $0x100000, v13;
	vm0 =	vlt.s32 v6, $0x100000  }
0x59: {  	s8 =	sadd.s32 $0x200, s8;
	v13 =	vand.u32 $0x1FFF, v7;
	vm1 =	vlt.s32 v7, $0x100000;
	v14 =	vand.u32 $0x1FFF, v10;
	v9 =	vld [tilespmem:s7+$0x10260]  }
0x5a: {  	v13 =	vor.u32 $0x100000, v13;
	v14 =	vor.u32 $0x100000, v14;
	vm2 =	vlt.s32 v10, $0x100000;
	v15 =	vld [tilespmem:s7+$0x10270]  }
0x5b: {  	[tilespmem:s7+$0x10200] =	vst v11;
	v6 =	vsel vm0, v6, v12;
	v7 =	vsel vm1, v7, v13;
	v10 =	vsel vm2, v10, v14  }
0x5c: {  	[tilespmem:s7+$0x10210] =	vst v6;
	v6 =	vand.u32 $0x1FFF, v5;
	vm12 =	vlt.s32 v5, $0x100000;
	v63 =	vand.u32 $0x1FFF, v8  }
0x5d: {  	[tilespmem:s7+$0x10220] =	vst v7;
	v6 =	vor.u32 $0x100000, v6;
	vm13 =	vlt.s32 v8, $0x100000;
	v7 =	vor.u32 $0x100000, v63  }
0x5e: {  	[tilespmem:s7+$0x10230] =	vst v10;
	v5 =	vsel vm12, v5, v6;
	v6 =	vsel vm13, v8, v7;
	v7 =	vand.u32 $0x1FFF, v9  }
0x5f: {  	[tilespmem:s7+$0x10240] =	vst v5;
	vm14 =	vlt.s32 v9, $0x100000;
	v5 =	vor.u32 $0x100000, v7;
	v7 =	vand.u32 $0x1FFF, v15  }
0x60: {  	[tilespmem:s7+$0x10250] =	vst v6;
	vm15 =	vlt.s32 v15, $0x100000;
	v5 =	vsel vm14, v9, v5;
	v6 =	vor.u32 $0x100000, v7  }
.Ltmp5:
0x61: {  	[tilespmem:s7+$0x10260] =	vst v5;
	v5 =	vsel vm15, v15, v6;
	(pc) =	sbr.rel .LBB2_8-.Ltmp5, $4  }
0x62: {  	[tilespmem:s7+$0x10270] =	vst v5  }
0x63: {  	[tilespmem:s23], [sflag:$0x3] =	stream.indirect.gather [spmem:s3], $0x1, s24, s28, $0xb8;
	[tilespmem:$0x1FC00] =	vst v63  }
0x64: {  	s8 =	simm.s32 $0x0  }
0x65: {  	[tilespmem:s30], [sflag:$0x9] =	stream.indirect.gather [spmem:s3], $0x1, s29, s28, $0xb8;
	[tilespmem:$0x1FC00] =	vst v63  }
.LBB2_24:
0x66: {  	s8 =	sadd.s32 $0x1, s8  }
0x67: {  	p1 =	sne.s32 s8, $0xA  }
.Ltmp6:
0x68: {  	_ = 	snop;
	(pc) =	sbr.rel @!p1 .LBB2_25-.Ltmp6, $1  }
0x69: {  	_ =	sdelay $0x3  }
.LBB2_8:
0x6a: {  	s22 =	sshll.u32 s8, $0x6  }
0x6b: {  	s21 =	sor.u32 s22, s6  }
0x6c: {  	s20 =	sor.u32 $0x20, s21  }
0x6d: {  	p1 =	sgt.u32 s20, $0x270  }
.Ltmp7:
0x6e: {  	_ = 	snop;
	(pc) =	sbr.rel @p1 .LBB2_12-.Ltmp7, $1  }
0x6f: {  	_ =	sdelay $0x3  }
0x70: {  	_ =	swait.ge [sflag:s31], $0x3200  }
0x71: {  	[sflag:s31] =	ssyncset.done $0x0  }
0x72: {  	s7 =	simm.s32 $0x0;
	[sflag:s31] =	ssyncadd.s32 $0xFFFFCE00  }
0x73: {  	v9 =	vld [tilespmem:s7+$0x13400]  }
0x74: {  	v6 =	vld [tilespmem:s7+$0x13410]  }
0x75: {  	v7 =	vld [tilespmem:s7+$0x13420]  }
0x76: {  	v10 =	vld [tilespmem:s7+$0x13430];
	_ =	sdelay $0x2  }
0x77: {  	v5 =	vld [tilespmem:s7+$0x13440];
	v8 =	vand.u32 $0x1FFF, v9  }
0x78: {  	vm0 =	vlt.s32 v9, $0x100000;
	v12 =	vand.u32 $0x1FFF, v6;
	v11 =	vor.u32 $0x100000, v8;
	v8 =	vld [tilespmem:s7+$0x13450]  }
0x79: {  	v13 =	vand.u32 $0x1FFF, v7;
	vm1 =	vlt.s32 v7, $0x100000;
	v14 =	vand.u32 $0x1FFF, v10  }
0x7a: {  	s11 =	simm.s32 $0x200;
	v12 =	vor.u32 $0x100000, v12;
	v11 =	vsel vm0, v9, v11;
	vm0 =	vlt.s32 v6, $0x100000;
	v9 =	vld [tilespmem:s7+$0x13460]  }
.LBB2_10:
0x7b: {  	p2 =	sne.s32 s11, $0xC600;
	v13 =	vor.u32 $0x100000, v13;
	v14 =	vor.u32 $0x100000, v14;
	vm2 =	vlt.s32 v10, $0x100000;
	v15 =	vld [tilespmem:s7+$0x13470]  }
0x7c: {  	s9 =	sshra.s32 s11, $0x2;
	v6 =	vsel vm0, v6, v12;
	[tilespmem:s7+$0x13400] =	vst v11;
	v7 =	vsel vm1, v7, v13;
	v10 =	vsel vm2, v10, v14  }
0x7d: {  	v12 =	vand.u32 $0x1FFF, v5;
	vm0 =	vlt.s32 v5, $0x100000;
	v11 =	vld [tilespmem:s9+$0x13400];
	[tilespmem:s7+$0x13410] =	vst v6;
	v13 =	vand.u32 $0x1FFF, v8  }
0x7e: {  	v12 =	vor.u32 $0x100000, v12;
	vm1 =	vlt.s32 v8, $0x100000;
	v6 =	vld [tilespmem:s9+$0x13410];
	[tilespmem:s7+$0x13420] =	vst v7;
	v13 =	vor.u32 $0x100000, v13  }
0x7f: {  	v5 =	vsel vm0, v5, v12;
	v7 =	vld [tilespmem:s9+$0x13420];
	[tilespmem:s7+$0x13430] =	vst v10;
	v8 =	vsel vm1, v8, v13;
	v12 =	vand.u32 $0x1FFF, v9  }
0x80: {  	vm0 =	vlt.s32 v9, $0x100000;
	v10 =	vld [tilespmem:s9+$0x13430];
	[tilespmem:s7+$0x13440] =	vst v5;
	v5 =	vor.u32 $0x100000, v12;
	v12 =	vand.u32 $0x1FFF, v15  }
.Ltmp8:
0x81: {  	[tilespmem:s7+$0x13450] =	vst v8;
	v8 =	vsel vm0, v9, v5;
	v9 =	vor.u32 $0x100000, v12;
	vm0 =	vlt.s32 v15, $0x100000;
	(pc) =	sbr.rel @p2 .LBB2_10-.Ltmp8, $4  }
0x82: {  	v12 =	vand.u32 $0x1FFF, v11;
	v5 =	vld [tilespmem:s9+$0x13440];
	[tilespmem:s7+$0x13460] =	vst v8;
	v9 =	vsel vm0, v15, v9  }
0x83: {  	vm0 =	vlt.s32 v11, $0x100000;
	v12 =	vor.u32 $0x100000, v12;
	v13 =	vand.u32 $0x1FFF, v6;
	v8 =	vld [tilespmem:s9+$0x13450];
	[tilespmem:s7+$0x13470] =	vst v9;
	s7 =	smov.u32 s9  }
0x84: {  	v11 =	vsel vm0, v11, v12;
	v12 =	vor.u32 $0x100000, v13;
	vm0 =	vlt.s32 v6, $0x100000  }
0x85: {  	s11 =	sadd.s32 $0x200, s11;
	v13 =	vand.u32 $0x1FFF, v7;
	vm1 =	vlt.s32 v7, $0x100000;
	v14 =	vand.u32 $0x1FFF, v10;
	v9 =	vld [tilespmem:s7+$0x13460]  }
0x86: {  	v13 =	vor.u32 $0x100000, v13;
	v14 =	vor.u32 $0x100000, v14;
	vm2 =	vlt.s32 v10, $0x100000;
	v15 =	vld [tilespmem:s7+$0x13470]  }
0x87: {  	[tilespmem:s7+$0x13400] =	vst v11;
	v6 =	vsel vm0, v6, v12;
	v7 =	vsel vm1, v7, v13;
	v10 =	vsel vm2, v10, v14  }
0x88: {  	[tilespmem:s7+$0x13410] =	vst v6;
	v6 =	vand.u32 $0x1FFF, v5;
	vm12 =	vlt.s32 v5, $0x100000;
	v63 =	vand.u32 $0x1FFF, v8  }
0x89: {  	[tilespmem:s7+$0x13420] =	vst v7;
	v6 =	vor.u32 $0x100000, v6;
	vm13 =	vlt.s32 v8, $0x100000;
	v7 =	vor.u32 $0x100000, v63  }
0x8a: {  	[tilespmem:s7+$0x13430] =	vst v10;
	v5 =	vsel vm12, v5, v6;
	v6 =	vsel vm13, v8, v7;
	v7 =	vand.u32 $0x1FFF, v9  }
0x8b: {  	[tilespmem:s7+$0x13440] =	vst v5;
	vm14 =	vlt.s32 v9, $0x100000;
	v5 =	vor.u32 $0x100000, v7;
	v7 =	vand.u32 $0x1FFF, v15  }
0x8c: {  	[tilespmem:s7+$0x13450] =	vst v6;
	vm15 =	vlt.s32 v15, $0x100000;
	v5 =	vsel vm14, v9, v5;
	v6 =	vor.u32 $0x100000, v7  }
0x8d: {  	[tilespmem:s7+$0x13460] =	vst v5;
	v5 =	vsel vm15, v15, v6  }
0x8e: {  	s9 =	simm.s32 $0x13400;
	[tilespmem:s7+$0x13470] =	vst v5  }
0x8f: {  	[tilespmem:s0], [sflag:$0x4] =	stream.indirect.gather [spmem:s3], $0x1, s9, s28, $0xb8;
	[tilespmem:$0x1FC00] =	vst v63  }
0x90: {  	s11 =	simm.s32 $0x14D00;
	s9 =	simm.s32 $0x1B100  }
0x91: {  	[tilespmem:s9], [sflag:$0xA] =	stream.indirect.gather [spmem:s3], $0x1, s11, s28, $0xb8;
	[tilespmem:$0x1FC00] =	vst v63  }
.LBB2_12:
0x92: {  	_ =	swait.ge [sflag:s10], $0x1900  }
0x93: {  	s7 =	sadd.s32 s14, s22;
	[sflag:s10] =	ssyncset.done $0x0  }
0x94: {  	p3 =	sgt.u32 s7, $0x270;
	[sflag:s10] =	ssyncadd.s32 $0xFFFFE700  }
0x95: {  	s7 =	smul.u32 @!p3 $0x640, s7;
	_ =	swait.ge [sflag:s16], $0x1900  }
0x96: {  	s9 =	simm.s32 @!p3 $0x0;
	[sflag:s16] =	ssyncset.done $0x0  }
0x97: {  	s11 =	simm.s32 @!p3 $0x10200;
	s7 =	sadd.s32 @!p3 s1, s7;
	[sflag:s16] =	ssyncadd.s32 $0xFFFFE700  }
0x98: {  	[tilespmem:s11], [sflag:$0x1] =	stream.linear.gather @!p3 [hbm4b:s7+s9], $0x3200, $0x38;
	[tilespmem:$0x1FC00] =	vst v63  }
0x99: {  	s11 =	simm.s32 $0x0  }
0x9a: {  	p2 =	seq.s32 s8, $0x0;
	v5 =	vor.u32 s11, v2  }
0x9b: {  	s9 =	simm.s32 @!p2 $0x5;
	v6 =	vor.u32 s11, v0  }
0x9c: {  	_ =	swait.ge @!p2 [sflag:s9], $0xC80;
	v7 =	vor.u32 s11, v3  }
0x9d: {  	v8 =	vor.u32 s11, v4;
	[sflag:s9] =	ssyncset.done @!p2 $0x0  }
0x9e: {  	[sflag:s9] =	ssyncadd.s32 @!p2 $0xFFFFF380  }
0x9f: {  	v5 =	vld.idx.msk [tilespmem:v5+s23+$0x0], $0xffff  }
0xa0: {  	v6 =	vld.idx.msk [tilespmem:v6+s23+$0x0], $0xffff  }
0xa1: {  	v7 =	vld.idx.msk [tilespmem:v7+s23+$0x0], $0xffff  }
0xa2: {  	v8 =	vld.idx.msk [tilespmem:v8+s23+$0x0], $0xffff;
	_ =	sdelay $0x3  }
0xa3: {  	s7 =	simm.s32 $0x40  }
0xa4: {  	v9 =	vadd.f32 v5, v6;
	v8 =	vadd.f32 v8, v7;
	v5 =	vor.u32 s7, v2  }
0xa5: {  	v6 =	vor.u32 s7, v0  }
0xa6: {  	v7 =	vor.u32 s7, v3;
	v9 =	vadd.f32 v8, v9  }
0xa7: {  	s11 =	simm.s32 $0x0;
	s9 =	simm.s32 $0x80;
	v8 =	vor.u32 s7, v4  }
.LBB2_13:
0xa8: {  	p4 =	sne.s32 s9, $0x31C0;
	[tilespmem:s11+$0x1CA00] =	vst v9  }
0xa9: {  	v9 =	vld.idx.msk [tilespmem:v5+s23+$0x0], $0xffff  }
0xaa: {  	v6 =	vld.idx.msk [tilespmem:v6+s23+$0x0], $0xffff  }
0xab: {  	v7 =	vld.idx.msk [tilespmem:v7+s23+$0x0], $0xffff  }
0xac: {  	v8 =	vld.idx.msk [tilespmem:v8+s23+$0x0], $0xffff;
	_ =	sdelay $0x4  }
.Ltmp9:
0xad: {  	(pc) =	sbr.rel @p4 .LBB2_13-.Ltmp9, $4  }
0xae: {  	v5 =	vor.u32 s9, v2;
	v9 =	vadd.f32 v9, v6;
	v8 =	vadd.f32 v8, v7  }
0xaf: {  	v6 =	vor.u32 s9, v0  }
0xb0: {  	v7 =	vor.u32 s9, v3;
	v9 =	vadd.f32 v8, v9  }
0xb1: {  	s11 =	sshra.s32 s7, $0x2;
	s7 =	smov.u32 s9;
	v8 =	vor.u32 s9, v4;
	s9 =	sadd.s32 $0x40, s9  }
0xb2: {  	_ =	sdelay $0x2  }
0xb3: {  	[tilespmem:s11+$0x1CA00] =	vst v9  }
0xb4: {  	v5 =	vld.idx.msk [tilespmem:v5+s23+$0x0], $0xffff  }
0xb5: {  	v6 =	vld.idx.msk [tilespmem:v6+s23+$0x0], $0xffff  }
0xb6: {  	v7 =	vld.idx.msk [tilespmem:v7+s23+$0x0], $0xffff  }
0xb7: {  	v8 =	vld.idx.msk [tilespmem:v8+s23+$0x0], $0xffff;
	_ =	sdelay $0x4  }
0xb8: {  	v5 =	vadd.f32 v5, v6;
	v6 =	vadd.f32 v8, v7  }
.Ltmp10:
0xb9: {  	_ = 	snop;
	(pc) =	sbr.rel @p3 .LBB2_18-.Ltmp10, $4  }
0xba: {  	s9 =	smul.u32 $0x190, s21;
	v5 =	vadd.f32 v6, v5  }
0xbb: {  	s7 =	sshra.s32 s7, $0x2  }
0xbc: {  	s21 =	sadd.s32 s5, s9;
	[tilespmem:s7+$0x1CA00] =	vst v5  }
0xbd: {  	[hbm4b:s21+s4] =	stream.linear.scatter [tilespmem:s17], [sflag:$0x5], $0xC80, $0x38;
	[tilespmem:$0x1FC00] =	vst v63  }
0xbe: {  	_ =	swait.ge [sflag:s26], $0x3200  }
0xbf: {  	[sflag:s26] =	ssyncset.done $0x0  }
0xc0: {  	s7 =	simm.s32 $0x0;
	[sflag:s26] =	ssyncadd.s32 $0xFFFFCE00  }
0xc1: {  	v9 =	vld [tilespmem:s7+$0x10200]  }
0xc2: {  	v6 =	vld [tilespmem:s7+$0x10210]  }
0xc3: {  	v7 =	vld [tilespmem:s7+$0x10220]  }
0xc4: {  	v10 =	vld [tilespmem:s7+$0x10230];
	_ =	sdelay $0x2  }
0xc5: {  	v5 =	vld [tilespmem:s7+$0x10240];
	v8 =	vand.u32 $0x1FFF, v9  }
0xc6: {  	vm0 =	vlt.s32 v9, $0x100000;
	v12 =	vand.u32 $0x1FFF, v6;
	v11 =	vor.u32 $0x100000, v8;
	v8 =	vld [tilespmem:s7+$0x10250]  }
0xc7: {  	v13 =	vand.u32 $0x1FFF, v7;
	vm1 =	vlt.s32 v7, $0x100000;
	v14 =	vand.u32 $0x1FFF, v10  }
0xc8: {  	s11 =	simm.s32 $0x200;
	v12 =	vor.u32 $0x100000, v12;
	v11 =	vsel vm0, v9, v11;
	vm0 =	vlt.s32 v6, $0x100000;
	v9 =	vld [tilespmem:s7+$0x10260]  }
.LBB2_16:
0xc9: {  	p3 =	sne.s32 s11, $0xC600;
	v13 =	vor.u32 $0x100000, v13;
	v14 =	vor.u32 $0x100000, v14;
	vm2 =	vlt.s32 v10, $0x100000;
	v15 =	vld [tilespmem:s7+$0x10270]  }
0xca: {  	s9 =	sshra.s32 s11, $0x2;
	v6 =	vsel vm0, v6, v12;
	[tilespmem:s7+$0x10200] =	vst v11;
	v7 =	vsel vm1, v7, v13;
	v10 =	vsel vm2, v10, v14  }
0xcb: {  	v12 =	vand.u32 $0x1FFF, v5;
	vm0 =	vlt.s32 v5, $0x100000;
	v11 =	vld [tilespmem:s9+$0x10200];
	[tilespmem:s7+$0x10210] =	vst v6;
	v13 =	vand.u32 $0x1FFF, v8  }
0xcc: {  	v12 =	vor.u32 $0x100000, v12;
	vm1 =	vlt.s32 v8, $0x100000;
	v6 =	vld [tilespmem:s9+$0x10210];
	[tilespmem:s7+$0x10220] =	vst v7;
	v13 =	vor.u32 $0x100000, v13  }
0xcd: {  	v5 =	vsel vm0, v5, v12;
	v7 =	vld [tilespmem:s9+$0x10220];
	[tilespmem:s7+$0x10230] =	vst v10;
	v8 =	vsel vm1, v8, v13;
	v12 =	vand.u32 $0x1FFF, v9  }
0xce: {  	vm0 =	vlt.s32 v9, $0x100000;
	v10 =	vld [tilespmem:s9+$0x10230];
	[tilespmem:s7+$0x10240] =	vst v5;
	v5 =	vor.u32 $0x100000, v12;
	v12 =	vand.u32 $0x1FFF, v15  }
.Ltmp11:
0xcf: {  	[tilespmem:s7+$0x10250] =	vst v8;
	v8 =	vsel vm0, v9, v5;
	v9 =	vor.u32 $0x100000, v12;
	vm0 =	vlt.s32 v15, $0x100000;
	(pc) =	sbr.rel @p3 .LBB2_16-.Ltmp11, $4  }
0xd0: {  	v12 =	vand.u32 $0x1FFF, v11;
	v5 =	vld [tilespmem:s9+$0x10240];
	[tilespmem:s7+$0x10260] =	vst v8;
	v9 =	vsel vm0, v15, v9  }
0xd1: {  	vm0 =	vlt.s32 v11, $0x100000;
	v12 =	vor.u32 $0x100000, v12;
	v13 =	vand.u32 $0x1FFF, v6;
	v8 =	vld [tilespmem:s9+$0x10250];
	[tilespmem:s7+$0x10270] =	vst v9;
	s7 =	smov.u32 s9  }
0xd2: {  	v11 =	vsel vm0, v11, v12;
	v12 =	vor.u32 $0x100000, v13;
	vm0 =	vlt.s32 v6, $0x100000  }
0xd3: {  	s11 =	sadd.s32 $0x200, s11;
	v13 =	vand.u32 $0x1FFF, v7;
	vm1 =	vlt.s32 v7, $0x100000;
	v14 =	vand.u32 $0x1FFF, v10;
	v9 =	vld [tilespmem:s7+$0x10260]  }
0xd4: {  	v13 =	vor.u32 $0x100000, v13;
	v14 =	vor.u32 $0x100000, v14;
	vm2 =	vlt.s32 v10, $0x100000;
	v15 =	vld [tilespmem:s7+$0x10270]  }
0xd5: {  	[tilespmem:s7+$0x10200] =	vst v11;
	v6 =	vsel vm0, v6, v12;
	v7 =	vsel vm1, v7, v13;
	v10 =	vsel vm2, v10, v14  }
0xd6: {  	[tilespmem:s7+$0x10210] =	vst v6;
	v6 =	vand.u32 $0x1FFF, v5;
	vm12 =	vlt.s32 v5, $0x100000;
	v63 =	vand.u32 $0x1FFF, v8  }
0xd7: {  	[tilespmem:s7+$0x10220] =	vst v7;
	v6 =	vor.u32 $0x100000, v6;
	vm13 =	vlt.s32 v8, $0x100000;
	v7 =	vor.u32 $0x100000, v63  }
0xd8: {  	[tilespmem:s7+$0x10230] =	vst v10;
	v5 =	vsel vm12, v5, v6;
	v6 =	vsel vm13, v8, v7;
	v7 =	vand.u32 $0x1FFF, v9  }
0xd9: {  	[tilespmem:s7+$0x10240] =	vst v5;
	vm14 =	vlt.s32 v9, $0x100000;
	v5 =	vor.u32 $0x100000, v7;
	v7 =	vand.u32 $0x1FFF, v15  }
0xda: {  	[tilespmem:s7+$0x10250] =	vst v6;
	vm15 =	vlt.s32 v15, $0x100000;
	v5 =	vsel vm14, v9, v5;
	v6 =	vor.u32 $0x100000, v7  }
0xdb: {  	[tilespmem:s7+$0x10260] =	vst v5;
	v5 =	vsel vm15, v15, v6  }
0xdc: {  	[tilespmem:s7+$0x10270] =	vst v5  }
0xdd: {  	[tilespmem:s23], [sflag:$0x3] =	stream.indirect.gather [spmem:s3], $0x1, s24, s28, $0xb8;
	[tilespmem:$0x1FC00] =	vst v63  }
0xde: {  	_ = 	snop  }
0xdf: {  	[tilespmem:s30], [sflag:$0x9] =	stream.indirect.gather [spmem:s3], $0x1, s29, s28, $0xb8;
	[tilespmem:$0x1FC00] =	vst v63  }
.LBB2_18:
0xe0: {  	s7 =	simm.s32 @!p1 $0x4  }
0xe1: {  	_ =	swait.ge @!p1 [sflag:s7], $0x1900  }
0xe2: {  	s9 =	sadd.s32 s15, s22;
	[sflag:s7] =	ssyncset.done @!p1 $0x0  }
0xe3: {  	p3 =	sgt.u32 s9, $0x270;
	[sflag:s7] =	ssyncadd.s32 @!p1 $0xFFFFE700;
	s7 =	simm.s32 @!p1 $0xA  }
0xe4: {  	s9 =	smul.u32 @!p3 $0x640, s9;
	_ =	swait.ge @!p1 [sflag:s7], $0x1900  }
0xe5: {  	s11 =	simm.s32 @!p3 $0x13400;
	[sflag:s7] =	ssyncset.done @!p1 $0x0  }
0xe6: {  	[sflag:s7] =	ssyncadd.s32 @!p1 $0xFFFFE700;
	s7 =	sadd.s32 @!p3 s1, s9;
	s9 =	simm.s32 @!p3 $0x0  }
0xe7: {  	[tilespmem:s11], [sflag:$0x2] =	stream.linear.gather @!p3 [hbm4b:s7+s9], $0x3200, $0x38;
	[tilespmem:$0x1FC00] =	vst v63  }
0xe8: {  	p3 =	sgt.u32 @!p2 s20, $0x270  }
0xe9: {  	p2 =	por p2, p3  }
.Ltmp12:
0xea: {  	_ = 	snop;
	(pc) =	sbr.rel @p2 .LBB2_20-.Ltmp12, $1  }
0xeb: {  	_ =	sdelay $0x3  }
0xec: {  	_ =	swait.ge [sflag:s18], $0xC80  }
0xed: {  	[sflag:s18] =	ssyncset.done $0x0  }
0xee: {  	[sflag:s18] =	ssyncadd.s32 $0xFFFFF380  }
.LBB2_21:
0xef: {  	s7 =	simm.s32 $0x0  }
0xf0: {  	v5 =	vor.u32 s7, v2  }
0xf1: {  	v6 =	vor.u32 s7, v0  }
0xf2: {  	v7 =	vor.u32 s7, v3  }
0xf3: {  	v8 =	vor.u32 s7, v4;
	_ =	sdelay $0x1  }
0xf4: {  	v5 =	vld.idx.msk [tilespmem:v5+s0+$0x0], $0xffff  }
0xf5: {  	v6 =	vld.idx.msk [tilespmem:v6+s0+$0x0], $0xffff  }
0xf6: {  	v7 =	vld.idx.msk [tilespmem:v7+s0+$0x0], $0xffff  }
0xf7: {  	v8 =	vld.idx.msk [tilespmem:v8+s0+$0x0], $0xffff;
	_ =	sdelay $0x3  }
0xf8: {  	s7 =	simm.s32 $0x40  }
0xf9: {  	v9 =	vadd.f32 v5, v6;
	v8 =	vadd.f32 v8, v7;
	v5 =	vor.u32 s7, v2  }
0xfa: {  	v6 =	vor.u32 s7, v0  }
0xfb: {  	v7 =	vor.u32 s7, v3;
	v9 =	vadd.f32 v8, v9  }
0xfc: {  	s9 =	simm.s32 $0x80;
	s11 =	simm.s32 $0x0;
	v8 =	vor.u32 s7, v4  }
.LBB2_22:
0xfd: {  	p1 =	sne.s32 s9, $0x31C0;
	[tilespmem:s11+$0x1D680] =	vst v9  }
0xfe: {  	v9 =	vld.idx.msk [tilespmem:v5+s0+$0x0], $0xffff  }
0xff: {  	v6 =	vld.idx.msk [tilespmem:v6+s0+$0x0], $0xffff  }
0x100: {  	v7 =	vld.idx.msk [tilespmem:v7+s0+$0x0], $0xffff  }
0x101: {  	v8 =	vld.idx.msk [tilespmem:v8+s0+$0x0], $0xffff;
	_ =	sdelay $0x4  }
.Ltmp13:
0x102: {  	(pc) =	sbr.rel @p1 .LBB2_22-.Ltmp13, $4  }
0x103: {  	v5 =	vor.u32 s9, v2;
	v9 =	vadd.f32 v9, v6;
	v8 =	vadd.f32 v8, v7  }
0x104: {  	v6 =	vor.u32 s9, v0  }
0x105: {  	v7 =	vor.u32 s9, v3;
	v9 =	vadd.f32 v8, v9  }
0x106: {  	s11 =	sshra.s32 s7, $0x2;
	s7 =	smov.u32 s9;
	v8 =	vor.u32 s9, v4;
	s9 =	sadd.s32 $0x40, s9  }
0x107: {  	_ =	sdelay $0x2  }
0x108: {  	[tilespmem:s11+$0x1D680] =	vst v9  }
0x109: {  	v5 =	vld.idx.msk [tilespmem:v5+s0+$0x0], $0xffff  }
0x10a: {  	v6 =	vld.idx.msk [tilespmem:v6+s0+$0x0], $0xffff  }
0x10b: {  	v7 =	vld.idx.msk [tilespmem:v7+s0+$0x0], $0xffff  }
0x10c: {  	v8 =	vld.idx.msk [tilespmem:v8+s0+$0x0], $0xffff;
	_ =	sdelay $0x4  }
0x10d: {  	v5 =	vadd.f32 v5, v6;
	v6 =	vadd.f32 v8, v7  }
.Ltmp14:
0x10e: {  	_ = 	snop;
	(pc) =	sbr.rel .LBB2_24-.Ltmp14, $4  }
0x10f: {  	s9 =	smul.u32 $0x190, s20;
	v5 =	vadd.f32 v6, v5  }
0x110: {  	s7 =	sshra.s32 s7, $0x2  }
0x111: {  	s22 =	sadd.s32 s5, s9;
	[tilespmem:s7+$0x1D680] =	vst v5  }
0x112: {  	[hbm4b:s22+s4] =	stream.linear.scatter [tilespmem:s19], [sflag:$0x6], $0xC80, $0x38;
	[tilespmem:$0x1FC00] =	vst v63  }
.LBB2_20:
.Ltmp15:
0x113: {  	(pc) =	sbr.rel @p1 .LBB2_24-.Ltmp15, $4  }
.Ltmp16:
0x114: {  	(pc) =	sbr.rel @!p1 .LBB2_21-.Ltmp16, $4  }
0x115: {  	_ = 	snop  }
0x116: {  	_ = 	snop  }
0x117: {  	_ = 	snop  }
0x118: {  	_ = 	snop  }
.LBB2_25:
0x119: {  	s7 =	simm.s32 $0x5  }
0x11a: {  	_ =	swait.ge [sflag:s7], $0xC80  }
0x11b: {  	[sflag:s7] =	ssyncset.done $0x0  }
0x11c: {  	[sflag:s7] =	ssyncadd.s32 $0xFFFFF380  }
0x11d: {  	_ =	swait.ge [sflag:s18], $0xC80  }
0x11e: {  	[sflag:s18] =	ssyncset.done $0x0  }
0x11f: {  	[sflag:s18] =	ssyncadd.s32 $0xFFFFF380  }
0x120: {  	[bflag:$0x0] =	sbarrier.arrive $0xFFFF  }
0x121: {  	s20 =	rddreg [dreg:$0x6]  }
0x122: {  	s8 =	rddreg [dreg:$0xc]  }
0x123: {  	s21 =	simm.s32 $0xB;
	s9 =	rddreg [dreg:$0x11]  }
0x124: {  	[spmem:s9], [sflag:s20] =	dma.local [hbm:s8], $0x1000  }
0x125: {  	_ =	swait.ge [sflag:s21], $0x1000  }
0x126: {  	[sflag:s21] =	ssyncset.done $0x0  }
0x127: {  	s22 =	rddreg [dreg:$0xd];
	[sflag:s21] =	ssyncadd.s32 $0xFFFFF000  }
0x128: {  	[spmem:s25], [sflag:s20] =	dma.local [hbm:s22], $0x1000  }
0x129: {  	_ =	swait.ge [sflag:s21], $0x1000  }
0x12a: {  	[sflag:s21] =	ssyncset.done $0x0  }
0x12b: {  	[sflag:s21] =	ssyncadd.s32 $0xFFFFF000  }
0x12c: {  	[bflag:$0x0] =	sbarrier.arrive $0xFFFF  }
0x12d: {  	s7 =	simm.s32 $0x0;
	s25 =	rddreg [dreg:$0xa]  }
0x12e: {  	[tilespmem:s24], [sflag:$0x1] =	stream.linear.gather [hbm4b:s25+s7], $0x3200, $0x38;
	[tilespmem:$0x1FC00] =	vst v63  }
0x12f: {  	s11 =	simm.s32 $0x13400;
	s9 =	rddreg [dreg:$0xb]  }
0x130: {  	[tilespmem:s11], [sflag:$0x2] =	stream.linear.gather [hbm4b:s9+s7], $0x3200, $0x38;
	[tilespmem:$0x1FC00] =	vst v63  }
0x131: {  	s21 =	simm.s32 $0x1E300;
	s20 =	rddreg [dreg:$0xe]  }
0x132: {  	[tilespmem:s21], [sflag:$0x7] =	stream.linear.gather [hbm4b:s20+s7], $0xC80, $0x38;
	[tilespmem:$0x1FC00] =	vst v63  }
0x133: {  	s22 =	rddreg [dreg:$0xf];
	s25 =	simm.s32 $0x1EF80  }
0x134: {  	[tilespmem:s25], [sflag:$0x8] =	stream.linear.gather [hbm4b:s22+s7], $0xC80, $0x38;
	[tilespmem:$0x1FC00] =	vst v63  }
0x135: {  	_ =	swait.ge [sflag:s26], $0x3200  }
0x136: {  	[sflag:s26] =	ssyncset.done $0x0  }
0x137: {  	s8 =	simm.s32 $0x0;
	[sflag:s26] =	ssyncadd.s32 $0xFFFFCE00  }
0x138: {  	v5 =	vld [tilespmem:s8+$0x10200];
	_ =	sdelay $0x1  }
0x139: {  	v6 =	vld [tilespmem:s8+$0x10210]  }
0x13a: {  	v11 =	vld [tilespmem:s8+$0x10220]  }
0x13b: {  	v13 =	vld [tilespmem:s8+$0x10230]  }
0x13c: {  	v7 =	vand.u32 $0x1FFF, v5  }
0x13d: {  	vm0 =	vgt.s32 v5, $0xFFFFF;
	v5 =	vadd.s32 $0xFFF00000, v5;
	v7 =	vor.u32 $0x100000, v7  }
0x13e: {  	v8 =	vld [tilespmem:s8+$0x10240];
	v7 =	vsel vm0, v5, v7;
	v5 =	vand.u32 $0x1FFF, v6  }
0x13f: {  	vm0 =	vgt.s32 v6, $0xFFFFF;
	v6 =	vadd.s32 $0xFFF00000, v6;
	v5 =	vor.u32 $0x100000, v5  }
0x140: {  	v12 =	vand.u32 $0x1FFF, v13;
	v9 =	vsel vm0, v6, v5;
	v5 =	vand.u32 $0x1FFF, v11;
	v6 =	vld [tilespmem:s8+$0x10250]  }
0x141: {  	vm1 =	vgt.s32 v13, $0xFFFFF;
	v13 =	vadd.s32 $0xFFF00000, v13;
	v10 =	vor.u32 $0x100000, v5;
	v5 =	vld [tilespmem:s8+$0x10260]  }
0x142: {  	s7 =	simm.s32 $0x200;
	v12 =	vor.u32 $0x100000, v12;
	vm0 =	vgt.s32 v11, $0xFFFFF;
	v11 =	vadd.s32 $0xFFF00000, v11  }
.LBB2_26:
0x143: {  	p1 =	sne.s32 s7, $0xC600;
	v10 =	vsel vm0, v11, v10;
	v11 =	vsel vm1, v13, v12;
	v12 =	vand.u32 $0x1FFF, v8;
	v13 =	vld [tilespmem:s8+$0x10270]  }
0x144: {  	s9 =	sshra.s32 s7, $0x2;
	vm0 =	vgt.s32 v8, $0xFFFFF;
	v8 =	vadd.s32 $0xFFF00000, v8;
	[tilespmem:s8+$0x10200] =	vst v7;
	v7 =	vor.u32 $0x100000, v12  }
0x145: {  	v12 =	vld [tilespmem:s9+$0x10200];
	[tilespmem:s8+$0x10210] =	vst v9;
	v7 =	vsel vm0, v8, v7;
	v8 =	vand.u32 $0x1FFF, v6;
	vm0 =	vgt.s32 v6, $0xFFFFF  }
0x146: {  	v6 =	vadd.s32 $0xFFF00000, v6;
	[tilespmem:s8+$0x10220] =	vst v10;
	v8 =	vor.u32 $0x100000, v8;
	v9 =	vand.u32 $0x1FFF, v5  }
0x147: {  	vm1 =	vgt.s32 v5, $0xFFFFF;
	v5 =	vadd.s32 $0xFFF00000, v5;
	v10 =	vld [tilespmem:s9+$0x10210];
	[tilespmem:s8+$0x10230] =	vst v11;
	v9 =	vor.u32 $0x100000, v9  }
0x148: {  	v6 =	vsel vm0, v6, v8;
	[tilespmem:s8+$0x10240] =	vst v7;
	v5 =	vsel vm1, v5, v9;
	v7 =	vand.u32 $0x1FFF, v13  }
0x149: {  	vm0 =	vgt.s32 v13, $0xFFFFF;
	v11 =	vld [tilespmem:s9+$0x10220];
	[tilespmem:s8+$0x10250] =	vst v6;
	v6 =	vor.u32 $0x100000, v7;
	v7 =	vadd.s32 $0xFFF00000, v13  }
0x14a: {  	v8 =	vand.u32 $0x1FFF, v12;
	v13 =	vld [tilespmem:s9+$0x10230];
	[tilespmem:s8+$0x10260] =	vst v5;
	v5 =	vsel vm0, v7, v6  }
0x14b: {  	vm0 =	vgt.s32 v12, $0xFFFFF;
	v7 =	vadd.s32 $0xFFF00000, v12;
	v6 =	vor.u32 $0x100000, v8;
	[tilespmem:s8+$0x10270] =	vst v5;
	s8 =	smov.u32 s9  }
.Ltmp17:
0x14c: {  	v7 =	vsel vm0, v7, v6;
	v5 =	vand.u32 $0x1FFF, v10;
	v8 =	vld [tilespmem:s8+$0x10240];
	(pc) =	sbr.rel @p1 .LBB2_26-.Ltmp17, $4  }
0x14d: {  	vm0 =	vgt.s32 v10, $0xFFFFF;
	v6 =	vadd.s32 $0xFFF00000, v10;
	v5 =	vor.u32 $0x100000, v5  }
0x14e: {  	v9 =	vsel vm0, v6, v5;
	v5 =	vand.u32 $0x1FFF, v11;
	vm0 =	vgt.s32 v11, $0xFFFFF;
	v6 =	vld [tilespmem:s8+$0x10250]  }
0x14f: {  	v11 =	vadd.s32 $0xFFF00000, v11;
	v10 =	vor.u32 $0x100000, v5;
	v12 =	vand.u32 $0x1FFF, v13;
	v5 =	vld [tilespmem:s8+$0x10260]  }
0x150: {  	s7 =	sadd.s32 $0x200, s7;
	vm1 =	vgt.s32 v13, $0xFFFFF;
	v13 =	vadd.s32 $0xFFF00000, v13;
	v12 =	vor.u32 $0x100000, v12  }
0x151: {  	v10 =	vsel vm0, v11, v10;
	v58 =	vsel vm1, v13, v12;
	v59 =	vand.u32 $0x1FFF, v8;
	v60 =	vld [tilespmem:s8+$0x10270]  }
0x152: {  	[tilespmem:s8+$0x10200] =	vst v7;
	vm12 =	vgt.s32 v8, $0xFFFFF;
	v61 =	vadd.s32 $0xFFF00000, v8;
	v7 =	vor.u32 $0x100000, v59  }
0x153: {  	[tilespmem:s8+$0x10210] =	vst v9;
	v7 =	vsel vm12, v61, v7;
	v62 =	vand.u32 $0x1FFF, v6;
	vm13 =	vgt.s32 v6, $0xFFFFF  }
0x154: {  	[tilespmem:s8+$0x10220] =	vst v10;
	v6 =	vadd.s32 $0xFFF00000, v6;
	v8 =	vor.u32 $0x100000, v62;
	v63 =	vand.u32 $0x1FFF, v5  }
0x155: {  	[tilespmem:s8+$0x10230] =	vst v58;
	vm14 =	vgt.s32 v5, $0xFFFFF;
	v5 =	vadd.s32 $0xFFF00000, v5;
	v9 =	vor.u32 $0x100000, v63  }
0x156: {  	[tilespmem:s8+$0x10240] =	vst v7;
	v6 =	vsel vm13, v6, v8;
	v5 =	vsel vm14, v5, v9;
	v7 =	vand.u32 $0x1FFF, v60  }
0x157: {  	[tilespmem:s8+$0x10250] =	vst v6;
	vm15 =	vgt.s32 v60, $0xFFFFF;
	v6 =	vor.u32 $0x100000, v7;
	v7 =	vadd.s32 $0xFFF00000, v60  }
.Ltmp18:
0x158: {  	[tilespmem:s8+$0x10260] =	vst v5;
	v5 =	vsel vm15, v7, v6;
	(pc) =	sbr.rel .LBB2_28-.Ltmp18, $4  }
0x159: {  	[tilespmem:s8+$0x10270] =	vst v5  }
0x15a: {  	[tilespmem:s23], [sflag:$0x3] =	stream.indirect.gather [spmem:s3], $0x1, s24, s28, $0xb8;
	[tilespmem:$0x1FC00] =	vst v63  }
0x15b: {  	s20 =	simm.s32 $0x0  }
0x15c: {  	[tilespmem:s30], [sflag:$0x9] =	stream.indirect.gather [spmem:s3], $0x1, s29, s28, $0xb8;
	[tilespmem:$0x1FC00] =	vst v63  }
.LBB2_44:
0x15d: {  	s20 =	sadd.s32 $0x1, s20  }
0x15e: {  	p1 =	sne.s32 s20, $0xA  }
.Ltmp19:
0x15f: {  	_ = 	snop;
	(pc) =	sbr.rel @!p1 .LBB2_45-.Ltmp19, $3  }
0x160: {  	s7 =	smul.u32 @!p3 $0x190, s7;
	_ =	sdelay $0x1  }
0x161: {  	s8 =	simm.s32 @!p3 $0x0;
	s9 =	simm.s32 @!p3 $0x1EF80;
	s7 =	sadd.s32 @!p3 s5, s7  }
0x162: {  	[tilespmem:s9], [sflag:$0x8] =	stream.linear.gather @!p3 [hbm4b:s7+s8], $0xC80, $0x38;
	[tilespmem:$0x1FC00] =	vst v63  }
.LBB2_28:
0x163: {  	s22 =	sshll.u32 s20, $0x6  }
0x164: {  	s21 =	sor.u32 s22, s6  }
0x165: {  	s8 =	sor.u32 $0x20, s21  }
0x166: {  	p1 =	sgt.u32 s8, $0x270  }
.Ltmp20:
0x167: {  	_ = 	snop;
	(pc) =	sbr.rel @p1 .LBB2_32-.Ltmp20, $1  }
0x168: {  	_ =	sdelay $0x3  }
0x169: {  	_ =	swait.ge [sflag:s31], $0x3200  }
0x16a: {  	[sflag:s31] =	ssyncset.done $0x0  }
0x16b: {  	s7 =	simm.s32 $0x0;
	[sflag:s31] =	ssyncadd.s32 $0xFFFFCE00  }
0x16c: {  	v5 =	vld [tilespmem:s7+$0x13400];
	_ =	sdelay $0x1  }
0x16d: {  	v6 =	vld [tilespmem:s7+$0x13410]  }
0x16e: {  	v11 =	vld [tilespmem:s7+$0x13420]  }
0x16f: {  	v13 =	vld [tilespmem:s7+$0x13430]  }
0x170: {  	v7 =	vand.u32 $0x1FFF, v5  }
0x171: {  	vm0 =	vgt.s32 v5, $0xFFFFF;
	v5 =	vadd.s32 $0xFFF00000, v5;
	v7 =	vor.u32 $0x100000, v7  }
0x172: {  	v8 =	vld [tilespmem:s7+$0x13440];
	v7 =	vsel vm0, v5, v7;
	v5 =	vand.u32 $0x1FFF, v6  }
0x173: {  	vm0 =	vgt.s32 v6, $0xFFFFF;
	v6 =	vadd.s32 $0xFFF00000, v6;
	v5 =	vor.u32 $0x100000, v5  }
0x174: {  	v12 =	vand.u32 $0x1FFF, v13;
	v9 =	vsel vm0, v6, v5;
	v5 =	vand.u32 $0x1FFF, v11;
	v6 =	vld [tilespmem:s7+$0x13450]  }
0x175: {  	vm1 =	vgt.s32 v13, $0xFFFFF;
	v13 =	vadd.s32 $0xFFF00000, v13;
	v10 =	vor.u32 $0x100000, v5;
	v5 =	vld [tilespmem:s7+$0x13460]  }
0x176: {  	s11 =	simm.s32 $0x200;
	v12 =	vor.u32 $0x100000, v12;
	vm0 =	vgt.s32 v11, $0xFFFFF;
	v11 =	vadd.s32 $0xFFF00000, v11  }
.LBB2_30:
0x177: {  	p2 =	sne.s32 s11, $0xC600;
	v10 =	vsel vm0, v11, v10;
	v11 =	vsel vm1, v13, v12;
	v12 =	vand.u32 $0x1FFF, v8;
	v13 =	vld [tilespmem:s7+$0x13470]  }
0x178: {  	s9 =	sshra.s32 s11, $0x2;
	vm0 =	vgt.s32 v8, $0xFFFFF;
	v8 =	vadd.s32 $0xFFF00000, v8;
	[tilespmem:s7+$0x13400] =	vst v7;
	v7 =	vor.u32 $0x100000, v12  }
0x179: {  	v12 =	vld [tilespmem:s9+$0x13400];
	[tilespmem:s7+$0x13410] =	vst v9;
	v7 =	vsel vm0, v8, v7;
	v8 =	vand.u32 $0x1FFF, v6;
	vm0 =	vgt.s32 v6, $0xFFFFF  }
0x17a: {  	v6 =	vadd.s32 $0xFFF00000, v6;
	[tilespmem:s7+$0x13420] =	vst v10;
	v8 =	vor.u32 $0x100000, v8;
	v9 =	vand.u32 $0x1FFF, v5  }
0x17b: {  	vm1 =	vgt.s32 v5, $0xFFFFF;
	v5 =	vadd.s32 $0xFFF00000, v5;
	v10 =	vld [tilespmem:s9+$0x13410];
	[tilespmem:s7+$0x13430] =	vst v11;
	v9 =	vor.u32 $0x100000, v9  }
0x17c: {  	v6 =	vsel vm0, v6, v8;
	[tilespmem:s7+$0x13440] =	vst v7;
	v5 =	vsel vm1, v5, v9;
	v7 =	vand.u32 $0x1FFF, v13  }
0x17d: {  	vm0 =	vgt.s32 v13, $0xFFFFF;
	v11 =	vld [tilespmem:s9+$0x13420];
	[tilespmem:s7+$0x13450] =	vst v6;
	v6 =	vor.u32 $0x100000, v7;
	v7 =	vadd.s32 $0xFFF00000, v13  }
0x17e: {  	v8 =	vand.u32 $0x1FFF, v12;
	v13 =	vld [tilespmem:s9+$0x13430];
	[tilespmem:s7+$0x13460] =	vst v5;
	v5 =	vsel vm0, v7, v6  }
0x17f: {  	vm0 =	vgt.s32 v12, $0xFFFFF;
	v7 =	vadd.s32 $0xFFF00000, v12;
	v6 =	vor.u32 $0x100000, v8;
	[tilespmem:s7+$0x13470] =	vst v5;
	s7 =	smov.u32 s9  }
.Ltmp21:
0x180: {  	v7 =	vsel vm0, v7, v6;
	v5 =	vand.u32 $0x1FFF, v10;
	v8 =	vld [tilespmem:s7+$0x13440];
	(pc) =	sbr.rel @p2 .LBB2_30-.Ltmp21, $4  }
0x181: {  	vm0 =	vgt.s32 v10, $0xFFFFF;
	v6 =	vadd.s32 $0xFFF00000, v10;
	v5 =	vor.u32 $0x100000, v5  }
0x182: {  	v9 =	vsel vm0, v6, v5;
	v5 =	vand.u32 $0x1FFF, v11;
	vm0 =	vgt.s32 v11, $0xFFFFF;
	v6 =	vld [tilespmem:s7+$0x13450]  }
0x183: {  	v11 =	vadd.s32 $0xFFF00000, v11;
	v10 =	vor.u32 $0x100000, v5;
	v12 =	vand.u32 $0x1FFF, v13;
	v5 =	vld [tilespmem:s7+$0x13460]  }
0x184: {  	s11 =	sadd.s32 $0x200, s11;
	vm1 =	vgt.s32 v13, $0xFFFFF;
	v13 =	vadd.s32 $0xFFF00000, v13;
	v12 =	vor.u32 $0x100000, v12  }
0x185: {  	v10 =	vsel vm0, v11, v10;
	v58 =	vsel vm1, v13, v12;
	v59 =	vand.u32 $0x1FFF, v8;
	v60 =	vld [tilespmem:s7+$0x13470]  }
0x186: {  	[tilespmem:s7+$0x13400] =	vst v7;
	vm12 =	vgt.s32 v8, $0xFFFFF;
	v61 =	vadd.s32 $0xFFF00000, v8;
	v7 =	vor.u32 $0x100000, v59  }
0x187: {  	[tilespmem:s7+$0x13410] =	vst v9;
	v7 =	vsel vm12, v61, v7;
	v62 =	vand.u32 $0x1FFF, v6;
	vm13 =	vgt.s32 v6, $0xFFFFF  }
0x188: {  	[tilespmem:s7+$0x13420] =	vst v10;
	v6 =	vadd.s32 $0xFFF00000, v6;
	v8 =	vor.u32 $0x100000, v62;
	v63 =	vand.u32 $0x1FFF, v5  }
0x189: {  	[tilespmem:s7+$0x13430] =	vst v58;
	vm14 =	vgt.s32 v5, $0xFFFFF;
	v5 =	vadd.s32 $0xFFF00000, v5;
	v9 =	vor.u32 $0x100000, v63  }
0x18a: {  	[tilespmem:s7+$0x13440] =	vst v7;
	v6 =	vsel vm13, v6, v8;
	v5 =	vsel vm14, v5, v9;
	v7 =	vand.u32 $0x1FFF, v60  }
0x18b: {  	[tilespmem:s7+$0x13450] =	vst v6;
	vm15 =	vgt.s32 v60, $0xFFFFF;
	v6 =	vor.u32 $0x100000, v7;
	v7 =	vadd.s32 $0xFFF00000, v60  }
0x18c: {  	[tilespmem:s7+$0x13460] =	vst v5;
	v5 =	vsel vm15, v7, v6  }
0x18d: {  	s11 =	simm.s32 $0x13400;
	[tilespmem:s7+$0x13470] =	vst v5  }
0x18e: {  	[tilespmem:s0], [sflag:$0x4] =	stream.indirect.gather [spmem:s3], $0x1, s11, s28, $0xb8;
	[tilespmem:$0x1FC00] =	vst v63  }
0x18f: {  	s25 =	simm.s32 $0x14D00;
	s9 =	simm.s32 $0x1B100  }
0x190: {  	[tilespmem:s9], [sflag:$0xA] =	stream.indirect.gather [spmem:s3], $0x1, s25, s28, $0xb8;
	[tilespmem:$0x1FC00] =	vst v63  }
.LBB2_32:
0x191: {  	_ =	swait.ge [sflag:s10], $0x1900  }
0x192: {  	s7 =	sadd.s32 s14, s22;
	[sflag:s10] =	ssyncset.done $0x0  }
0x193: {  	p3 =	sgt.u32 s7, $0x270;
	[sflag:s10] =	ssyncadd.s32 $0xFFFFE700  }
0x194: {  	s9 =	smul.u32 @!p3 $0x640, s7;
	_ =	swait.ge [sflag:s16], $0x1900  }
0x195: {  	p2 =	seq.s32 s20, $0x0;
	s11 =	simm.s32 @!p3 $0x0;
	[sflag:s16] =	ssyncset.done $0x0  }
0x196: {  	s25 =	simm.s32 @!p3 $0x10200;
	s9 =	sadd.s32 @!p3 s1, s9;
	[sflag:s16] =	ssyncadd.s32 $0xFFFFE700  }
0x197: {  	[tilespmem:s25], [sflag:$0x1] =	stream.linear.gather @!p3 [hbm4b:s9+s11], $0x3200, $0x38;
	[tilespmem:$0x1FC00] =	vst v63  }
0x198: {  	s9 =	simm.s32 @!p2 $0x5  }
0x199: {  	s25 =	simm.s32 $0x0;
	_ =	swait.ge @!p2 [sflag:s9], $0xC80  }
0x19a: {  	v5 =	vor.u32 s25, v2;
	[sflag:s9] =	ssyncset.done @!p2 $0x0  }
0x19b: {  	v6 =	vor.u32 s25, v0;
	[sflag:s9] =	ssyncadd.s32 @!p2 $0xFFFFF380  }
0x19c: {  	v7 =	vor.u32 s25, v3;
	_ =	swait.ge [sflag:s12], $0xC80  }
0x19d: {  	v8 =	vor.u32 s25, v4;
	[sflag:s12] =	ssyncset.done $0x0  }
0x19e: {  	[sflag:s12] =	ssyncadd.s32 $0xFFFFF380  }
0x19f: {  	v5 =	vld.idx.msk [tilespmem:v5+s23+$0x0], $0xffff  }
0x1a0: {  	v6 =	vld.idx.msk [tilespmem:v6+s23+$0x0], $0xffff  }
0x1a1: {  	v7 =	vld.idx.msk [tilespmem:v7+s23+$0x0], $0xffff  }
0x1a2: {  	v8 =	vld.idx.msk [tilespmem:v8+s23+$0x0], $0xffff;
	_ =	sdelay $0x2  }
0x1a3: {  	s25 =	simm.s32 $0x0  }
0x1a4: {  	v9 =	vld [tilespmem:s25+$0x1E300]  }
0x1a5: {  	v5 =	vadd.f32 v5, v6;
	v6 =	vadd.f32 v8, v7  }
0x1a6: {  	s11 =	simm.s32 $0x40  }
0x1a7: {  	v8 =	vadd.f32 v6, v5;
	v5 =	vor.u32 s11, v2  }
0x1a8: {  	v6 =	vor.u32 s11, v0  }
0x1a9: {  	v7 =	vor.u32 s11, v3;
	v9 =	vadd.f32 v8, v9  }
0x1aa: {  	s9 =	simm.s32 $0x80;
	v8 =	vor.u32 s11, v4  }
.LBB2_33:
0x1ab: {  	p4 =	sne.s32 s9, $0x31C0;
	[tilespmem:s25+$0x1CA00] =	vst v9  }
0x1ac: {  	v5 =	vld.idx.msk [tilespmem:v5+s23+$0x0], $0xffff  }
0x1ad: {  	v6 =	vld.idx.msk [tilespmem:v6+s23+$0x0], $0xffff  }
0x1ae: {  	v7 =	vld.idx.msk [tilespmem:v7+s23+$0x0], $0xffff  }
0x1af: {  	v8 =	vld.idx.msk [tilespmem:v8+s23+$0x0], $0xffff;
	_ =	sdelay $0x3  }
0x1b0: {  	s25 =	sshra.s32 s11, $0x2;
	s11 =	smov.u32 s9  }
0x1b1: {  	v9 =	vld [tilespmem:s25+$0x1E300]  }
0x1b2: {  	v6 =	vadd.f32 v5, v6;
	v7 =	vadd.f32 v8, v7  }
.Ltmp22:
0x1b3: {  	(pc) =	sbr.rel @p4 .LBB2_33-.Ltmp22, $4  }
0x1b4: {  	v5 =	vor.u32 s9, v2;
	v8 =	vadd.f32 v7, v6  }
0x1b5: {  	v6 =	vor.u32 s9, v0  }
0x1b6: {  	v7 =	vor.u32 s9, v3;
	v9 =	vadd.f32 v8, v9  }
0x1b7: {  	s9 =	sadd.s32 $0x40, s9;
	v8 =	vor.u32 s11, v4  }
0x1b8: {  	_ =	sdelay $0x2  }
0x1b9: {  	[tilespmem:s25+$0x1CA00] =	vst v9  }
0x1ba: {  	v5 =	vld.idx.msk [tilespmem:v5+s23+$0x0], $0xffff  }
0x1bb: {  	v6 =	vld.idx.msk [tilespmem:v6+s23+$0x0], $0xffff  }
0x1bc: {  	v7 =	vld.idx.msk [tilespmem:v7+s23+$0x0], $0xffff  }
0x1bd: {  	v8 =	vld.idx.msk [tilespmem:v8+s23+$0x0], $0xffff;
	_ =	sdelay $0x2  }
0x1be: {  	s9 =	sshra.s32 s11, $0x2  }
0x1bf: {  	v9 =	vld [tilespmem:s9+$0x1E300]  }
0x1c0: {  	v5 =	vadd.f32 v5, v6;
	v6 =	vadd.f32 v8, v7;
	_ =	sdelay $0x1  }
0x1c1: {  	v5 =	vadd.f32 v6, v5  }
.Ltmp23:
0x1c2: {  	_ = 	snop;
	(pc) =	sbr.rel @p3 .LBB2_38-.Ltmp23, $3  }
0x1c3: {  	s21 =	smul.u32 $0x190, s21;
	v5 =	vadd.f32 v5, v9;
	_ =	sdelay $0x1  }
0x1c4: {  	s25 =	sadd.s32 s2, s21;
	[tilespmem:s9+$0x1CA00] =	vst v5  }
0x1c5: {  	[hbm4b:s25+s4] =	stream.linear.scatter [tilespmem:s17], [sflag:$0x5], $0xC80, $0x38;
	[tilespmem:$0x1FC00] =	vst v63  }
0x1c6: {  	s7 =	smul.u32 $0x190, s7;
	_ =	sdelay $0x1  }
0x1c7: {  	s9 =	simm.s32 $0x0;
	s11 =	simm.s32 $0x1E300;
	s7 =	sadd.s32 s5, s7  }
0x1c8: {  	[tilespmem:s11], [sflag:$0x7] =	stream.linear.gather [hbm4b:s7+s9], $0xC80, $0x38;
	[tilespmem:$0x1FC00] =	vst v63  }
0x1c9: {  	_ =	swait.ge [sflag:s26], $0x3200  }
0x1ca: {  	[sflag:s26] =	ssyncset.done $0x0  }
0x1cb: {  	s7 =	simm.s32 $0x0;
	[sflag:s26] =	ssyncadd.s32 $0xFFFFCE00  }
0x1cc: {  	v5 =	vld [tilespmem:s7+$0x10200];
	_ =	sdelay $0x1  }
0x1cd: {  	v6 =	vld [tilespmem:s7+$0x10210]  }
0x1ce: {  	v11 =	vld [tilespmem:s7+$0x10220]  }
0x1cf: {  	v13 =	vld [tilespmem:s7+$0x10230]  }
0x1d0: {  	v7 =	vand.u32 $0x1FFF, v5  }
0x1d1: {  	vm0 =	vgt.s32 v5, $0xFFFFF;
	v5 =	vadd.s32 $0xFFF00000, v5;
	v7 =	vor.u32 $0x100000, v7  }
0x1d2: {  	v8 =	vld [tilespmem:s7+$0x10240];
	v7 =	vsel vm0, v5, v7;
	v5 =	vand.u32 $0x1FFF, v6  }
0x1d3: {  	vm0 =	vgt.s32 v6, $0xFFFFF;
	v6 =	vadd.s32 $0xFFF00000, v6;
	v5 =	vor.u32 $0x100000, v5  }
0x1d4: {  	v12 =	vand.u32 $0x1FFF, v13;
	v9 =	vsel vm0, v6, v5;
	v5 =	vand.u32 $0x1FFF, v11;
	v6 =	vld [tilespmem:s7+$0x10250]  }
0x1d5: {  	vm1 =	vgt.s32 v13, $0xFFFFF;
	v13 =	vadd.s32 $0xFFF00000, v13;
	v10 =	vor.u32 $0x100000, v5;
	v5 =	vld [tilespmem:s7+$0x10260]  }
0x1d6: {  	s11 =	simm.s32 $0x200;
	v12 =	vor.u32 $0x100000, v12;
	vm0 =	vgt.s32 v11, $0xFFFFF;
	v11 =	vadd.s32 $0xFFF00000, v11  }
.LBB2_36:
0x1d7: {  	p3 =	sne.s32 s11, $0xC600;
	v10 =	vsel vm0, v11, v10;
	v11 =	vsel vm1, v13, v12;
	v12 =	vand.u32 $0x1FFF, v8;
	v13 =	vld [tilespmem:s7+$0x10270]  }
0x1d8: {  	s9 =	sshra.s32 s11, $0x2;
	vm0 =	vgt.s32 v8, $0xFFFFF;
	v8 =	vadd.s32 $0xFFF00000, v8;
	[tilespmem:s7+$0x10200] =	vst v7;
	v7 =	vor.u32 $0x100000, v12  }
0x1d9: {  	v12 =	vld [tilespmem:s9+$0x10200];
	[tilespmem:s7+$0x10210] =	vst v9;
	v7 =	vsel vm0, v8, v7;
	v8 =	vand.u32 $0x1FFF, v6;
	vm0 =	vgt.s32 v6, $0xFFFFF  }
0x1da: {  	v6 =	vadd.s32 $0xFFF00000, v6;
	[tilespmem:s7+$0x10220] =	vst v10;
	v8 =	vor.u32 $0x100000, v8;
	v9 =	vand.u32 $0x1FFF, v5  }
0x1db: {  	vm1 =	vgt.s32 v5, $0xFFFFF;
	v5 =	vadd.s32 $0xFFF00000, v5;
	v10 =	vld [tilespmem:s9+$0x10210];
	[tilespmem:s7+$0x10230] =	vst v11;
	v9 =	vor.u32 $0x100000, v9  }
0x1dc: {  	v6 =	vsel vm0, v6, v8;
	[tilespmem:s7+$0x10240] =	vst v7;
	v5 =	vsel vm1, v5, v9;
	v7 =	vand.u32 $0x1FFF, v13  }
0x1dd: {  	vm0 =	vgt.s32 v13, $0xFFFFF;
	v11 =	vld [tilespmem:s9+$0x10220];
	[tilespmem:s7+$0x10250] =	vst v6;
	v6 =	vor.u32 $0x100000, v7;
	v7 =	vadd.s32 $0xFFF00000, v13  }
0x1de: {  	v8 =	vand.u32 $0x1FFF, v12;
	v13 =	vld [tilespmem:s9+$0x10230];
	[tilespmem:s7+$0x10260] =	vst v5;
	v5 =	vsel vm0, v7, v6  }
0x1df: {  	vm0 =	vgt.s32 v12, $0xFFFFF;
	v7 =	vadd.s32 $0xFFF00000, v12;
	v6 =	vor.u32 $0x100000, v8;
	[tilespmem:s7+$0x10270] =	vst v5;
	s7 =	smov.u32 s9  }
.Ltmp24:
0x1e0: {  	v7 =	vsel vm0, v7, v6;
	v5 =	vand.u32 $0x1FFF, v10;
	v8 =	vld [tilespmem:s7+$0x10240];
	(pc) =	sbr.rel @p3 .LBB2_36-.Ltmp24, $4  }
0x1e1: {  	vm0 =	vgt.s32 v10, $0xFFFFF;
	v6 =	vadd.s32 $0xFFF00000, v10;
	v5 =	vor.u32 $0x100000, v5  }
0x1e2: {  	v9 =	vsel vm0, v6, v5;
	v5 =	vand.u32 $0x1FFF, v11;
	vm0 =	vgt.s32 v11, $0xFFFFF;
	v6 =	vld [tilespmem:s7+$0x10250]  }
0x1e3: {  	v11 =	vadd.s32 $0xFFF00000, v11;
	v10 =	vor.u32 $0x100000, v5;
	v12 =	vand.u32 $0x1FFF, v13;
	v5 =	vld [tilespmem:s7+$0x10260]  }
0x1e4: {  	s11 =	sadd.s32 $0x200, s11;
	vm1 =	vgt.s32 v13, $0xFFFFF;
	v13 =	vadd.s32 $0xFFF00000, v13;
	v12 =	vor.u32 $0x100000, v12  }
0x1e5: {  	v10 =	vsel vm0, v11, v10;
	v58 =	vsel vm1, v13, v12;
	v59 =	vand.u32 $0x1FFF, v8;
	v60 =	vld [tilespmem:s7+$0x10270]  }
0x1e6: {  	[tilespmem:s7+$0x10200] =	vst v7;
	vm12 =	vgt.s32 v8, $0xFFFFF;
	v61 =	vadd.s32 $0xFFF00000, v8;
	v7 =	vor.u32 $0x100000, v59  }
0x1e7: {  	[tilespmem:s7+$0x10210] =	vst v9;
	v7 =	vsel vm12, v61, v7;
	v62 =	vand.u32 $0x1FFF, v6;
	vm13 =	vgt.s32 v6, $0xFFFFF  }
0x1e8: {  	[tilespmem:s7+$0x10220] =	vst v10;
	v6 =	vadd.s32 $0xFFF00000, v6;
	v8 =	vor.u32 $0x100000, v62;
	v63 =	vand.u32 $0x1FFF, v5  }
0x1e9: {  	[tilespmem:s7+$0x10230] =	vst v58;
	vm14 =	vgt.s32 v5, $0xFFFFF;
	v5 =	vadd.s32 $0xFFF00000, v5;
	v9 =	vor.u32 $0x100000, v63  }
0x1ea: {  	[tilespmem:s7+$0x10240] =	vst v7;
	v6 =	vsel vm13, v6, v8;
	v5 =	vsel vm14, v5, v9;
	v7 =	vand.u32 $0x1FFF, v60  }
0x1eb: {  	[tilespmem:s7+$0x10250] =	vst v6;
	vm15 =	vgt.s32 v60, $0xFFFFF;
	v6 =	vor.u32 $0x100000, v7;
	v7 =	vadd.s32 $0xFFF00000, v60  }
0x1ec: {  	[tilespmem:s7+$0x10260] =	vst v5;
	v5 =	vsel vm15, v7, v6  }
0x1ed: {  	[tilespmem:s7+$0x10270] =	vst v5  }
0x1ee: {  	[tilespmem:s23], [sflag:$0x3] =	stream.indirect.gather [spmem:s3], $0x1, s24, s28, $0xb8;
	[tilespmem:$0x1FC00] =	vst v63  }
0x1ef: {  	_ = 	snop  }
0x1f0: {  	[tilespmem:s30], [sflag:$0x9] =	stream.indirect.gather [spmem:s3], $0x1, s29, s28, $0xb8;
	[tilespmem:$0x1FC00] =	vst v63  }
.LBB2_38:
0x1f1: {  	s7 =	simm.s32 @!p1 $0x4  }
0x1f2: {  	_ =	swait.ge @!p1 [sflag:s7], $0x1900  }
0x1f3: {  	p4 =	sgt.u32 @!p2 s8, $0x270;
	[sflag:s7] =	ssyncset.done @!p1 $0x0  }
0x1f4: {  	p2 =	por p2, p4;
	[sflag:s7] =	ssyncadd.s32 @!p1 $0xFFFFE700;
	s7 =	sadd.s32 s15, s22  }
.Ltmp25:
0x1f5: {  	s9 =	simm.s32 @!p1 $0xA;
	p3 =	sgt.u32 s7, $0x270;
	(pc) =	sbr.rel @p2 .LBB2_40-.Ltmp25, $4  }
0x1f6: {  	_ =	swait.ge @!p1 [sflag:s9], $0x1900;
	s11 =	smul.u32 @!p3 $0x640, s7  }
0x1f7: {  	[sflag:s9] =	ssyncset.done @!p1 $0x0;
	s21 =	simm.s32 @!p3 $0x13400  }
0x1f8: {  	[sflag:s9] =	ssyncadd.s32 @!p1 $0xFFFFE700;
	s9 =	sadd.s32 @!p3 s1, s11;
	s11 =	simm.s32 @!p3 $0x0  }
0x1f9: {  	[tilespmem:s21], [sflag:$0x2] =	stream.linear.gather @!p3 [hbm4b:s9+s11], $0x3200, $0x38;
	[tilespmem:$0x1FC00] =	vst v63  }
0x1fa: {  	_ =	swait.ge [sflag:s18], $0xC80  }
0x1fb: {  	[sflag:s18] =	ssyncset.done $0x0  }
0x1fc: {  	[sflag:s18] =	ssyncadd.s32 $0xFFFFF380  }
.LBB2_41:
0x1fd: {  	s9 =	simm.s32 $0x0  }
0x1fe: {  	v5 =	vor.u32 s9, v2  }
0x1ff: {  	v6 =	vor.u32 s9, v0  }
0x200: {  	_ =	swait.ge [sflag:s13], $0xC80;
	v7 =	vor.u32 s9, v3  }
0x201: {  	[sflag:s13] =	ssyncset.done $0x0;
	v8 =	vor.u32 s9, v4  }
0x202: {  	[sflag:s13] =	ssyncadd.s32 $0xFFFFF380  }
0x203: {  	v5 =	vld.idx.msk [tilespmem:v5+s0+$0x0], $0xffff  }
0x204: {  	v6 =	vld.idx.msk [tilespmem:v6+s0+$0x0], $0xffff  }
0x205: {  	v7 =	vld.idx.msk [tilespmem:v7+s0+$0x0], $0xffff  }
0x206: {  	v8 =	vld.idx.msk [tilespmem:v8+s0+$0x0], $0xffff;
	_ =	sdelay $0x2  }
0x207: {  	s21 =	simm.s32 $0x0  }
0x208: {  	v9 =	vld [tilespmem:s21+$0x1EF80]  }
0x209: {  	v5 =	vadd.f32 v5, v6;
	v6 =	vadd.f32 v8, v7  }
0x20a: {  	s11 =	simm.s32 $0x40  }
0x20b: {  	v8 =	vadd.f32 v6, v5;
	v5 =	vor.u32 s11, v2  }
0x20c: {  	v6 =	vor.u32 s11, v0  }
0x20d: {  	v7 =	vor.u32 s11, v3;
	v9 =	vadd.f32 v8, v9  }
0x20e: {  	s9 =	simm.s32 $0x80;
	v8 =	vor.u32 s11, v4  }
.LBB2_42:
0x20f: {  	p1 =	sne.s32 s9, $0x31C0;
	[tilespmem:s21+$0x1D680] =	vst v9  }
0x210: {  	v5 =	vld.idx.msk [tilespmem:v5+s0+$0x0], $0xffff  }
0x211: {  	v6 =	vld.idx.msk [tilespmem:v6+s0+$0x0], $0xffff  }
0x212: {  	v7 =	vld.idx.msk [tilespmem:v7+s0+$0x0], $0xffff  }
0x213: {  	v8 =	vld.idx.msk [tilespmem:v8+s0+$0x0], $0xffff;
	_ =	sdelay $0x3  }
0x214: {  	s21 =	sshra.s32 s11, $0x2;
	s11 =	smov.u32 s9  }
0x215: {  	v9 =	vld [tilespmem:s21+$0x1EF80]  }
0x216: {  	v6 =	vadd.f32 v5, v6;
	v7 =	vadd.f32 v8, v7  }
.Ltmp26:
0x217: {  	(pc) =	sbr.rel @p1 .LBB2_42-.Ltmp26, $4  }
0x218: {  	v5 =	vor.u32 s9, v2;
	v8 =	vadd.f32 v7, v6  }
0x219: {  	v6 =	vor.u32 s9, v0  }
0x21a: {  	v7 =	vor.u32 s9, v3;
	v9 =	vadd.f32 v8, v9  }
0x21b: {  	s9 =	sadd.s32 $0x40, s9;
	v8 =	vor.u32 s11, v4  }
0x21c: {  	_ =	sdelay $0x2  }
0x21d: {  	[tilespmem:s21+$0x1D680] =	vst v9  }
0x21e: {  	v5 =	vld.idx.msk [tilespmem:v5+s0+$0x0], $0xffff  }
0x21f: {  	v6 =	vld.idx.msk [tilespmem:v6+s0+$0x0], $0xffff  }
0x220: {  	v7 =	vld.idx.msk [tilespmem:v7+s0+$0x0], $0xffff  }
0x221: {  	v8 =	vld.idx.msk [tilespmem:v8+s0+$0x0], $0xffff;
	_ =	sdelay $0x2  }
0x222: {  	s9 =	sshra.s32 s11, $0x2  }
0x223: {  	v9 =	vld [tilespmem:s9+$0x1EF80]  }
0x224: {  	v5 =	vadd.f32 v5, v6;
	v6 =	vadd.f32 v8, v7;
	_ =	sdelay $0x1  }
0x225: {  	v5 =	vadd.f32 v6, v5  }
.Ltmp27:
0x226: {  	_ = 	snop;
	(pc) =	sbr.rel .LBB2_44-.Ltmp27, $3  }
0x227: {  	s8 =	smul.u32 $0x190, s8;
	v5 =	vadd.f32 v5, v9;
	_ =	sdelay $0x1  }
0x228: {  	s8 =	sadd.s32 s2, s8;
	[tilespmem:s9+$0x1D680] =	vst v5  }
0x229: {  	[hbm4b:s8+s4] =	stream.linear.scatter [tilespmem:s19], [sflag:$0x6], $0xC80, $0x38;
	[tilespmem:$0x1FC00] =	vst v63  }
.LBB2_40:
.Ltmp28:
0x22a: {  	(pc) =	sbr.rel @p1 .LBB2_44-.Ltmp28, $4  }
.Ltmp29:
0x22b: {  	(pc) =	sbr.rel @!p1 .LBB2_41-.Ltmp29, $4  }
0x22c: {  	_ = 	snop  }
0x22d: {  	_ = 	snop  }
0x22e: {  	_ = 	snop  }
0x22f: {  	_ = 	snop  }
.LBB2_46:
0x230: {  	_ =	sfence.sel $0x180000  }
0x231: {  	[bflag:$0x0] =	sbarrier.arrive $0xFFFF  }
0x232: {  	_ =	strace $0x9000004D  }
0x233: {  	[bflag:$0x2] =	sbarrier.arrive $0xFFFF  }
0x234: {  	s0 =	rddreg [dreg:$0x4]  }
0x235: {  	s0 =	sadd.s32 @!p0 $0x100000, s0  }
0x236: {  	[sflag:s0] =	ssyncadd.tile.s32 @!p0 $0x1;
	_ =	shalt  }
.Lfunc_end2:
_tile_overlayer_lowered:
.L_overlay_start_2:
0x237: {  	(tag) =	ssettag $0x2  }
0x238: {  	s0 =	rddreg [dreg:$0x0];
	s2 =	stileid.u32  }
0x239: {  	s1 =	rddreg [dreg:$0x1];
	p0 =	sne.s32 s2, $0x0  }
0x23a: {  	s3 =	rddreg [dreg:$0x2];
	[bflag:$0x3] =	sbarrier.arrive $0xFFFF;
	s2 =	simm.s32 @!p0 $0x1C0B  }
0x23b: {  	[timem:s3], [sflag:s2] =	dma.local @!p0 [hbm:s0], s1  }
0x23c: {  	s0 =	simm.s32 @!p0 $0xB  }
0x23d: {  	_ =	swait.ge @!p0 [sflag:s0], s1  }
0x23e: {  	s1 =	ssub.s32 @!p0 $0x0, s1;
	[sflag:s0] =	ssyncset.done @!p0 $0x0  }
0x23f: {  	[sflag:s0] =	ssyncadd.s32 @!p0 s1  }
0x240: {  	[bflag:$0x3] =	sbarrier.arrive $0xFFFF  }
0x241: {  	_ =	shalt  }

// kernel: kernel.5.cloned.1.call-start
scs
__scs_entry_jumppad:
0x0: {  	(pc) =	sbr.rel $0x88, $3  }
0x1: {  	(tag) =	ssettag $0x0;
	lr =	simm.s32 $0x1  }
0x2: {  	[smem:$0x3F9E] =	sst lr;
	_ =	strace $0xD0000000  }
0x3: {  	_ = 	snop  }
0x4: {  	_ = 	snop  }
0x5: {  	_ = 	snop  }
0x6: {  	_ = 	snop  }
0x7: {  	_ = 	snop  }
__scs_overlays_trampoline_lowered:
0x8: {  	[smem:$0x3FAD] =	sst s0  }
0x9: {  	[smem:$0x3FAE] =	sst s1  }
0xa: {  	[smem:$0x3FAF] =	sst s2  }
0xb: {  	[smem:$0x3FB0] =	sst s3  }
0xc: {  	[smem:$0x3FB1] =	sst s4  }
0xd: {  	[smem:$0x3FB2] =	sst s5  }
0xe: {  	[smem:$0x3FB3] =	sst s6  }
0xf: {  	[smem:$0x3FB4] =	sst s7  }
0x10: {  	[smem:$0x3FB5] =	sst s8  }
0x11: {  	[smem:$0x3FB6] =	sst s9;
	s0 =	simm.s32 @!p0 $0x0  }
0x12: {  	s1 =	sld [smem:$0x3F9C];
	s0 =	simm.s32 @p0 $0x1  }
0x13: {  	[smem:$0x3FB7] =	sst s0;
	s0 =	simm.s32 @!p1 $0x0  }
0x14: {  	s2 =	sld [smem:$0x3F9B];
	s0 =	simm.s32 @p1 $0x1  }
0x15: {  	[smem:$0x3FB8] =	sst s0;
	s0 =	simm.s32 @!p2 $0x0  }
0x16: {  	s3 =	sld [smem:$0x3FDB];
	s0 =	simm.s32 @p2 $0x1  }
0x17: {  	s4 =	simm.s32 $0x1BF5;
	[smem:$0x3FBA] =	sst s0  }
0x18: {  	s0 =	sld [smem:$0x3F9D];
	_ =	swait.ge [sflag:s4], $0x0  }
0x19: {  	s7 =	sld [smem:$0x3F9E]  }
0x1a: {  	s8 =	sadd.s32 $0xFFFFE003, lr  }
0x1b: {  	s9 =	sadd.s32 $0xFFFFFEF7, lr;
	s5 =	simm.s32 $0xFFFFFFFF;
	p2 =	slt.u32 s8, $0xFFFFF086  }
0x1c: {  	p1 =	slt.u32 s9, $0xF7A;
	s5 =	simm.s32 @!p2 $0x0  }
0x1d: {  	s5 =	simm.s32 @p1 $0x1;
	p0 =	seq.s32 s7, s2  }
0x1e: {  	s7 =	smul.u32 @!p0 $0xF7A, s2;
	p2 =	seq.s32 @!p0 s5, $0x0  }
0x1f: {  	s9 =	smul.u32 $0xF7A, s1;
	s8 =	simm.s32 @!p0 $0x1BF5;
	p2 =	por !p2, p0  }
0x20: {  	[sflag:s8] =	ssyncset.s32 @!p0 $0xFFFFF086;
	s6 =	sadd.s32 @!p0 s3, s7;
	s7 =	simm.s32 @!p0 $0x108  }
0x21: {  	s3 =	sadd.s32 s3, s9;
	s6 =	sadd.s32 @!p0 $0x88, s6;
	s7 =	simm.s32 @p2 $0x1082  }
0x22: {  	[simem:s7], [sflag:s8] =	dma.local @!p0 [hbm:s6], $0xF7A  }
0x23: {  	s9 =	sor.u32 $0xD0000000, s2;
	s6 =	simm.s32 $0x108;
	_ =	swait.ge @!p0 [sflag:s8], $0x0  }
0x24: {  	s3 =	sadd.s32 $0x88, s3;
	s6 =	simm.s32 @!p1 $0x1082;
	[sflag:s4] =	ssyncset.s32 $0xFFFFF086  }
0x25: {  	[simem:s6], [sflag:s4] =	dma.local [hbm:s3], $0xF7A  }
0x26: {  	[smem:$0x3F9E] =	sst s1;
	(tag) =	ssettag s2;
	_ =	strace s9  }
0x27: {  	s1 =	sld [smem:$0x3FAE]  }
0x28: {  	s2 =	sld [smem:$0x3FAF]  }
0x29: {  	s4 =	sld [smem:$0x3FB1]  }
0x2a: {  	p0 =	seq.s32 s5, $0x0;
	s5 =	sld [smem:$0x3FB2]  }
0x2b: {  	s6 =	sld [smem:$0x3FB3]  }
0x2c: {  	s7 =	sld [smem:$0x3FB4]  }
0x2d: {  	s3 =	simm.s32 $0x108;
	s8 =	sld [smem:$0x3FB5]  }
0x2e: {  	s3 =	simm.s32 @!p0 $0x1082;
	s9 =	sld [smem:$0x3FB6]  }
0x2f: {  	lr =	sadd.s32 s0, s3;
	s0 =	sld [smem:$0x3FAD]  }
0x30: {  	s3 =	sld [smem:$0x3FB0]  }
0x31: {  	[smem:$0x3FB9] =	sst s10  }
0x32: {  	s10 =	sld [smem:$0x3FB7];
	_ =	sdelay $0x3  }
0x33: {  	p0 =	seq.s32 s10, $0x1;
	s10 =	sld [smem:$0x3FB9];
	_ =	sdelay $0x3  }
0x34: {  	[smem:$0x3FB9] =	sst s10  }
0x35: {  	s10 =	sld [smem:$0x3FB8];
	_ =	sdelay $0x3  }
0x36: {  	p1 =	seq.s32 s10, $0x1;
	s10 =	sld [smem:$0x3FB9];
	_ =	sdelay $0x3  }
0x37: {  	[smem:$0x3FB9] =	sst s10  }
0x38: {  	s10 =	sld [smem:$0x3FBA]  }
0x39: {  	_ = 	snop;
	(pc) =	sbr.ind lr, $3  }
0x3a: {  	_ = 	snop  }
0x3b: {  	_ = 	snop  }
0x3c: {  	p2 =	seq.s32 s10, $0x1;
	s10 =	sld [smem:$0x3FB9]  }
0x3d: {  	_ =	shalt  }
0x3e: {  	_ =	shalt  }
0x3f: {  	_ =	shalt  }
0x40: {  	_ =	shalt  }
0x41: {  	_ =	shalt  }
0x42: {  	_ =	shalt  }
0x43: {  	_ =	shalt  }
0x44: {  	_ =	shalt  }
0x45: {  	_ =	shalt  }
0x46: {  	_ =	shalt  }
0x47: {  	_ =	shalt  }
0x48: {  	_ =	shalt  }
0x49: {  	_ =	shalt  }
0x4a: {  	_ =	shalt  }
0x4b: {  	_ =	shalt  }
0x4c: {  	_ =	shalt  }
0x4d: {  	_ =	shalt  }
0x4e: {  	_ =	shalt  }
0x4f: {  	_ =	shalt  }
0x50: {  	_ =	shalt  }
0x51: {  	_ =	shalt  }
0x52: {  	_ =	shalt  }
0x53: {  	_ =	shalt  }
0x54: {  	_ =	shalt  }
0x55: {  	_ =	shalt  }
0x56: {  	_ =	shalt  }
0x57: {  	_ =	shalt  }
0x58: {  	_ =	shalt  }
0x59: {  	_ =	shalt  }
0x5a: {  	_ =	shalt  }
0x5b: {  	_ =	shalt  }
0x5c: {  	_ =	shalt  }
0x5d: {  	_ =	shalt  }
0x5e: {  	_ =	shalt  }
0x5f: {  	_ =	shalt  }
0x60: {  	_ =	shalt  }
0x61: {  	_ =	shalt  }
0x62: {  	_ =	shalt  }
0x63: {  	_ =	shalt  }
0x64: {  	_ =	shalt  }
0x65: {  	_ =	shalt  }
0x66: {  	_ =	shalt  }
0x67: {  	_ =	shalt  }
0x68: {  	_ =	shalt  }
0x69: {  	_ =	shalt  }
0x6a: {  	_ =	shalt  }
0x6b: {  	_ =	shalt  }
0x6c: {  	_ =	shalt  }
0x6d: {  	_ =	shalt  }
0x6e: {  	_ =	shalt  }
0x6f: {  	_ =	shalt  }
0x70: {  	_ =	shalt  }
0x71: {  	_ =	shalt  }
0x72: {  	_ =	shalt  }
0x73: {  	_ =	shalt  }
0x74: {  	_ =	shalt  }
0x75: {  	_ =	shalt  }
0x76: {  	_ =	shalt  }
0x77: {  	_ =	shalt  }
0x78: {  	_ =	shalt  }
0x79: {  	_ =	shalt  }
0x7a: {  	_ =	shalt  }
0x7b: {  	_ =	shalt  }
0x7c: {  	_ =	shalt  }
0x7d: {  	_ =	shalt  }
0x7e: {  	_ =	shalt  }
0x7f: {  	_ =	shalt  }
0x80: {  	_ =	shalt  }
0x81: {  	_ =	shalt  }
0x82: {  	_ =	shalt  }
0x83: {  	_ =	shalt  }
0x84: {  	_ =	shalt  }
0x85: {  	_ =	shalt  }
0x86: {  	_ =	shalt  }
0x87: {  	_ =	shalt  }
.Lfunc_end0:
.L_simem_size_0:
called_computation_lowered:
.L_overlay_start_0:
0x88: {  	s2 =	sld [smem:$0x3FD9]  }
0x89: {  	s3 =	sld [smem:$0x3FFE];
	_ =	sdelay $0x1  }
0x8a: {  	s1 =	srdreg.scid  }
0x8b: {  	s0 =	sand.u32 $0x1, s1  }
0x8c: {  	s17 =	sshll.u32 s0, $0xA;
	s2 =	sadd.s32 s3, s2  }
0x8d: {  	s2 =	sadd.s32 s2, s17  }
0x8e: {  	[smem:$0x3FC5] =	sst s2  }
0x8f: {  	_ = 	snop  }
0x90: {  	s2 =	sld [smem:$0x3FD0];
	(tm) =	ssettm $0x1  }
0x91: {  	s18 =	sld [smem:$0x3FFB];
	_ =	sdelay $0x3  }
0x92: {  	_ =	strace s18  }
0x93: {  	s3 =	sld [smem:$0x3FFC];
	_ =	sdelay $0x3  }
0x94: {  	_ =	strace s3  }
0x95: {  	s3 =	sld [smem:$0x3FFD];
	_ =	sdelay $0x3  }
0x96: {  	_ =	strace s3  }
0x97: {  	_ =	strace $0x8FFFFFFF  }
0x98: {  	s19 =	sld [smem:$0x3FDB];
	_ =	sdelay $0x1  }
0x99: {  	s4 =	simm.s32 $_scs_section_size  }
0x9a: {  	s5 =	simm.s32 $_size__tile_overlayer_lowered;
	s6 =	simm.s32 $_tile_overlayer_lowered  }
0x9b: {  	s22 =	simm.s32 $0x1BFF;
	s21 =	sshll.u32 s6, $0x1;
	s3 =	sadd.s32 s4, s19  }
0x9c: {  	s7 =	simm.s32 $0x0;
	s20 =	sshll.u32 s5, $0x1;
	s5 =	sadd.s32 s21, s3  }
0x9d: {  	[timem:s7], [sflag:s22] =	dma.local [hbm:s5], s20  }
0x9e: {  	_ =	swait.ge [sflag:s22], s20  }
0x9f: {  	s4 =	ssub.s32 $0x0, s20;
	[sflag:s22] =	ssyncset.done $0x0  }
0xa0: {  	[sflag:s22] =	ssyncadd.s32 s4;
	_ =	sdelay $0x1  }
0xa1: {  	s23 =	simm.s32 $0x1B8B  }
0xa2: {  	_ =	swait.ge [sflag:s23], $0x1  }
0xa3: {  	[sflag:s23] =	ssyncset.done $0x0  }
0xa4: {  	s25 =	simm.s32 $0x1B8E;
	s24 =	sld [smem:$0x3FFE];
	[sflag:s23] =	ssyncadd.s32 $0xFFFFFFFF  }
0xa5: {  	s26 =	simm.s32 $execute0_lowered;
	[smem:$0x3FD2] =	sst s25  }
0xa6: {  	s5 =	sshll.u32 s26, $0x1;
	_ =	strace $0x80000046;
	[dreg:$0x1] =	wrdreg $0xFFFFFFFF  }
0xa7: {  	s28 =	simm.s32 $_size_execute0_lowered;
	s3 =	sadd.s32 s3, s5;
	[dreg:$0x0] =	wrdreg $0x0  }
0xa8: {  	s5 =	sshll.u32 s28, $0x1;
	[dreg:$0x2] =	wrdreg s3  }
0xa9: {  	[dreg:$0x3] =	wrdreg s5  }
0xaa: {  	[dreg:$0x4] =	wrdreg $0xC0  }
0xab: {  	_ =	task [dreg:s7], $0x5FFFF  }
0xac: {  	[dreg:$0x1] =	wrdreg $0xFFFFFFFF  }
0xad: {  	[dreg:$0x0] =	wrdreg $0x60  }
0xae: {  	[dreg:$0x2] =	wrdreg s2  }
0xaf: {  	[dreg:$0x3] =	wrdreg s24  }
0xb0: {  	[dreg:$0x4] =	wrdreg $0x9  }
0xb1: {  	_ =	task.clear_ibuf [dreg:s7], $0x5FFFF;
	_ =	strace $0x90000046  }
0xb2: {  	s29 =	simm.s32 $0x9;
	_ =	strace $0x80000048  }
0xb3: {  	_ =	swait.ge [sflag:s29], $0x1  }
0xb4: {  	[sflag:s29] =	ssyncadd.s32 $0xFFFFFFFF  }
0xb5: {  	_ =	strace $0x90000048  }
0xb6: {  	_ =	sfence  }
0xb7: {  	s30 =	sld [smem:$0x0];
	_ =	sdelay $0x2  }
0xb8: {  	s31 =	sshll.u32 s1, $0xD;
	s1 =	sshrl.u32 s1, $0x2  }
0xb9: {  	s3 =	sand.u32 $0x4000, s31;
	s1 =	sadd.s32 s1, s30  }
0xba: {  	s0 =	sor.u32 s3, s0;
	s1 =	sshll.u32 s1, $0x11  }
0xbb: {  	s0 =	sor.u32 s1, s0  }
0xbc: {  	s0 =	sadd.s32 $0x8F2B, s0  }
0xbd: {  	[sflag:s0] =	ssyncadd.remote.s32 $0x1  }
0xbe: {  	_ =	sfence.sel $0xFFFF  }
0xbf: {  	[dreg:$0x0] =	wrdreg $0xFFFFFFFF;
	(pc) =	sbr.abs _section_cstart, $3  }
0xc0: {  	[dreg:$0x1] =	wrdreg $0xFFFFFFFF  }
0xc1: {  	_ =	task.clear_ibuf [dreg:s7], $0x2FFFF;
	_ =	strace $0x9FFFFFFF  }
0xc2: {  	(tm) =	ssettm $0x7FFFFFFF  }
0xc3: {  	_ =	shalt  }
tec
execute0_lowered:
.L_overlay_start_1:
0x0: {  	(tag) =	ssettag $0x1  }
0x1: {  	s7 =	rddreg [dreg:$0x0];
	s1 =	srdreg.scid  }
0x2: {  	s0 =	stileid.u32;
	s4 =	rddreg [dreg:$0x1];
	s2 =	simm.s32 $0x0  }
0x3: {  	s3 =	sand.u32 $0x1, s1;
	s5 =	sshll.u32 s0, $0x1;
	s1 =	rddreg [dreg:$0x2]  }
0x4: {  	[smem:$0x7FF] =	sst s2;
	s10 =	sadd.s32 $0x1401, s4;
	s9 =	sor.u32 s3, s5  }
0x5: {  	s28 =	ssub.s32 $0x2, s3;
	_ =	strace $0x80000047;
	s6 =	smul.u32 $0x7A12, s9  }
0x6: {  	s3 =	sadd.s32 $0x1400, s4;
	s8 =	sshrl.u32 s28, $0x1;
	p0 =	sne.s32 s9, $0x0  }
0x7: {  	s9 =	simm.s32 $0x1;
	s5 =	ssub.s32 s28, s8;
	s29 =	sand.u32 $0xFFFF8, s6  }
0x8: {  	v0 =	vlaneseq.u32;
	s4 =	smax.u32 s5, $0x1;
	s30 =	sshrl.u32 s6, $0x3;
	s8 =	sadd.s32 $0x3D10, s29  }
0x9: {  	v0 =	vmul.u32 $0x2, v0;
	s5 =	sadd.s32 s7, s30;
	s31 =	sshrl.u32 s29, $0x2;
	s11 =	sshrl.u32 s8, $0x3  }
0xa: {  	s6 =	sadd.s32 s31, s10;
	s8 =	sshrl.u32 s8, $0x2;
	s7 =	sadd.s32 s7, s11  }
0xb: {  	v1 =	vor.u32 $0x1, v0;
	vm0 =	vcmask @!p0 $0x1F1C;
	s8 =	sadd.s32 s8, s10;
	s10 =	simm.s32 $0x3D80;
	s11 =	simm.s32 $0x0  }
.LBB2_1:
0xc: {  	[tilespmem:s2], [sflag:$0x1] =	stream.linear.gather [hbm4b:s5+s2], $0x3D10, $0x38;
	[tilespmem:$0xB880] =	vst v63  }
0xd: {  	_ =	swait.ge [sflag:s9], $0x3D10  }
0xe: {  	[sflag:s9] =	ssyncset.done $0x0  }
0xf: {  	[sflag:s9] =	ssyncadd.s32 $0xFFFFC2F0  }
0x10: {  	s13 =	simm.s32 $0x20;
	s12 =	simm.s32 $0x0;
	s14 =	simm.s32 $0x0;
	v2 =	vld [tilespmem:s2+$0x0]  }
.LBB2_2:
0x11: {  	p1 =	sne.s32 s13, $0x7A00;
	v3 =	vor.u32 s12, v0  }
0x12: {  	v4 =	vor.u32 s12, v1;
	s12 =	smov.u32 s13;
	_ =	sdelay $0x1  }
.Ltmp0:
0x13: {  	(pc) =	sbr.rel @p1 .LBB2_2-.Ltmp0, $4  }
0x14: {  	v5 =	vsub.f32 $1.000000000e+00, v2  }
0x15: {  	[tilespmem:v3+s10+$0x0] =	vst.idx.msk $0xffff, v2  }
0x16: {  	s14 =	sadd.s32 $0x10, s14;
	[tilespmem:v4+s10+$0x0] =	vst.idx.msk $0xffff, v5  }
0x17: {  	s13 =	sadd.s32 $0x20, s13;
	v2 =	vld [tilespmem:s14+$0x0]  }
0x18: {  	v3 =	vor.u32 s12, v0  }
0x19: {  	v4 =	vor.u32 s12, v1;
	_ =	sdelay $0x2  }
0x1a: {  	v5 =	vsub.f32 $1.000000000e+00, v2  }
0x1b: {  	[tilespmem:v3+s10+$0x0] =	vst.idx.msk $0xffff, v2  }
0x1c: {  	s12 =	simm.s32 $0x0;
	[tilespmem:v4+s10+$0x0] =	vst.idx.msk $0xffff, v5  }
0x1d: {  	[hbm4b:s6+s12] =	stream.linear.scatter [tilespmem:s10], [sflag:$0x1], $0x7A20, $0x38;
	[tilespmem:$0xB880] =	vst v63  }
0x1e: {  	_ =	swait.ge [sflag:s9], $0x7A20  }
0x1f: {  	[sflag:s9] =	ssyncset.done $0x0  }
0x20: {  	[sflag:s9] =	ssyncadd.s32 $0xFFFF85E0  }
0x21: {  	[tilespmem:s12], [sflag:$0x1] =	stream.linear.gather [hbm4b:s7+s12], $0x3D10, $0x38;
	[tilespmem:$0xB880] =	vst v63  }
0x22: {  	_ =	swait.ge [sflag:s9], $0x3D10  }
0x23: {  	[sflag:s9] =	ssyncset.done $0x0  }
0x24: {  	[sflag:s9] =	ssyncadd.s32 $0xFFFFC2F0  }
0x25: {  	s13 =	simm.s32 $0x20;
	s14 =	simm.s32 $0x0;
	v2 =	vld [tilespmem:s12+$0x0]  }
.LBB2_4:
0x26: {  	p1 =	sne.s32 s13, $0x7A00;
	v3 =	vor.u32 s12, v0  }
0x27: {  	v4 =	vor.u32 s12, v1;
	s12 =	smov.u32 s13;
	_ =	sdelay $0x1  }
.Ltmp1:
0x28: {  	(pc) =	sbr.rel @p1 .LBB2_4-.Ltmp1, $4  }
0x29: {  	v5 =	vsub.f32 $1.000000000e+00, v2  }
0x2a: {  	[tilespmem:v3+s10+$0x0] =	vst.idx.msk $0xffff, v2  }
0x2b: {  	s14 =	sadd.s32 $0x10, s14;
	[tilespmem:v4+s10+$0x0] =	vst.idx.msk $0xffff, v5  }
0x2c: {  	s13 =	sadd.s32 $0x20, s13;
	v2 =	vld [tilespmem:s14+$0x0]  }
0x2d: {  	v3 =	vor.u32 s12, v0  }
0x2e: {  	v4 =	vor.u32 s12, v1;
	_ =	sdelay $0x2  }
0x2f: {  	v5 =	vsub.f32 $1.000000000e+00, v2  }
0x30: {  	[tilespmem:v3+s10+$0x0] =	vst.idx.msk $0xffff, v2  }
0x31: {  	[tilespmem:v4+s10+$0x0] =	vst.idx.msk $0xffff, v5  }
0x32: {  	[hbm4b:s8+s2] =	stream.linear.scatter [tilespmem:s10], [sflag:$0x1], $0x7A20, $0x38;
	[tilespmem:$0xB880] =	vst v63  }
0x33: {  	_ =	swait.ge [sflag:s9], $0x7A20  }
0x34: {  	v2 =	vimm.f32 @!p0 $0.0e+00;
	[sflag:s9] =	ssyncset.done $0x0  }
0x35: {  	s11 =	sadd.s32 $0x1, s11;
	v2 =	vsel @!p0 vm0, $0x3F800000, v2;
	[sflag:s9] =	ssyncadd.s32 $0xFFFF85E0  }
0x36: {  	s12 =	simm.s32 @!p0 $0x0;
	s13 =	simm.s32 @!p0 $0xB800;
	p1 =	sne.s32 s11, s4;
	[tilespmem:$0xB800] =	vst @!p0 v2  }
0x37: {  	[hbm4b:s3+s12] =	stream.linear.scatter @!p0 [tilespmem:s13], [sflag:$0x1], $0x8, $0x38;
	[tilespmem:$0xB880] =	vst v63  }
.Ltmp2:
0x38: {  	_ = 	snop;
	(pc) =	sbr.rel @p1 .LBB2_1-.Ltmp2, $4  }
0x39: {  	s12 =	simm.s32 @!p0 $0x1  }
0x3a: {  	_ =	swait.ge @!p0 [sflag:s12], $0x8  }
0x3b: {  	[sflag:s12] =	ssyncset.done @!p0 $0x0  }
0x3c: {  	[sflag:s12] =	ssyncadd.s32 @!p0 $0xFFFFFFF8  }
0x3d: {  	_ =	sfence.sel $0x180000  }
0x3e: {  	[bflag:$0x0] =	sbarrier.arrive $0xFFFF  }
0x3f: {  	p0 =	sne.s32 s0, $0x0;
	_ =	strace $0x90000047  }
0x40: {  	s0 =	sadd.s32 @!p0 $0x100000, s1;
	[bflag:$0x2] =	sbarrier.arrive $0xFFFF  }
0x41: {  	[sflag:s0] =	ssyncadd.tile.s32 @!p0 $0x1;
	_ =	shalt  }
.Lfunc_end2:
_tile_overlayer_lowered:
.L_overlay_start_2:
0x42: {  	(tag) =	ssettag $0x2  }
0x43: {  	s0 =	rddreg [dreg:$0x0];
	s2 =	stileid.u32  }
0x44: {  	s1 =	rddreg [dreg:$0x1];
	p0 =	sne.s32 s2, $0x0  }
0x45: {  	s3 =	rddreg [dreg:$0x2];
	[bflag:$0x3] =	sbarrier.arrive $0xFFFF;
	s2 =	simm.s32 @!p0 $0x1C01  }
0x46: {  	[timem:s3], [sflag:s2] =	dma.local @!p0 [hbm:s0], s1  }
0x47: {  	s0 =	simm.s32 @!p0 $0x1  }
0x48: {  	_ =	swait.ge @!p0 [sflag:s0], s1  }
0x49: {  	s1 =	ssub.s32 @!p0 $0x0, s1;
	[sflag:s0] =	ssyncset.done @!p0 $0x0  }
0x4a: {  	[sflag:s0] =	ssyncadd.s32 @!p0 s1  }
0x4b: {  	[bflag:$0x3] =	sbarrier.arrive $0xFFFF  }
0x4c: {  	_ =	shalt  }

// kernel: kernel.8.cloned.1.call-start
scs
__scs_entry_jumppad:
0x0: {  	(pc) =	sbr.rel $0x88, $3  }
0x1: {  	(tag) =	ssettag $0x0;
	lr =	simm.s32 $0x1  }
0x2: {  	[smem:$0x3F9E] =	sst lr;
	_ =	strace $0xD0000000  }
0x3: {  	_ = 	snop  }
0x4: {  	_ = 	snop  }
0x5: {  	_ = 	snop  }
0x6: {  	_ = 	snop  }
0x7: {  	_ = 	snop  }
__scs_overlays_trampoline_lowered:
0x8: {  	[smem:$0x3FAD] =	sst s0  }
0x9: {  	[smem:$0x3FAE] =	sst s1  }
0xa: {  	[smem:$0x3FAF] =	sst s2  }
0xb: {  	[smem:$0x3FB0] =	sst s3  }
0xc: {  	[smem:$0x3FB1] =	sst s4  }
0xd: {  	[smem:$0x3FB2] =	sst s5  }
0xe: {  	[smem:$0x3FB3] =	sst s6  }
0xf: {  	[smem:$0x3FB4] =	sst s7  }
0x10: {  	[smem:$0x3FB5] =	sst s8  }
0x11: {  	[smem:$0x3FB6] =	sst s9;
	s0 =	simm.s32 @!p0 $0x0  }
0x12: {  	s1 =	sld [smem:$0x3F9C];
	s0 =	simm.s32 @p0 $0x1  }
0x13: {  	[smem:$0x3FB7] =	sst s0;
	s0 =	simm.s32 @!p1 $0x0  }
0x14: {  	s2 =	sld [smem:$0x3F9B];
	s0 =	simm.s32 @p1 $0x1  }
0x15: {  	[smem:$0x3FB8] =	sst s0;
	s0 =	simm.s32 @!p2 $0x0  }
0x16: {  	s3 =	sld [smem:$0x3FDB];
	s0 =	simm.s32 @p2 $0x1  }
0x17: {  	s4 =	simm.s32 $0x1BF5;
	[smem:$0x3FBA] =	sst s0  }
0x18: {  	s0 =	sld [smem:$0x3F9D];
	_ =	swait.ge [sflag:s4], $0x0  }
0x19: {  	s7 =	sld [smem:$0x3F9E]  }
0x1a: {  	s8 =	sadd.s32 $0xFFFFE003, lr  }
0x1b: {  	s9 =	sadd.s32 $0xFFFFFEF7, lr;
	s5 =	simm.s32 $0xFFFFFFFF;
	p2 =	slt.u32 s8, $0xFFFFF086  }
0x1c: {  	p1 =	slt.u32 s9, $0xF7A;
	s5 =	simm.s32 @!p2 $0x0  }
0x1d: {  	s5 =	simm.s32 @p1 $0x1;
	p0 =	seq.s32 s7, s2  }
0x1e: {  	s7 =	smul.u32 @!p0 $0xF7A, s2;
	p2 =	seq.s32 @!p0 s5, $0x0  }
0x1f: {  	s9 =	smul.u32 $0xF7A, s1;
	s8 =	simm.s32 @!p0 $0x1BF5;
	p2 =	por !p2, p0  }
0x20: {  	[sflag:s8] =	ssyncset.s32 @!p0 $0xFFFFF086;
	s6 =	sadd.s32 @!p0 s3, s7;
	s7 =	simm.s32 @!p0 $0x108  }
0x21: {  	s3 =	sadd.s32 s3, s9;
	s6 =	sadd.s32 @!p0 $0x88, s6;
	s7 =	simm.s32 @p2 $0x1082  }
0x22: {  	[simem:s7], [sflag:s8] =	dma.local @!p0 [hbm:s6], $0xF7A  }
0x23: {  	s9 =	sor.u32 $0xD0000000, s2;
	s6 =	simm.s32 $0x108;
	_ =	swait.ge @!p0 [sflag:s8], $0x0  }
0x24: {  	s3 =	sadd.s32 $0x88, s3;
	s6 =	simm.s32 @!p1 $0x1082;
	[sflag:s4] =	ssyncset.s32 $0xFFFFF086  }
0x25: {  	[simem:s6], [sflag:s4] =	dma.local [hbm:s3], $0xF7A  }
0x26: {  	[smem:$0x3F9E] =	sst s1;
	(tag) =	ssettag s2;
	_ =	strace s9  }
0x27: {  	s1 =	sld [smem:$0x3FAE]  }
0x28: {  	s2 =	sld [smem:$0x3FAF]  }
0x29: {  	s4 =	sld [smem:$0x3FB1]  }
0x2a: {  	p0 =	seq.s32 s5, $0x0;
	s5 =	sld [smem:$0x3FB2]  }
0x2b: {  	s6 =	sld [smem:$0x3FB3]  }
0x2c: {  	s7 =	sld [smem:$0x3FB4]  }
0x2d: {  	s3 =	simm.s32 $0x108;
	s8 =	sld [smem:$0x3FB5]  }
0x2e: {  	s3 =	simm.s32 @!p0 $0x1082;
	s9 =	sld [smem:$0x3FB6]  }
0x2f: {  	lr =	sadd.s32 s0, s3;
	s0 =	sld [smem:$0x3FAD]  }
0x30: {  	s3 =	sld [smem:$0x3FB0]  }
0x31: {  	[smem:$0x3FB9] =	sst s10  }
0x32: {  	s10 =	sld [smem:$0x3FB7];
	_ =	sdelay $0x3  }
0x33: {  	p0 =	seq.s32 s10, $0x1;
	s10 =	sld [smem:$0x3FB9];
	_ =	sdelay $0x3  }
0x34: {  	[smem:$0x3FB9] =	sst s10  }
0x35: {  	s10 =	sld [smem:$0x3FB8];
	_ =	sdelay $0x3  }
0x36: {  	p1 =	seq.s32 s10, $0x1;
	s10 =	sld [smem:$0x3FB9];
	_ =	sdelay $0x3  }
0x37: {  	[smem:$0x3FB9] =	sst s10  }
0x38: {  	s10 =	sld [smem:$0x3FBA]  }
0x39: {  	_ = 	snop;
	(pc) =	sbr.ind lr, $3  }
0x3a: {  	_ = 	snop  }
0x3b: {  	_ = 	snop  }
0x3c: {  	p2 =	seq.s32 s10, $0x1;
	s10 =	sld [smem:$0x3FB9]  }
0x3d: {  	_ =	shalt  }
0x3e: {  	_ =	shalt  }
0x3f: {  	_ =	shalt  }
0x40: {  	_ =	shalt  }
0x41: {  	_ =	shalt  }
0x42: {  	_ =	shalt  }
0x43: {  	_ =	shalt  }
0x44: {  	_ =	shalt  }
0x45: {  	_ =	shalt  }
0x46: {  	_ =	shalt  }
0x47: {  	_ =	shalt  }
0x48: {  	_ =	shalt  }
0x49: {  	_ =	shalt  }
0x4a: {  	_ =	shalt  }
0x4b: {  	_ =	shalt  }
0x4c: {  	_ =	shalt  }
0x4d: {  	_ =	shalt  }
0x4e: {  	_ =	shalt  }
0x4f: {  	_ =	shalt  }
0x50: {  	_ =	shalt  }
0x51: {  	_ =	shalt  }
0x52: {  	_ =	shalt  }
0x53: {  	_ =	shalt  }
0x54: {  	_ =	shalt  }
0x55: {  	_ =	shalt  }
0x56: {  	_ =	shalt  }
0x57: {  	_ =	shalt  }
0x58: {  	_ =	shalt  }
0x59: {  	_ =	shalt  }
0x5a: {  	_ =	shalt  }
0x5b: {  	_ =	shalt  }
0x5c: {  	_ =	shalt  }
0x5d: {  	_ =	shalt  }
0x5e: {  	_ =	shalt  }
0x5f: {  	_ =	shalt  }
0x60: {  	_ =	shalt  }
0x61: {  	_ =	shalt  }
0x62: {  	_ =	shalt  }
0x63: {  	_ =	shalt  }
0x64: {  	_ =	shalt  }
0x65: {  	_ =	shalt  }
0x66: {  	_ =	shalt  }
0x67: {  	_ =	shalt  }
0x68: {  	_ =	shalt  }
0x69: {  	_ =	shalt  }
0x6a: {  	_ =	shalt  }
0x6b: {  	_ =	shalt  }
0x6c: {  	_ =	shalt  }
0x6d: {  	_ =	shalt  }
0x6e: {  	_ =	shalt  }
0x6f: {  	_ =	shalt  }
0x70: {  	_ =	shalt  }
0x71: {  	_ =	shalt  }
0x72: {  	_ =	shalt  }
0x73: {  	_ =	shalt  }
0x74: {  	_ =	shalt  }
0x75: {  	_ =	shalt  }
0x76: {  	_ =	shalt  }
0x77: {  	_ =	shalt  }
0x78: {  	_ =	shalt  }
0x79: {  	_ =	shalt  }
0x7a: {  	_ =	shalt  }
0x7b: {  	_ =	shalt  }
0x7c: {  	_ =	shalt  }
0x7d: {  	_ =	shalt  }
0x7e: {  	_ =	shalt  }
0x7f: {  	_ =	shalt  }
0x80: {  	_ =	shalt  }
0x81: {  	_ =	shalt  }
0x82: {  	_ =	shalt  }
0x83: {  	_ =	shalt  }
0x84: {  	_ =	shalt  }
0x85: {  	_ =	shalt  }
0x86: {  	_ =	shalt  }
0x87: {  	_ =	shalt  }
.Lfunc_end0:
.L_simem_size_0:
called_computation.1_lowered:
.L_overlay_start_0:
0x88: {  	s2 =	sld [smem:$0x3FD9]  }
0x89: {  	s3 =	sld [smem:$0x3FFE];
	_ =	sdelay $0x1  }
0x8a: {  	s1 =	srdreg.scid  }
0x8b: {  	s0 =	sand.u32 $0x1, s1  }
0x8c: {  	s17 =	sshll.u32 s0, $0xA;
	s2 =	sadd.s32 s3, s2  }
0x8d: {  	s2 =	sadd.s32 s2, s17  }
0x8e: {  	[smem:$0x3FC5] =	sst s2  }
0x8f: {  	_ = 	snop  }
0x90: {  	s2 =	sld [smem:$0x3FC8]  }
0x91: {  	s18 =	sld [smem:$0x3FD0];
	(tm) =	ssettm $0x1  }
0x92: {  	s4 =	sld [smem:$0x3FFB];
	_ =	sdelay $0x3  }
0x93: {  	_ =	strace s4  }
0x94: {  	s4 =	sld [smem:$0x3FFC];
	_ =	sdelay $0x3  }
0x95: {  	_ =	strace s4  }
0x96: {  	s4 =	sld [smem:$0x3FFD];
	_ =	sdelay $0x3  }
0x97: {  	_ =	strace s4  }
0x98: {  	_ =	strace $0x8FFFFFFF  }
0x99: {  	s19 =	sld [smem:$0x3FDB];
	_ =	sdelay $0x1  }
0x9a: {  	s5 =	simm.s32 $_scs_section_size  }
0x9b: {  	s6 =	simm.s32 $_size__tile_overlayer_lowered;
	s7 =	simm.s32 $_tile_overlayer_lowered  }
0x9c: {  	s22 =	simm.s32 $0x1BFF;
	s21 =	sshll.u32 s7, $0x1;
	s4 =	sadd.s32 s5, s19  }
0x9d: {  	s8 =	simm.s32 $0x0;
	s20 =	sshll.u32 s6, $0x1;
	s6 =	sadd.s32 s21, s4  }
0x9e: {  	[timem:s8], [sflag:s22] =	dma.local [hbm:s6], s20  }
0x9f: {  	_ =	swait.ge [sflag:s22], s20  }
0xa0: {  	s5 =	ssub.s32 $0x0, s20;
	[sflag:s22] =	ssyncset.done $0x0  }
0xa1: {  	[sflag:s22] =	ssyncadd.s32 s5;
	_ =	sdelay $0x1  }
0xa2: {  	s23 =	simm.s32 $0x1B8B  }
0xa3: {  	_ =	swait.ge [sflag:s23], $0x1  }
0xa4: {  	[sflag:s23] =	ssyncset.done $0x0  }
0xa5: {  	s25 =	simm.s32 $0x1B8E;
	s24 =	sld [smem:$0x3FFE];
	[sflag:s23] =	ssyncadd.s32 $0xFFFFFFFF  }
0xa6: {  	s26 =	simm.s32 $execute0_lowered;
	[smem:$0x3FD2] =	sst s25  }
0xa7: {  	s6 =	sshll.u32 s26, $0x1;
	_ =	strace $0x80000049;
	[dreg:$0x1] =	wrdreg $0xFFFFFFFF  }
0xa8: {  	s28 =	simm.s32 $_size_execute0_lowered;
	s4 =	sadd.s32 s4, s6;
	[dreg:$0x0] =	wrdreg $0x0  }
0xa9: {  	s6 =	sshll.u32 s28, $0x1;
	[dreg:$0x2] =	wrdreg s4  }
0xaa: {  	[dreg:$0x3] =	wrdreg s6  }
0xab: {  	[dreg:$0x4] =	wrdreg $0xC0  }
0xac: {  	_ =	task [dreg:s8], $0x5FFFF  }
0xad: {  	[dreg:$0x1] =	wrdreg $0xFFFFFFFF  }
0xae: {  	[dreg:$0x0] =	wrdreg $0x60  }
0xaf: {  	[dreg:$0x2] =	wrdreg s24  }
0xb0: {  	[dreg:$0x3] =	wrdreg s2  }
0xb1: {  	[dreg:$0x4] =	wrdreg s18  }
0xb2: {  	[dreg:$0x5] =	wrdreg $0x0  }
0xb3: {  	[dreg:$0x6] =	wrdreg $0x9  }
0xb4: {  	_ =	task.clear_ibuf [dreg:s8], $0x7FFFF;
	_ =	strace $0x90000049  }
0xb5: {  	s29 =	simm.s32 $0x9;
	_ =	strace $0x8000004B  }
0xb6: {  	_ =	swait.ge [sflag:s29], $0x1  }
0xb7: {  	[sflag:s29] =	ssyncadd.s32 $0xFFFFFFFF  }
0xb8: {  	_ =	strace $0x9000004B  }
0xb9: {  	_ =	sfence  }
0xba: {  	s30 =	sld [smem:$0x0];
	_ =	sdelay $0x2  }
0xbb: {  	s31 =	sshll.u32 s1, $0xD;
	s1 =	sshrl.u32 s1, $0x2  }
0xbc: {  	s3 =	sand.u32 $0x4000, s31;
	s1 =	sadd.s32 s1, s30  }
0xbd: {  	s0 =	sor.u32 s3, s0;
	s1 =	sshll.u32 s1, $0x11  }
0xbe: {  	s0 =	sor.u32 s1, s0  }
0xbf: {  	s0 =	sadd.s32 $0x8F2B, s0  }
0xc0: {  	[sflag:s0] =	ssyncadd.remote.s32 $0x1  }
0xc1: {  	_ =	sfence.sel $0xFFFF  }
0xc2: {  	[dreg:$0x0] =	wrdreg $0xFFFFFFFF;
	(pc) =	sbr.abs _section_cstart, $3  }
0xc3: {  	[dreg:$0x1] =	wrdreg $0xFFFFFFFF  }
0xc4: {  	_ =	task.clear_ibuf [dreg:s8], $0x2FFFF;
	_ =	strace $0x9FFFFFFF  }
0xc5: {  	(tm) =	ssettm $0x7FFFFFFF  }
tec
execute0_lowered:
.L_overlay_start_1:
0x0: {  	(tag) =	ssettag $0x1  }
0x1: {  	s0 =	rddreg [dreg:$0x0]  }
0x2: {  	s1 =	rddreg [dreg:$0x1]  }
0x3: {  	s2 =	rddreg [dreg:$0x2]  }
0x4: {  	s3 =	rddreg [dreg:$0x3];
	s4 =	simm.s32 $0x0  }
0x5: {  	s5 =	srdreg.scid;
	s9 =	stileid.u32;
	s28 =	simm.s32 $0x1900  }
0x6: {  	s29 =	simm.s32 $0x11B00;
	s30 =	simm.s32 $0x17F00;
	s31 =	simm.s32 $0x2  }
0x7: {  	[smem:$0x7FF] =	sst s4;
	s6 =	sand.u32 $0x1, s5;
	s8 =	sadd.s32 $0x1400, s0  }
0x8: {  	s5 =	sadd.s32 $0x41400, s0;
	s11 =	sshll.u32 s9, $0x1;
	s12 =	sshll.u32 s9, $0x10  }
0x9: {  	s13 =	sshll.u32 s9, $0xD;
	s14 =	sshll.u32 s9, $0x6;
	s18 =	sadd.s32 $0x100000, s3  }
0xa: {  	p0 =	sne.s32 s9, $0x0;
	_ =	strace $0x8000004A;
	s7 =	ssub.s32 $0x2, s6  }
0xb: {  	s6 =	sor.u32 s6, s11;
	s11 =	sadd.s32 s12, s3;
	s16 =	sadd.s32 s8, s13  }
0xc: {  	[dreg:$0x9] =	wrdreg s18;
	s18 =	simm.s32 $0x6;
	s10 =	sshrl.u32 s7, $0x1  }
0xd: {  	s13 =	sor.u32 $0x20, s6;
	s21 =	smul.u32 $0x190, s6;
	s23 =	sadd.s32 $0x20000, s16  }
0xe: {  	[dreg:$0x5] =	wrdreg s16;
	s24 =	sadd.s32 $0x21000, s16;
	s16 =	simm.s32 $0x9  }
0xf: {  	s26 =	ssub.s32 s7, s10;
	s7 =	sor.u32 $0x8000, s12;
	s12 =	smul.u32 $0x640, s6  }
0x10: {  	s10 =	sor.u32 $0x1C0B, s14;
	s14 =	smul.u32 $0x640, s13;
	[dreg:$0xc] =	wrdreg s23  }
0x11: {  	s22 =	smul.u32 $0x190, s13;
	[dreg:$0xd] =	wrdreg s24;
	s23 =	simm.s32 $0x16600  }
0x12: {  	s24 =	simm.s32 $0x10200;
	s13 =	simm.s32 $0x8;
	[dreg:$0x6] =	wrdreg s10  }
0x13: {  	s15 =	sshrl.u32 s7, $0x3;
	s7 =	sadd.s32 s7, s3;
	s0 =	smax.u32 s26, $0x1  }
0x14: {  	s26 =	sshrl.u32 s11, $0x3;
	s10 =	simm.s32 $0x3;
	[dreg:$0x7] =	wrdreg s7  }
0x15: {  	s17 =	sadd.s32 s8, s15;
	s19 =	sadd.s32 s1, s12;
	[dreg:$0x10] =	wrdreg s0  }
0x16: {  	s20 =	sadd.s32 s1, s14;
	s14 =	sor.u32 $0x40, s6;
	[dreg:$0x11] =	wrdreg s26  }
.Ltmp0:
0x17: {  	s15 =	sor.u32 $0x60, s6;
	[dreg:$0x8] =	wrdreg s17;
	(pc) =	sbr.rel .LBB2_1-.Ltmp0, $4  }
0x18: {  	v0 =	vlaneseq.u32;
	s7 =	sadd.s32 s2, s21;
	s25 =	sadd.s32 s2, s22;
	[dreg:$0xa] =	wrdreg s19  }
0x19: {  	v0 =	vmul.u32 $0x4, v0;
	s26 =	simm.s32 $0x1;
	s0 =	simm.s32 $0x19800;
	[dreg:$0xb] =	wrdreg s20  }
0x1a: {  	v1 =	vimm.f32 $1.000000000e+00;
	s12 =	simm.s32 $0x7;
	s8 =	simm.s32 $0x0;
	[dreg:$0xe] =	wrdreg s7  }
0x1b: {  	v2 =	vor.u32 $0x1, v0;
	v3 =	vor.u32 $0x2, v0;
	v4 =	vor.u32 $0x3, v0;
	[dreg:$0xf] =	wrdreg s25;
	s17 =	simm.s32 $0x1CA00;
	s19 =	simm.s32 $0x1D680  }
.LBB2_45:
0x1c: {  	s7 =	simm.s32 $0x5  }
0x1d: {  	_ =	swait.ge [sflag:s7], $0xC80  }
0x1e: {  	[sflag:s7] =	ssyncset.done $0x0  }
0x1f: {  	[sflag:s7] =	ssyncadd.s32 $0xFFFFF380  }
0x20: {  	_ =	swait.ge [sflag:s18], $0xC80  }
0x21: {  	s8 =	rddreg [dreg:$0x12]  }
0x22: {  	s25 =	rddreg [dreg:$0x10];
	s8 =	sadd.s32 $0x1, s8  }
0x23: {  	p1 =	sne.s32 s8, s25  }
.Ltmp1:
0x24: {  	_ = 	snop;
	(pc) =	sbr.rel @!p1 .LBB2_46-.Ltmp1, $3  }
0x25: {  	_ =	sdelay $0x1  }
0x26: {  	[sflag:s18] =	ssyncset.done $0x0  }
0x27: {  	[sflag:s18] =	ssyncadd.s32 $0xFFFFF380  }
.LBB2_1:
0x28: {  	[dreg:$0x12] =	wrdreg s8  }
0x29: {  	s7 =	rddreg [dreg:$0x5]  }
0x2a: {  	s11 =	rddreg [dreg:$0x6]  }
0x2b: {  	s9 =	rddreg [dreg:$0x11];
	s20 =	simm.s32 $0xB  }
0x2c: {  	[spmem:s9], [sflag:s11] =	dma.local [hbm:s7], $0x1000  }
0x2d: {  	_ =	swait.ge [sflag:s20], $0x1000  }
0x2e: {  	s21 =	rddreg [dreg:$0x7]  }
0x2f: {  	[sflag:s20] =	ssyncset.done $0x0;
	s22 =	rddreg [dreg:$0x8]  }
.Ltmp2:
0x30: {  	[sflag:s20] =	ssyncadd.s32 $0xFFFFF000;
	s25 =	sshrl.u32 s21, $0x3;
	(pc) =	sbr.rel @p0 .LBB2_5-.Ltmp2, $4  }
0x31: {  	[spmem:s25], [sflag:s11] =	dma.local [hbm:s22], $0x1000  }
0x32: {  	_ =	swait.ge [sflag:s20], $0x1000  }
0x33: {  	[sflag:s20] =	ssyncset.done $0x0  }
0x34: {  	[sflag:s20] =	ssyncadd.s32 $0xFFFFF000  }
0x35: {  	s7 =	simm.s32 $0x40;
	s8 =	simm.s32 $0x0  }
.LBB2_3:
0x36: {  	p1 =	sne.s32 s7, $0x7FC0;
	[tilespmem:s8+$0x16600] =	vst v1;
	s8 =	smov.u32 s7;
	s7 =	sadd.s32 $0x40, s7  }
.Ltmp3:
0x37: {  	(pc) =	sbr.rel @p1 .LBB2_3-.Ltmp3, $2  }
0x38: {  	_ =	sdelay $0x2  }
0x39: {  	s8 =	sshra.s32 s8, $0x2  }
0x3a: {  	[tilespmem:s8+$0x16600] =	vst v1;
	s7 =	rddreg [dreg:$0x9];
	s22 =	simm.s32 $0xB  }
0x3b: {  	[spmem:s7] =	stream.linear.scatter [tilespmem:s23], [sflag:$0xB], $0x2000, $0x38;
	[tilespmem:$0x1FC00] =	vst v63  }
0x3c: {  	_ =	swait.ge [sflag:s22], $0x2000  }
0x3d: {  	[sflag:s22] =	ssyncset.done $0x0  }
0x3e: {  	[sflag:s22] =	ssyncadd.s32 $0xFFFFE000  }
.LBB2_5:
0x3f: {  	[bflag:$0x0] =	sbarrier.arrive $0xFFFF  }
0x40: {  	s7 =	simm.s32 $0x0;
	s8 =	rddreg [dreg:$0xa]  }
0x41: {  	[tilespmem:s24], [sflag:$0x1] =	stream.linear.gather [hbm4b:s8+s7], $0x3200, $0x38;
	[tilespmem:$0x1FC00] =	vst v63  }
0x42: {  	s9 =	simm.s32 $0x13400;
	s22 =	rddreg [dreg:$0xb]  }
0x43: {  	[tilespmem:s9], [sflag:$0x2] =	stream.linear.gather [hbm4b:s22+s7], $0x3200, $0x38;
	[tilespmem:$0x1FC00] =	vst v63  }
0x44: {  	_ =	swait.ge [sflag:s26], $0x3200  }
0x45: {  	[sflag:s26] =	ssyncset.done $0x0  }
0x46: {  	s7 =	simm.s32 $0x0;
	[sflag:s26] =	ssyncadd.s32 $0xFFFFCE00  }
0x47: {  	v5 =	vld [tilespmem:s7+$0x10200]  }
0x48: {  	v6 =	vld [tilespmem:s7+$0x10210];
	_ =	sdelay $0x2  }
0x49: {  	v7 =	vld [tilespmem:s7+$0x10220]  }
0x4a: {  	v11 =	vld [tilespmem:s7+$0x10230]  }
0x4b: {  	v8 =	vand.u32 $0x1FFF, v5;
	v5 =	vadd.s32 $0x6, v5;
	v10 =	vadd.s32 $0x6, v6  }
0x4c: {  	v9 =	vld [tilespmem:s7+$0x10240];
	v6 =	vand.u32 $0x1FFF, v6;
	v8 =	vor.u32 $0x100000, v8;
	vm0 =	vlt.s32 v5, $0x100000  }
0x4d: {  	vm14 =	vlt.s32 v10, $0x100000;
	v8 =	vsel vm0, v5, v8;
	v5 =	vor.u32 $0x100000, v6  }
0x4e: {  	v6 =	vsel vm14, v10, v5;
	v10 =	vadd.s32 $0x6, v7;
	v5 =	vand.u32 $0x1FFF, v7;
	v7 =	vld [tilespmem:s7+$0x10250]  }
0x4f: {  	v13 =	vand.u32 $0x1FFF, v11;
	v12 =	vor.u32 $0x100000, v5;
	vm15 =	vlt.s32 v10, $0x100000;
	v5 =	vld [tilespmem:s7+$0x10260]  }
0x50: {  	s8 =	simm.s32 $0x200;
	v11 =	vadd.s32 $0x6, v11;
	v10 =	vsel vm15, v10, v12;
	v12 =	vor.u32 $0x100000, v13  }
.LBB2_6:
0x51: {  	p1 =	sne.s32 s8, $0xC600;
	vm0 =	vlt.s32 v11, $0x100000;
	v13 =	vadd.s32 $0x6, v9;
	v9 =	vand.u32 $0x1FFF, v9;
	v14 =	vld [tilespmem:s7+$0x10270]  }
0x52: {  	s9 =	sshra.s32 s8, $0x2;
	[tilespmem:s7+$0x10200] =	vst v8;
	v8 =	vsel vm0, v11, v12;
	v9 =	vor.u32 $0x100000, v9;
	vm0 =	vlt.s32 v13, $0x100000  }
0x53: {  	v11 =	vld [tilespmem:s9+$0x10200];
	[tilespmem:s7+$0x10210] =	vst v6;
	v6 =	vsel vm0, v13, v9;
	v9 =	vadd.s32 $0x6, v7;
	v7 =	vand.u32 $0x1FFF, v7  }
0x54: {  	[tilespmem:s7+$0x10220] =	vst v10;
	v7 =	vor.u32 $0x100000, v7;
	vm0 =	vlt.s32 v9, $0x100000;
	v10 =	vand.u32 $0x1FFF, v5  }
0x55: {  	v5 =	vadd.s32 $0x6, v5;
	v12 =	vld [tilespmem:s9+$0x10210];
	[tilespmem:s7+$0x10230] =	vst v8;
	v7 =	vsel vm0, v9, v7;
	v8 =	vor.u32 $0x100000, v10  }
0x56: {  	vm0 =	vlt.s32 v5, $0x100000;
	[tilespmem:s7+$0x10240] =	vst v6;
	v6 =	vadd.s32 $0x6, v14;
	v9 =	vand.u32 $0x1FFF, v14  }
0x57: {  	v5 =	vsel vm0, v5, v8;
	v10 =	vld [tilespmem:s9+$0x10220];
	[tilespmem:s7+$0x10250] =	vst v7;
	v7 =	vor.u32 $0x100000, v9;
	vm0 =	vlt.s32 v6, $0x100000  }
0x58: {  	v8 =	vand.u32 $0x1FFF, v11;
	v13 =	vld [tilespmem:s9+$0x10230];
	[tilespmem:s7+$0x10260] =	vst v5;
	v5 =	vsel vm0, v6, v7  }
0x59: {  	v6 =	vadd.s32 $0x6, v11;
	v7 =	vor.u32 $0x100000, v8;
	[tilespmem:s7+$0x10270] =	vst v5;
	s7 =	smov.u32 s9  }
.Ltmp4:
0x5a: {  	vm0 =	vlt.s32 v6, $0x100000;
	v5 =	vadd.s32 $0x6, v12;
	v11 =	vand.u32 $0x1FFF, v12;
	v9 =	vld [tilespmem:s7+$0x10240];
	(pc) =	sbr.rel @p1 .LBB2_6-.Ltmp4, $4  }
0x5b: {  	v8 =	vsel vm0, v6, v7;
	v6 =	vor.u32 $0x100000, v11;
	vm0 =	vlt.s32 v5, $0x100000  }
0x5c: {  	v6 =	vsel vm0, v5, v6;
	v11 =	vadd.s32 $0x6, v10;
	v5 =	vand.u32 $0x1FFF, v10;
	v7 =	vld [tilespmem:s7+$0x10250]  }
0x5d: {  	v10 =	vor.u32 $0x100000, v5;
	vm0 =	vlt.s32 v11, $0x100000;
	v12 =	vand.u32 $0x1FFF, v13;
	v5 =	vld [tilespmem:s7+$0x10260]  }
0x5e: {  	s8 =	sadd.s32 $0x200, s8;
	v10 =	vsel vm0, v11, v10;
	v11 =	vadd.s32 $0x6, v13;
	v12 =	vor.u32 $0x100000, v12  }
0x5f: {  	vm0 =	vlt.s32 v11, $0x100000;
	v13 =	vadd.s32 $0x6, v9;
	v58 =	vand.u32 $0x1FFF, v9;
	v14 =	vld [tilespmem:s7+$0x10270]  }
0x60: {  	[tilespmem:s7+$0x10200] =	vst v8;
	v59 =	vsel vm0, v11, v12;
	v9 =	vor.u32 $0x100000, v58;
	vm12 =	vlt.s32 v13, $0x100000  }
0x61: {  	[tilespmem:s7+$0x10210] =	vst v6;
	v6 =	vsel vm12, v13, v9;
	v60 =	vadd.s32 $0x6, v7;
	v7 =	vand.u32 $0x1FFF, v7  }
0x62: {  	[tilespmem:s7+$0x10220] =	vst v10;
	v7 =	vor.u32 $0x100000, v7;
	vm13 =	vlt.s32 v60, $0x100000;
	v61 =	vand.u32 $0x1FFF, v5  }
0x63: {  	[tilespmem:s7+$0x10230] =	vst v59;
	v5 =	vadd.s32 $0x6, v5;
	v7 =	vsel vm13, v60, v7;
	v62 =	vor.u32 $0x100000, v61  }
0x64: {  	[tilespmem:s7+$0x10240] =	vst v6;
	vm14 =	vlt.s32 v5, $0x100000;
	v6 =	vadd.s32 $0x6, v14;
	v63 =	vand.u32 $0x1FFF, v14  }
0x65: {  	[tilespmem:s7+$0x10250] =	vst v7;
	v5 =	vsel vm14, v5, v62;
	v7 =	vor.u32 $0x100000, v63;
	vm15 =	vlt.s32 v6, $0x100000  }
.Ltmp5:
0x66: {  	[tilespmem:s7+$0x10260] =	vst v5;
	v5 =	vsel vm15, v6, v7;
	(pc) =	sbr.rel .LBB2_8-.Ltmp5, $4  }
0x67: {  	[tilespmem:s7+$0x10270] =	vst v5  }
0x68: {  	[tilespmem:s23], [sflag:$0x3] =	stream.indirect.gather [spmem:s3], $0x1, s24, s28, $0xb8;
	[tilespmem:$0x1FC00] =	vst v63  }
0x69: {  	s8 =	simm.s32 $0x0  }
0x6a: {  	[tilespmem:s30], [sflag:$0x9] =	stream.indirect.gather [spmem:s3], $0x1, s29, s28, $0xb8;
	[tilespmem:$0x1FC00] =	vst v63  }
.LBB2_24:
0x6b: {  	s8 =	sadd.s32 $0x1, s8  }
0x6c: {  	p1 =	sne.s32 s8, $0xA  }
.Ltmp6:
0x6d: {  	_ = 	snop;
	(pc) =	sbr.rel @!p1 .LBB2_25-.Ltmp6, $1  }
0x6e: {  	_ =	sdelay $0x3  }
.LBB2_8:
0x6f: {  	s22 =	sshll.u32 s8, $0x6  }
0x70: {  	s21 =	sor.u32 s22, s6  }
0x71: {  	s20 =	sor.u32 $0x20, s21  }
0x72: {  	p1 =	sgt.u32 s20, $0x270  }
.Ltmp7:
0x73: {  	_ = 	snop;
	(pc) =	sbr.rel @p1 .LBB2_12-.Ltmp7, $1  }
0x74: {  	_ =	sdelay $0x3  }
0x75: {  	_ =	swait.ge [sflag:s31], $0x3200  }
0x76: {  	[sflag:s31] =	ssyncset.done $0x0  }
0x77: {  	s7 =	simm.s32 $0x0;
	[sflag:s31] =	ssyncadd.s32 $0xFFFFCE00  }
0x78: {  	v5 =	vld [tilespmem:s7+$0x13400]  }
0x79: {  	v6 =	vld [tilespmem:s7+$0x13410];
	_ =	sdelay $0x2  }
0x7a: {  	v7 =	vld [tilespmem:s7+$0x13420]  }
0x7b: {  	v11 =	vld [tilespmem:s7+$0x13430]  }
0x7c: {  	v8 =	vand.u32 $0x1FFF, v5;
	v5 =	vadd.s32 $0x6, v5;
	v10 =	vadd.s32 $0x6, v6  }
0x7d: {  	v9 =	vld [tilespmem:s7+$0x13440];
	v6 =	vand.u32 $0x1FFF, v6;
	v8 =	vor.u32 $0x100000, v8;
	vm0 =	vlt.s32 v5, $0x100000  }
0x7e: {  	vm14 =	vlt.s32 v10, $0x100000;
	v8 =	vsel vm0, v5, v8;
	v5 =	vor.u32 $0x100000, v6  }
0x7f: {  	v6 =	vsel vm14, v10, v5;
	v10 =	vadd.s32 $0x6, v7;
	v5 =	vand.u32 $0x1FFF, v7;
	v7 =	vld [tilespmem:s7+$0x13450]  }
0x80: {  	v13 =	vand.u32 $0x1FFF, v11;
	v12 =	vor.u32 $0x100000, v5;
	vm15 =	vlt.s32 v10, $0x100000;
	v5 =	vld [tilespmem:s7+$0x13460]  }
0x81: {  	s11 =	simm.s32 $0x200;
	v11 =	vadd.s32 $0x6, v11;
	v10 =	vsel vm15, v10, v12;
	v12 =	vor.u32 $0x100000, v13  }
.LBB2_10:
0x82: {  	p2 =	sne.s32 s11, $0xC600;
	vm0 =	vlt.s32 v11, $0x100000;
	v13 =	vadd.s32 $0x6, v9;
	v9 =	vand.u32 $0x1FFF, v9;
	v14 =	vld [tilespmem:s7+$0x13470]  }
0x83: {  	s9 =	sshra.s32 s11, $0x2;
	[tilespmem:s7+$0x13400] =	vst v8;
	v8 =	vsel vm0, v11, v12;
	v9 =	vor.u32 $0x100000, v9;
	vm0 =	vlt.s32 v13, $0x100000  }
0x84: {  	v11 =	vld [tilespmem:s9+$0x13400];
	[tilespmem:s7+$0x13410] =	vst v6;
	v6 =	vsel vm0, v13, v9;
	v9 =	vadd.s32 $0x6, v7;
	v7 =	vand.u32 $0x1FFF, v7  }
0x85: {  	[tilespmem:s7+$0x13420] =	vst v10;
	v7 =	vor.u32 $0x100000, v7;
	vm0 =	vlt.s32 v9, $0x100000;
	v10 =	vand.u32 $0x1FFF, v5  }
0x86: {  	v5 =	vadd.s32 $0x6, v5;
	v12 =	vld [tilespmem:s9+$0x13410];
	[tilespmem:s7+$0x13430] =	vst v8;
	v7 =	vsel vm0, v9, v7;
	v8 =	vor.u32 $0x100000, v10  }
0x87: {  	vm0 =	vlt.s32 v5, $0x100000;
	[tilespmem:s7+$0x13440] =	vst v6;
	v6 =	vadd.s32 $0x6, v14;
	v9 =	vand.u32 $0x1FFF, v14  }
0x88: {  	v5 =	vsel vm0, v5, v8;
	v10 =	vld [tilespmem:s9+$0x13420];
	[tilespmem:s7+$0x13450] =	vst v7;
	v7 =	vor.u32 $0x100000, v9;
	vm0 =	vlt.s32 v6, $0x100000  }
0x89: {  	v8 =	vand.u32 $0x1FFF, v11;
	v13 =	vld [tilespmem:s9+$0x13430];
	[tilespmem:s7+$0x13460] =	vst v5;
	v5 =	vsel vm0, v6, v7  }
0x8a: {  	v6 =	vadd.s32 $0x6, v11;
	v7 =	vor.u32 $0x100000, v8;
	[tilespmem:s7+$0x13470] =	vst v5;
	s7 =	smov.u32 s9  }
.Ltmp8:
0x8b: {  	vm0 =	vlt.s32 v6, $0x100000;
	v5 =	vadd.s32 $0x6, v12;
	v11 =	vand.u32 $0x1FFF, v12;
	v9 =	vld [tilespmem:s7+$0x13440];
	(pc) =	sbr.rel @p2 .LBB2_10-.Ltmp8, $4  }
0x8c: {  	v8 =	vsel vm0, v6, v7;
	v6 =	vor.u32 $0x100000, v11;
	vm0 =	vlt.s32 v5, $0x100000  }
0x8d: {  	v6 =	vsel vm0, v5, v6;
	v11 =	vadd.s32 $0x6, v10;
	v5 =	vand.u32 $0x1FFF, v10;
	v7 =	vld [tilespmem:s7+$0x13450]  }
0x8e: {  	v10 =	vor.u32 $0x100000, v5;
	vm0 =	vlt.s32 v11, $0x100000;
	v12 =	vand.u32 $0x1FFF, v13;
	v5 =	vld [tilespmem:s7+$0x13460]  }
0x8f: {  	s11 =	sadd.s32 $0x200, s11;
	v10 =	vsel vm0, v11, v10;
	v11 =	vadd.s32 $0x6, v13;
	v12 =	vor.u32 $0x100000, v12  }
0x90: {  	vm0 =	vlt.s32 v11, $0x100000;
	v13 =	vadd.s32 $0x6, v9;
	v58 =	vand.u32 $0x1FFF, v9;
	v14 =	vld [tilespmem:s7+$0x13470]  }
0x91: {  	[tilespmem:s7+$0x13400] =	vst v8;
	v59 =	vsel vm0, v11, v12;
	v9 =	vor.u32 $0x100000, v58;
	vm12 =	vlt.s32 v13, $0x100000  }
0x92: {  	[tilespmem:s7+$0x13410] =	vst v6;
	v6 =	vsel vm12, v13, v9;
	v60 =	vadd.s32 $0x6, v7;
	v7 =	vand.u32 $0x1FFF, v7  }
0x93: {  	[tilespmem:s7+$0x13420] =	vst v10;
	v7 =	vor.u32 $0x100000, v7;
	vm13 =	vlt.s32 v60, $0x100000;
	v61 =	vand.u32 $0x1FFF, v5  }
0x94: {  	[tilespmem:s7+$0x13430] =	vst v59;
	v5 =	vadd.s32 $0x6, v5;
	v7 =	vsel vm13, v60, v7;
	v62 =	vor.u32 $0x100000, v61  }
0x95: {  	[tilespmem:s7+$0x13440] =	vst v6;
	vm14 =	vlt.s32 v5, $0x100000;
	v6 =	vadd.s32 $0x6, v14;
	v63 =	vand.u32 $0x1FFF, v14  }
0x96: {  	[tilespmem:s7+$0x13450] =	vst v7;
	v5 =	vsel vm14, v5, v62;
	v7 =	vor.u32 $0x100000, v63;
	vm15 =	vlt.s32 v6, $0x100000  }
0x97: {  	[tilespmem:s7+$0x13460] =	vst v5;
	v5 =	vsel vm15, v6, v7  }
0x98: {  	s9 =	simm.s32 $0x13400;
	[tilespmem:s7+$0x13470] =	vst v5  }
0x99: {  	[tilespmem:s0], [sflag:$0x4] =	stream.indirect.gather [spmem:s3], $0x1, s9, s28, $0xb8;
	[tilespmem:$0x1FC00] =	vst v63  }
0x9a: {  	s11 =	simm.s32 $0x14D00;
	s9 =	simm.s32 $0x1B100  }
0x9b: {  	[tilespmem:s9], [sflag:$0xA] =	stream.indirect.gather [spmem:s3], $0x1, s11, s28, $0xb8;
	[tilespmem:$0x1FC00] =	vst v63  }
.LBB2_12:
0x9c: {  	_ =	swait.ge [sflag:s10], $0x1900  }
0x9d: {  	s7 =	sadd.s32 s14, s22;
	[sflag:s10] =	ssyncset.done $0x0  }
0x9e: {  	p3 =	sgt.u32 s7, $0x270;
	[sflag:s10] =	ssyncadd.s32 $0xFFFFE700  }
0x9f: {  	s7 =	smul.u32 @!p3 $0x640, s7;
	_ =	swait.ge [sflag:s16], $0x1900  }
0xa0: {  	s9 =	simm.s32 @!p3 $0x0;
	[sflag:s16] =	ssyncset.done $0x0  }
0xa1: {  	s11 =	simm.s32 @!p3 $0x10200;
	s7 =	sadd.s32 @!p3 s1, s7;
	[sflag:s16] =	ssyncadd.s32 $0xFFFFE700  }
0xa2: {  	[tilespmem:s11], [sflag:$0x1] =	stream.linear.gather @!p3 [hbm4b:s7+s9], $0x3200, $0x38;
	[tilespmem:$0x1FC00] =	vst v63  }
0xa3: {  	s11 =	simm.s32 $0x0  }
0xa4: {  	p2 =	seq.s32 s8, $0x0;
	v5 =	vor.u32 s11, v2  }
0xa5: {  	s9 =	simm.s32 @!p2 $0x5;
	v6 =	vor.u32 s11, v0  }
0xa6: {  	_ =	swait.ge @!p2 [sflag:s9], $0xC80;
	v7 =	vor.u32 s11, v3  }
0xa7: {  	v8 =	vor.u32 s11, v4;
	[sflag:s9] =	ssyncset.done @!p2 $0x0  }
0xa8: {  	[sflag:s9] =	ssyncadd.s32 @!p2 $0xFFFFF380  }
0xa9: {  	v5 =	vld.idx.msk [tilespmem:v5+s23+$0x0], $0xffff  }
0xaa: {  	v6 =	vld.idx.msk [tilespmem:v6+s23+$0x0], $0xffff  }
0xab: {  	v7 =	vld.idx.msk [tilespmem:v7+s23+$0x0], $0xffff  }
0xac: {  	v8 =	vld.idx.msk [tilespmem:v8+s23+$0x0], $0xffff;
	_ =	sdelay $0x3  }
0xad: {  	s7 =	simm.s32 $0x40  }
0xae: {  	v9 =	vmul.f32 v5, v6;
	v8 =	vmul.f32 v8, v7;
	v5 =	vor.u32 s7, v2  }
0xaf: {  	v6 =	vor.u32 s7, v0  }
0xb0: {  	v7 =	vor.u32 s7, v3;
	v9 =	vmul.f32 v8, v9  }
0xb1: {  	s11 =	simm.s32 $0x0;
	s9 =	simm.s32 $0x80;
	v8 =	vor.u32 s7, v4  }
.LBB2_13:
0xb2: {  	p4 =	sne.s32 s9, $0x31C0;
	[tilespmem:s11+$0x1CA00] =	vst v9  }
0xb3: {  	v9 =	vld.idx.msk [tilespmem:v5+s23+$0x0], $0xffff  }
0xb4: {  	v6 =	vld.idx.msk [tilespmem:v6+s23+$0x0], $0xffff  }
0xb5: {  	v7 =	vld.idx.msk [tilespmem:v7+s23+$0x0], $0xffff  }
0xb6: {  	v8 =	vld.idx.msk [tilespmem:v8+s23+$0x0], $0xffff;
	_ =	sdelay $0x4  }
.Ltmp9:
0xb7: {  	(pc) =	sbr.rel @p4 .LBB2_13-.Ltmp9, $4  }
0xb8: {  	v5 =	vor.u32 s9, v2;
	v9 =	vmul.f32 v9, v6;
	v8 =	vmul.f32 v8, v7  }
0xb9: {  	v6 =	vor.u32 s9, v0  }
0xba: {  	v7 =	vor.u32 s9, v3;
	v9 =	vmul.f32 v8, v9  }
0xbb: {  	s11 =	sshra.s32 s7, $0x2;
	s7 =	smov.u32 s9;
	v8 =	vor.u32 s9, v4;
	s9 =	sadd.s32 $0x40, s9  }
0xbc: {  	_ =	sdelay $0x2  }
0xbd: {  	[tilespmem:s11+$0x1CA00] =	vst v9  }
0xbe: {  	v5 =	vld.idx.msk [tilespmem:v5+s23+$0x0], $0xffff  }
0xbf: {  	v6 =	vld.idx.msk [tilespmem:v6+s23+$0x0], $0xffff  }
0xc0: {  	v7 =	vld.idx.msk [tilespmem:v7+s23+$0x0], $0xffff  }
0xc1: {  	v8 =	vld.idx.msk [tilespmem:v8+s23+$0x0], $0xffff;
	_ =	sdelay $0x4  }
0xc2: {  	v5 =	vmul.f32 v5, v6;
	v6 =	vmul.f32 v8, v7  }
.Ltmp10:
0xc3: {  	_ = 	snop;
	(pc) =	sbr.rel @p3 .LBB2_18-.Ltmp10, $4  }
0xc4: {  	s9 =	smul.u32 $0x190, s21;
	v5 =	vmul.f32 v6, v5  }
0xc5: {  	s7 =	sshra.s32 s7, $0x2  }
0xc6: {  	s21 =	sadd.s32 s2, s9;
	[tilespmem:s7+$0x1CA00] =	vst v5  }
0xc7: {  	[hbm4b:s21+s4] =	stream.linear.scatter [tilespmem:s17], [sflag:$0x5], $0xC80, $0x38;
	[tilespmem:$0x1FC00] =	vst v63  }
0xc8: {  	_ =	swait.ge [sflag:s26], $0x3200  }
0xc9: {  	[sflag:s26] =	ssyncset.done $0x0  }
0xca: {  	s7 =	simm.s32 $0x0;
	[sflag:s26] =	ssyncadd.s32 $0xFFFFCE00  }
0xcb: {  	v5 =	vld [tilespmem:s7+$0x10200]  }
0xcc: {  	v6 =	vld [tilespmem:s7+$0x10210];
	_ =	sdelay $0x2  }
0xcd: {  	v7 =	vld [tilespmem:s7+$0x10220]  }
0xce: {  	v11 =	vld [tilespmem:s7+$0x10230]  }
0xcf: {  	v8 =	vand.u32 $0x1FFF, v5;
	v5 =	vadd.s32 $0x6, v5;
	v10 =	vadd.s32 $0x6, v6  }
0xd0: {  	v9 =	vld [tilespmem:s7+$0x10240];
	v6 =	vand.u32 $0x1FFF, v6;
	v8 =	vor.u32 $0x100000, v8;
	vm0 =	vlt.s32 v5, $0x100000  }
0xd1: {  	vm14 =	vlt.s32 v10, $0x100000;
	v8 =	vsel vm0, v5, v8;
	v5 =	vor.u32 $0x100000, v6  }
0xd2: {  	v6 =	vsel vm14, v10, v5;
	v10 =	vadd.s32 $0x6, v7;
	v5 =	vand.u32 $0x1FFF, v7;
	v7 =	vld [tilespmem:s7+$0x10250]  }
0xd3: {  	v13 =	vand.u32 $0x1FFF, v11;
	v12 =	vor.u32 $0x100000, v5;
	vm15 =	vlt.s32 v10, $0x100000;
	v5 =	vld [tilespmem:s7+$0x10260]  }
0xd4: {  	s11 =	simm.s32 $0x200;
	v11 =	vadd.s32 $0x6, v11;
	v10 =	vsel vm15, v10, v12;
	v12 =	vor.u32 $0x100000, v13  }
.LBB2_16:
0xd5: {  	p3 =	sne.s32 s11, $0xC600;
	vm0 =	vlt.s32 v11, $0x100000;
	v13 =	vadd.s32 $0x6, v9;
	v9 =	vand.u32 $0x1FFF, v9;
	v14 =	vld [tilespmem:s7+$0x10270]  }
0xd6: {  	s9 =	sshra.s32 s11, $0x2;
	[tilespmem:s7+$0x10200] =	vst v8;
	v8 =	vsel vm0, v11, v12;
	v9 =	vor.u32 $0x100000, v9;
	vm0 =	vlt.s32 v13, $0x100000  }
0xd7: {  	v11 =	vld [tilespmem:s9+$0x10200];
	[tilespmem:s7+$0x10210] =	vst v6;
	v6 =	vsel vm0, v13, v9;
	v9 =	vadd.s32 $0x6, v7;
	v7 =	vand.u32 $0x1FFF, v7  }
0xd8: {  	[tilespmem:s7+$0x10220] =	vst v10;
	v7 =	vor.u32 $0x100000, v7;
	vm0 =	vlt.s32 v9, $0x100000;
	v10 =	vand.u32 $0x1FFF, v5  }
0xd9: {  	v5 =	vadd.s32 $0x6, v5;
	v12 =	vld [tilespmem:s9+$0x10210];
	[tilespmem:s7+$0x10230] =	vst v8;
	v7 =	vsel vm0, v9, v7;
	v8 =	vor.u32 $0x100000, v10  }
0xda: {  	vm0 =	vlt.s32 v5, $0x100000;
	[tilespmem:s7+$0x10240] =	vst v6;
	v6 =	vadd.s32 $0x6, v14;
	v9 =	vand.u32 $0x1FFF, v14  }
0xdb: {  	v5 =	vsel vm0, v5, v8;
	v10 =	vld [tilespmem:s9+$0x10220];
	[tilespmem:s7+$0x10250] =	vst v7;
	v7 =	vor.u32 $0x100000, v9;
	vm0 =	vlt.s32 v6, $0x100000  }
0xdc: {  	v8 =	vand.u32 $0x1FFF, v11;
	v13 =	vld [tilespmem:s9+$0x10230];
	[tilespmem:s7+$0x10260] =	vst v5;
	v5 =	vsel vm0, v6, v7  }
0xdd: {  	v6 =	vadd.s32 $0x6, v11;
	v7 =	vor.u32 $0x100000, v8;
	[tilespmem:s7+$0x10270] =	vst v5;
	s7 =	smov.u32 s9  }
.Ltmp11:
0xde: {  	vm0 =	vlt.s32 v6, $0x100000;
	v5 =	vadd.s32 $0x6, v12;
	v11 =	vand.u32 $0x1FFF, v12;
	v9 =	vld [tilespmem:s7+$0x10240];
	(pc) =	sbr.rel @p3 .LBB2_16-.Ltmp11, $4  }
0xdf: {  	v8 =	vsel vm0, v6, v7;
	v6 =	vor.u32 $0x100000, v11;
	vm0 =	vlt.s32 v5, $0x100000  }
0xe0: {  	v6 =	vsel vm0, v5, v6;
	v11 =	vadd.s32 $0x6, v10;
	v5 =	vand.u32 $0x1FFF, v10;
	v7 =	vld [tilespmem:s7+$0x10250]  }
0xe1: {  	v10 =	vor.u32 $0x100000, v5;
	vm0 =	vlt.s32 v11, $0x100000;
	v12 =	vand.u32 $0x1FFF, v13;
	v5 =	vld [tilespmem:s7+$0x10260]  }
0xe2: {  	s11 =	sadd.s32 $0x200, s11;
	v10 =	vsel vm0, v11, v10;
	v11 =	vadd.s32 $0x6, v13;
	v12 =	vor.u32 $0x100000, v12  }
0xe3: {  	vm0 =	vlt.s32 v11, $0x100000;
	v13 =	vadd.s32 $0x6, v9;
	v58 =	vand.u32 $0x1FFF, v9;
	v14 =	vld [tilespmem:s7+$0x10270]  }
0xe4: {  	[tilespmem:s7+$0x10200] =	vst v8;
	v59 =	vsel vm0, v11, v12;
	v9 =	vor.u32 $0x100000, v58;
	vm12 =	vlt.s32 v13, $0x100000  }
0xe5: {  	[tilespmem:s7+$0x10210] =	vst v6;
	v6 =	vsel vm12, v13, v9;
	v60 =	vadd.s32 $0x6, v7;
	v7 =	vand.u32 $0x1FFF, v7  }
0xe6: {  	[tilespmem:s7+$0x10220] =	vst v10;
	v7 =	vor.u32 $0x100000, v7;
	vm13 =	vlt.s32 v60, $0x100000;
	v61 =	vand.u32 $0x1FFF, v5  }
0xe7: {  	[tilespmem:s7+$0x10230] =	vst v59;
	v5 =	vadd.s32 $0x6, v5;
	v7 =	vsel vm13, v60, v7;
	v62 =	vor.u32 $0x100000, v61  }
0xe8: {  	[tilespmem:s7+$0x10240] =	vst v6;
	vm14 =	vlt.s32 v5, $0x100000;
	v6 =	vadd.s32 $0x6, v14;
	v63 =	vand.u32 $0x1FFF, v14  }
0xe9: {  	[tilespmem:s7+$0x10250] =	vst v7;
	v5 =	vsel vm14, v5, v62;
	v7 =	vor.u32 $0x100000, v63;
	vm15 =	vlt.s32 v6, $0x100000  }
0xea: {  	[tilespmem:s7+$0x10260] =	vst v5;
	v5 =	vsel vm15, v6, v7  }
0xeb: {  	[tilespmem:s7+$0x10270] =	vst v5  }
0xec: {  	[tilespmem:s23], [sflag:$0x3] =	stream.indirect.gather [spmem:s3], $0x1, s24, s28, $0xb8;
	[tilespmem:$0x1FC00] =	vst v63  }
0xed: {  	_ = 	snop  }
0xee: {  	[tilespmem:s30], [sflag:$0x9] =	stream.indirect.gather [spmem:s3], $0x1, s29, s28, $0xb8;
	[tilespmem:$0x1FC00] =	vst v63  }
.LBB2_18:
0xef: {  	s7 =	simm.s32 @!p1 $0x4  }
0xf0: {  	_ =	swait.ge @!p1 [sflag:s7], $0x1900  }
0xf1: {  	s9 =	sadd.s32 s15, s22;
	[sflag:s7] =	ssyncset.done @!p1 $0x0  }
0xf2: {  	p3 =	sgt.u32 s9, $0x270;
	[sflag:s7] =	ssyncadd.s32 @!p1 $0xFFFFE700;
	s7 =	simm.s32 @!p1 $0xA  }
0xf3: {  	s9 =	smul.u32 @!p3 $0x640, s9;
	_ =	swait.ge @!p1 [sflag:s7], $0x1900  }
0xf4: {  	s11 =	simm.s32 @!p3 $0x13400;
	[sflag:s7] =	ssyncset.done @!p1 $0x0  }
0xf5: {  	[sflag:s7] =	ssyncadd.s32 @!p1 $0xFFFFE700;
	s7 =	sadd.s32 @!p3 s1, s9;
	s9 =	simm.s32 @!p3 $0x0  }
0xf6: {  	[tilespmem:s11], [sflag:$0x2] =	stream.linear.gather @!p3 [hbm4b:s7+s9], $0x3200, $0x38;
	[tilespmem:$0x1FC00] =	vst v63  }
0xf7: {  	p3 =	sgt.u32 @!p2 s20, $0x270  }
0xf8: {  	p2 =	por p2, p3  }
.Ltmp12:
0xf9: {  	_ = 	snop;
	(pc) =	sbr.rel @p2 .LBB2_20-.Ltmp12, $1  }
0xfa: {  	_ =	sdelay $0x3  }
0xfb: {  	_ =	swait.ge [sflag:s18], $0xC80  }
0xfc: {  	[sflag:s18] =	ssyncset.done $0x0  }
0xfd: {  	[sflag:s18] =	ssyncadd.s32 $0xFFFFF380  }
.LBB2_21:
0xfe: {  	s7 =	simm.s32 $0x0  }
0xff: {  	v5 =	vor.u32 s7, v2  }
0x100: {  	v6 =	vor.u32 s7, v0  }
0x101: {  	v7 =	vor.u32 s7, v3  }
0x102: {  	v8 =	vor.u32 s7, v4;
	_ =	sdelay $0x1  }
0x103: {  	v5 =	vld.idx.msk [tilespmem:v5+s0+$0x0], $0xffff  }
0x104: {  	v6 =	vld.idx.msk [tilespmem:v6+s0+$0x0], $0xffff  }
0x105: {  	v7 =	vld.idx.msk [tilespmem:v7+s0+$0x0], $0xffff  }
0x106: {  	v8 =	vld.idx.msk [tilespmem:v8+s0+$0x0], $0xffff;
	_ =	sdelay $0x3  }
0x107: {  	s7 =	simm.s32 $0x40  }
0x108: {  	v9 =	vmul.f32 v5, v6;
	v8 =	vmul.f32 v8, v7;
	v5 =	vor.u32 s7, v2  }
0x109: {  	v6 =	vor.u32 s7, v0  }
0x10a: {  	v7 =	vor.u32 s7, v3;
	v9 =	vmul.f32 v8, v9  }
0x10b: {  	s9 =	simm.s32 $0x80;
	s11 =	simm.s32 $0x0;
	v8 =	vor.u32 s7, v4  }
.LBB2_22:
0x10c: {  	p1 =	sne.s32 s9, $0x31C0;
	[tilespmem:s11+$0x1D680] =	vst v9  }
0x10d: {  	v9 =	vld.idx.msk [tilespmem:v5+s0+$0x0], $0xffff  }
0x10e: {  	v6 =	vld.idx.msk [tilespmem:v6+s0+$0x0], $0xffff  }
0x10f: {  	v7 =	vld.idx.msk [tilespmem:v7+s0+$0x0], $0xffff  }
0x110: {  	v8 =	vld.idx.msk [tilespmem:v8+s0+$0x0], $0xffff;
	_ =	sdelay $0x4  }
.Ltmp13:
0x111: {  	(pc) =	sbr.rel @p1 .LBB2_22-.Ltmp13, $4  }
0x112: {  	v5 =	vor.u32 s9, v2;
	v9 =	vmul.f32 v9, v6;
	v8 =	vmul.f32 v8, v7  }
0x113: {  	v6 =	vor.u32 s9, v0  }
0x114: {  	v7 =	vor.u32 s9, v3;
	v9 =	vmul.f32 v8, v9  }
0x115: {  	s11 =	sshra.s32 s7, $0x2;
	s7 =	smov.u32 s9;
	v8 =	vor.u32 s9, v4;
	s9 =	sadd.s32 $0x40, s9  }
0x116: {  	_ =	sdelay $0x2  }
0x117: {  	[tilespmem:s11+$0x1D680] =	vst v9  }
0x118: {  	v5 =	vld.idx.msk [tilespmem:v5+s0+$0x0], $0xffff  }
0x119: {  	v6 =	vld.idx.msk [tilespmem:v6+s0+$0x0], $0xffff  }
0x11a: {  	v7 =	vld.idx.msk [tilespmem:v7+s0+$0x0], $0xffff  }
0x11b: {  	v8 =	vld.idx.msk [tilespmem:v8+s0+$0x0], $0xffff;
	_ =	sdelay $0x4  }
0x11c: {  	v5 =	vmul.f32 v5, v6;
	v6 =	vmul.f32 v8, v7  }
.Ltmp14:
0x11d: {  	_ = 	snop;
	(pc) =	sbr.rel .LBB2_24-.Ltmp14, $4  }
0x11e: {  	s9 =	smul.u32 $0x190, s20;
	v5 =	vmul.f32 v6, v5  }
0x11f: {  	s7 =	sshra.s32 s7, $0x2  }
0x120: {  	s22 =	sadd.s32 s2, s9;
	[tilespmem:s7+$0x1D680] =	vst v5  }
0x121: {  	[hbm4b:s22+s4] =	stream.linear.scatter [tilespmem:s19], [sflag:$0x6], $0xC80, $0x38;
	[tilespmem:$0x1FC00] =	vst v63  }
.LBB2_20:
.Ltmp15:
0x122: {  	(pc) =	sbr.rel @p1 .LBB2_24-.Ltmp15, $4  }
.Ltmp16:
0x123: {  	(pc) =	sbr.rel @!p1 .LBB2_21-.Ltmp16, $4  }
0x124: {  	_ = 	snop  }
0x125: {  	_ = 	snop  }
0x126: {  	_ = 	snop  }
0x127: {  	_ = 	snop  }
.LBB2_25:
0x128: {  	s7 =	simm.s32 $0x5  }
0x129: {  	_ =	swait.ge [sflag:s7], $0xC80  }
0x12a: {  	[sflag:s7] =	ssyncset.done $0x0  }
0x12b: {  	[sflag:s7] =	ssyncadd.s32 $0xFFFFF380  }
0x12c: {  	_ =	swait.ge [sflag:s18], $0xC80  }
0x12d: {  	[sflag:s18] =	ssyncset.done $0x0  }
0x12e: {  	[sflag:s18] =	ssyncadd.s32 $0xFFFFF380  }
0x12f: {  	[bflag:$0x0] =	sbarrier.arrive $0xFFFF  }
0x130: {  	s20 =	rddreg [dreg:$0x6]  }
0x131: {  	s8 =	rddreg [dreg:$0xc]  }
0x132: {  	s21 =	simm.s32 $0xB;
	s9 =	rddreg [dreg:$0x11]  }
0x133: {  	[spmem:s9], [sflag:s20] =	dma.local [hbm:s8], $0x1000  }
0x134: {  	_ =	swait.ge [sflag:s21], $0x1000  }
0x135: {  	[sflag:s21] =	ssyncset.done $0x0  }
0x136: {  	s22 =	rddreg [dreg:$0xd];
	[sflag:s21] =	ssyncadd.s32 $0xFFFFF000  }
0x137: {  	[spmem:s25], [sflag:s20] =	dma.local [hbm:s22], $0x1000  }
0x138: {  	_ =	swait.ge [sflag:s21], $0x1000  }
0x139: {  	[sflag:s21] =	ssyncset.done $0x0  }
0x13a: {  	[sflag:s21] =	ssyncadd.s32 $0xFFFFF000  }
0x13b: {  	[bflag:$0x0] =	sbarrier.arrive $0xFFFF  }
0x13c: {  	s7 =	simm.s32 $0x0;
	s25 =	rddreg [dreg:$0xa]  }
0x13d: {  	[tilespmem:s24], [sflag:$0x1] =	stream.linear.gather [hbm4b:s25+s7], $0x3200, $0x38;
	[tilespmem:$0x1FC00] =	vst v63  }
0x13e: {  	s11 =	simm.s32 $0x13400;
	s9 =	rddreg [dreg:$0xb]  }
0x13f: {  	[tilespmem:s11], [sflag:$0x2] =	stream.linear.gather [hbm4b:s9+s7], $0x3200, $0x38;
	[tilespmem:$0x1FC00] =	vst v63  }
0x140: {  	s21 =	simm.s32 $0x1E300;
	s20 =	rddreg [dreg:$0xe]  }
0x141: {  	[tilespmem:s21], [sflag:$0x7] =	stream.linear.gather [hbm4b:s20+s7], $0xC80, $0x38;
	[tilespmem:$0x1FC00] =	vst v63  }
0x142: {  	s22 =	rddreg [dreg:$0xf];
	s25 =	simm.s32 $0x1EF80  }
0x143: {  	[tilespmem:s25], [sflag:$0x8] =	stream.linear.gather [hbm4b:s22+s7], $0xC80, $0x38;
	[tilespmem:$0x1FC00] =	vst v63  }
0x144: {  	_ =	swait.ge [sflag:s26], $0x3200  }
0x145: {  	[sflag:s26] =	ssyncset.done $0x0  }
0x146: {  	s8 =	simm.s32 $0x0;
	[sflag:s26] =	ssyncadd.s32 $0xFFFFCE00  }
0x147: {  	v5 =	vld [tilespmem:s8+$0x10200];
	_ =	sdelay $0x1  }
0x148: {  	v6 =	vld [tilespmem:s8+$0x10210];
	_ =	sdelay $0x1  }
0x149: {  	v7 =	vld [tilespmem:s8+$0x10220]  }
0x14a: {  	v8 =	vadd.s32 $0x6, v5;
	v9 =	vand.u32 $0x1FFF, v5  }
0x14b: {  	v5 =	vadd.s32 $0xFFF00006, v5;
	v9 =	vor.u32 $0x100000, v9;
	vm0 =	vgt.s32 v8, $0xFFFFF  }
0x14c: {  	v11 =	vld [tilespmem:s8+$0x10230];
	v8 =	vadd.s32 $0x6, v6;
	v5 =	vsel vm0, v5, v9;
	v9 =	vand.u32 $0x1FFF, v6  }
0x14d: {  	vm13 =	vgt.s32 v8, $0xFFFFF;
	v6 =	vadd.s32 $0xFFF00006, v6;
	v9 =	vor.u32 $0x100000, v9  }
0x14e: {  	v10 =	vld [tilespmem:s8+$0x10240];
	v8 =	vadd.s32 $0x6, v7;
	v6 =	vsel vm13, v6, v9;
	v9 =	vand.u32 $0x1FFF, v7  }
0x14f: {  	vm14 =	vgt.s32 v8, $0xFFFFF;
	v7 =	vadd.s32 $0xFFF00006, v7;
	v9 =	vor.u32 $0x100000, v9  }
0x150: {  	v8 =	vsel vm14, v7, v9;
	v9 =	vld [tilespmem:s8+$0x10250]  }
0x151: {  	v12 =	vand.u32 $0x1FFF, v11;
	v7 =	vadd.s32 $0x6, v11  }
0x152: {  	v12 =	vor.u32 $0x100000, v12;
	v11 =	vadd.s32 $0xFFF00006, v11;
	vm15 =	vgt.s32 v7, $0xFFFFF;
	v7 =	vld [tilespmem:s8+$0x10260]  }
0x153: {  	s7 =	simm.s32 $0x200;
	v13 =	vand.u32 $0x1FFF, v10;
	v11 =	vsel vm15, v11, v12;
	v12 =	vadd.s32 $0x6, v10  }
.LBB2_26:
0x154: {  	p1 =	sne.s32 s7, $0xC600;
	v13 =	vor.u32 $0x100000, v13;
	vm0 =	vgt.s32 v12, $0xFFFFF;
	v10 =	vadd.s32 $0xFFF00006, v10;
	v12 =	vld [tilespmem:s8+$0x10270]  }
0x155: {  	s9 =	sshra.s32 s7, $0x2;
	[tilespmem:s8+$0x10200] =	vst v5;
	v5 =	vsel vm0, v10, v13;
	v10 =	vadd.s32 $0x6, v9;
	v13 =	vand.u32 $0x1FFF, v9  }
0x156: {  	v9 =	vadd.s32 $0xFFF00006, v9;
	v14 =	vld [tilespmem:s9+$0x10200];
	[tilespmem:s8+$0x10210] =	vst v6;
	v6 =	vor.u32 $0x100000, v13;
	vm0 =	vgt.s32 v10, $0xFFFFF  }
0x157: {  	[tilespmem:s8+$0x10220] =	vst v8;
	v6 =	vsel vm0, v9, v6;
	v8 =	vadd.s32 $0x6, v7;
	v9 =	vand.u32 $0x1FFF, v7  }
0x158: {  	v7 =	vadd.s32 $0xFFF00006, v7;
	v10 =	vld [tilespmem:s9+$0x10210];
	[tilespmem:s8+$0x10230] =	vst v11;
	v9 =	vor.u32 $0x100000, v9;
	vm0 =	vgt.s32 v8, $0xFFFFF  }
0x159: {  	[tilespmem:s8+$0x10240] =	vst v5;
	v5 =	vsel vm0, v7, v9;
	v7 =	vadd.s32 $0x6, v12;
	v8 =	vand.u32 $0x1FFF, v12  }
0x15a: {  	v9 =	vld [tilespmem:s9+$0x10220];
	[tilespmem:s8+$0x10250] =	vst v6;
	v6 =	vor.u32 $0x100000, v8;
	vm0 =	vgt.s32 v7, $0xFFFFF;
	v7 =	vadd.s32 $0xFFF00006, v12  }
0x15b: {  	v8 =	vadd.s32 $0x6, v14;
	v11 =	vand.u32 $0x1FFF, v14;
	[tilespmem:s8+$0x10260] =	vst v5;
	v5 =	vsel vm0, v7, v6  }
0x15c: {  	v7 =	vadd.s32 $0xFFF00006, v14;
	v6 =	vor.u32 $0x100000, v11;
	vm0 =	vgt.s32 v8, $0xFFFFF;
	v11 =	vld [tilespmem:s9+$0x10230];
	[tilespmem:s8+$0x10270] =	vst v5;
	s8 =	smov.u32 s9  }
0x15d: {  	v5 =	vsel vm0, v7, v6;
	v6 =	vadd.s32 $0x6, v10;
	v7 =	vand.u32 $0x1FFF, v10  }
0x15e: {  	v7 =	vor.u32 $0x100000, v7;
	vm0 =	vgt.s32 v6, $0xFFFFF;
	v6 =	vadd.s32 $0xFFF00006, v10;
	v10 =	vld [tilespmem:s8+$0x10240]  }
.Ltmp17:
0x15f: {  	v6 =	vsel vm0, v6, v7;
	v7 =	vadd.s32 $0x6, v9;
	v8 =	vand.u32 $0x1FFF, v9;
	(pc) =	sbr.rel @p1 .LBB2_26-.Ltmp17, $4  }
0x160: {  	v8 =	vor.u32 $0x100000, v8;
	vm0 =	vgt.s32 v7, $0xFFFFF;
	v7 =	vadd.s32 $0xFFF00006, v9;
	v9 =	vld [tilespmem:s8+$0x10250]  }
0x161: {  	v8 =	vsel vm0, v7, v8;
	v7 =	vadd.s32 $0x6, v11;
	v12 =	vand.u32 $0x1FFF, v11  }
0x162: {  	v11 =	vadd.s32 $0xFFF00006, v11;
	v12 =	vor.u32 $0x100000, v12;
	vm0 =	vgt.s32 v7, $0xFFFFF;
	v7 =	vld [tilespmem:s8+$0x10260]  }
0x163: {  	s7 =	sadd.s32 $0x200, s7;
	v11 =	vsel vm0, v11, v12;
	v12 =	vadd.s32 $0x6, v10;
	v13 =	vand.u32 $0x1FFF, v10  }
0x164: {  	v13 =	vor.u32 $0x100000, v13;
	vm0 =	vgt.s32 v12, $0xFFFFF;
	v10 =	vadd.s32 $0xFFF00006, v10;
	v57 =	vld [tilespmem:s8+$0x10270]  }
0x165: {  	[tilespmem:s8+$0x10200] =	vst v5;
	v5 =	vsel vm0, v10, v13;
	v58 =	vadd.s32 $0x6, v9;
	v59 =	vand.u32 $0x1FFF, v9  }
0x166: {  	[tilespmem:s8+$0x10210] =	vst v6;
	v60 =	vadd.s32 $0xFFF00006, v9;
	v6 =	vor.u32 $0x100000, v59;
	vm13 =	vgt.s32 v58, $0xFFFFF  }
0x167: {  	[tilespmem:s8+$0x10220] =	vst v8;
	v6 =	vsel vm13, v60, v6;
	v61 =	vadd.s32 $0x6, v7;
	v62 =	vand.u32 $0x1FFF, v7  }
0x168: {  	[tilespmem:s8+$0x10230] =	vst v11;
	v7 =	vadd.s32 $0xFFF00006, v7;
	v9 =	vor.u32 $0x100000, v62;
	vm14 =	vgt.s32 v61, $0xFFFFF  }
0x169: {  	[tilespmem:s8+$0x10240] =	vst v5;
	v5 =	vsel vm14, v7, v9;
	v7 =	vadd.s32 $0x6, v57;
	v63 =	vand.u32 $0x1FFF, v57  }
0x16a: {  	[tilespmem:s8+$0x10250] =	vst v6;
	v6 =	vor.u32 $0x100000, v63;
	vm15 =	vgt.s32 v7, $0xFFFFF;
	v7 =	vadd.s32 $0xFFF00006, v57  }
.Ltmp18:
0x16b: {  	[tilespmem:s8+$0x10260] =	vst v5;
	v5 =	vsel vm15, v7, v6;
	(pc) =	sbr.rel .LBB2_28-.Ltmp18, $4  }
0x16c: {  	[tilespmem:s8+$0x10270] =	vst v5  }
0x16d: {  	[tilespmem:s23], [sflag:$0x3] =	stream.indirect.gather [spmem:s3], $0x1, s24, s28, $0xb8;
	[tilespmem:$0x1FC00] =	vst v63  }
0x16e: {  	s20 =	simm.s32 $0x0  }
0x16f: {  	[tilespmem:s30], [sflag:$0x9] =	stream.indirect.gather [spmem:s3], $0x1, s29, s28, $0xb8;
	[tilespmem:$0x1FC00] =	vst v63  }
.LBB2_44:
0x170: {  	s20 =	sadd.s32 $0x1, s20  }
0x171: {  	p1 =	sne.s32 s20, $0xA  }
.Ltmp19:
0x172: {  	_ = 	snop;
	(pc) =	sbr.rel @!p1 .LBB2_45-.Ltmp19, $3  }
0x173: {  	s7 =	smul.u32 @!p3 $0x190, s7;
	_ =	sdelay $0x1  }
0x174: {  	s8 =	simm.s32 @!p3 $0x0;
	s9 =	simm.s32 @!p3 $0x1EF80;
	s7 =	sadd.s32 @!p3 s2, s7  }
0x175: {  	[tilespmem:s9], [sflag:$0x8] =	stream.linear.gather @!p3 [hbm4b:s7+s8], $0xC80, $0x38;
	[tilespmem:$0x1FC00] =	vst v63  }
.LBB2_28:
0x176: {  	s22 =	sshll.u32 s20, $0x6  }
0x177: {  	s21 =	sor.u32 s22, s6  }
0x178: {  	s8 =	sor.u32 $0x20, s21  }
0x179: {  	p1 =	sgt.u32 s8, $0x270  }
.Ltmp20:
0x17a: {  	_ = 	snop;
	(pc) =	sbr.rel @p1 .LBB2_32-.Ltmp20, $1  }
0x17b: {  	_ =	sdelay $0x3  }
0x17c: {  	_ =	swait.ge [sflag:s31], $0x3200  }
0x17d: {  	[sflag:s31] =	ssyncset.done $0x0  }
0x17e: {  	s7 =	simm.s32 $0x0;
	[sflag:s31] =	ssyncadd.s32 $0xFFFFCE00  }
0x17f: {  	v5 =	vld [tilespmem:s7+$0x13400];
	_ =	sdelay $0x1  }
0x180: {  	v6 =	vld [tilespmem:s7+$0x13410];
	_ =	sdelay $0x1  }
0x181: {  	v7 =	vld [tilespmem:s7+$0x13420]  }
0x182: {  	v8 =	vadd.s32 $0x6, v5;
	v9 =	vand.u32 $0x1FFF, v5  }
0x183: {  	v5 =	vadd.s32 $0xFFF00006, v5;
	v9 =	vor.u32 $0x100000, v9;
	vm0 =	vgt.s32 v8, $0xFFFFF  }
0x184: {  	v11 =	vld [tilespmem:s7+$0x13430];
	v8 =	vadd.s32 $0x6, v6;
	v5 =	vsel vm0, v5, v9;
	v9 =	vand.u32 $0x1FFF, v6  }
0x185: {  	vm13 =	vgt.s32 v8, $0xFFFFF;
	v6 =	vadd.s32 $0xFFF00006, v6;
	v9 =	vor.u32 $0x100000, v9  }
0x186: {  	v10 =	vld [tilespmem:s7+$0x13440];
	v8 =	vadd.s32 $0x6, v7;
	v6 =	vsel vm13, v6, v9;
	v9 =	vand.u32 $0x1FFF, v7  }
0x187: {  	vm14 =	vgt.s32 v8, $0xFFFFF;
	v7 =	vadd.s32 $0xFFF00006, v7;
	v9 =	vor.u32 $0x100000, v9  }
0x188: {  	v8 =	vsel vm14, v7, v9;
	v9 =	vld [tilespmem:s7+$0x13450]  }
0x189: {  	v12 =	vand.u32 $0x1FFF, v11;
	v7 =	vadd.s32 $0x6, v11  }
0x18a: {  	v12 =	vor.u32 $0x100000, v12;
	v11 =	vadd.s32 $0xFFF00006, v11;
	vm15 =	vgt.s32 v7, $0xFFFFF;
	v7 =	vld [tilespmem:s7+$0x13460]  }
0x18b: {  	s11 =	simm.s32 $0x200;
	v13 =	vand.u32 $0x1FFF, v10;
	v11 =	vsel vm15, v11, v12;
	v12 =	vadd.s32 $0x6, v10  }
.LBB2_30:
0x18c: {  	p2 =	sne.s32 s11, $0xC600;
	v13 =	vor.u32 $0x100000, v13;
	vm0 =	vgt.s32 v12, $0xFFFFF;
	v10 =	vadd.s32 $0xFFF00006, v10;
	v12 =	vld [tilespmem:s7+$0x13470]  }
0x18d: {  	s9 =	sshra.s32 s11, $0x2;
	[tilespmem:s7+$0x13400] =	vst v5;
	v5 =	vsel vm0, v10, v13;
	v10 =	vadd.s32 $0x6, v9;
	v13 =	vand.u32 $0x1FFF, v9  }
0x18e: {  	v9 =	vadd.s32 $0xFFF00006, v9;
	v14 =	vld [tilespmem:s9+$0x13400];
	[tilespmem:s7+$0x13410] =	vst v6;
	v6 =	vor.u32 $0x100000, v13;
	vm0 =	vgt.s32 v10, $0xFFFFF  }
0x18f: {  	[tilespmem:s7+$0x13420] =	vst v8;
	v6 =	vsel vm0, v9, v6;
	v8 =	vadd.s32 $0x6, v7;
	v9 =	vand.u32 $0x1FFF, v7  }
0x190: {  	v7 =	vadd.s32 $0xFFF00006, v7;
	v10 =	vld [tilespmem:s9+$0x13410];
	[tilespmem:s7+$0x13430] =	vst v11;
	v9 =	vor.u32 $0x100000, v9;
	vm0 =	vgt.s32 v8, $0xFFFFF  }
0x191: {  	[tilespmem:s7+$0x13440] =	vst v5;
	v5 =	vsel vm0, v7, v9;
	v7 =	vadd.s32 $0x6, v12;
	v8 =	vand.u32 $0x1FFF, v12  }
0x192: {  	v9 =	vld [tilespmem:s9+$0x13420];
	[tilespmem:s7+$0x13450] =	vst v6;
	v6 =	vor.u32 $0x100000, v8;
	vm0 =	vgt.s32 v7, $0xFFFFF;
	v7 =	vadd.s32 $0xFFF00006, v12  }
0x193: {  	v8 =	vadd.s32 $0x6, v14;
	v11 =	vand.u32 $0x1FFF, v14;
	[tilespmem:s7+$0x13460] =	vst v5;
	v5 =	vsel vm0, v7, v6  }
0x194: {  	v7 =	vadd.s32 $0xFFF00006, v14;
	v6 =	vor.u32 $0x100000, v11;
	vm0 =	vgt.s32 v8, $0xFFFFF;
	v11 =	vld [tilespmem:s9+$0x13430];
	[tilespmem:s7+$0x13470] =	vst v5;
	s7 =	smov.u32 s9  }
0x195: {  	v5 =	vsel vm0, v7, v6;
	v6 =	vadd.s32 $0x6, v10;
	v7 =	vand.u32 $0x1FFF, v10  }
0x196: {  	v7 =	vor.u32 $0x100000, v7;
	vm0 =	vgt.s32 v6, $0xFFFFF;
	v6 =	vadd.s32 $0xFFF00006, v10;
	v10 =	vld [tilespmem:s7+$0x13440]  }
.Ltmp21:
0x197: {  	v6 =	vsel vm0, v6, v7;
	v7 =	vadd.s32 $0x6, v9;
	v8 =	vand.u32 $0x1FFF, v9;
	(pc) =	sbr.rel @p2 .LBB2_30-.Ltmp21, $4  }
0x198: {  	v8 =	vor.u32 $0x100000, v8;
	vm0 =	vgt.s32 v7, $0xFFFFF;
	v7 =	vadd.s32 $0xFFF00006, v9;
	v9 =	vld [tilespmem:s7+$0x13450]  }
0x199: {  	v8 =	vsel vm0, v7, v8;
	v7 =	vadd.s32 $0x6, v11;
	v12 =	vand.u32 $0x1FFF, v11  }
0x19a: {  	v11 =	vadd.s32 $0xFFF00006, v11;
	v12 =	vor.u32 $0x100000, v12;
	vm0 =	vgt.s32 v7, $0xFFFFF;
	v7 =	vld [tilespmem:s7+$0x13460]  }
0x19b: {  	s11 =	sadd.s32 $0x200, s11;
	v11 =	vsel vm0, v11, v12;
	v12 =	vadd.s32 $0x6, v10;
	v13 =	vand.u32 $0x1FFF, v10  }
0x19c: {  	v13 =	vor.u32 $0x100000, v13;
	vm0 =	vgt.s32 v12, $0xFFFFF;
	v10 =	vadd.s32 $0xFFF00006, v10;
	v57 =	vld [tilespmem:s7+$0x13470]  }
0x19d: {  	[tilespmem:s7+$0x13400] =	vst v5;
	v5 =	vsel vm0, v10, v13;
	v58 =	vadd.s32 $0x6, v9;
	v59 =	vand.u32 $0x1FFF, v9  }
0x19e: {  	[tilespmem:s7+$0x13410] =	vst v6;
	v60 =	vadd.s32 $0xFFF00006, v9;
	v6 =	vor.u32 $0x100000, v59;
	vm13 =	vgt.s32 v58, $0xFFFFF  }
0x19f: {  	[tilespmem:s7+$0x13420] =	vst v8;
	v6 =	vsel vm13, v60, v6;
	v61 =	vadd.s32 $0x6, v7;
	v62 =	vand.u32 $0x1FFF, v7  }
0x1a0: {  	[tilespmem:s7+$0x13430] =	vst v11;
	v7 =	vadd.s32 $0xFFF00006, v7;
	v9 =	vor.u32 $0x100000, v62;
	vm14 =	vgt.s32 v61, $0xFFFFF  }
0x1a1: {  	[tilespmem:s7+$0x13440] =	vst v5;
	v5 =	vsel vm14, v7, v9;
	v7 =	vadd.s32 $0x6, v57;
	v63 =	vand.u32 $0x1FFF, v57  }
0x1a2: {  	[tilespmem:s7+$0x13450] =	vst v6;
	v6 =	vor.u32 $0x100000, v63;
	vm15 =	vgt.s32 v7, $0xFFFFF;
	v7 =	vadd.s32 $0xFFF00006, v57  }
0x1a3: {  	[tilespmem:s7+$0x13460] =	vst v5;
	v5 =	vsel vm15, v7, v6  }
0x1a4: {  	s11 =	simm.s32 $0x13400;
	[tilespmem:s7+$0x13470] =	vst v5  }
0x1a5: {  	[tilespmem:s0], [sflag:$0x4] =	stream.indirect.gather [spmem:s3], $0x1, s11, s28, $0xb8;
	[tilespmem:$0x1FC00] =	vst v63  }
0x1a6: {  	s25 =	simm.s32 $0x14D00;
	s9 =	simm.s32 $0x1B100  }
0x1a7: {  	[tilespmem:s9], [sflag:$0xA] =	stream.indirect.gather [spmem:s3], $0x1, s25, s28, $0xb8;
	[tilespmem:$0x1FC00] =	vst v63  }
.LBB2_32:
0x1a8: {  	_ =	swait.ge [sflag:s10], $0x1900  }
0x1a9: {  	s7 =	sadd.s32 s14, s22;
	[sflag:s10] =	ssyncset.done $0x0  }
0x1aa: {  	p3 =	sgt.u32 s7, $0x270;
	[sflag:s10] =	ssyncadd.s32 $0xFFFFE700  }
0x1ab: {  	s9 =	smul.u32 @!p3 $0x640, s7;
	_ =	swait.ge [sflag:s16], $0x1900  }
0x1ac: {  	p2 =	seq.s32 s20, $0x0;
	s11 =	simm.s32 @!p3 $0x0;
	[sflag:s16] =	ssyncset.done $0x0  }
0x1ad: {  	s25 =	simm.s32 @!p3 $0x10200;
	s9 =	sadd.s32 @!p3 s1, s9;
	[sflag:s16] =	ssyncadd.s32 $0xFFFFE700  }
0x1ae: {  	[tilespmem:s25], [sflag:$0x1] =	stream.linear.gather @!p3 [hbm4b:s9+s11], $0x3200, $0x38;
	[tilespmem:$0x1FC00] =	vst v63  }
0x1af: {  	s9 =	simm.s32 @!p2 $0x5  }
0x1b0: {  	s25 =	simm.s32 $0x0;
	_ =	swait.ge @!p2 [sflag:s9], $0xC80  }
0x1b1: {  	v5 =	vor.u32 s25, v2;
	[sflag:s9] =	ssyncset.done @!p2 $0x0  }
0x1b2: {  	v6 =	vor.u32 s25, v0;
	[sflag:s9] =	ssyncadd.s32 @!p2 $0xFFFFF380  }
0x1b3: {  	v7 =	vor.u32 s25, v3;
	_ =	swait.ge [sflag:s12], $0xC80  }
0x1b4: {  	v8 =	vor.u32 s25, v4;
	[sflag:s12] =	ssyncset.done $0x0  }
0x1b5: {  	[sflag:s12] =	ssyncadd.s32 $0xFFFFF380  }
0x1b6: {  	v5 =	vld.idx.msk [tilespmem:v5+s23+$0x0], $0xffff  }
0x1b7: {  	v6 =	vld.idx.msk [tilespmem:v6+s23+$0x0], $0xffff  }
0x1b8: {  	v7 =	vld.idx.msk [tilespmem:v7+s23+$0x0], $0xffff  }
0x1b9: {  	v8 =	vld.idx.msk [tilespmem:v8+s23+$0x0], $0xffff;
	_ =	sdelay $0x2  }
0x1ba: {  	s25 =	simm.s32 $0x0  }
0x1bb: {  	v9 =	vld [tilespmem:s25+$0x1E300]  }
0x1bc: {  	v5 =	vmul.f32 v5, v6;
	v6 =	vmul.f32 v8, v7  }
0x1bd: {  	s11 =	simm.s32 $0x40  }
0x1be: {  	v8 =	vmul.f32 v6, v5;
	v5 =	vor.u32 s11, v2  }
0x1bf: {  	v6 =	vor.u32 s11, v0  }
0x1c0: {  	v7 =	vor.u32 s11, v3;
	v9 =	vmul.f32 v8, v9  }
0x1c1: {  	s9 =	simm.s32 $0x80;
	v8 =	vor.u32 s11, v4  }
.LBB2_33:
0x1c2: {  	p4 =	sne.s32 s9, $0x31C0;
	[tilespmem:s25+$0x1CA00] =	vst v9  }
0x1c3: {  	v5 =	vld.idx.msk [tilespmem:v5+s23+$0x0], $0xffff  }
0x1c4: {  	v6 =	vld.idx.msk [tilespmem:v6+s23+$0x0], $0xffff  }
0x1c5: {  	v7 =	vld.idx.msk [tilespmem:v7+s23+$0x0], $0xffff  }
0x1c6: {  	v8 =	vld.idx.msk [tilespmem:v8+s23+$0x0], $0xffff;
	_ =	sdelay $0x3  }
0x1c7: {  	s25 =	sshra.s32 s11, $0x2;
	s11 =	smov.u32 s9  }
0x1c8: {  	v9 =	vld [tilespmem:s25+$0x1E300]  }
0x1c9: {  	v6 =	vmul.f32 v5, v6;
	v7 =	vmul.f32 v8, v7  }
.Ltmp22:
0x1ca: {  	(pc) =	sbr.rel @p4 .LBB2_33-.Ltmp22, $4  }
0x1cb: {  	v5 =	vor.u32 s9, v2;
	v8 =	vmul.f32 v7, v6  }
0x1cc: {  	v6 =	vor.u32 s9, v0  }
0x1cd: {  	v7 =	vor.u32 s9, v3;
	v9 =	vmul.f32 v8, v9  }
0x1ce: {  	s9 =	sadd.s32 $0x40, s9;
	v8 =	vor.u32 s11, v4  }
0x1cf: {  	_ =	sdelay $0x2  }
0x1d0: {  	[tilespmem:s25+$0x1CA00] =	vst v9  }
0x1d1: {  	v5 =	vld.idx.msk [tilespmem:v5+s23+$0x0], $0xffff  }
0x1d2: {  	v6 =	vld.idx.msk [tilespmem:v6+s23+$0x0], $0xffff  }
0x1d3: {  	v7 =	vld.idx.msk [tilespmem:v7+s23+$0x0], $0xffff  }
0x1d4: {  	v8 =	vld.idx.msk [tilespmem:v8+s23+$0x0], $0xffff;
	_ =	sdelay $0x2  }
0x1d5: {  	s9 =	sshra.s32 s11, $0x2  }
0x1d6: {  	v9 =	vld [tilespmem:s9+$0x1E300]  }
0x1d7: {  	v5 =	vmul.f32 v5, v6;
	v6 =	vmul.f32 v8, v7;
	_ =	sdelay $0x1  }
0x1d8: {  	v5 =	vmul.f32 v6, v5  }
.Ltmp23:
0x1d9: {  	_ = 	snop;
	(pc) =	sbr.rel @p3 .LBB2_38-.Ltmp23, $3  }
0x1da: {  	s21 =	smul.u32 $0x190, s21;
	v5 =	vmul.f32 v5, v9;
	_ =	sdelay $0x1  }
0x1db: {  	s25 =	sadd.s32 s5, s21;
	[tilespmem:s9+$0x1CA00] =	vst v5  }
0x1dc: {  	[hbm4b:s25+s4] =	stream.linear.scatter [tilespmem:s17], [sflag:$0x5], $0xC80, $0x38;
	[tilespmem:$0x1FC00] =	vst v63  }
0x1dd: {  	s7 =	smul.u32 $0x190, s7;
	_ =	sdelay $0x1  }
0x1de: {  	s9 =	simm.s32 $0x0;
	s11 =	simm.s32 $0x1E300;
	s7 =	sadd.s32 s2, s7  }
0x1df: {  	[tilespmem:s11], [sflag:$0x7] =	stream.linear.gather [hbm4b:s7+s9], $0xC80, $0x38;
	[tilespmem:$0x1FC00] =	vst v63  }
0x1e0: {  	_ =	swait.ge [sflag:s26], $0x3200  }
0x1e1: {  	[sflag:s26] =	ssyncset.done $0x0  }
0x1e2: {  	s7 =	simm.s32 $0x0;
	[sflag:s26] =	ssyncadd.s32 $0xFFFFCE00  }
0x1e3: {  	v5 =	vld [tilespmem:s7+$0x10200];
	_ =	sdelay $0x1  }
0x1e4: {  	v6 =	vld [tilespmem:s7+$0x10210];
	_ =	sdelay $0x1  }
0x1e5: {  	v7 =	vld [tilespmem:s7+$0x10220]  }
0x1e6: {  	v8 =	vadd.s32 $0x6, v5;
	v9 =	vand.u32 $0x1FFF, v5  }
0x1e7: {  	v5 =	vadd.s32 $0xFFF00006, v5;
	v9 =	vor.u32 $0x100000, v9;
	vm0 =	vgt.s32 v8, $0xFFFFF  }
0x1e8: {  	v11 =	vld [tilespmem:s7+$0x10230];
	v8 =	vadd.s32 $0x6, v6;
	v5 =	vsel vm0, v5, v9;
	v9 =	vand.u32 $0x1FFF, v6  }
0x1e9: {  	vm13 =	vgt.s32 v8, $0xFFFFF;
	v6 =	vadd.s32 $0xFFF00006, v6;
	v9 =	vor.u32 $0x100000, v9  }
0x1ea: {  	v10 =	vld [tilespmem:s7+$0x10240];
	v8 =	vadd.s32 $0x6, v7;
	v6 =	vsel vm13, v6, v9;
	v9 =	vand.u32 $0x1FFF, v7  }
0x1eb: {  	vm14 =	vgt.s32 v8, $0xFFFFF;
	v7 =	vadd.s32 $0xFFF00006, v7;
	v9 =	vor.u32 $0x100000, v9  }
0x1ec: {  	v8 =	vsel vm14, v7, v9;
	v9 =	vld [tilespmem:s7+$0x10250]  }
0x1ed: {  	v12 =	vand.u32 $0x1FFF, v11;
	v7 =	vadd.s32 $0x6, v11  }
0x1ee: {  	v12 =	vor.u32 $0x100000, v12;
	v11 =	vadd.s32 $0xFFF00006, v11;
	vm15 =	vgt.s32 v7, $0xFFFFF;
	v7 =	vld [tilespmem:s7+$0x10260]  }
0x1ef: {  	s11 =	simm.s32 $0x200;
	v13 =	vand.u32 $0x1FFF, v10;
	v11 =	vsel vm15, v11, v12;
	v12 =	vadd.s32 $0x6, v10  }
.LBB2_36:
0x1f0: {  	p3 =	sne.s32 s11, $0xC600;
	v13 =	vor.u32 $0x100000, v13;
	vm0 =	vgt.s32 v12, $0xFFFFF;
	v10 =	vadd.s32 $0xFFF00006, v10;
	v12 =	vld [tilespmem:s7+$0x10270]  }
0x1f1: {  	s9 =	sshra.s32 s11, $0x2;
	[tilespmem:s7+$0x10200] =	vst v5;
	v5 =	vsel vm0, v10, v13;
	v10 =	vadd.s32 $0x6, v9;
	v13 =	vand.u32 $0x1FFF, v9  }
0x1f2: {  	v9 =	vadd.s32 $0xFFF00006, v9;
	v14 =	vld [tilespmem:s9+$0x10200];
	[tilespmem:s7+$0x10210] =	vst v6;
	v6 =	vor.u32 $0x100000, v13;
	vm0 =	vgt.s32 v10, $0xFFFFF  }
0x1f3: {  	[tilespmem:s7+$0x10220] =	vst v8;
	v6 =	vsel vm0, v9, v6;
	v8 =	vadd.s32 $0x6, v7;
	v9 =	vand.u32 $0x1FFF, v7  }
0x1f4: {  	v7 =	vadd.s32 $0xFFF00006, v7;
	v10 =	vld [tilespmem:s9+$0x10210];
	[tilespmem:s7+$0x10230] =	vst v11;
	v9 =	vor.u32 $0x100000, v9;
	vm0 =	vgt.s32 v8, $0xFFFFF  }
0x1f5: {  	[tilespmem:s7+$0x10240] =	vst v5;
	v5 =	vsel vm0, v7, v9;
	v7 =	vadd.s32 $0x6, v12;
	v8 =	vand.u32 $0x1FFF, v12  }
0x1f6: {  	v9 =	vld [tilespmem:s9+$0x10220];
	[tilespmem:s7+$0x10250] =	vst v6;
	v6 =	vor.u32 $0x100000, v8;
	vm0 =	vgt.s32 v7, $0xFFFFF;
	v7 =	vadd.s32 $0xFFF00006, v12  }
0x1f7: {  	v8 =	vadd.s32 $0x6, v14;
	v11 =	vand.u32 $0x1FFF, v14;
	[tilespmem:s7+$0x10260] =	vst v5;
	v5 =	vsel vm0, v7, v6  }
0x1f8: {  	v7 =	vadd.s32 $0xFFF00006, v14;
	v6 =	vor.u32 $0x100000, v11;
	vm0 =	vgt.s32 v8, $0xFFFFF;
	v11 =	vld [tilespmem:s9+$0x10230];
	[tilespmem:s7+$0x10270] =	vst v5;
	s7 =	smov.u32 s9  }
0x1f9: {  	v5 =	vsel vm0, v7, v6;
	v6 =	vadd.s32 $0x6, v10;
	v7 =	vand.u32 $0x1FFF, v10  }
0x1fa: {  	v7 =	vor.u32 $0x100000, v7;
	vm0 =	vgt.s32 v6, $0xFFFFF;
	v6 =	vadd.s32 $0xFFF00006, v10;
	v10 =	vld [tilespmem:s7+$0x10240]  }
.Ltmp24:
0x1fb: {  	v6 =	vsel vm0, v6, v7;
	v7 =	vadd.s32 $0x6, v9;
	v8 =	vand.u32 $0x1FFF, v9;
	(pc) =	sbr.rel @p3 .LBB2_36-.Ltmp24, $4  }
0x1fc: {  	v8 =	vor.u32 $0x100000, v8;
	vm0 =	vgt.s32 v7, $0xFFFFF;
	v7 =	vadd.s32 $0xFFF00006, v9;
	v9 =	vld [tilespmem:s7+$0x10250]  }
0x1fd: {  	v8 =	vsel vm0, v7, v8;
	v7 =	vadd.s32 $0x6, v11;
	v12 =	vand.u32 $0x1FFF, v11  }
0x1fe: {  	v11 =	vadd.s32 $0xFFF00006, v11;
	v12 =	vor.u32 $0x100000, v12;
	vm0 =	vgt.s32 v7, $0xFFFFF;
	v7 =	vld [tilespmem:s7+$0x10260]  }
0x1ff: {  	s11 =	sadd.s32 $0x200, s11;
	v11 =	vsel vm0, v11, v12;
	v12 =	vadd.s32 $0x6, v10;
	v13 =	vand.u32 $0x1FFF, v10  }
0x200: {  	v13 =	vor.u32 $0x100000, v13;
	vm0 =	vgt.s32 v12, $0xFFFFF;
	v10 =	vadd.s32 $0xFFF00006, v10;
	v57 =	vld [tilespmem:s7+$0x10270]  }
0x201: {  	[tilespmem:s7+$0x10200] =	vst v5;
	v5 =	vsel vm0, v10, v13;
	v58 =	vadd.s32 $0x6, v9;
	v59 =	vand.u32 $0x1FFF, v9  }
0x202: {  	[tilespmem:s7+$0x10210] =	vst v6;
	v60 =	vadd.s32 $0xFFF00006, v9;
	v6 =	vor.u32 $0x100000, v59;
	vm13 =	vgt.s32 v58, $0xFFFFF  }
0x203: {  	[tilespmem:s7+$0x10220] =	vst v8;
	v6 =	vsel vm13, v60, v6;
	v61 =	vadd.s32 $0x6, v7;
	v62 =	vand.u32 $0x1FFF, v7  }
0x204: {  	[tilespmem:s7+$0x10230] =	vst v11;
	v7 =	vadd.s32 $0xFFF00006, v7;
	v9 =	vor.u32 $0x100000, v62;
	vm14 =	vgt.s32 v61, $0xFFFFF  }
0x205: {  	[tilespmem:s7+$0x10240] =	vst v5;
	v5 =	vsel vm14, v7, v9;
	v7 =	vadd.s32 $0x6, v57;
	v63 =	vand.u32 $0x1FFF, v57  }
0x206: {  	[tilespmem:s7+$0x10250] =	vst v6;
	v6 =	vor.u32 $0x100000, v63;
	vm15 =	vgt.s32 v7, $0xFFFFF;
	v7 =	vadd.s32 $0xFFF00006, v57  }
0x207: {  	[tilespmem:s7+$0x10260] =	vst v5;
	v5 =	vsel vm15, v7, v6  }
0x208: {  	[tilespmem:s7+$0x10270] =	vst v5  }
0x209: {  	[tilespmem:s23], [sflag:$0x3] =	stream.indirect.gather [spmem:s3], $0x1, s24, s28, $0xb8;
	[tilespmem:$0x1FC00] =	vst v63  }
0x20a: {  	_ = 	snop  }
0x20b: {  	[tilespmem:s30], [sflag:$0x9] =	stream.indirect.gather [spmem:s3], $0x1, s29, s28, $0xb8;
	[tilespmem:$0x1FC00] =	vst v63  }
.LBB2_38:
0x20c: {  	s7 =	simm.s32 @!p1 $0x4  }
0x20d: {  	_ =	swait.ge @!p1 [sflag:s7], $0x1900  }
0x20e: {  	p4 =	sgt.u32 @!p2 s8, $0x270;
	[sflag:s7] =	ssyncset.done @!p1 $0x0  }
0x20f: {  	p2 =	por p2, p4;
	[sflag:s7] =	ssyncadd.s32 @!p1 $0xFFFFE700;
	s7 =	sadd.s32 s15, s22  }
.Ltmp25:
0x210: {  	s9 =	simm.s32 @!p1 $0xA;
	p3 =	sgt.u32 s7, $0x270;
	(pc) =	sbr.rel @p2 .LBB2_40-.Ltmp25, $4  }
0x211: {  	_ =	swait.ge @!p1 [sflag:s9], $0x1900;
	s11 =	smul.u32 @!p3 $0x640, s7  }
0x212: {  	[sflag:s9] =	ssyncset.done @!p1 $0x0;
	s21 =	simm.s32 @!p3 $0x13400  }
0x213: {  	[sflag:s9] =	ssyncadd.s32 @!p1 $0xFFFFE700;
	s9 =	sadd.s32 @!p3 s1, s11;
	s11 =	simm.s32 @!p3 $0x0  }
0x214: {  	[tilespmem:s21], [sflag:$0x2] =	stream.linear.gather @!p3 [hbm4b:s9+s11], $0x3200, $0x38;
	[tilespmem:$0x1FC00] =	vst v63  }
0x215: {  	_ =	swait.ge [sflag:s18], $0xC80  }
0x216: {  	[sflag:s18] =	ssyncset.done $0x0  }
0x217: {  	[sflag:s18] =	ssyncadd.s32 $0xFFFFF380  }
.LBB2_41:
0x218: {  	s9 =	simm.s32 $0x0  }
0x219: {  	v5 =	vor.u32 s9, v2  }
0x21a: {  	v6 =	vor.u32 s9, v0  }
0x21b: {  	_ =	swait.ge [sflag:s13], $0xC80;
	v7 =	vor.u32 s9, v3  }
0x21c: {  	[sflag:s13] =	ssyncset.done $0x0;
	v8 =	vor.u32 s9, v4  }
0x21d: {  	[sflag:s13] =	ssyncadd.s32 $0xFFFFF380  }
0x21e: {  	v5 =	vld.idx.msk [tilespmem:v5+s0+$0x0], $0xffff  }
0x21f: {  	v6 =	vld.idx.msk [tilespmem:v6+s0+$0x0], $0xffff  }
0x220: {  	v7 =	vld.idx.msk [tilespmem:v7+s0+$0x0], $0xffff  }
0x221: {  	v8 =	vld.idx.msk [tilespmem:v8+s0+$0x0], $0xffff;
	_ =	sdelay $0x2  }
0x222: {  	s21 =	simm.s32 $0x0  }
0x223: {  	v9 =	vld [tilespmem:s21+$0x1EF80]  }
0x224: {  	v5 =	vmul.f32 v5, v6;
	v6 =	vmul.f32 v8, v7  }
0x225: {  	s11 =	simm.s32 $0x40  }
0x226: {  	v8 =	vmul.f32 v6, v5;
	v5 =	vor.u32 s11, v2  }
0x227: {  	v6 =	vor.u32 s11, v0  }
0x228: {  	v7 =	vor.u32 s11, v3;
	v9 =	vmul.f32 v8, v9  }
0x229: {  	s9 =	simm.s32 $0x80;
	v8 =	vor.u32 s11, v4  }
.LBB2_42:
0x22a: {  	p1 =	sne.s32 s9, $0x31C0;
	[tilespmem:s21+$0x1D680] =	vst v9  }
0x22b: {  	v5 =	vld.idx.msk [tilespmem:v5+s0+$0x0], $0xffff  }
0x22c: {  	v6 =	vld.idx.msk [tilespmem:v6+s0+$0x0], $0xffff  }
0x22d: {  	v7 =	vld.idx.msk [tilespmem:v7+s0+$0x0], $0xffff  }
0x22e: {  	v8 =	vld.idx.msk [tilespmem:v8+s0+$0x0], $0xffff;
	_ =	sdelay $0x3  }
0x22f: {  	s21 =	sshra.s32 s11, $0x2;
	s11 =	smov.u32 s9  }
0x230: {  	v9 =	vld [tilespmem:s21+$0x1EF80]  }
0x231: {  	v6 =	vmul.f32 v5, v6;
	v7 =	vmul.f32 v8, v7  }
.Ltmp26:
0x232: {  	(pc) =	sbr.rel @p1 .LBB2_42-.Ltmp26, $4  }
0x233: {  	v5 =	vor.u32 s9, v2;
	v8 =	vmul.f32 v7, v6  }
0x234: {  	v6 =	vor.u32 s9, v0  }
0x235: {  	v7 =	vor.u32 s9, v3;
	v9 =	vmul.f32 v8, v9  }
0x236: {  	s9 =	sadd.s32 $0x40, s9;
	v8 =	vor.u32 s11, v4  }
0x237: {  	_ =	sdelay $0x2  }
0x238: {  	[tilespmem:s21+$0x1D680] =	vst v9  }
0x239: {  	v5 =	vld.idx.msk [tilespmem:v5+s0+$0x0], $0xffff  }
0x23a: {  	v6 =	vld.idx.msk [tilespmem:v6+s0+$0x0], $0xffff  }
0x23b: {  	v7 =	vld.idx.msk [tilespmem:v7+s0+$0x0], $0xffff  }
0x23c: {  	v8 =	vld.idx.msk [tilespmem:v8+s0+$0x0], $0xffff;
	_ =	sdelay $0x2  }
0x23d: {  	s9 =	sshra.s32 s11, $0x2  }
0x23e: {  	v9 =	vld [tilespmem:s9+$0x1EF80]  }
0x23f: {  	v5 =	vmul.f32 v5, v6;
	v6 =	vmul.f32 v8, v7;
	_ =	sdelay $0x1  }
0x240: {  	v5 =	vmul.f32 v6, v5  }
.Ltmp27:
0x241: {  	_ = 	snop;
	(pc) =	sbr.rel .LBB2_44-.Ltmp27, $3  }
0x242: {  	s8 =	smul.u32 $0x190, s8;
	v5 =	vmul.f32 v5, v9;
	_ =	sdelay $0x1  }
0x243: {  	s8 =	sadd.s32 s5, s8;
	[tilespmem:s9+$0x1D680] =	vst v5  }
0x244: {  	[hbm4b:s8+s4] =	stream.linear.scatter [tilespmem:s19], [sflag:$0x6], $0xC80, $0x38;
	[tilespmem:$0x1FC00] =	vst v63  }
.LBB2_40:
.Ltmp28:
0x245: {  	(pc) =	sbr.rel @p1 .LBB2_44-.Ltmp28, $4  }
.Ltmp29:
0x246: {  	(pc) =	sbr.rel @!p1 .LBB2_41-.Ltmp29, $4  }
0x247: {  	_ = 	snop  }
0x248: {  	_ = 	snop  }
0x249: {  	_ = 	snop  }
0x24a: {  	_ = 	snop  }
.LBB2_46:
0x24b: {  	_ =	sfence.sel $0x180000  }
0x24c: {  	[bflag:$0x0] =	sbarrier.arrive $0xFFFF  }
0x24d: {  	_ =	strace $0x9000004A  }
0x24e: {  	[bflag:$0x2] =	sbarrier.arrive $0xFFFF  }
0x24f: {  	s0 =	rddreg [dreg:$0x4]  }
0x250: {  	s0 =	sadd.s32 @!p0 $0x100000, s0  }
0x251: {  	[sflag:s0] =	ssyncadd.tile.s32 @!p0 $0x1;
	_ =	shalt  }
.Lfunc_end2:
_tile_overlayer_lowered:
.L_overlay_start_2:
0x252: {  	(tag) =	ssettag $0x2  }
0x253: {  	s0 =	rddreg [dreg:$0x0];
	s2 =	stileid.u32  }
0x254: {  	s1 =	rddreg [dreg:$0x1];
	p0 =	sne.s32 s2, $0x0  }
0x255: {  	s3 =	rddreg [dreg:$0x2];
	[bflag:$0x3] =	sbarrier.arrive $0xFFFF;
	s2 =	simm.s32 @!p0 $0x1C0B  }
0x256: {  	[timem:s3], [sflag:s2] =	dma.local @!p0 [hbm:s0], s1  }
0x257: {  	s0 =	simm.s32 @!p0 $0xB  }
0x258: {  	_ =	swait.ge @!p0 [sflag:s0], s1  }
0x259: {  	s1 =	ssub.s32 @!p0 $0x0, s1;
	[sflag:s0] =	ssyncset.done @!p0 $0x0  }
0x25a: {  	[sflag:s0] =	ssyncadd.s32 @!p0 s1  }
0x25b: {  	[bflag:$0x3] =	sbarrier.arrive $0xFFFF  }
0x25c: {  	_ =	shalt  }

</sc_bundles>
